<compile_context>
chip_gen: v7x
topology: tpu7x:2x2x1
jax: 0.10.2.dev20260603
libtpu: 0.0.44.dev20260713+nightly
codegen_flags: <defaults>
</compile_context>

<pallas_src>
import functools

import jax
import jax.numpy as jnp
from jax import lax
from jax.experimental import pallas as pl
from jax.experimental.pallas import tpu as pltpu
from jax.experimental.pallas import tpu_sc as plsc


_LANE = 128
_KCH = 23
_RPW = 391


def _build_sc_agg(N, N_pad, R_pad, table_width):
    info = plsc.get_sparse_core_info()
    NC, NS = info.num_cores, info.num_subcores
    NW = NC * NS
    assert R_pad == NW * _RPW and _RPW % _KCH == 0
    RPT = N_pad // NS
    assert N_pad % NS == 0 and (RPT * table_width) % 8 == 0

    mesh = plsc.VectorSubcoreMesh(core_axis_name="c", subcore_axis_name="s")

    @functools.partial(
        pl.kernel,
        mesh=mesh,
        compiler_params=pltpu.CompilerParams(use_tc_tiling_on_sc=False),
        out_type=jax.ShapeDtypeStruct((NC, N_pad, table_width), jnp.float32),
        scratch_types=[
            pltpu.VMEM((2, _KCH, _LANE), jnp.int32),
            pltpu.VMEM((2, _KCH, _LANE), jnp.int32),
            pltpu.VMEM((3, _LANE, table_width), jnp.float32),
            pltpu.VMEM_SHARED((N_pad, table_width), jnp.float32),
            pltpu.SemaphoreType.DMA,
            pltpu.SemaphoreType.DMA,
            pltpu.SemaphoreType.DMA,
            pltpu.SemaphoreType.DMA,
        ],
    )
    def sc_agg(src_hbm, dst_hbm, tail_hbm, table_hbm, zeros_hbm, out_hbm,
               src_v, dst_v, rows_v, acc_sh, isem, gsem0, gsem1, gsem2):
        c = lax.axis_index("c")
        s = lax.axis_index("s")
        w = c * NS + s
        z0 = s * RPT
        pltpu.sync_copy(zeros_hbm.at[pl.ds(z0, RPT)], acc_sh.at[pl.ds(z0, RPT)])
        plsc.subcore_barrier()
        base_row = w * _RPW
        NCH = _RPW // _KCH
        gsems = (gsem0, gsem1, gsem2)

        def stage_idx(g, bank):
            it = jnp.logical_and(w == NW - 1, g == NCH - 1)

            @pl.when(jnp.logical_not(it))
            def _():
                r0 = base_row + g * _KCH
                pltpu.async_copy(src_hbm.at[pl.ds(r0, _KCH)], src_v.at[bank], isem)
                pltpu.async_copy(dst_hbm.at[pl.ds(r0, _KCH)], dst_v.at[bank], isem)

            @pl.when(it)
            def _():
                pltpu.async_copy(tail_hbm.at[0], src_v.at[bank], isem)
                pltpu.async_copy(tail_hbm.at[1], dst_v.at[bank], isem)

        stage_idx(0, 0)

        def outer(g, carry):
            gb = g % 2
            pltpu.make_async_copy(src_hbm.at[pl.ds(base_row, _KCH)],
                                  src_v.at[gb], isem).wait()
            pltpu.make_async_copy(dst_hbm.at[pl.ds(base_row, _KCH)],
                                  dst_v.at[gb], isem).wait()

            @pl.when(g < NCH - 1)
            def _():
                stage_idx(g + 1, 1 - gb)

            hs = {}
            hs[0] = pltpu.async_copy(table_hbm.at[src_v.at[gb, 0]],
                                     rows_v.at[0], gsems[0])
            hs[1] = pltpu.async_copy(table_hbm.at[src_v.at[gb, 1]],
                                     rows_v.at[1], gsems[1])
            for j in range(_KCH):
                b = j % 3
                if j + 2 < _KCH:
                    nb = (j + 2) % 3
                    hs[nb] = pltpu.async_copy(table_hbm.at[src_v.at[gb, j + 2]],
                                              rows_v.at[nb], gsems[nb])
                hs[b].wait()
                pltpu.sync_copy(rows_v.at[b], acc_sh.at[dst_v.at[gb, j]], add=True)
            return carry

        lax.fori_loop(0, NCH, outer, 0)
        plsc.subcore_barrier()
        pltpu.sync_copy(acc_sh.at[pl.ds(z0, RPT)], out_hbm.at[c, pl.ds(z0, RPT)])

    return sc_agg


def _leaky(x):
    return jnp.where(x >= 0, x, 0.01 * x)


def _build_stage_b(N_pad, BR):
    G = N_pad // 16 // BR

    def body(x_ref, s1_ref, g1_ref, g2_ref, c_ref, d_ref, p3_ref,
             b1_ref, b2_ref, e3_ref, p2n_ref, q_ref):
        f32 = jnp.float32
        s1 = s1_ref[0] + s1_ref[1]
        deg = jnp.maximum(jnp.dot(s1, p3_ref[...], preferred_element_type=f32), 1.0)
        minv = 1.0 / deg
        u = s1 * minv
        z = (jnp.dot(x_ref[...], g1_ref[...], preferred_element_type=f32)
             + jnp.dot(u, g2_ref[...], preferred_element_type=f32)
             + b1_ref[...])
        h = _leaky(z)
        p2n_ref[...] = jnp.dot(h, c_ref[...], preferred_element_type=f32)
        q_ref[...] = (jnp.dot(h, d_ref[...], preferred_element_type=f32)
                      + b2_ref[...] + e3_ref[...] * minv)

    wspec = lambda shape: pl.BlockSpec(shape, lambda i: (0,) * len(shape))
    return pl.pallas_call(
        body,
        grid=(G,),
        in_specs=[
            pl.BlockSpec((BR, 128), lambda i: (i, 0)),
            pl.BlockSpec((2, BR, 128), lambda i: (0, i, 0)),
            wspec((128, 512)),
            wspec((128, 512)),
            wspec((512, 128)),
            wspec((512, 128)),
            wspec((128, 128)),
            wspec((1, 512)),
            wspec((1, 128)),
            wspec((1, 128)),
        ],
        out_specs=[
            pl.BlockSpec((BR, 128), lambda i: (i, 0)),
            pl.BlockSpec((BR, 128), lambda i: (i, 0)),
        ],
        out_shape=[
            jax.ShapeDtypeStruct((N_pad // 16, 128), jnp.float32),
            jax.ShapeDtypeStruct((N_pad // 16, 128), jnp.float32),
        ],
    )


def _build_stage_d(N_pad, BR):
    G = N_pad // 16 // BR

    def body(q_ref, s2_ref, p3_ref, out_ref):
        f32 = jnp.float32
        s2 = s2_ref[0] + s2_ref[1]
        q = q_ref[...]
        inv8 = jnp.dot(q, p3_ref[...], preferred_element_type=f32)
        out_ref[...] = _leaky(q + s2 * inv8)

    return pl.pallas_call(
        body,
        grid=(G,),
        in_specs=[
            pl.BlockSpec((BR, 128), lambda i: (i, 0)),
            pl.BlockSpec((2, BR, 128), lambda i: (0, i, 0)),
            pl.BlockSpec((128, 128), lambda i: (0, 0)),
        ],
        out_specs=pl.BlockSpec((BR, 128), lambda i: (i, 0)),
        out_shape=jax.ShapeDtypeStruct((N_pad // 16, 128), jnp.float32),
    )


def kernel(features, edge_index, W1_self, W1_neigh, b1, W2_self, W2_neigh, b2):
    N = features.shape[0]
    E = edge_index.shape[1]
    N_pad = 102400

    info = plsc.get_sparse_core_info()
    NW = info.num_cores * info.num_subcores
    R_pad = NW * _RPW

    E_pad = R_pad * _LANE
    assert E_pad >= E
    ei = jnp.pad(edge_index.astype(jnp.int32), ((0, 0), (0, E_pad - E)),
                 constant_values=N).reshape(2, R_pad, _LANE)
    src = ei[0]
    dst = ei[1]
    tail = ei[:, R_pad - _KCH:]

    NR = N_pad // 16
    feat8 = jnp.pad(jnp.concatenate(
        [features, jnp.ones((N, 1), jnp.float32)], axis=1),
        ((0, N_pad - N), (0, 4)))
    table1 = feat8.reshape(NR, 128)
    zeros = jnp.zeros((N_pad, 8), jnp.float32)

    sc_agg = _build_sc_agg(N, N_pad, R_pad, 8)
    sums1 = sc_agg(src, dst, tail, feat8, zeros).reshape(2, NR, 128)

    eye16 = jnp.eye(16, dtype=jnp.float32)
    w1s8 = jnp.pad(W1_self.T, ((0, 5), (0, 0)))
    w1n8 = jnp.pad(W1_neigh.T, ((0, 5), (0, 0)))
    w2n8 = jnp.pad(W2_neigh, ((0, 5), (0, 0))).T
    w2s8 = jnp.pad(W2_self, ((0, 5), (0, 0))).T
    G1 = jnp.kron(eye16, w1s8)
    G2 = jnp.kron(eye16, w1n8)
    C = jnp.kron(eye16, w2n8)
    D = jnp.kron(eye16, w2s8)
    p3s = jnp.zeros((8, 8), jnp.float32).at[3, :].set(1.0)
    P3 = jnp.kron(eye16, p3s)
    b1t = jnp.tile(b1, 16).reshape(1, 512)
    b2t = jnp.tile(jnp.pad(b2, (0, 5)), 16).reshape(1, 128)
    e3 = jnp.tile(jnp.zeros((8,), jnp.float32).at[3].set(1.0), 16).reshape(1, 128)

    BR = 128
    stage_b = _build_stage_b(N_pad, BR)
    p2n, q = stage_b(table1, sums1, G1, G2, C, D, P3, b1t, b2t, e3)

    sums2 = sc_agg(src, dst, tail, p2n.reshape(N_pad, 8), zeros).reshape(2, NR, 128)

    stage_d = _build_stage_d(N_pad, BR)
    out8 = stage_d(q, sums2, P3)
    return out8.reshape(N_pad, 8)[:N, :3]

# --- scband reference (transcript-rebuilt; emitter-appended) ---
"""Pipeline reference for scband-narrowsagem-net-14224931685028 (READ-ONLY COPY).

The authoritative reference and input builder live on the scoring server;
editing this copy changes nothing except your own understanding.
"""

import jax, jax.numpy as jnp
import numpy as np

N = 100000
E = 1600000


def setup_inputs(seed: int = 0) -> dict:
    key = jax.random.key(seed)
    ks = jax.random.split(key, 8)
    features = jax.random.normal(ks[0], (N, 3), dtype=jnp.float32)
    edge_index = jax.random.randint(ks[1], (2, E), 0, N).astype(jnp.int64)
    # Layer 1: SAGEConv(3, 32, mean) -> fc_self, fc_neigh (no bias), plus additive bias
    W1_self = jax.random.normal(ks[2], (32, 3), dtype=jnp.float32) * 0.1
    W1_neigh = jax.random.normal(ks[3], (32, 3), dtype=jnp.float32) * 0.1
    b1 = jnp.zeros((32,), dtype=jnp.float32)
    # Layer 3: SAGEConv(32, 3, mean)
    W2_self = jax.random.normal(ks[4], (3, 32), dtype=jnp.float32) * 0.1
    W2_neigh = jax.random.normal(ks[5], (3, 32), dtype=jnp.float32) * 0.1
    b2 = jnp.zeros((3,), dtype=jnp.float32)
    return {
        "features": features,
        "edge_index": edge_index,
        "W1_self": W1_self,
        "W1_neigh": W1_neigh,
        "b1": b1,
        "W2_self": W2_self,
        "W2_neigh": W2_neigh,
        "b2": b2,
    }


def _sage_mean(x, src, dst, W_self, W_neigh, b):
    # DGL SAGEConv with aggregator_type='mean':
    # h_neigh = mean over incoming-edge src features (in-degree clamped to >= 1)
    # rst = fc_self(h_self) + fc_neigh(h_neigh) + bias
    msg = jnp.take(x, src, axis=0)
    summed = jax.ops.segment_sum(msg, dst, num_segments=N)
    deg = jax.ops.segment_sum(jnp.ones((src.shape[0],), dtype=x.dtype), dst, num_segments=N)
    deg = jnp.clip(deg, 1.0, None)
    h_neigh = summed / deg[:, None]
    return x @ W_self.T + h_neigh @ W_neigh.T + b


def reference(features, edge_index, W1_self, W1_neigh, b1, W2_self, W2_neigh, b2):
    src = edge_index[0]
    dst = edge_index[1]
    x = jax.nn.leaky_relu(_sage_mean(features, src, dst, W1_self, W1_neigh, b1), negative_slope=0.01)
    x = jax.nn.leaky_relu(_sage_mean(x, src, dst, W2_self, W2_neigh, b2), negative_slope=0.01)
    return x

if __name__ == "__main__":
    import jax
    _d = setup_inputs()
    print(jax.jit(kernel)(*tuple(_d.values())))

</pallas_src>

<mosaic_0001>
#map = affine_map<(d0, d1) -> (0, 0)>
#map1 = affine_map<(d0, d1) -> (0, 0, 0)>
module attributes {stable_mosaic.version = 14 : i64} {
  func.func @sc_agg(%arg0: i32, %arg1: i32, %arg2: memref<12512x128xi32, #tpu.memory_space<hbm>>, %arg3: memref<12512x128xi32, #tpu.memory_space<hbm>>, %arg4: memref<2x23x128xi32, #tpu.memory_space<hbm>>, %arg5: memref<102400x8xf32, #tpu.memory_space<hbm>>, %arg6: memref<102400x8xf32, #tpu.memory_space<hbm>>, %arg7: memref<2x102400x8xf32, #tpu.memory_space<hbm>>, %arg8: memref<2x23x128xi32, #tpu.memory_space<vmem>>, %arg9: memref<2x23x128xi32, #tpu.memory_space<vmem>>, %arg10: memref<3x128x8xf32, #tpu.memory_space<vmem>>, %arg11: memref<102400x8xf32, #tpu.memory_space<vmem_shared>>, %arg12: memref<!tpu.dma_semaphore, #tpu.memory_space<semaphore_mem>>, %arg13: memref<!tpu.dma_semaphore, #tpu.memory_space<semaphore_mem>>, %arg14: memref<!tpu.dma_semaphore, #tpu.memory_space<semaphore_mem>>, %arg15: memref<!tpu.dma_semaphore, #tpu.memory_space<semaphore_mem>>) attributes {dimension_semantics = [#tpu.dimension_semantics<core_parallel>, #tpu.dimension_semantics<subcore_parallel>], iteration_bounds = array<i64: 2, 16>, scalar_prefetch = 0 : i64, scratch_operands = 8 : i64, tpu.core_type = #tpu.core_type<sc_vector_subcore>, window_params = [{transform_indices = #map}, {transform_indices = #map}, {transform_indices = #map1}, {transform_indices = #map}, {transform_indices = #map}, {transform_indices = #map1}]} {
    %mul3A = arith.constant 16 : i32
    %mul3A_0 = arith.muli %arg0, %mul3A : i32
    %add3A = arith.addi %mul3A_0, %arg1 : i32
    %mul3A_1 = arith.constant 6400 : i32
    %mul3A_2 = arith.muli %arg1, %mul3A_1 : i32
    "tpu.region"() ({
      %run_scoped3A = tpu.sem_alloc : memref<!tpu.dma_semaphore, #tpu.memory_space<semaphore_mem>>
      %dma_start3A = arith.constant 0 : i32
      %dma_start3A_18 = tpu.memref_slice %arg11[%mul3A_2, %dma_start3A] : memref<102400x8xf32, #tpu.memory_space<vmem_shared>> -> memref<6400x8xf32, #tpu.memory_space<vmem_shared>>
      %dma_start3A_19 = arith.constant 0 : i32
      %dma_start3A_20 = tpu.memref_slice %arg6[%mul3A_2, %dma_start3A_19] : memref<102400x8xf32, #tpu.memory_space<hbm>> -> memref<6400x8xf32, #tpu.memory_space<hbm>>
      tpu.enqueue_dma source(%dma_start3A_20 : memref<6400x8xf32, #tpu.memory_space<hbm>>) target(%dma_start3A_18 : memref<6400x8xf32, #tpu.memory_space<vmem_shared>>) target_semaphore(%run_scoped3A : memref<!tpu.dma_semaphore, #tpu.memory_space<semaphore_mem>>)
      %dma_wait3A = arith.constant 0 : i32
      %dma_wait3A_21 = tpu.memref_slice %arg11[%mul3A_2, %dma_wait3A] : memref<102400x8xf32, #tpu.memory_space<vmem_shared>> -> memref<6400x8xf32, #tpu.memory_space<vmem_shared>>
      %dma_wait3A_22 = arith.constant 0 : i32
      %dma_wait3A_23 = tpu.memref_slice %arg6[%mul3A_2, %dma_wait3A_22] : memref<102400x8xf32, #tpu.memory_space<hbm>> -> memref<6400x8xf32, #tpu.memory_space<hbm>>
      tpu.wait_dma2 semaphore(%run_scoped3A : memref<!tpu.dma_semaphore, #tpu.memory_space<semaphore_mem>>) src(%dma_wait3A_23 : memref<6400x8xf32, #tpu.memory_space<hbm>>) dst(%dma_wait3A_21 : memref<6400x8xf32, #tpu.memory_space<vmem_shared>>)
      tpu.yield
    }) : () -> ()
    %barrier3A = arith.constant 0 : index
    tpu.barrier barrier_id(%barrier3A)
    %mul3A_3 = arith.constant 391 : i32
    %mul3A_4 = arith.muli %add3A, %mul3A_3 : i32
    %eq3A = arith.constant 31 : i32
    %eq3A_5 = arith.cmpi eq, %add3A, %eq3A : i32
    %and3A = arith.constant false
    %and3A_6 = arith.andi %eq3A_5, %and3A : i1
    %not3A = arith.constant true
    %not3A_7 = arith.xori %and3A_6, %not3A : i1
    %convert_element_type3A = arith.extui %not3A_7 : i1 to i32
    %cond3A = arith.constant 0 : i32
    %cond3A_8 = arith.cmpi ne, %convert_element_type3A, %cond3A : i32
    scf.if %cond3A_8 {
      %add3A_18 = arith.constant 0 : i32
      %add3A_19 = arith.addi %mul3A_4, %add3A_18 : i32
      %dma_start3A = arith.constant 0 : i32
      %dma_start3A_20 = arith.constant 0 : i32
      %dma_start3A_21 = arith.constant 0 : i32
      %dma_start3A_22 = tpu.memref_slice %arg8[%dma_start3A, %dma_start3A_20, %dma_start3A_21] : memref<2x23x128xi32, #tpu.memory_space<vmem>> -> memref<1x23x128xi32, #tpu.memory_space<vmem>>
      %dma_start3A_23 = tpu.memref_squeeze %dma_start3A_22 : memref<1x23x128xi32, #tpu.memory_space<vmem>> -> memref<23x128xi32, #tpu.memory_space<vmem>>
      %dma_start3A_24 = arith.constant 0 : i32
      %dma_start3A_25 = tpu.memref_slice %arg2[%add3A_19, %dma_start3A_24] : memref<12512x128xi32, #tpu.memory_space<hbm>> -> memref<23x128xi32, #tpu.memory_space<hbm>>
      %dma_start3A_26 = arith.constant 0 : i32
      %dma_start3A_27 = arith.constant 0 : i32
      %dma_start3A_28 = tpu.memref_slice %arg8[%dma_start3A, %dma_start3A_26, %dma_start3A_27] : memref<2x23x128xi32, #tpu.memory_space<vmem>> -> memref<1x23x128xi32, #tpu.memory_space<vmem>>
      %dma_start3A_29 = tpu.memref_squeeze %dma_start3A_28 : memref<1x23x128xi32, #tpu.memory_space<vmem>> -> memref<23x128xi32, #tpu.memory_space<vmem>>
      %dma_start3A_30 = arith.constant 0 : i32
      %dma_start3A_31 = tpu.memref_slice %arg2[%add3A_19, %dma_start3A_30] : memref<12512x128xi32, #tpu.memory_space<hbm>> -> memref<23x128xi32, #tpu.memory_space<hbm>>
      tpu.enqueue_dma source(%dma_start3A_31 : memref<23x128xi32, #tpu.memory_space<hbm>>) target(%dma_start3A_29 : memref<23x128xi32, #tpu.memory_space<vmem>>) target_semaphore(%arg12 : memref<!tpu.dma_semaphore, #tpu.memory_space<semaphore_mem>>)
      %dma_start3A_32 = arith.constant 0 : i32
      %dma_start3A_33 = arith.constant 0 : i32
      %dma_start3A_34 = arith.constant 0 : i32
      %dma_start3A_35 = tpu.memref_slice %arg9[%dma_start3A_32, %dma_start3A_33, %dma_start3A_34] : memref<2x23x128xi32, #tpu.memory_space<vmem>> -> memref<1x23x128xi32, #tpu.memory_space<vmem>>
      %dma_start3A_36 = tpu.memref_squeeze %dma_start3A_35 : memref<1x23x128xi32, #tpu.memory_space<vmem>> -> memref<23x128xi32, #tpu.memory_space<vmem>>
      %dma_start3A_37 = arith.constant 0 : i32
      %dma_start3A_38 = tpu.memref_slice %arg3[%add3A_19, %dma_start3A_37] : memref<12512x128xi32, #tpu.memory_space<hbm>> -> memref<23x128xi32, #tpu.memory_space<hbm>>
      %dma_start3A_39 = arith.constant 0 : i32
      %dma_start3A_40 = arith.constant 0 : i32
      %dma_start3A_41 = tpu.memref_slice %arg9[%dma_start3A_32, %dma_start3A_39, %dma_start3A_40] : memref<2x23x128xi32, #tpu.memory_space<vmem>> -> memref<1x23x128xi32, #tpu.memory_space<vmem>>
      %dma_start3A_42 = tpu.memref_squeeze %dma_start3A_41 : memref<1x23x128xi32, #tpu.memory_space<vmem>> -> memref<23x128xi32, #tpu.memory_space<vmem>>
      %dma_start3A_43 = arith.constant 0 : i32
      %dma_start3A_44 = tpu.memref_slice %arg3[%add3A_19, %dma_start3A_43] : memref<12512x128xi32, #tpu.memory_space<hbm>> -> memref<23x128xi32, #tpu.memory_space<hbm>>
      tpu.enqueue_dma source(%dma_start3A_44 : memref<23x128xi32, #tpu.memory_space<hbm>>) target(%dma_start3A_42 : memref<23x128xi32, #tpu.memory_space<vmem>>) target_semaphore(%arg12 : memref<!tpu.dma_semaphore, #tpu.memory_space<semaphore_mem>>)
    } else {
    }
    %convert_element_type3A_9 = arith.extui %and3A_6 : i1 to i32
    %cond3A_10 = arith.constant 0 : i32
    %cond3A_11 = arith.cmpi ne, %convert_element_type3A_9, %cond3A_10 : i32
    scf.if %cond3A_11 {
      %dma_start3A = arith.constant 0 : i32
      %dma_start3A_18 = arith.constant 0 : i32
      %dma_start3A_19 = arith.constant 0 : i32
      %dma_start3A_20 = arith.constant 0 : i32
      %dma_start3A_21 = tpu.memref_slice %arg8[%dma_start3A_18, %dma_start3A_19, %dma_start3A_20] : memref<2x23x128xi32, #tpu.memory_space<vmem>> -> memref<1x23x128xi32, #tpu.memory_space<vmem>>
      %dma_start3A_22 = tpu.memref_squeeze %dma_start3A_21 : memref<1x23x128xi32, #tpu.memory_space<vmem>> -> memref<23x128xi32, #tpu.memory_space<vmem>>
      %dma_start3A_23 = arith.constant 0 : i32
      %dma_start3A_24 = arith.constant 0 : i32
      %dma_start3A_25 = tpu.memref_slice %arg4[%dma_start3A, %dma_start3A_23, %dma_start3A_24] : memref<2x23x128xi32, #tpu.memory_space<hbm>> -> memref<1x23x128xi32, #tpu.memory_space<hbm>>
      %dma_start3A_26 = tpu.memref_squeeze %dma_start3A_25 : memref<1x23x128xi32, #tpu.memory_space<hbm>> -> memref<23x128xi32, #tpu.memory_space<hbm>>
      %dma_start3A_27 = arith.constant 0 : i32
      %dma_start3A_28 = arith.constant 0 : i32
      %dma_start3A_29 = tpu.memref_slice %arg8[%dma_start3A_18, %dma_start3A_27, %dma_start3A_28] : memref<2x23x128xi32, #tpu.memory_space<vmem>> -> memref<1x23x128xi32, #tpu.memory_space<vmem>>
      %dma_start3A_30 = tpu.memref_squeeze %dma_start3A_29 : memref<1x23x128xi32, #tpu.memory_space<vmem>> -> memref<23x128xi32, #tpu.memory_space<vmem>>
      %dma_start3A_31 = arith.constant 0 : i32
      %dma_start3A_32 = arith.constant 0 : i32
      %dma_start3A_33 = tpu.memref_slice %arg4[%dma_start3A, %dma_start3A_31, %dma_start3A_32] : memref<2x23x128xi32, #tpu.memory_space<hbm>> -> memref<1x23x128xi32, #tpu.memory_space<hbm>>
      %dma_start3A_34 = tpu.memref_squeeze %dma_start3A_33 : memref<1x23x128xi32, #tpu.memory_space<hbm>> -> memref<23x128xi32, #tpu.memory_space<hbm>>
      tpu.enqueue_dma source(%dma_start3A_34 : memref<23x128xi32, #tpu.memory_space<hbm>>) target(%dma_start3A_30 : memref<23x128xi32, #tpu.memory_space<vmem>>) target_semaphore(%arg12 : memref<!tpu.dma_semaphore, #tpu.memory_space<semaphore_mem>>)
      %dma_start3A_35 = arith.constant 1 : i32
      %dma_start3A_36 = arith.constant 0 : i32
      %dma_start3A_37 = arith.constant 0 : i32
      %dma_start3A_38 = arith.constant 0 : i32
      %dma_start3A_39 = tpu.memref_slice %arg9[%dma_start3A_36, %dma_start3A_37, %dma_start3A_38] : memref<2x23x128xi32, #tpu.memory_space<vmem>> -> memref<1x23x128xi32, #tpu.memory_space<vmem>>
      %dma_start3A_40 = tpu.memref_squeeze %dma_start3A_39 : memref<1x23x128xi32, #tpu.memory_space<vmem>> -> memref<23x128xi32, #tpu.memory_space<vmem>>
      %dma_start3A_41 = arith.constant 0 : i32
      %dma_start3A_42 = arith.constant 0 : i32
      %dma_start3A_43 = tpu.memref_slice %arg4[%dma_start3A_35, %dma_start3A_41, %dma_start3A_42] : memref<2x23x128xi32, #tpu.memory_space<hbm>> -> memref<1x23x128xi32, #tpu.memory_space<hbm>>
      %dma_start3A_44 = tpu.memref_squeeze %dma_start3A_43 : memref<1x23x128xi32, #tpu.memory_space<hbm>> -> memref<23x128xi32, #tpu.memory_space<hbm>>
      %dma_start3A_45 = arith.constant 0 : i32
      %dma_start3A_46 = arith.constant 0 : i32
      %dma_start3A_47 = tpu.memref_slice %arg9[%dma_start3A_36, %dma_start3A_45, %dma_start3A_46] : memref<2x23x128xi32, #tpu.memory_space<vmem>> -> memref<1x23x128xi32, #tpu.memory_space<vmem>>
      %dma_start3A_48 = tpu.memref_squeeze %dma_start3A_47 : memref<1x23x128xi32, #tpu.memory_space<vmem>> -> memref<23x128xi32, #tpu.memory_space<vmem>>
      %dma_start3A_49 = arith.constant 0 : i32
      %dma_start3A_50 = arith.constant 0 : i32
      %dma_start3A_51 = tpu.memref_slice %arg4[%dma_start3A_35, %dma_start3A_49, %dma_start3A_50] : memref<2x23x128xi32, #tpu.memory_space<hbm>> -> memref<1x23x128xi32, #tpu.memory_space<hbm>>
      %dma_start3A_52 = tpu.memref_squeeze %dma_start3A_51 : memref<1x23x128xi32, #tpu.memory_space<hbm>> -> memref<23x128xi32, #tpu.memory_space<hbm>>
      tpu.enqueue_dma source(%dma_start3A_52 : memref<23x128xi32, #tpu.memory_space<hbm>>) target(%dma_start3A_48 : memref<23x128xi32, #tpu.memory_space<vmem>>) target_semaphore(%arg12 : memref<!tpu.dma_semaphore, #tpu.memory_space<semaphore_mem>>)
    } else {
    }
    %scan3A = arith.constant 0 : i32
    %scan3A_12 = arith.constant 0 : i32
    %scan3A_13 = arith.constant 17 : i32
    %scan3A_14 = arith.addi %scan3A_12, %scan3A_13 : i32
    %scan3A_15 = arith.constant 1 : i32
    scf.for %scan3A_18 = %scan3A_12 to %scan3A_14 step %scan3A_15  : i32 {
      %jit3A = arith.constant 2 : i32
      %eq3A_19 = arith.constant 0 : i32
      %eq3A_20 = arith.cmpi eq, %jit3A, %eq3A_19 : i32
      %jit3A_21 = arith.constant 1 : i32
      %select_n3A = arith.select %eq3A_20, %jit3A_21, %jit3A : i32
      %rem3A = arith.remsi %scan3A_18, %select_n3A : i32
      %ne3A = arith.constant 0 : i32
      %ne3A_22 = arith.cmpi ne, %rem3A, %ne3A : i32
      %lt3A = arith.constant 0 : i32
      %lt3A_23 = arith.cmpi slt, %rem3A, %lt3A : i32
      %lt3A_24 = arith.constant 0 : i32
      %lt3A_25 = arith.cmpi slt, %select_n3A, %lt3A_24 : i32
      %ne3A_26 = arith.xori %lt3A_23, %lt3A_25 : i1
      %and3A_27 = arith.andi %ne3A_26, %ne3A_22 : i1
      %add3A_28 = arith.addi %rem3A, %select_n3A : i32
      %select_n3A_29 = arith.select %and3A_27, %add3A_28, %rem3A : i32
      %dma_wait3A = arith.constant 0 : i32
      %dma_wait3A_30 = arith.constant 0 : i32
      %dma_wait3A_31 = tpu.memref_slice %arg8[%select_n3A_29, %dma_wait3A, %dma_wait3A_30] : memref<2x23x128xi32, #tpu.memory_space<vmem>> -> memref<1x23x128xi32, #tpu.memory_space<vmem>>
      %dma_wait3A_32 = tpu.memref_squeeze %dma_wait3A_31 : memref<1x23x128xi32, #tpu.memory_space<vmem>> -> memref<23x128xi32, #tpu.memory_space<vmem>>
      %dma_wait3A_33 = arith.constant 0 : i32
      %dma_wait3A_34 = tpu.memref_slice %arg2[%mul3A_4, %dma_wait3A_33] : memref<12512x128xi32, #tpu.memory_space<hbm>> -> memref<23x128xi32, #tpu.memory_space<hbm>>
      %dma_wait3A_35 = arith.constant 0 : i32
      %dma_wait3A_36 = arith.constant 0 : i32
      %dma_wait3A_37 = tpu.memref_slice %arg8[%select_n3A_29, %dma_wait3A_35, %dma_wait3A_36] : memref<2x23x128xi32, #tpu.memory_space<vmem>> -> memref<1x23x128xi32, #tpu.memory_space<vmem>>
      %dma_wait3A_38 = tpu.memref_squeeze %dma_wait3A_37 : memref<1x23x128xi32, #tpu.memory_space<vmem>> -> memref<23x128xi32, #tpu.memory_space<vmem>>
      %dma_wait3A_39 = arith.constant 0 : i32
      %dma_wait3A_40 = tpu.memref_slice %arg2[%mul3A_4, %dma_wait3A_39] : memref<12512x128xi32, #tpu.memory_space<hbm>> -> memref<23x128xi32, #tpu.memory_space<hbm>>
      tpu.wait_dma2 semaphore(%arg12 : memref<!tpu.dma_semaphore, #tpu.memory_space<semaphore_mem>>) src(%dma_wait3A_40 : memref<23x128xi32, #tpu.memory_space<hbm>>) dst(%dma_wait3A_38 : memref<23x128xi32, #tpu.memory_space<vmem>>)
      %dma_wait3A_41 = arith.constant 0 : i32
      %dma_wait3A_42 = arith.constant 0 : i32
      %dma_wait3A_43 = tpu.memref_slice %arg9[%select_n3A_29, %dma_wait3A_41, %dma_wait3A_42] : memref<2x23x128xi32, #tpu.memory_space<vmem>> -> memref<1x23x128xi32, #tpu.memory_space<vmem>>
      %dma_wait3A_44 = tpu.memref_squeeze %dma_wait3A_43 : memref<1x23x128xi32, #tpu.memory_space<vmem>> -> memref<23x128xi32, #tpu.memory_space<vmem>>
      %dma_wait3A_45 = arith.constant 0 : i32
      %dma_wait3A_46 = tpu.memref_slice %arg3[%mul3A_4, %dma_wait3A_45] : memref<12512x128xi32, #tpu.memory_space<hbm>> -> memref<23x128xi32, #tpu.memory_space<hbm>>
      %dma_wait3A_47 = arith.constant 0 : i32
      %dma_wait3A_48 = arith.constant 0 : i32
      %dma_wait3A_49 = tpu.memref_slice %arg9[%select_n3A_29, %dma_wait3A_47, %dma_wait3A_48] : memref<2x23x128xi32, #tpu.memory_space<vmem>> -> memref<1x23x128xi32, #tpu.memory_space<vmem>>
      %dma_wait3A_50 = tpu.memref_squeeze %dma_wait3A_49 : memref<1x23x128xi32, #tpu.memory_space<vmem>> -> memref<23x128xi32, #tpu.memory_space<vmem>>
      %dma_wait3A_51 = arith.constant 0 : i32
      %dma_wait3A_52 = tpu.memref_slice %arg3[%mul3A_4, %dma_wait3A_51] : memref<12512x128xi32, #tpu.memory_space<hbm>> -> memref<23x128xi32, #tpu.memory_space<hbm>>
      tpu.wait_dma2 semaphore(%arg12 : memref<!tpu.dma_semaphore, #tpu.memory_space<semaphore_mem>>) src(%dma_wait3A_52 : memref<23x128xi32, #tpu.memory_space<hbm>>) dst(%dma_wait3A_50 : memref<23x128xi32, #tpu.memory_space<vmem>>)
      %lt3A_53 = arith.constant 16 : i32
      %lt3A_54 = arith.cmpi slt, %scan3A_18, %lt3A_53 : i32
      %convert_element_type3A_55 = arith.extui %lt3A_54 : i1 to i32
      %cond3A_56 = arith.constant 0 : i32
      %cond3A_57 = arith.cmpi ne, %convert_element_type3A_55, %cond3A_56 : i32
      scf.if %cond3A_57 {
        %add3A_654 = arith.constant 1 : i32
        %add3A_655 = arith.addi %scan3A_18, %add3A_654 : i32
        %sub3A = arith.constant 1 : i32
        %sub3A_656 = arith.subi %sub3A, %select_n3A_29 : i32
        %eq3A_657 = arith.constant 31 : i32
        %eq3A_658 = arith.cmpi eq, %add3A, %eq3A_657 : i32
        %eq3A_659 = arith.constant 16 : i32
        %eq3A_660 = arith.cmpi eq, %add3A_655, %eq3A_659 : i32
        %and3A_661 = arith.andi %eq3A_658, %eq3A_660 : i1
        %not3A_662 = arith.constant true
        %not3A_663 = arith.xori %and3A_661, %not3A_662 : i1
        %convert_element_type3A_664 = arith.extui %not3A_663 : i1 to i32
        %cond3A_665 = arith.constant 0 : i32
        %cond3A_666 = arith.cmpi ne, %convert_element_type3A_664, %cond3A_665 : i32
        scf.if %cond3A_666 {
          %mul3A_670 = arith.constant 23 : i32
          %mul3A_671 = arith.muli %add3A_655, %mul3A_670 : i32
          %add3A_672 = arith.addi %mul3A_4, %mul3A_671 : i32
          %dma_start3A_673 = arith.constant 0 : i32
          %dma_start3A_674 = arith.constant 0 : i32
          %dma_start3A_675 = tpu.memref_slice %arg8[%sub3A_656, %dma_start3A_673, %dma_start3A_674] : memref<2x23x128xi32, #tpu.memory_space<vmem>> -> memref<1x23x128xi32, #tpu.memory_space<vmem>>
          %dma_start3A_676 = tpu.memref_squeeze %dma_start3A_675 : memref<1x23x128xi32, #tpu.memory_space<vmem>> -> memref<23x128xi32, #tpu.memory_space<vmem>>
          %dma_start3A_677 = arith.constant 0 : i32
          %dma_start3A_678 = tpu.memref_slice %arg2[%add3A_672, %dma_start3A_677] : memref<12512x128xi32, #tpu.memory_space<hbm>> -> memref<23x128xi32, #tpu.memory_space<hbm>>
          %dma_start3A_679 = arith.constant 0 : i32
          %dma_start3A_680 = arith.constant 0 : i32
          %dma_start3A_681 = tpu.memref_slice %arg8[%sub3A_656, %dma_start3A_679, %dma_start3A_680] : memref<2x23x128xi32, #tpu.memory_space<vmem>> -> memref<1x23x128xi32, #tpu.memory_space<vmem>>
          %dma_start3A_682 = tpu.memref_squeeze %dma_start3A_681 : memref<1x23x128xi32, #tpu.memory_space<vmem>> -> memref<23x128xi32, #tpu.memory_space<vmem>>
          %dma_start3A_683 = arith.constant 0 : i32
          %dma_start3A_684 = tpu.memref_slice %arg2[%add3A_672, %dma_start3A_683] : memref<12512x128xi32, #tpu.memory_space<hbm>> -> memref<23x128xi32, #tpu.memory_space<hbm>>
          tpu.enqueue_dma source(%dma_start3A_684 : memref<23x128xi32, #tpu.memory_space<hbm>>) target(%dma_start3A_682 : memref<23x128xi32, #tpu.memory_space<vmem>>) target_semaphore(%arg12 : memref<!tpu.dma_semaphore, #tpu.memory_space<semaphore_mem>>)
          %dma_start3A_685 = arith.constant 0 : i32
          %dma_start3A_686 = arith.constant 0 : i32
          %dma_start3A_687 = tpu.memref_slice %arg9[%sub3A_656, %dma_start3A_685, %dma_start3A_686] : memref<2x23x128xi32, #tpu.memory_space<vmem>> -> memref<1x23x128xi32, #tpu.memory_space<vmem>>
          %dma_start3A_688 = tpu.memref_squeeze %dma_start3A_687 : memref<1x23x128xi32, #tpu.memory_space<vmem>> -> memref<23x128xi32, #tpu.memory_space<vmem>>
          %dma_start3A_689 = arith.constant 0 : i32
          %dma_start3A_690 = tpu.memref_slice %arg3[%add3A_672, %dma_start3A_689] : memref<12512x128xi32, #tpu.memory_space<hbm>> -> memref<23x128xi32, #tpu.memory_space<hbm>>
          %dma_start3A_691 = arith.constant 0 : i32
          %dma_start3A_692 = arith.constant 0 : i32
          %dma_start3A_693 = tpu.memref_slice %arg9[%sub3A_656, %dma_start3A_691, %dma_start3A_692] : memref<2x23x128xi32, #tpu.memory_space<vmem>> -> memref<1x23x128xi32, #tpu.memory_space<vmem>>
          %dma_start3A_694 = tpu.memref_squeeze %dma_start3A_693 : memref<1x23x128xi32, #tpu.memory_space<vmem>> -> memref<23x128xi32, #tpu.memory_space<vmem>>
          %dma_start3A_695 = arith.constant 0 : i32
          %dma_start3A_696 = tpu.memref_slice %arg3[%add3A_672, %dma_start3A_695] : memref<12512x128xi32, #tpu.memory_space<hbm>> -> memref<23x128xi32, #tpu.memory_space<hbm>>
          tpu.enqueue_dma source(%dma_start3A_696 : memref<23x128xi32, #tpu.memory_space<hbm>>) target(%dma_start3A_694 : memref<23x128xi32, #tpu.memory_space<vmem>>) target_semaphore(%arg12 : memref<!tpu.dma_semaphore, #tpu.memory_space<semaphore_mem>>)
        } else {
        }
        %convert_element_type3A_667 = arith.extui %and3A_661 : i1 to i32
        %cond3A_668 = arith.constant 0 : i32
        %cond3A_669 = arith.cmpi ne, %convert_element_type3A_667, %cond3A_668 : i32
        scf.if %cond3A_669 {
          %dma_start3A_670 = arith.constant 0 : i32
          %dma_start3A_671 = arith.constant 0 : i32
          %dma_start3A_672 = arith.constant 0 : i32
          %dma_start3A_673 = tpu.memref_slice %arg8[%sub3A_656, %dma_start3A_671, %dma_start3A_672] : memref<2x23x128xi32, #tpu.memory_space<vmem>> -> memref<1x23x128xi32, #tpu.memory_space<vmem>>
          %dma_start3A_674 = tpu.memref_squeeze %dma_start3A_673 : memref<1x23x128xi32, #tpu.memory_space<vmem>> -> memref<23x128xi32, #tpu.memory_space<vmem>>
          %dma_start3A_675 = arith.constant 0 : i32
          %dma_start3A_676 = arith.constant 0 : i32
          %dma_start3A_677 = tpu.memref_slice %arg4[%dma_start3A_670, %dma_start3A_675, %dma_start3A_676] : memref<2x23x128xi32, #tpu.memory_space<hbm>> -> memref<1x23x128xi32, #tpu.memory_space<hbm>>
          %dma_start3A_678 = tpu.memref_squeeze %dma_start3A_677 : memref<1x23x128xi32, #tpu.memory_space<hbm>> -> memref<23x128xi32, #tpu.memory_space<hbm>>
          %dma_start3A_679 = arith.constant 0 : i32
          %dma_start3A_680 = arith.constant 0 : i32
          %dma_start3A_681 = tpu.memref_slice %arg8[%sub3A_656, %dma_start3A_679, %dma_start3A_680] : memref<2x23x128xi32, #tpu.memory_space<vmem>> -> memref<1x23x128xi32, #tpu.memory_space<vmem>>
          %dma_start3A_682 = tpu.memref_squeeze %dma_start3A_681 : memref<1x23x128xi32, #tpu.memory_space<vmem>> -> memref<23x128xi32, #tpu.memory_space<vmem>>
          %dma_start3A_683 = arith.constant 0 : i32
          %dma_start3A_684 = arith.constant 0 : i32
          %dma_start3A_685 = tpu.memref_slice %arg4[%dma_start3A_670, %dma_start3A_683, %dma_start3A_684] : memref<2x23x128xi32, #tpu.memory_space<hbm>> -> memref<1x23x128xi32, #tpu.memory_space<hbm>>
          %dma_start3A_686 = tpu.memref_squeeze %dma_start3A_685 : memref<1x23x128xi32, #tpu.memory_space<hbm>> -> memref<23x128xi32, #tpu.memory_space<hbm>>
          tpu.enqueue_dma source(%dma_start3A_686 : memref<23x128xi32, #tpu.memory_space<hbm>>) target(%dma_start3A_682 : memref<23x128xi32, #tpu.memory_space<vmem>>) target_semaphore(%arg12 : memref<!tpu.dma_semaphore, #tpu.memory_space<semaphore_mem>>)
          %dma_start3A_687 = arith.constant 1 : i32
          %dma_start3A_688 = arith.constant 0 : i32
          %dma_start3A_689 = arith.constant 0 : i32
          %dma_start3A_690 = tpu.memref_slice %arg9[%sub3A_656, %dma_start3A_688, %dma_start3A_689] : memref<2x23x128xi32, #tpu.memory_space<vmem>> -> memref<1x23x128xi32, #tpu.memory_space<vmem>>
          %dma_start3A_691 = tpu.memref_squeeze %dma_start3A_690 : memref<1x23x128xi32, #tpu.memory_space<vmem>> -> memref<23x128xi32, #tpu.memory_space<vmem>>
          %dma_start3A_692 = arith.constant 0 : i32
          %dma_start3A_693 = arith.constant 0 : i32
          %dma_start3A_694 = tpu.memref_slice %arg4[%dma_start3A_687, %dma_start3A_692, %dma_start3A_693] : memref<2x23x128xi32, #tpu.memory_space<hbm>> -> memref<1x23x128xi32, #tpu.memory_space<hbm>>
          %dma_start3A_695 = tpu.memref_squeeze %dma_start3A_694 : memref<1x23x128xi32, #tpu.memory_space<hbm>> -> memref<23x128xi32, #tpu.memory_space<hbm>>
          %dma_start3A_696 = arith.constant 0 : i32
          %dma_start3A_697 = arith.constant 0 : i32
          %dma_start3A_698 = tpu.memref_slice %arg9[%sub3A_656, %dma_start3A_696, %dma_start3A_697] : memref<2x23x128xi32, #tpu.memory_space<vmem>> -> memref<1x23x128xi32, #tpu.memory_space<vmem>>
          %dma_start3A_699 = tpu.memref_squeeze %dma_start3A_698 : memref<1x23x128xi32, #tpu.memory_space<vmem>> -> memref<23x128xi32, #tpu.memory_space<vmem>>
          %dma_start3A_700 = arith.constant 0 : i32
          %dma_start3A_701 = arith.constant 0 : i32
          %dma_start3A_702 = tpu.memref_slice %arg4[%dma_start3A_687, %dma_start3A_700, %dma_start3A_701] : memref<2x23x128xi32, #tpu.memory_space<hbm>> -> memref<1x23x128xi32, #tpu.memory_space<hbm>>
          %dma_start3A_703 = tpu.memref_squeeze %dma_start3A_702 : memref<1x23x128xi32, #tpu.memory_space<hbm>> -> memref<23x128xi32, #tpu.memory_space<hbm>>
          tpu.enqueue_dma source(%dma_start3A_703 : memref<23x128xi32, #tpu.memory_space<hbm>>) target(%dma_start3A_699 : memref<23x128xi32, #tpu.memory_space<vmem>>) target_semaphore(%arg12 : memref<!tpu.dma_semaphore, #tpu.memory_space<semaphore_mem>>)
        } else {
        }
      } else {
      }
      %dma_start3A = arith.constant 0 : i32
      %dma_start3A_58 = arith.constant 0 : i32
      %dma_start3A_59 = arith.constant 0 : i32
      %dma_start3A_60 = arith.constant 0 : i32
      %dma_start3A_61 = tpu.memref_slice %arg10[%dma_start3A_58, %dma_start3A_59, %dma_start3A_60] : memref<3x128x8xf32, #tpu.memory_space<vmem>> -> memref<1x128x8xf32, #tpu.memory_space<vmem>>
      %dma_start3A_62 = tpu.memref_squeeze %dma_start3A_61 : memref<1x128x8xf32, #tpu.memory_space<vmem>> -> memref<128x8xf32, #tpu.memory_space<vmem>>
      %dma_start3A_63 = arith.constant 0 : i32
      %dma_start3A_64 = tpu.memref_slice %arg8[%select_n3A_29, %dma_start3A, %dma_start3A_63] : memref<2x23x128xi32, #tpu.memory_space<vmem>> -> memref<1x1x128xi32, #tpu.memory_space<vmem>>
      %dma_start3A_65 = tpu.memref_squeeze %dma_start3A_64 : memref<1x1x128xi32, #tpu.memory_space<vmem>> -> memref<128xi32, #tpu.memory_space<vmem>>
      %dma_start3A_66 = arith.constant 0 : i32
      %dma_start3A_67 = arith.constant 0 : i32
      %dma_start3A_68 = tpu.memref_slice %arg5[%dma_start3A_66, %dma_start3A_67] : memref<102400x8xf32, #tpu.memory_space<hbm>> -> memref<102400x8xf32, #tpu.memory_space<hbm>>
      tpu.enqueue_indirect_dma source(%dma_start3A_68 : memref<102400x8xf32, #tpu.memory_space<hbm>>) target(%dma_start3A_62 : memref<128x8xf32, #tpu.memory_space<vmem>>) offsets(%dma_start3A_65 : memref<128xi32, #tpu.memory_space<vmem>>) semaphore(%arg13 : memref<!tpu.dma_semaphore, #tpu.memory_space<semaphore_mem>>)
      %dma_start3A_69 = arith.constant 1 : i32
      %dma_start3A_70 = arith.constant 1 : i32
      %dma_start3A_71 = arith.constant 0 : i32
      %dma_start3A_72 = arith.constant 0 : i32
      %dma_start3A_73 = tpu.memref_slice %arg10[%dma_start3A_70, %dma_start3A_71, %dma_start3A_72] : memref<3x128x8xf32, #tpu.memory_space<vmem>> -> memref<1x128x8xf32, #tpu.memory_space<vmem>>
      %dma_start3A_74 = tpu.memref_squeeze %dma_start3A_73 : memref<1x128x8xf32, #tpu.memory_space<vmem>> -> memref<128x8xf32, #tpu.memory_space<vmem>>
      %dma_start3A_75 = arith.constant 0 : i32
      %dma_start3A_76 = tpu.memref_slice %arg8[%select_n3A_29, %dma_start3A_69, %dma_start3A_75] : memref<2x23x128xi32, #tpu.memory_space<vmem>> -> memref<1x1x128xi32, #tpu.memory_space<vmem>>
      %dma_start3A_77 = tpu.memref_squeeze %dma_start3A_76 : memref<1x1x128xi32, #tpu.memory_space<vmem>> -> memref<128xi32, #tpu.memory_space<vmem>>
      %dma_start3A_78 = arith.constant 0 : i32
      %dma_start3A_79 = arith.constant 0 : i32
      %dma_start3A_80 = tpu.memref_slice %arg5[%dma_start3A_78, %dma_start3A_79] : memref<102400x8xf32, #tpu.memory_space<hbm>> -> memref<102400x8xf32, #tpu.memory_space<hbm>>
      tpu.enqueue_indirect_dma source(%dma_start3A_80 : memref<102400x8xf32, #tpu.memory_space<hbm>>) target(%dma_start3A_74 : memref<128x8xf32, #tpu.memory_space<vmem>>) offsets(%dma_start3A_77 : memref<128xi32, #tpu.memory_space<vmem>>) semaphore(%arg14 : memref<!tpu.dma_semaphore, #tpu.memory_space<semaphore_mem>>)
      %dma_start3A_81 = arith.constant 2 : i32
      %dma_start3A_82 = arith.constant 2 : i32
      %dma_start3A_83 = arith.constant 0 : i32
      %dma_start3A_84 = arith.constant 0 : i32
      %dma_start3A_85 = tpu.memref_slice %arg10[%dma_start3A_82, %dma_start3A_83, %dma_start3A_84] : memref<3x128x8xf32, #tpu.memory_space<vmem>> -> memref<1x128x8xf32, #tpu.memory_space<vmem>>
      %dma_start3A_86 = tpu.memref_squeeze %dma_start3A_85 : memref<1x128x8xf32, #tpu.memory_space<vmem>> -> memref<128x8xf32, #tpu.memory_space<vmem>>
      %dma_start3A_87 = arith.constant 0 : i32
      %dma_start3A_88 = tpu.memref_slice %arg8[%select_n3A_29, %dma_start3A_81, %dma_start3A_87] : memref<2x23x128xi32, #tpu.memory_space<vmem>> -> memref<1x1x128xi32, #tpu.memory_space<vmem>>
      %dma_start3A_89 = tpu.memref_squeeze %dma_start3A_88 : memref<1x1x128xi32, #tpu.memory_space<vmem>> -> memref<128xi32, #tpu.memory_space<vmem>>
      %dma_start3A_90 = arith.constant 0 : i32
      %dma_start3A_91 = arith.constant 0 : i32
      %dma_start3A_92 = tpu.memref_slice %arg5[%dma_start3A_90, %dma_start3A_91] : memref<102400x8xf32, #tpu.memory_space<hbm>> -> memref<102400x8xf32, #tpu.memory_space<hbm>>
      tpu.enqueue_indirect_dma source(%dma_start3A_92 : memref<102400x8xf32, #tpu.memory_space<hbm>>) target(%dma_start3A_86 : memref<128x8xf32, #tpu.memory_space<vmem>>) offsets(%dma_start3A_89 : memref<128xi32, #tpu.memory_space<vmem>>) semaphore(%arg15 : memref<!tpu.dma_semaphore, #tpu.memory_space<semaphore_mem>>)
      %dma_wait3A_93 = arith.constant 0 : i32
      %dma_wait3A_94 = arith.constant 0 : i32
      %dma_wait3A_95 = arith.constant 0 : i32
      %dma_wait3A_96 = arith.constant 0 : i32
      %dma_wait3A_97 = tpu.memref_slice %arg10[%dma_wait3A_94, %dma_wait3A_95, %dma_wait3A_96] : memref<3x128x8xf32, #tpu.memory_space<vmem>> -> memref<1x128x8xf32, #tpu.memory_space<vmem>>
      %dma_wait3A_98 = tpu.memref_squeeze %dma_wait3A_97 : memref<1x128x8xf32, #tpu.memory_space<vmem>> -> memref<128x8xf32, #tpu.memory_space<vmem>>
      %dma_wait3A_99 = arith.constant 0 : i32
      %dma_wait3A_100 = tpu.memref_slice %arg8[%select_n3A_29, %dma_wait3A_93, %dma_wait3A_99] : memref<2x23x128xi32, #tpu.memory_space<vmem>> -> memref<1x1x128xi32, #tpu.memory_space<vmem>>
      %dma_wait3A_101 = tpu.memref_squeeze %dma_wait3A_100 : memref<1x1x128xi32, #tpu.memory_space<vmem>> -> memref<128xi32, #tpu.memory_space<vmem>>
      %dma_wait3A_102 = arith.constant 0 : i32
      %dma_wait3A_103 = arith.constant 0 : i32
      %dma_wait3A_104 = tpu.memref_slice %arg5[%dma_wait3A_102, %dma_wait3A_103] : memref<102400x8xf32, #tpu.memory_space<hbm>> -> memref<102400x8xf32, #tpu.memory_space<hbm>>
      tpu.wait_indirect_dma semaphore(%arg13 : memref<!tpu.dma_semaphore, #tpu.memory_space<semaphore_mem>>) src(%dma_wait3A_104 : memref<102400x8xf32, #tpu.memory_space<hbm>>) dst(%dma_wait3A_98 : memref<128x8xf32, #tpu.memory_space<vmem>>)
      %run_scoped3A = arith.constant 0 : i32
      %run_scoped3A_105 = arith.constant 0 : i32
      "tpu.region"() ({
        %run_scoped3A_654 = tpu.sem_alloc : memref<!tpu.dma_semaphore, #tpu.memory_space<semaphore_mem>>
        %dma_start3A_655 = arith.constant 0 : i32
        %dma_start3A_656 = arith.constant 0 : i32
        %dma_start3A_657 = tpu.memref_slice %arg10[%run_scoped3A, %dma_start3A_655, %dma_start3A_656] : memref<3x128x8xf32, #tpu.memory_space<vmem>> -> memref<1x128x8xf32, #tpu.memory_space<vmem>>
        %dma_start3A_658 = tpu.memref_squeeze %dma_start3A_657 : memref<1x128x8xf32, #tpu.memory_space<vmem>> -> memref<128x8xf32, #tpu.memory_space<vmem>>
        %dma_start3A_659 = arith.constant 0 : i32
        %dma_start3A_660 = tpu.memref_slice %arg9[%select_n3A_29, %run_scoped3A_105, %dma_start3A_659] : memref<2x23x128xi32, #tpu.memory_space<vmem>> -> memref<1x1x128xi32, #tpu.memory_space<vmem>>
        %dma_start3A_661 = tpu.memref_squeeze %dma_start3A_660 : memref<1x1x128xi32, #tpu.memory_space<vmem>> -> memref<128xi32, #tpu.memory_space<vmem>>
        %dma_start3A_662 = arith.constant 0 : i32
        %dma_start3A_663 = arith.constant 0 : i32
        %dma_start3A_664 = tpu.memref_slice %arg11[%dma_start3A_662, %dma_start3A_663] : memref<102400x8xf32, #tpu.memory_space<vmem_shared>> -> memref<102400x8xf32, #tpu.memory_space<vmem_shared>>
        tpu.enqueue_indirect_dma source(%dma_start3A_658 : memref<128x8xf32, #tpu.memory_space<vmem>>) target(%dma_start3A_664 : memref<102400x8xf32, #tpu.memory_space<vmem_shared>>) offsets(%dma_start3A_661 : memref<128xi32, #tpu.memory_space<vmem>>) semaphore(%run_scoped3A_654 : memref<!tpu.dma_semaphore, #tpu.memory_space<semaphore_mem>>) {add = true}
        %dma_wait3A_665 = arith.constant 0 : i32
        %dma_wait3A_666 = arith.constant 0 : i32
        %dma_wait3A_667 = tpu.memref_slice %arg10[%run_scoped3A, %dma_wait3A_665, %dma_wait3A_666] : memref<3x128x8xf32, #tpu.memory_space<vmem>> -> memref<1x128x8xf32, #tpu.memory_space<vmem>>
        %dma_wait3A_668 = tpu.memref_squeeze %dma_wait3A_667 : memref<1x128x8xf32, #tpu.memory_space<vmem>> -> memref<128x8xf32, #tpu.memory_space<vmem>>
        %dma_wait3A_669 = arith.constant 0 : i32
        %dma_wait3A_670 = tpu.memref_slice %arg9[%select_n3A_29, %run_scoped3A_105, %dma_wait3A_669] : memref<2x23x128xi32, #tpu.memory_space<vmem>> -> memref<1x1x128xi32, #tpu.memory_space<vmem>>
        %dma_wait3A_671 = tpu.memref_squeeze %dma_wait3A_670 : memref<1x1x128xi32, #tpu.memory_space<vmem>> -> memref<128xi32, #tpu.memory_space<vmem>>
        %dma_wait3A_672 = arith.constant 0 : i32
        %dma_wait3A_673 = arith.constant 0 : i32
        %dma_wait3A_674 = tpu.memref_slice %arg11[%dma_wait3A_672, %dma_wait3A_673] : memref<102400x8xf32, #tpu.memory_space<vmem_shared>> -> memref<102400x8xf32, #tpu.memory_space<vmem_shared>>
        tpu.wait_indirect_dma semaphore(%run_scoped3A_654 : memref<!tpu.dma_semaphore, #tpu.memory_space<semaphore_mem>>) src(%dma_wait3A_668 : memref<128x8xf32, #tpu.memory_space<vmem>>) dst(%dma_wait3A_674 : memref<102400x8xf32, #tpu.memory_space<vmem_shared>>)
        tpu.yield
      }) : () -> ()
      %dma_start3A_106 = arith.constant 3 : i32
      %dma_start3A_107 = arith.constant 0 : i32
      %dma_start3A_108 = arith.constant 0 : i32
      %dma_start3A_109 = arith.constant 0 : i32
      %dma_start3A_110 = tpu.memref_slice %arg10[%dma_start3A_107, %dma_start3A_108, %dma_start3A_109] : memref<3x128x8xf32, #tpu.memory_space<vmem>> -> memref<1x128x8xf32, #tpu.memory_space<vmem>>
      %dma_start3A_111 = tpu.memref_squeeze %dma_start3A_110 : memref<1x128x8xf32, #tpu.memory_space<vmem>> -> memref<128x8xf32, #tpu.memory_space<vmem>>
      %dma_start3A_112 = arith.constant 0 : i32
      %dma_start3A_113 = tpu.memref_slice %arg8[%select_n3A_29, %dma_start3A_106, %dma_start3A_112] : memref<2x23x128xi32, #tpu.memory_space<vmem>> -> memref<1x1x128xi32, #tpu.memory_space<vmem>>
      %dma_start3A_114 = tpu.memref_squeeze %dma_start3A_113 : memref<1x1x128xi32, #tpu.memory_space<vmem>> -> memref<128xi32, #tpu.memory_space<vmem>>
      %dma_start3A_115 = arith.constant 0 : i32
      %dma_start3A_116 = arith.constant 0 : i32
      %dma_start3A_117 = tpu.memref_slice %arg5[%dma_start3A_115, %dma_start3A_116] : memref<102400x8xf32, #tpu.memory_space<hbm>> -> memref<102400x8xf32, #tpu.memory_space<hbm>>
      tpu.enqueue_indirect_dma source(%dma_start3A_117 : memref<102400x8xf32, #tpu.memory_space<hbm>>) target(%dma_start3A_111 : memref<128x8xf32, #tpu.memory_space<vmem>>) offsets(%dma_start3A_114 : memref<128xi32, #tpu.memory_space<vmem>>) semaphore(%arg13 : memref<!tpu.dma_semaphore, #tpu.memory_space<semaphore_mem>>)
      %dma_wait3A_118 = arith.constant 1 : i32
      %dma_wait3A_119 = arith.constant 1 : i32
      %dma_wait3A_120 = arith.constant 0 : i32
      %dma_wait3A_121 = arith.constant 0 : i32
      %dma_wait3A_122 = tpu.memref_slice %arg10[%dma_wait3A_119, %dma_wait3A_120, %dma_wait3A_121] : memref<3x128x8xf32, #tpu.memory_space<vmem>> -> memref<1x128x8xf32, #tpu.memory_space<vmem>>
      %dma_wait3A_123 = tpu.memref_squeeze %dma_wait3A_122 : memref<1x128x8xf32, #tpu.memory_space<vmem>> -> memref<128x8xf32, #tpu.memory_space<vmem>>
      %dma_wait3A_124 = arith.constant 0 : i32
      %dma_wait3A_125 = tpu.memref_slice %arg8[%select_n3A_29, %dma_wait3A_118, %dma_wait3A_124] : memref<2x23x128xi32, #tpu.memory_space<vmem>> -> memref<1x1x128xi32, #tpu.memory_space<vmem>>
      %dma_wait3A_126 = tpu.memref_squeeze %dma_wait3A_125 : memref<1x1x128xi32, #tpu.memory_space<vmem>> -> memref<128xi32, #tpu.memory_space<vmem>>
      %dma_wait3A_127 = arith.constant 0 : i32
      %dma_wait3A_128 = arith.constant 0 : i32
      %dma_wait3A_129 = tpu.memref_slice %arg5[%dma_wait3A_127, %dma_wait3A_128] : memref<102400x8xf32, #tpu.memory_space<hbm>> -> memref<102400x8xf32, #tpu.memory_space<hbm>>
      tpu.wait_indirect_dma semaphore(%arg14 : memref<!tpu.dma_semaphore, #tpu.memory_space<semaphore_mem>>) src(%dma_wait3A_129 : memref<102400x8xf32, #tpu.memory_space<hbm>>) dst(%dma_wait3A_123 : memref<128x8xf32, #tpu.memory_space<vmem>>)
      %run_scoped3A_130 = arith.constant 1 : i32
      %run_scoped3A_131 = arith.constant 1 : i32
      "tpu.region"() ({
        %run_scoped3A_654 = tpu.sem_alloc : memref<!tpu.dma_semaphore, #tpu.memory_space<semaphore_mem>>
        %dma_start3A_655 = arith.constant 0 : i32
        %dma_start3A_656 = arith.constant 0 : i32
        %dma_start3A_657 = tpu.memref_slice %arg10[%run_scoped3A_130, %dma_start3A_655, %dma_start3A_656] : memref<3x128x8xf32, #tpu.memory_space<vmem>> -> memref<1x128x8xf32, #tpu.memory_space<vmem>>
        %dma_start3A_658 = tpu.memref_squeeze %dma_start3A_657 : memref<1x128x8xf32, #tpu.memory_space<vmem>> -> memref<128x8xf32, #tpu.memory_space<vmem>>
        %dma_start3A_659 = arith.constant 0 : i32
        %dma_start3A_660 = tpu.memref_slice %arg9[%select_n3A_29, %run_scoped3A_131, %dma_start3A_659] : memref<2x23x128xi32, #tpu.memory_space<vmem>> -> memref<1x1x128xi32, #tpu.memory_space<vmem>>
        %dma_start3A_661 = tpu.memref_squeeze %dma_start3A_660 : memref<1x1x128xi32, #tpu.memory_space<vmem>> -> memref<128xi32, #tpu.memory_space<vmem>>
        %dma_start3A_662 = arith.constant 0 : i32
        %dma_start3A_663 = arith.constant 0 : i32
        %dma_start3A_664 = tpu.memref_slice %arg11[%dma_start3A_662, %dma_start3A_663] : memref<102400x8xf32, #tpu.memory_space<vmem_shared>> -> memref<102400x8xf32, #tpu.memory_space<vmem_shared>>
        tpu.enqueue_indirect_dma source(%dma_start3A_658 : memref<128x8xf32, #tpu.memory_space<vmem>>) target(%dma_start3A_664 : memref<102400x8xf32, #tpu.memory_space<vmem_shared>>) offsets(%dma_start3A_661 : memref<128xi32, #tpu.memory_space<vmem>>) semaphore(%run_scoped3A_654 : memref<!tpu.dma_semaphore, #tpu.memory_space<semaphore_mem>>) {add = true}
        %dma_wait3A_665 = arith.constant 0 : i32
        %dma_wait3A_666 = arith.constant 0 : i32
        %dma_wait3A_667 = tpu.memref_slice %arg10[%run_scoped3A_130, %dma_wait3A_665, %dma_wait3A_666] : memref<3x128x8xf32, #tpu.memory_space<vmem>> -> memref<1x128x8xf32, #tpu.memory_space<vmem>>
        %dma_wait3A_668 = tpu.memref_squeeze %dma_wait3A_667 : memref<1x128x8xf32, #tpu.memory_space<vmem>> -> memref<128x8xf32, #tpu.memory_space<vmem>>
        %dma_wait3A_669 = arith.constant 0 : i32
        %dma_wait3A_670 = tpu.memref_slice %arg9[%select_n3A_29, %run_scoped3A_131, %dma_wait3A_669] : memref<2x23x128xi32, #tpu.memory_space<vmem>> -> memref<1x1x128xi32, #tpu.memory_space<vmem>>
        %dma_wait3A_671 = tpu.memref_squeeze %dma_wait3A_670 : memref<1x1x128xi32, #tpu.memory_space<vmem>> -> memref<128xi32, #tpu.memory_space<vmem>>
        %dma_wait3A_672 = arith.constant 0 : i32
        %dma_wait3A_673 = arith.constant 0 : i32
        %dma_wait3A_674 = tpu.memref_slice %arg11[%dma_wait3A_672, %dma_wait3A_673] : memref<102400x8xf32, #tpu.memory_space<vmem_shared>> -> memref<102400x8xf32, #tpu.memory_space<vmem_shared>>
        tpu.wait_indirect_dma semaphore(%run_scoped3A_654 : memref<!tpu.dma_semaphore, #tpu.memory_space<semaphore_mem>>) src(%dma_wait3A_668 : memref<128x8xf32, #tpu.memory_space<vmem>>) dst(%dma_wait3A_674 : memref<102400x8xf32, #tpu.memory_space<vmem_shared>>)
        tpu.yield
      }) : () -> ()
      %dma_start3A_132 = arith.constant 4 : i32
      %dma_start3A_133 = arith.constant 1 : i32
      %dma_start3A_134 = arith.constant 0 : i32
      %dma_start3A_135 = arith.constant 0 : i32
      %dma_start3A_136 = tpu.memref_slice %arg10[%dma_start3A_133, %dma_start3A_134, %dma_start3A_135] : memref<3x128x8xf32, #tpu.memory_space<vmem>> -> memref<1x128x8xf32, #tpu.memory_space<vmem>>
      %dma_start3A_137 = tpu.memref_squeeze %dma_start3A_136 : memref<1x128x8xf32, #tpu.memory_space<vmem>> -> memref<128x8xf32, #tpu.memory_space<vmem>>
      %dma_start3A_138 = arith.constant 0 : i32
      %dma_start3A_139 = tpu.memref_slice %arg8[%select_n3A_29, %dma_start3A_132, %dma_start3A_138] : memref<2x23x128xi32, #tpu.memory_space<vmem>> -> memref<1x1x128xi32, #tpu.memory_space<vmem>>
      %dma_start3A_140 = tpu.memref_squeeze %dma_start3A_139 : memref<1x1x128xi32, #tpu.memory_space<vmem>> -> memref<128xi32, #tpu.memory_space<vmem>>
      %dma_start3A_141 = arith.constant 0 : i32
      %dma_start3A_142 = arith.constant 0 : i32
      %dma_start3A_143 = tpu.memref_slice %arg5[%dma_start3A_141, %dma_start3A_142] : memref<102400x8xf32, #tpu.memory_space<hbm>> -> memref<102400x8xf32, #tpu.memory_space<hbm>>
      tpu.enqueue_indirect_dma source(%dma_start3A_143 : memref<102400x8xf32, #tpu.memory_space<hbm>>) target(%dma_start3A_137 : memref<128x8xf32, #tpu.memory_space<vmem>>) offsets(%dma_start3A_140 : memref<128xi32, #tpu.memory_space<vmem>>) semaphore(%arg14 : memref<!tpu.dma_semaphore, #tpu.memory_space<semaphore_mem>>)
      %dma_wait3A_144 = arith.constant 2 : i32
      %dma_wait3A_145 = arith.constant 2 : i32
      %dma_wait3A_146 = arith.constant 0 : i32
      %dma_wait3A_147 = arith.constant 0 : i32
      %dma_wait3A_148 = tpu.memref_slice %arg10[%dma_wait3A_145, %dma_wait3A_146, %dma_wait3A_147] : memref<3x128x8xf32, #tpu.memory_space<vmem>> -> memref<1x128x8xf32, #tpu.memory_space<vmem>>
      %dma_wait3A_149 = tpu.memref_squeeze %dma_wait3A_148 : memref<1x128x8xf32, #tpu.memory_space<vmem>> -> memref<128x8xf32, #tpu.memory_space<vmem>>
      %dma_wait3A_150 = arith.constant 0 : i32
      %dma_wait3A_151 = tpu.memref_slice %arg8[%select_n3A_29, %dma_wait3A_144, %dma_wait3A_150] : memref<2x23x128xi32, #tpu.memory_space<vmem>> -> memref<1x1x128xi32, #tpu.memory_space<vmem>>
      %dma_wait3A_152 = tpu.memref_squeeze %dma_wait3A_151 : memref<1x1x128xi32, #tpu.memory_space<vmem>> -> memref<128xi32, #tpu.memory_space<vmem>>
      %dma_wait3A_153 = arith.constant 0 : i32
      %dma_wait3A_154 = arith.constant 0 : i32
      %dma_wait3A_155 = tpu.memref_slice %arg5[%dma_wait3A_153, %dma_wait3A_154] : memref<102400x8xf32, #tpu.memory_space<hbm>> -> memref<102400x8xf32, #tpu.memory_space<hbm>>
      tpu.wait_indirect_dma semaphore(%arg15 : memref<!tpu.dma_semaphore, #tpu.memory_space<semaphore_mem>>) src(%dma_wait3A_155 : memref<102400x8xf32, #tpu.memory_space<hbm>>) dst(%dma_wait3A_149 : memref<128x8xf32, #tpu.memory_space<vmem>>)
      %run_scoped3A_156 = arith.constant 2 : i32
      %run_scoped3A_157 = arith.constant 2 : i32
      "tpu.region"() ({
        %run_scoped3A_654 = tpu.sem_alloc : memref<!tpu.dma_semaphore, #tpu.memory_space<semaphore_mem>>
        %dma_start3A_655 = arith.constant 0 : i32
        %dma_start3A_656 = arith.constant 0 : i32
        %dma_start3A_657 = tpu.memref_slice %arg10[%run_scoped3A_156, %dma_start3A_655, %dma_start3A_656] : memref<3x128x8xf32, #tpu.memory_space<vmem>> -> memref<1x128x8xf32, #tpu.memory_space<vmem>>
        %dma_start3A_658 = tpu.memref_squeeze %dma_start3A_657 : memref<1x128x8xf32, #tpu.memory_space<vmem>> -> memref<128x8xf32, #tpu.memory_space<vmem>>
        %dma_start3A_659 = arith.constant 0 : i32
        %dma_start3A_660 = tpu.memref_slice %arg9[%select_n3A_29, %run_scoped3A_157, %dma_start3A_659] : memref<2x23x128xi32, #tpu.memory_space<vmem>> -> memref<1x1x128xi32, #tpu.memory_space<vmem>>
        %dma_start3A_661 = tpu.memref_squeeze %dma_start3A_660 : memref<1x1x128xi32, #tpu.memory_space<vmem>> -> memref<128xi32, #tpu.memory_space<vmem>>
        %dma_start3A_662 = arith.constant 0 : i32
        %dma_start3A_663 = arith.constant 0 : i32
        %dma_start3A_664 = tpu.memref_slice %arg11[%dma_start3A_662, %dma_start3A_663] : memref<102400x8xf32, #tpu.memory_space<vmem_shared>> -> memref<102400x8xf32, #tpu.memory_space<vmem_shared>>
        tpu.enqueue_indirect_dma source(%dma_start3A_658 : memref<128x8xf32, #tpu.memory_space<vmem>>) target(%dma_start3A_664 : memref<102400x8xf32, #tpu.memory_space<vmem_shared>>) offsets(%dma_start3A_661 : memref<128xi32, #tpu.memory_space<vmem>>) semaphore(%run_scoped3A_654 : memref<!tpu.dma_semaphore, #tpu.memory_space<semaphore_mem>>) {add = true}
        %dma_wait3A_665 = arith.constant 0 : i32
        %dma_wait3A_666 = arith.constant 0 : i32
        %dma_wait3A_667 = tpu.memref_slice %arg10[%run_scoped3A_156, %dma_wait3A_665, %dma_wait3A_666] : memref<3x128x8xf32, #tpu.memory_space<vmem>> -> memref<1x128x8xf32, #tpu.memory_space<vmem>>
        %dma_wait3A_668 = tpu.memref_squeeze %dma_wait3A_667 : memref<1x128x8xf32, #tpu.memory_space<vmem>> -> memref<128x8xf32, #tpu.memory_space<vmem>>
        %dma_wait3A_669 = arith.constant 0 : i32
        %dma_wait3A_670 = tpu.memref_slice %arg9[%select_n3A_29, %run_scoped3A_157, %dma_wait3A_669] : memref<2x23x128xi32, #tpu.memory_space<vmem>> -> memref<1x1x128xi32, #tpu.memory_space<vmem>>
        %dma_wait3A_671 = tpu.memref_squeeze %dma_wait3A_670 : memref<1x1x128xi32, #tpu.memory_space<vmem>> -> memref<128xi32, #tpu.memory_space<vmem>>
        %dma_wait3A_672 = arith.constant 0 : i32
        %dma_wait3A_673 = arith.constant 0 : i32
        %dma_wait3A_674 = tpu.memref_slice %arg11[%dma_wait3A_672, %dma_wait3A_673] : memref<102400x8xf32, #tpu.memory_space<vmem_shared>> -> memref<102400x8xf32, #tpu.memory_space<vmem_shared>>
        tpu.wait_indirect_dma semaphore(%run_scoped3A_654 : memref<!tpu.dma_semaphore, #tpu.memory_space<semaphore_mem>>) src(%dma_wait3A_668 : memref<128x8xf32, #tpu.memory_space<vmem>>) dst(%dma_wait3A_674 : memref<102400x8xf32, #tpu.memory_space<vmem_shared>>)
        tpu.yield
      }) : () -> ()
      %dma_start3A_158 = arith.constant 5 : i32
      %dma_start3A_159 = arith.constant 2 : i32
      %dma_start3A_160 = arith.constant 0 : i32
      %dma_start3A_161 = arith.constant 0 : i32
      %dma_start3A_162 = tpu.memref_slice %arg10[%dma_start3A_159, %dma_start3A_160, %dma_start3A_161] : memref<3x128x8xf32, #tpu.memory_space<vmem>> -> memref<1x128x8xf32, #tpu.memory_space<vmem>>
      %dma_start3A_163 = tpu.memref_squeeze %dma_start3A_162 : memref<1x128x8xf32, #tpu.memory_space<vmem>> -> memref<128x8xf32, #tpu.memory_space<vmem>>
      %dma_start3A_164 = arith.constant 0 : i32
      %dma_start3A_165 = tpu.memref_slice %arg8[%select_n3A_29, %dma_start3A_158, %dma_start3A_164] : memref<2x23x128xi32, #tpu.memory_space<vmem>> -> memref<1x1x128xi32, #tpu.memory_space<vmem>>
      %dma_start3A_166 = tpu.memref_squeeze %dma_start3A_165 : memref<1x1x128xi32, #tpu.memory_space<vmem>> -> memref<128xi32, #tpu.memory_space<vmem>>
      %dma_start3A_167 = arith.constant 0 : i32
      %dma_start3A_168 = arith.constant 0 : i32
      %dma_start3A_169 = tpu.memref_slice %arg5[%dma_start3A_167, %dma_start3A_168] : memref<102400x8xf32, #tpu.memory_space<hbm>> -> memref<102400x8xf32, #tpu.memory_space<hbm>>
      tpu.enqueue_indirect_dma source(%dma_start3A_169 : memref<102400x8xf32, #tpu.memory_space<hbm>>) target(%dma_start3A_163 : memref<128x8xf32, #tpu.memory_space<vmem>>) offsets(%dma_start3A_166 : memref<128xi32, #tpu.memory_space<vmem>>) semaphore(%arg15 : memref<!tpu.dma_semaphore, #tpu.memory_space<semaphore_mem>>)
      %dma_wait3A_170 = arith.constant 3 : i32
      %dma_wait3A_171 = arith.constant 0 : i32
      %dma_wait3A_172 = arith.constant 0 : i32
      %dma_wait3A_173 = arith.constant 0 : i32
      %dma_wait3A_174 = tpu.memref_slice %arg10[%dma_wait3A_171, %dma_wait3A_172, %dma_wait3A_173] : memref<3x128x8xf32, #tpu.memory_space<vmem>> -> memref<1x128x8xf32, #tpu.memory_space<vmem>>
      %dma_wait3A_175 = tpu.memref_squeeze %dma_wait3A_174 : memref<1x128x8xf32, #tpu.memory_space<vmem>> -> memref<128x8xf32, #tpu.memory_space<vmem>>
      %dma_wait3A_176 = arith.constant 0 : i32
      %dma_wait3A_177 = tpu.memref_slice %arg8[%select_n3A_29, %dma_wait3A_170, %dma_wait3A_176] : memref<2x23x128xi32, #tpu.memory_space<vmem>> -> memref<1x1x128xi32, #tpu.memory_space<vmem>>
      %dma_wait3A_178 = tpu.memref_squeeze %dma_wait3A_177 : memref<1x1x128xi32, #tpu.memory_space<vmem>> -> memref<128xi32, #tpu.memory_space<vmem>>
      %dma_wait3A_179 = arith.constant 0 : i32
      %dma_wait3A_180 = arith.constant 0 : i32
      %dma_wait3A_181 = tpu.memref_slice %arg5[%dma_wait3A_179, %dma_wait3A_180] : memref<102400x8xf32, #tpu.memory_space<hbm>> -> memref<102400x8xf32, #tpu.memory_space<hbm>>
      tpu.wait_indirect_dma semaphore(%arg13 : memref<!tpu.dma_semaphore, #tpu.memory_space<semaphore_mem>>) src(%dma_wait3A_181 : memref<102400x8xf32, #tpu.memory_space<hbm>>) dst(%dma_wait3A_175 : memref<128x8xf32, #tpu.memory_space<vmem>>)
      %run_scoped3A_182 = arith.constant 0 : i32
      %run_scoped3A_183 = arith.constant 3 : i32
      "tpu.region"() ({
        %run_scoped3A_654 = tpu.sem_alloc : memref<!tpu.dma_semaphore, #tpu.memory_space<semaphore_mem>>
        %dma_start3A_655 = arith.constant 0 : i32
        %dma_start3A_656 = arith.constant 0 : i32
        %dma_start3A_657 = tpu.memref_slice %arg10[%run_scoped3A_182, %dma_start3A_655, %dma_start3A_656] : memref<3x128x8xf32, #tpu.memory_space<vmem>> -> memref<1x128x8xf32, #tpu.memory_space<vmem>>
        %dma_start3A_658 = tpu.memref_squeeze %dma_start3A_657 : memref<1x128x8xf32, #tpu.memory_space<vmem>> -> memref<128x8xf32, #tpu.memory_space<vmem>>
        %dma_start3A_659 = arith.constant 0 : i32
        %dma_start3A_660 = tpu.memref_slice %arg9[%select_n3A_29, %run_scoped3A_183, %dma_start3A_659] : memref<2x23x128xi32, #tpu.memory_space<vmem>> -> memref<1x1x128xi32, #tpu.memory_space<vmem>>
        %dma_start3A_661 = tpu.memref_squeeze %dma_start3A_660 : memref<1x1x128xi32, #tpu.memory_space<vmem>> -> memref<128xi32, #tpu.memory_space<vmem>>
        %dma_start3A_662 = arith.constant 0 : i32
        %dma_start3A_663 = arith.constant 0 : i32
        %dma_start3A_664 = tpu.memref_slice %arg11[%dma_start3A_662, %dma_start3A_663] : memref<102400x8xf32, #tpu.memory_space<vmem_shared>> -> memref<102400x8xf32, #tpu.memory_space<vmem_shared>>
        tpu.enqueue_indirect_dma source(%dma_start3A_658 : memref<128x8xf32, #tpu.memory_space<vmem>>) target(%dma_start3A_664 : memref<102400x8xf32, #tpu.memory_space<vmem_shared>>) offsets(%dma_start3A_661 : memref<128xi32, #tpu.memory_space<vmem>>) semaphore(%run_scoped3A_654 : memref<!tpu.dma_semaphore, #tpu.memory_space<semaphore_mem>>) {add = true}
        %dma_wait3A_665 = arith.constant 0 : i32
        %dma_wait3A_666 = arith.constant 0 : i32
        %dma_wait3A_667 = tpu.memref_slice %arg10[%run_scoped3A_182, %dma_wait3A_665, %dma_wait3A_666] : memref<3x128x8xf32, #tpu.memory_space<vmem>> -> memref<1x128x8xf32, #tpu.memory_space<vmem>>
        %dma_wait3A_668 = tpu.memref_squeeze %dma_wait3A_667 : memref<1x128x8xf32, #tpu.memory_space<vmem>> -> memref<128x8xf32, #tpu.memory_space<vmem>>
        %dma_wait3A_669 = arith.constant 0 : i32
        %dma_wait3A_670 = tpu.memref_slice %arg9[%select_n3A_29, %run_scoped3A_183, %dma_wait3A_669] : memref<2x23x128xi32, #tpu.memory_space<vmem>> -> memref<1x1x128xi32, #tpu.memory_space<vmem>>
        %dma_wait3A_671 = tpu.memref_squeeze %dma_wait3A_670 : memref<1x1x128xi32, #tpu.memory_space<vmem>> -> memref<128xi32, #tpu.memory_space<vmem>>
        %dma_wait3A_672 = arith.constant 0 : i32
        %dma_wait3A_673 = arith.constant 0 : i32
        %dma_wait3A_674 = tpu.memref_slice %arg11[%dma_wait3A_672, %dma_wait3A_673] : memref<102400x8xf32, #tpu.memory_space<vmem_shared>> -> memref<102400x8xf32, #tpu.memory_space<vmem_shared>>
        tpu.wait_indirect_dma semaphore(%run_scoped3A_654 : memref<!tpu.dma_semaphore, #tpu.memory_space<semaphore_mem>>) src(%dma_wait3A_668 : memref<128x8xf32, #tpu.memory_space<vmem>>) dst(%dma_wait3A_674 : memref<102400x8xf32, #tpu.memory_space<vmem_shared>>)
        tpu.yield
      }) : () -> ()
      %dma_start3A_184 = arith.constant 6 : i32
      %dma_start3A_185 = arith.constant 0 : i32
      %dma_start3A_186 = arith.constant 0 : i32
      %dma_start3A_187 = arith.constant 0 : i32
      %dma_start3A_188 = tpu.memref_slice %arg10[%dma_start3A_185, %dma_start3A_186, %dma_start3A_187] : memref<3x128x8xf32, #tpu.memory_space<vmem>> -> memref<1x128x8xf32, #tpu.memory_space<vmem>>
      %dma_start3A_189 = tpu.memref_squeeze %dma_start3A_188 : memref<1x128x8xf32, #tpu.memory_space<vmem>> -> memref<128x8xf32, #tpu.memory_space<vmem>>
      %dma_start3A_190 = arith.constant 0 : i32
      %dma_start3A_191 = tpu.memref_slice %arg8[%select_n3A_29, %dma_start3A_184, %dma_start3A_190] : memref<2x23x128xi32, #tpu.memory_space<vmem>> -> memref<1x1x128xi32, #tpu.memory_space<vmem>>
      %dma_start3A_192 = tpu.memref_squeeze %dma_start3A_191 : memref<1x1x128xi32, #tpu.memory_space<vmem>> -> memref<128xi32, #tpu.memory_space<vmem>>
      %dma_start3A_193 = arith.constant 0 : i32
      %dma_start3A_194 = arith.constant 0 : i32
      %dma_start3A_195 = tpu.memref_slice %arg5[%dma_start3A_193, %dma_start3A_194] : memref<102400x8xf32, #tpu.memory_space<hbm>> -> memref<102400x8xf32, #tpu.memory_space<hbm>>
      tpu.enqueue_indirect_dma source(%dma_start3A_195 : memref<102400x8xf32, #tpu.memory_space<hbm>>) target(%dma_start3A_189 : memref<128x8xf32, #tpu.memory_space<vmem>>) offsets(%dma_start3A_192 : memref<128xi32, #tpu.memory_space<vmem>>) semaphore(%arg13 : memref<!tpu.dma_semaphore, #tpu.memory_space<semaphore_mem>>)
      %dma_wait3A_196 = arith.constant 4 : i32
      %dma_wait3A_197 = arith.constant 1 : i32
      %dma_wait3A_198 = arith.constant 0 : i32
      %dma_wait3A_199 = arith.constant 0 : i32
      %dma_wait3A_200 = tpu.memref_slice %arg10[%dma_wait3A_197, %dma_wait3A_198, %dma_wait3A_199] : memref<3x128x8xf32, #tpu.memory_space<vmem>> -> memref<1x128x8xf32, #tpu.memory_space<vmem>>
      %dma_wait3A_201 = tpu.memref_squeeze %dma_wait3A_200 : memref<1x128x8xf32, #tpu.memory_space<vmem>> -> memref<128x8xf32, #tpu.memory_space<vmem>>
      %dma_wait3A_202 = arith.constant 0 : i32
      %dma_wait3A_203 = tpu.memref_slice %arg8[%select_n3A_29, %dma_wait3A_196, %dma_wait3A_202] : memref<2x23x128xi32, #tpu.memory_space<vmem>> -> memref<1x1x128xi32, #tpu.memory_space<vmem>>
      %dma_wait3A_204 = tpu.memref_squeeze %dma_wait3A_203 : memref<1x1x128xi32, #tpu.memory_space<vmem>> -> memref<128xi32, #tpu.memory_space<vmem>>
      %dma_wait3A_205 = arith.constant 0 : i32
      %dma_wait3A_206 = arith.constant 0 : i32
      %dma_wait3A_207 = tpu.memref_slice %arg5[%dma_wait3A_205, %dma_wait3A_206] : memref<102400x8xf32, #tpu.memory_space<hbm>> -> memref<102400x8xf32, #tpu.memory_space<hbm>>
      tpu.wait_indirect_dma semaphore(%arg14 : memref<!tpu.dma_semaphore, #tpu.memory_space<semaphore_mem>>) src(%dma_wait3A_207 : memref<102400x8xf32, #tpu.memory_space<hbm>>) dst(%dma_wait3A_201 : memref<128x8xf32, #tpu.memory_space<vmem>>)
      %run_scoped3A_208 = arith.constant 1 : i32
      %run_scoped3A_209 = arith.constant 4 : i32
      "tpu.region"() ({
        %run_scoped3A_654 = tpu.sem_alloc : memref<!tpu.dma_semaphore, #tpu.memory_space<semaphore_mem>>
        %dma_start3A_655 = arith.constant 0 : i32
        %dma_start3A_656 = arith.constant 0 : i32
        %dma_start3A_657 = tpu.memref_slice %arg10[%run_scoped3A_208, %dma_start3A_655, %dma_start3A_656] : memref<3x128x8xf32, #tpu.memory_space<vmem>> -> memref<1x128x8xf32, #tpu.memory_space<vmem>>
        %dma_start3A_658 = tpu.memref_squeeze %dma_start3A_657 : memref<1x128x8xf32, #tpu.memory_space<vmem>> -> memref<128x8xf32, #tpu.memory_space<vmem>>
        %dma_start3A_659 = arith.constant 0 : i32
        %dma_start3A_660 = tpu.memref_slice %arg9[%select_n3A_29, %run_scoped3A_209, %dma_start3A_659] : memref<2x23x128xi32, #tpu.memory_space<vmem>> -> memref<1x1x128xi32, #tpu.memory_space<vmem>>
        %dma_start3A_661 = tpu.memref_squeeze %dma_start3A_660 : memref<1x1x128xi32, #tpu.memory_space<vmem>> -> memref<128xi32, #tpu.memory_space<vmem>>
        %dma_start3A_662 = arith.constant 0 : i32
        %dma_start3A_663 = arith.constant 0 : i32
        %dma_start3A_664 = tpu.memref_slice %arg11[%dma_start3A_662, %dma_start3A_663] : memref<102400x8xf32, #tpu.memory_space<vmem_shared>> -> memref<102400x8xf32, #tpu.memory_space<vmem_shared>>
        tpu.enqueue_indirect_dma source(%dma_start3A_658 : memref<128x8xf32, #tpu.memory_space<vmem>>) target(%dma_start3A_664 : memref<102400x8xf32, #tpu.memory_space<vmem_shared>>) offsets(%dma_start3A_661 : memref<128xi32, #tpu.memory_space<vmem>>) semaphore(%run_scoped3A_654 : memref<!tpu.dma_semaphore, #tpu.memory_space<semaphore_mem>>) {add = true}
        %dma_wait3A_665 = arith.constant 0 : i32
        %dma_wait3A_666 = arith.constant 0 : i32
        %dma_wait3A_667 = tpu.memref_slice %arg10[%run_scoped3A_208, %dma_wait3A_665, %dma_wait3A_666] : memref<3x128x8xf32, #tpu.memory_space<vmem>> -> memref<1x128x8xf32, #tpu.memory_space<vmem>>
        %dma_wait3A_668 = tpu.memref_squeeze %dma_wait3A_667 : memref<1x128x8xf32, #tpu.memory_space<vmem>> -> memref<128x8xf32, #tpu.memory_space<vmem>>
        %dma_wait3A_669 = arith.constant 0 : i32
        %dma_wait3A_670 = tpu.memref_slice %arg9[%select_n3A_29, %run_scoped3A_209, %dma_wait3A_669] : memref<2x23x128xi32, #tpu.memory_space<vmem>> -> memref<1x1x128xi32, #tpu.memory_space<vmem>>
        %dma_wait3A_671 = tpu.memref_squeeze %dma_wait3A_670 : memref<1x1x128xi32, #tpu.memory_space<vmem>> -> memref<128xi32, #tpu.memory_space<vmem>>
        %dma_wait3A_672 = arith.constant 0 : i32
        %dma_wait3A_673 = arith.constant 0 : i32
        %dma_wait3A_674 = tpu.memref_slice %arg11[%dma_wait3A_672, %dma_wait3A_673] : memref<102400x8xf32, #tpu.memory_space<vmem_shared>> -> memref<102400x8xf32, #tpu.memory_space<vmem_shared>>
        tpu.wait_indirect_dma semaphore(%run_scoped3A_654 : memref<!tpu.dma_semaphore, #tpu.memory_space<semaphore_mem>>) src(%dma_wait3A_668 : memref<128x8xf32, #tpu.memory_space<vmem>>) dst(%dma_wait3A_674 : memref<102400x8xf32, #tpu.memory_space<vmem_shared>>)
        tpu.yield
      }) : () -> ()
      %dma_start3A_210 = arith.constant 7 : i32
      %dma_start3A_211 = arith.constant 1 : i32
      %dma_start3A_212 = arith.constant 0 : i32
      %dma_start3A_213 = arith.constant 0 : i32
      %dma_start3A_214 = tpu.memref_slice %arg10[%dma_start3A_211, %dma_start3A_212, %dma_start3A_213] : memref<3x128x8xf32, #tpu.memory_space<vmem>> -> memref<1x128x8xf32, #tpu.memory_space<vmem>>
      %dma_start3A_215 = tpu.memref_squeeze %dma_start3A_214 : memref<1x128x8xf32, #tpu.memory_space<vmem>> -> memref<128x8xf32, #tpu.memory_space<vmem>>
      %dma_start3A_216 = arith.constant 0 : i32
      %dma_start3A_217 = tpu.memref_slice %arg8[%select_n3A_29, %dma_start3A_210, %dma_start3A_216] : memref<2x23x128xi32, #tpu.memory_space<vmem>> -> memref<1x1x128xi32, #tpu.memory_space<vmem>>
      %dma_start3A_218 = tpu.memref_squeeze %dma_start3A_217 : memref<1x1x128xi32, #tpu.memory_space<vmem>> -> memref<128xi32, #tpu.memory_space<vmem>>
      %dma_start3A_219 = arith.constant 0 : i32
      %dma_start3A_220 = arith.constant 0 : i32
      %dma_start3A_221 = tpu.memref_slice %arg5[%dma_start3A_219, %dma_start3A_220] : memref<102400x8xf32, #tpu.memory_space<hbm>> -> memref<102400x8xf32, #tpu.memory_space<hbm>>
      tpu.enqueue_indirect_dma source(%dma_start3A_221 : memref<102400x8xf32, #tpu.memory_space<hbm>>) target(%dma_start3A_215 : memref<128x8xf32, #tpu.memory_space<vmem>>) offsets(%dma_start3A_218 : memref<128xi32, #tpu.memory_space<vmem>>) semaphore(%arg14 : memref<!tpu.dma_semaphore, #tpu.memory_space<semaphore_mem>>)
      %dma_wait3A_222 = arith.constant 5 : i32
      %dma_wait3A_223 = arith.constant 2 : i32
      %dma_wait3A_224 = arith.constant 0 : i32
      %dma_wait3A_225 = arith.constant 0 : i32
      %dma_wait3A_226 = tpu.memref_slice %arg10[%dma_wait3A_223, %dma_wait3A_224, %dma_wait3A_225] : memref<3x128x8xf32, #tpu.memory_space<vmem>> -> memref<1x128x8xf32, #tpu.memory_space<vmem>>
      %dma_wait3A_227 = tpu.memref_squeeze %dma_wait3A_226 : memref<1x128x8xf32, #tpu.memory_space<vmem>> -> memref<128x8xf32, #tpu.memory_space<vmem>>
      %dma_wait3A_228 = arith.constant 0 : i32
      %dma_wait3A_229 = tpu.memref_slice %arg8[%select_n3A_29, %dma_wait3A_222, %dma_wait3A_228] : memref<2x23x128xi32, #tpu.memory_space<vmem>> -> memref<1x1x128xi32, #tpu.memory_space<vmem>>
      %dma_wait3A_230 = tpu.memref_squeeze %dma_wait3A_229 : memref<1x1x128xi32, #tpu.memory_space<vmem>> -> memref<128xi32, #tpu.memory_space<vmem>>
      %dma_wait3A_231 = arith.constant 0 : i32
      %dma_wait3A_232 = arith.constant 0 : i32
      %dma_wait3A_233 = tpu.memref_slice %arg5[%dma_wait3A_231, %dma_wait3A_232] : memref<102400x8xf32, #tpu.memory_space<hbm>> -> memref<102400x8xf32, #tpu.memory_space<hbm>>
      tpu.wait_indirect_dma semaphore(%arg15 : memref<!tpu.dma_semaphore, #tpu.memory_space<semaphore_mem>>) src(%dma_wait3A_233 : memref<102400x8xf32, #tpu.memory_space<hbm>>) dst(%dma_wait3A_227 : memref<128x8xf32, #tpu.memory_space<vmem>>)
      %run_scoped3A_234 = arith.constant 2 : i32
      %run_scoped3A_235 = arith.constant 5 : i32
      "tpu.region"() ({
        %run_scoped3A_654 = tpu.sem_alloc : memref<!tpu.dma_semaphore, #tpu.memory_space<semaphore_mem>>
        %dma_start3A_655 = arith.constant 0 : i32
        %dma_start3A_656 = arith.constant 0 : i32
        %dma_start3A_657 = tpu.memref_slice %arg10[%run_scoped3A_234, %dma_start3A_655, %dma_start3A_656] : memref<3x128x8xf32, #tpu.memory_space<vmem>> -> memref<1x128x8xf32, #tpu.memory_space<vmem>>
        %dma_start3A_658 = tpu.memref_squeeze %dma_start3A_657 : memref<1x128x8xf32, #tpu.memory_space<vmem>> -> memref<128x8xf32, #tpu.memory_space<vmem>>
        %dma_start3A_659 = arith.constant 0 : i32
        %dma_start3A_660 = tpu.memref_slice %arg9[%select_n3A_29, %run_scoped3A_235, %dma_start3A_659] : memref<2x23x128xi32, #tpu.memory_space<vmem>> -> memref<1x1x128xi32, #tpu.memory_space<vmem>>
        %dma_start3A_661 = tpu.memref_squeeze %dma_start3A_660 : memref<1x1x128xi32, #tpu.memory_space<vmem>> -> memref<128xi32, #tpu.memory_space<vmem>>
        %dma_start3A_662 = arith.constant 0 : i32
        %dma_start3A_663 = arith.constant 0 : i32
        %dma_start3A_664 = tpu.memref_slice %arg11[%dma_start3A_662, %dma_start3A_663] : memref<102400x8xf32, #tpu.memory_space<vmem_shared>> -> memref<102400x8xf32, #tpu.memory_space<vmem_shared>>
        tpu.enqueue_indirect_dma source(%dma_start3A_658 : memref<128x8xf32, #tpu.memory_space<vmem>>) target(%dma_start3A_664 : memref<102400x8xf32, #tpu.memory_space<vmem_shared>>) offsets(%dma_start3A_661 : memref<128xi32, #tpu.memory_space<vmem>>) semaphore(%run_scoped3A_654 : memref<!tpu.dma_semaphore, #tpu.memory_space<semaphore_mem>>) {add = true}
        %dma_wait3A_665 = arith.constant 0 : i32
        %dma_wait3A_666 = arith.constant 0 : i32
        %dma_wait3A_667 = tpu.memref_slice %arg10[%run_scoped3A_234, %dma_wait3A_665, %dma_wait3A_666] : memref<3x128x8xf32, #tpu.memory_space<vmem>> -> memref<1x128x8xf32, #tpu.memory_space<vmem>>
        %dma_wait3A_668 = tpu.memref_squeeze %dma_wait3A_667 : memref<1x128x8xf32, #tpu.memory_space<vmem>> -> memref<128x8xf32, #tpu.memory_space<vmem>>
        %dma_wait3A_669 = arith.constant 0 : i32
        %dma_wait3A_670 = tpu.memref_slice %arg9[%select_n3A_29, %run_scoped3A_235, %dma_wait3A_669] : memref<2x23x128xi32, #tpu.memory_space<vmem>> -> memref<1x1x128xi32, #tpu.memory_space<vmem>>
        %dma_wait3A_671 = tpu.memref_squeeze %dma_wait3A_670 : memref<1x1x128xi32, #tpu.memory_space<vmem>> -> memref<128xi32, #tpu.memory_space<vmem>>
        %dma_wait3A_672 = arith.constant 0 : i32
        %dma_wait3A_673 = arith.constant 0 : i32
        %dma_wait3A_674 = tpu.memref_slice %arg11[%dma_wait3A_672, %dma_wait3A_673] : memref<102400x8xf32, #tpu.memory_space<vmem_shared>> -> memref<102400x8xf32, #tpu.memory_space<vmem_shared>>
        tpu.wait_indirect_dma semaphore(%run_scoped3A_654 : memref<!tpu.dma_semaphore, #tpu.memory_space<semaphore_mem>>) src(%dma_wait3A_668 : memref<128x8xf32, #tpu.memory_space<vmem>>) dst(%dma_wait3A_674 : memref<102400x8xf32, #tpu.memory_space<vmem_shared>>)
        tpu.yield
      }) : () -> ()
      %dma_start3A_236 = arith.constant 8 : i32
      %dma_start3A_237 = arith.constant 2 : i32
      %dma_start3A_238 = arith.constant 0 : i32
      %dma_start3A_239 = arith.constant 0 : i32
      %dma_start3A_240 = tpu.memref_slice %arg10[%dma_start3A_237, %dma_start3A_238, %dma_start3A_239] : memref<3x128x8xf32, #tpu.memory_space<vmem>> -> memref<1x128x8xf32, #tpu.memory_space<vmem>>
      %dma_start3A_241 = tpu.memref_squeeze %dma_start3A_240 : memref<1x128x8xf32, #tpu.memory_space<vmem>> -> memref<128x8xf32, #tpu.memory_space<vmem>>
      %dma_start3A_242 = arith.constant 0 : i32
      %dma_start3A_243 = tpu.memref_slice %arg8[%select_n3A_29, %dma_start3A_236, %dma_start3A_242] : memref<2x23x128xi32, #tpu.memory_space<vmem>> -> memref<1x1x128xi32, #tpu.memory_space<vmem>>
      %dma_start3A_244 = tpu.memref_squeeze %dma_start3A_243 : memref<1x1x128xi32, #tpu.memory_space<vmem>> -> memref<128xi32, #tpu.memory_space<vmem>>
      %dma_start3A_245 = arith.constant 0 : i32
      %dma_start3A_246 = arith.constant 0 : i32
      %dma_start3A_247 = tpu.memref_slice %arg5[%dma_start3A_245, %dma_start3A_246] : memref<102400x8xf32, #tpu.memory_space<hbm>> -> memref<102400x8xf32, #tpu.memory_space<hbm>>
      tpu.enqueue_indirect_dma source(%dma_start3A_247 : memref<102400x8xf32, #tpu.memory_space<hbm>>) target(%dma_start3A_241 : memref<128x8xf32, #tpu.memory_space<vmem>>) offsets(%dma_start3A_244 : memref<128xi32, #tpu.memory_space<vmem>>) semaphore(%arg15 : memref<!tpu.dma_semaphore, #tpu.memory_space<semaphore_mem>>)
      %dma_wait3A_248 = arith.constant 6 : i32
      %dma_wait3A_249 = arith.constant 0 : i32
      %dma_wait3A_250 = arith.constant 0 : i32
      %dma_wait3A_251 = arith.constant 0 : i32
      %dma_wait3A_252 = tpu.memref_slice %arg10[%dma_wait3A_249, %dma_wait3A_250, %dma_wait3A_251] : memref<3x128x8xf32, #tpu.memory_space<vmem>> -> memref<1x128x8xf32, #tpu.memory_space<vmem>>
      %dma_wait3A_253 = tpu.memref_squeeze %dma_wait3A_252 : memref<1x128x8xf32, #tpu.memory_space<vmem>> -> memref<128x8xf32, #tpu.memory_space<vmem>>
      %dma_wait3A_254 = arith.constant 0 : i32
      %dma_wait3A_255 = tpu.memref_slice %arg8[%select_n3A_29, %dma_wait3A_248, %dma_wait3A_254] : memref<2x23x128xi32, #tpu.memory_space<vmem>> -> memref<1x1x128xi32, #tpu.memory_space<vmem>>
      %dma_wait3A_256 = tpu.memref_squeeze %dma_wait3A_255 : memref<1x1x128xi32, #tpu.memory_space<vmem>> -> memref<128xi32, #tpu.memory_space<vmem>>
      %dma_wait3A_257 = arith.constant 0 : i32
      %dma_wait3A_258 = arith.constant 0 : i32
      %dma_wait3A_259 = tpu.memref_slice %arg5[%dma_wait3A_257, %dma_wait3A_258] : memref<102400x8xf32, #tpu.memory_space<hbm>> -> memref<102400x8xf32, #tpu.memory_space<hbm>>
      tpu.wait_indirect_dma semaphore(%arg13 : memref<!tpu.dma_semaphore, #tpu.memory_space<semaphore_mem>>) src(%dma_wait3A_259 : memref<102400x8xf32, #tpu.memory_space<hbm>>) dst(%dma_wait3A_253 : memref<128x8xf32, #tpu.memory_space<vmem>>)
      %run_scoped3A_260 = arith.constant 0 : i32
      %run_scoped3A_261 = arith.constant 6 : i32
      "tpu.region"() ({
        %run_scoped3A_654 = tpu.sem_alloc : memref<!tpu.dma_semaphore, #tpu.memory_space<semaphore_mem>>
        %dma_start3A_655 = arith.constant 0 : i32
        %dma_start3A_656 = arith.constant 0 : i32
        %dma_start3A_657 = tpu.memref_slice %arg10[%run_scoped3A_260, %dma_start3A_655, %dma_start3A_656] : memref<3x128x8xf32, #tpu.memory_space<vmem>> -> memref<1x128x8xf32, #tpu.memory_space<vmem>>
        %dma_start3A_658 = tpu.memref_squeeze %dma_start3A_657 : memref<1x128x8xf32, #tpu.memory_space<vmem>> -> memref<128x8xf32, #tpu.memory_space<vmem>>
        %dma_start3A_659 = arith.constant 0 : i32
        %dma_start3A_660 = tpu.memref_slice %arg9[%select_n3A_29, %run_scoped3A_261, %dma_start3A_659] : memref<2x23x128xi32, #tpu.memory_space<vmem>> -> memref<1x1x128xi32, #tpu.memory_space<vmem>>
        %dma_start3A_661 = tpu.memref_squeeze %dma_start3A_660 : memref<1x1x128xi32, #tpu.memory_space<vmem>> -> memref<128xi32, #tpu.memory_space<vmem>>
        %dma_start3A_662 = arith.constant 0 : i32
        %dma_start3A_663 = arith.constant 0 : i32
        %dma_start3A_664 = tpu.memref_slice %arg11[%dma_start3A_662, %dma_start3A_663] : memref<102400x8xf32, #tpu.memory_space<vmem_shared>> -> memref<102400x8xf32, #tpu.memory_space<vmem_shared>>
        tpu.enqueue_indirect_dma source(%dma_start3A_658 : memref<128x8xf32, #tpu.memory_space<vmem>>) target(%dma_start3A_664 : memref<102400x8xf32, #tpu.memory_space<vmem_shared>>) offsets(%dma_start3A_661 : memref<128xi32, #tpu.memory_space<vmem>>) semaphore(%run_scoped3A_654 : memref<!tpu.dma_semaphore, #tpu.memory_space<semaphore_mem>>) {add = true}
        %dma_wait3A_665 = arith.constant 0 : i32
        %dma_wait3A_666 = arith.constant 0 : i32
        %dma_wait3A_667 = tpu.memref_slice %arg10[%run_scoped3A_260, %dma_wait3A_665, %dma_wait3A_666] : memref<3x128x8xf32, #tpu.memory_space<vmem>> -> memref<1x128x8xf32, #tpu.memory_space<vmem>>
        %dma_wait3A_668 = tpu.memref_squeeze %dma_wait3A_667 : memref<1x128x8xf32, #tpu.memory_space<vmem>> -> memref<128x8xf32, #tpu.memory_space<vmem>>
        %dma_wait3A_669 = arith.constant 0 : i32
        %dma_wait3A_670 = tpu.memref_slice %arg9[%select_n3A_29, %run_scoped3A_261, %dma_wait3A_669] : memref<2x23x128xi32, #tpu.memory_space<vmem>> -> memref<1x1x128xi32, #tpu.memory_space<vmem>>
        %dma_wait3A_671 = tpu.memref_squeeze %dma_wait3A_670 : memref<1x1x128xi32, #tpu.memory_space<vmem>> -> memref<128xi32, #tpu.memory_space<vmem>>
        %dma_wait3A_672 = arith.constant 0 : i32
        %dma_wait3A_673 = arith.constant 0 : i32
        %dma_wait3A_674 = tpu.memref_slice %arg11[%dma_wait3A_672, %dma_wait3A_673] : memref<102400x8xf32, #tpu.memory_space<vmem_shared>> -> memref<102400x8xf32, #tpu.memory_space<vmem_shared>>
        tpu.wait_indirect_dma semaphore(%run_scoped3A_654 : memref<!tpu.dma_semaphore, #tpu.memory_space<semaphore_mem>>) src(%dma_wait3A_668 : memref<128x8xf32, #tpu.memory_space<vmem>>) dst(%dma_wait3A_674 : memref<102400x8xf32, #tpu.memory_space<vmem_shared>>)
        tpu.yield
      }) : () -> ()
      %dma_start3A_262 = arith.constant 9 : i32
      %dma_start3A_263 = arith.constant 0 : i32
      %dma_start3A_264 = arith.constant 0 : i32
      %dma_start3A_265 = arith.constant 0 : i32
      %dma_start3A_266 = tpu.memref_slice %arg10[%dma_start3A_263, %dma_start3A_264, %dma_start3A_265] : memref<3x128x8xf32, #tpu.memory_space<vmem>> -> memref<1x128x8xf32, #tpu.memory_space<vmem>>
      %dma_start3A_267 = tpu.memref_squeeze %dma_start3A_266 : memref<1x128x8xf32, #tpu.memory_space<vmem>> -> memref<128x8xf32, #tpu.memory_space<vmem>>
      %dma_start3A_268 = arith.constant 0 : i32
      %dma_start3A_269 = tpu.memref_slice %arg8[%select_n3A_29, %dma_start3A_262, %dma_start3A_268] : memref<2x23x128xi32, #tpu.memory_space<vmem>> -> memref<1x1x128xi32, #tpu.memory_space<vmem>>
      %dma_start3A_270 = tpu.memref_squeeze %dma_start3A_269 : memref<1x1x128xi32, #tpu.memory_space<vmem>> -> memref<128xi32, #tpu.memory_space<vmem>>
      %dma_start3A_271 = arith.constant 0 : i32
      %dma_start3A_272 = arith.constant 0 : i32
      %dma_start3A_273 = tpu.memref_slice %arg5[%dma_start3A_271, %dma_start3A_272] : memref<102400x8xf32, #tpu.memory_space<hbm>> -> memref<102400x8xf32, #tpu.memory_space<hbm>>
      tpu.enqueue_indirect_dma source(%dma_start3A_273 : memref<102400x8xf32, #tpu.memory_space<hbm>>) target(%dma_start3A_267 : memref<128x8xf32, #tpu.memory_space<vmem>>) offsets(%dma_start3A_270 : memref<128xi32, #tpu.memory_space<vmem>>) semaphore(%arg13 : memref<!tpu.dma_semaphore, #tpu.memory_space<semaphore_mem>>)
      %dma_wait3A_274 = arith.constant 7 : i32
      %dma_wait3A_275 = arith.constant 1 : i32
      %dma_wait3A_276 = arith.constant 0 : i32
      %dma_wait3A_277 = arith.constant 0 : i32
      %dma_wait3A_278 = tpu.memref_slice %arg10[%dma_wait3A_275, %dma_wait3A_276, %dma_wait3A_277] : memref<3x128x8xf32, #tpu.memory_space<vmem>> -> memref<1x128x8xf32, #tpu.memory_space<vmem>>
      %dma_wait3A_279 = tpu.memref_squeeze %dma_wait3A_278 : memref<1x128x8xf32, #tpu.memory_space<vmem>> -> memref<128x8xf32, #tpu.memory_space<vmem>>
      %dma_wait3A_280 = arith.constant 0 : i32
      %dma_wait3A_281 = tpu.memref_slice %arg8[%select_n3A_29, %dma_wait3A_274, %dma_wait3A_280] : memref<2x23x128xi32, #tpu.memory_space<vmem>> -> memref<1x1x128xi32, #tpu.memory_space<vmem>>
      %dma_wait3A_282 = tpu.memref_squeeze %dma_wait3A_281 : memref<1x1x128xi32, #tpu.memory_space<vmem>> -> memref<128xi32, #tpu.memory_space<vmem>>
      %dma_wait3A_283 = arith.constant 0 : i32
      %dma_wait3A_284 = arith.constant 0 : i32
      %dma_wait3A_285 = tpu.memref_slice %arg5[%dma_wait3A_283, %dma_wait3A_284] : memref<102400x8xf32, #tpu.memory_space<hbm>> -> memref<102400x8xf32, #tpu.memory_space<hbm>>
      tpu.wait_indirect_dma semaphore(%arg14 : memref<!tpu.dma_semaphore, #tpu.memory_space<semaphore_mem>>) src(%dma_wait3A_285 : memref<102400x8xf32, #tpu.memory_space<hbm>>) dst(%dma_wait3A_279 : memref<128x8xf32, #tpu.memory_space<vmem>>)
      %run_scoped3A_286 = arith.constant 1 : i32
      %run_scoped3A_287 = arith.constant 7 : i32
      "tpu.region"() ({
        %run_scoped3A_654 = tpu.sem_alloc : memref<!tpu.dma_semaphore, #tpu.memory_space<semaphore_mem>>
        %dma_start3A_655 = arith.constant 0 : i32
        %dma_start3A_656 = arith.constant 0 : i32
        %dma_start3A_657 = tpu.memref_slice %arg10[%run_scoped3A_286, %dma_start3A_655, %dma_start3A_656] : memref<3x128x8xf32, #tpu.memory_space<vmem>> -> memref<1x128x8xf32, #tpu.memory_space<vmem>>
        %dma_start3A_658 = tpu.memref_squeeze %dma_start3A_657 : memref<1x128x8xf32, #tpu.memory_space<vmem>> -> memref<128x8xf32, #tpu.memory_space<vmem>>
        %dma_start3A_659 = arith.constant 0 : i32
        %dma_start3A_660 = tpu.memref_slice %arg9[%select_n3A_29, %run_scoped3A_287, %dma_start3A_659] : memref<2x23x128xi32, #tpu.memory_space<vmem>> -> memref<1x1x128xi32, #tpu.memory_space<vmem>>
        %dma_start3A_661 = tpu.memref_squeeze %dma_start3A_660 : memref<1x1x128xi32, #tpu.memory_space<vmem>> -> memref<128xi32, #tpu.memory_space<vmem>>
        %dma_start3A_662 = arith.constant 0 : i32
        %dma_start3A_663 = arith.constant 0 : i32
        %dma_start3A_664 = tpu.memref_slice %arg11[%dma_start3A_662, %dma_start3A_663] : memref<102400x8xf32, #tpu.memory_space<vmem_shared>> -> memref<102400x8xf32, #tpu.memory_space<vmem_shared>>
        tpu.enqueue_indirect_dma source(%dma_start3A_658 : memref<128x8xf32, #tpu.memory_space<vmem>>) target(%dma_start3A_664 : memref<102400x8xf32, #tpu.memory_space<vmem_shared>>) offsets(%dma_start3A_661 : memref<128xi32, #tpu.memory_space<vmem>>) semaphore(%run_scoped3A_654 : memref<!tpu.dma_semaphore, #tpu.memory_space<semaphore_mem>>) {add = true}
        %dma_wait3A_665 = arith.constant 0 : i32
        %dma_wait3A_666 = arith.constant 0 : i32
        %dma_wait3A_667 = tpu.memref_slice %arg10[%run_scoped3A_286, %dma_wait3A_665, %dma_wait3A_666] : memref<3x128x8xf32, #tpu.memory_space<vmem>> -> memref<1x128x8xf32, #tpu.memory_space<vmem>>
        %dma_wait3A_668 = tpu.memref_squeeze %dma_wait3A_667 : memref<1x128x8xf32, #tpu.memory_space<vmem>> -> memref<128x8xf32, #tpu.memory_space<vmem>>
        %dma_wait3A_669 = arith.constant 0 : i32
        %dma_wait3A_670 = tpu.memref_slice %arg9[%select_n3A_29, %run_scoped3A_287, %dma_wait3A_669] : memref<2x23x128xi32, #tpu.memory_space<vmem>> -> memref<1x1x128xi32, #tpu.memory_space<vmem>>
        %dma_wait3A_671 = tpu.memref_squeeze %dma_wait3A_670 : memref<1x1x128xi32, #tpu.memory_space<vmem>> -> memref<128xi32, #tpu.memory_space<vmem>>
        %dma_wait3A_672 = arith.constant 0 : i32
        %dma_wait3A_673 = arith.constant 0 : i32
        %dma_wait3A_674 = tpu.memref_slice %arg11[%dma_wait3A_672, %dma_wait3A_673] : memref<102400x8xf32, #tpu.memory_space<vmem_shared>> -> memref<102400x8xf32, #tpu.memory_space<vmem_shared>>
        tpu.wait_indirect_dma semaphore(%run_scoped3A_654 : memref<!tpu.dma_semaphore, #tpu.memory_space<semaphore_mem>>) src(%dma_wait3A_668 : memref<128x8xf32, #tpu.memory_space<vmem>>) dst(%dma_wait3A_674 : memref<102400x8xf32, #tpu.memory_space<vmem_shared>>)
        tpu.yield
      }) : () -> ()
      %dma_start3A_288 = arith.constant 10 : i32
      %dma_start3A_289 = arith.constant 1 : i32
      %dma_start3A_290 = arith.constant 0 : i32
      %dma_start3A_291 = arith.constant 0 : i32
      %dma_start3A_292 = tpu.memref_slice %arg10[%dma_start3A_289, %dma_start3A_290, %dma_start3A_291] : memref<3x128x8xf32, #tpu.memory_space<vmem>> -> memref<1x128x8xf32, #tpu.memory_space<vmem>>
      %dma_start3A_293 = tpu.memref_squeeze %dma_start3A_292 : memref<1x128x8xf32, #tpu.memory_space<vmem>> -> memref<128x8xf32, #tpu.memory_space<vmem>>
      %dma_start3A_294 = arith.constant 0 : i32
      %dma_start3A_295 = tpu.memref_slice %arg8[%select_n3A_29, %dma_start3A_288, %dma_start3A_294] : memref<2x23x128xi32, #tpu.memory_space<vmem>> -> memref<1x1x128xi32, #tpu.memory_space<vmem>>
      %dma_start3A_296 = tpu.memref_squeeze %dma_start3A_295 : memref<1x1x128xi32, #tpu.memory_space<vmem>> -> memref<128xi32, #tpu.memory_space<vmem>>
      %dma_start3A_297 = arith.constant 0 : i32
      %dma_start3A_298 = arith.constant 0 : i32
      %dma_start3A_299 = tpu.memref_slice %arg5[%dma_start3A_297, %dma_start3A_298] : memref<102400x8xf32, #tpu.memory_space<hbm>> -> memref<102400x8xf32, #tpu.memory_space<hbm>>
      tpu.enqueue_indirect_dma source(%dma_start3A_299 : memref<102400x8xf32, #tpu.memory_space<hbm>>) target(%dma_start3A_293 : memref<128x8xf32, #tpu.memory_space<vmem>>) offsets(%dma_start3A_296 : memref<128xi32, #tpu.memory_space<vmem>>) semaphore(%arg14 : memref<!tpu.dma_semaphore, #tpu.memory_space<semaphore_mem>>)
      %dma_wait3A_300 = arith.constant 8 : i32
      %dma_wait3A_301 = arith.constant 2 : i32
      %dma_wait3A_302 = arith.constant 0 : i32
      %dma_wait3A_303 = arith.constant 0 : i32
      %dma_wait3A_304 = tpu.memref_slice %arg10[%dma_wait3A_301, %dma_wait3A_302, %dma_wait3A_303] : memref<3x128x8xf32, #tpu.memory_space<vmem>> -> memref<1x128x8xf32, #tpu.memory_space<vmem>>
      %dma_wait3A_305 = tpu.memref_squeeze %dma_wait3A_304 : memref<1x128x8xf32, #tpu.memory_space<vmem>> -> memref<128x8xf32, #tpu.memory_space<vmem>>
      %dma_wait3A_306 = arith.constant 0 : i32
      %dma_wait3A_307 = tpu.memref_slice %arg8[%select_n3A_29, %dma_wait3A_300, %dma_wait3A_306] : memref<2x23x128xi32, #tpu.memory_space<vmem>> -> memref<1x1x128xi32, #tpu.memory_space<vmem>>
      %dma_wait3A_308 = tpu.memref_squeeze %dma_wait3A_307 : memref<1x1x128xi32, #tpu.memory_space<vmem>> -> memref<128xi32, #tpu.memory_space<vmem>>
      %dma_wait3A_309 = arith.constant 0 : i32
      %dma_wait3A_310 = arith.constant 0 : i32
      %dma_wait3A_311 = tpu.memref_slice %arg5[%dma_wait3A_309, %dma_wait3A_310] : memref<102400x8xf32, #tpu.memory_space<hbm>> -> memref<102400x8xf32, #tpu.memory_space<hbm>>
      tpu.wait_indirect_dma semaphore(%arg15 : memref<!tpu.dma_semaphore, #tpu.memory_space<semaphore_mem>>) src(%dma_wait3A_311 : memref<102400x8xf32, #tpu.memory_space<hbm>>) dst(%dma_wait3A_305 : memref<128x8xf32, #tpu.memory_space<vmem>>)
      %run_scoped3A_312 = arith.constant 2 : i32
      %run_scoped3A_313 = arith.constant 8 : i32
      "tpu.region"() ({
        %run_scoped3A_654 = tpu.sem_alloc : memref<!tpu.dma_semaphore, #tpu.memory_space<semaphore_mem>>
        %dma_start3A_655 = arith.constant 0 : i32
        %dma_start3A_656 = arith.constant 0 : i32
        %dma_start3A_657 = tpu.memref_slice %arg10[%run_scoped3A_312, %dma_start3A_655, %dma_start3A_656] : memref<3x128x8xf32, #tpu.memory_space<vmem>> -> memref<1x128x8xf32, #tpu.memory_space<vmem>>
        %dma_start3A_658 = tpu.memref_squeeze %dma_start3A_657 : memref<1x128x8xf32, #tpu.memory_space<vmem>> -> memref<128x8xf32, #tpu.memory_space<vmem>>
        %dma_start3A_659 = arith.constant 0 : i32
        %dma_start3A_660 = tpu.memref_slice %arg9[%select_n3A_29, %run_scoped3A_313, %dma_start3A_659] : memref<2x23x128xi32, #tpu.memory_space<vmem>> -> memref<1x1x128xi32, #tpu.memory_space<vmem>>
        %dma_start3A_661 = tpu.memref_squeeze %dma_start3A_660 : memref<1x1x128xi32, #tpu.memory_space<vmem>> -> memref<128xi32, #tpu.memory_space<vmem>>
        %dma_start3A_662 = arith.constant 0 : i32
        %dma_start3A_663 = arith.constant 0 : i32
        %dma_start3A_664 = tpu.memref_slice %arg11[%dma_start3A_662, %dma_start3A_663] : memref<102400x8xf32, #tpu.memory_space<vmem_shared>> -> memref<102400x8xf32, #tpu.memory_space<vmem_shared>>
        tpu.enqueue_indirect_dma source(%dma_start3A_658 : memref<128x8xf32, #tpu.memory_space<vmem>>) target(%dma_start3A_664 : memref<102400x8xf32, #tpu.memory_space<vmem_shared>>) offsets(%dma_start3A_661 : memref<128xi32, #tpu.memory_space<vmem>>) semaphore(%run_scoped3A_654 : memref<!tpu.dma_semaphore, #tpu.memory_space<semaphore_mem>>) {add = true}
        %dma_wait3A_665 = arith.constant 0 : i32
        %dma_wait3A_666 = arith.constant 0 : i32
        %dma_wait3A_667 = tpu.memref_slice %arg10[%run_scoped3A_312, %dma_wait3A_665, %dma_wait3A_666] : memref<3x128x8xf32, #tpu.memory_space<vmem>> -> memref<1x128x8xf32, #tpu.memory_space<vmem>>
        %dma_wait3A_668 = tpu.memref_squeeze %dma_wait3A_667 : memref<1x128x8xf32, #tpu.memory_space<vmem>> -> memref<128x8xf32, #tpu.memory_space<vmem>>
        %dma_wait3A_669 = arith.constant 0 : i32
        %dma_wait3A_670 = tpu.memref_slice %arg9[%select_n3A_29, %run_scoped3A_313, %dma_wait3A_669] : memref<2x23x128xi32, #tpu.memory_space<vmem>> -> memref<1x1x128xi32, #tpu.memory_space<vmem>>
        %dma_wait3A_671 = tpu.memref_squeeze %dma_wait3A_670 : memref<1x1x128xi32, #tpu.memory_space<vmem>> -> memref<128xi32, #tpu.memory_space<vmem>>
        %dma_wait3A_672 = arith.constant 0 : i32
        %dma_wait3A_673 = arith.constant 0 : i32
        %dma_wait3A_674 = tpu.memref_slice %arg11[%dma_wait3A_672, %dma_wait3A_673] : memref<102400x8xf32, #tpu.memory_space<vmem_shared>> -> memref<102400x8xf32, #tpu.memory_space<vmem_shared>>
        tpu.wait_indirect_dma semaphore(%run_scoped3A_654 : memref<!tpu.dma_semaphore, #tpu.memory_space<semaphore_mem>>) src(%dma_wait3A_668 : memref<128x8xf32, #tpu.memory_space<vmem>>) dst(%dma_wait3A_674 : memref<102400x8xf32, #tpu.memory_space<vmem_shared>>)
        tpu.yield
      }) : () -> ()
      %dma_start3A_314 = arith.constant 11 : i32
      %dma_start3A_315 = arith.constant 2 : i32
      %dma_start3A_316 = arith.constant 0 : i32
      %dma_start3A_317 = arith.constant 0 : i32
      %dma_start3A_318 = tpu.memref_slice %arg10[%dma_start3A_315, %dma_start3A_316, %dma_start3A_317] : memref<3x128x8xf32, #tpu.memory_space<vmem>> -> memref<1x128x8xf32, #tpu.memory_space<vmem>>
      %dma_start3A_319 = tpu.memref_squeeze %dma_start3A_318 : memref<1x128x8xf32, #tpu.memory_space<vmem>> -> memref<128x8xf32, #tpu.memory_space<vmem>>
      %dma_start3A_320 = arith.constant 0 : i32
      %dma_start3A_321 = tpu.memref_slice %arg8[%select_n3A_29, %dma_start3A_314, %dma_start3A_320] : memref<2x23x128xi32, #tpu.memory_space<vmem>> -> memref<1x1x128xi32, #tpu.memory_space<vmem>>
      %dma_start3A_322 = tpu.memref_squeeze %dma_start3A_321 : memref<1x1x128xi32, #tpu.memory_space<vmem>> -> memref<128xi32, #tpu.memory_space<vmem>>
      %dma_start3A_323 = arith.constant 0 : i32
      %dma_start3A_324 = arith.constant 0 : i32
      %dma_start3A_325 = tpu.memref_slice %arg5[%dma_start3A_323, %dma_start3A_324] : memref<102400x8xf32, #tpu.memory_space<hbm>> -> memref<102400x8xf32, #tpu.memory_space<hbm>>
      tpu.enqueue_indirect_dma source(%dma_start3A_325 : memref<102400x8xf32, #tpu.memory_space<hbm>>) target(%dma_start3A_319 : memref<128x8xf32, #tpu.memory_space<vmem>>) offsets(%dma_start3A_322 : memref<128xi32, #tpu.memory_space<vmem>>) semaphore(%arg15 : memref<!tpu.dma_semaphore, #tpu.memory_space<semaphore_mem>>)
      %dma_wait3A_326 = arith.constant 9 : i32
      %dma_wait3A_327 = arith.constant 0 : i32
      %dma_wait3A_328 = arith.constant 0 : i32
      %dma_wait3A_329 = arith.constant 0 : i32
      %dma_wait3A_330 = tpu.memref_slice %arg10[%dma_wait3A_327, %dma_wait3A_328, %dma_wait3A_329] : memref<3x128x8xf32, #tpu.memory_space<vmem>> -> memref<1x128x8xf32, #tpu.memory_space<vmem>>
      %dma_wait3A_331 = tpu.memref_squeeze %dma_wait3A_330 : memref<1x128x8xf32, #tpu.memory_space<vmem>> -> memref<128x8xf32, #tpu.memory_space<vmem>>
      %dma_wait3A_332 = arith.constant 0 : i32
      %dma_wait3A_333 = tpu.memref_slice %arg8[%select_n3A_29, %dma_wait3A_326, %dma_wait3A_332] : memref<2x23x128xi32, #tpu.memory_space<vmem>> -> memref<1x1x128xi32, #tpu.memory_space<vmem>>
      %dma_wait3A_334 = tpu.memref_squeeze %dma_wait3A_333 : memref<1x1x128xi32, #tpu.memory_space<vmem>> -> memref<128xi32, #tpu.memory_space<vmem>>
      %dma_wait3A_335 = arith.constant 0 : i32
      %dma_wait3A_336 = arith.constant 0 : i32
      %dma_wait3A_337 = tpu.memref_slice %arg5[%dma_wait3A_335, %dma_wait3A_336] : memref<102400x8xf32, #tpu.memory_space<hbm>> -> memref<102400x8xf32, #tpu.memory_space<hbm>>
      tpu.wait_indirect_dma semaphore(%arg13 : memref<!tpu.dma_semaphore, #tpu.memory_space<semaphore_mem>>) src(%dma_wait3A_337 : memref<102400x8xf32, #tpu.memory_space<hbm>>) dst(%dma_wait3A_331 : memref<128x8xf32, #tpu.memory_space<vmem>>)
      %run_scoped3A_338 = arith.constant 0 : i32
      %run_scoped3A_339 = arith.constant 9 : i32
      "tpu.region"() ({
        %run_scoped3A_654 = tpu.sem_alloc : memref<!tpu.dma_semaphore, #tpu.memory_space<semaphore_mem>>
        %dma_start3A_655 = arith.constant 0 : i32
        %dma_start3A_656 = arith.constant 0 : i32
        %dma_start3A_657 = tpu.memref_slice %arg10[%run_scoped3A_338, %dma_start3A_655, %dma_start3A_656] : memref<3x128x8xf32, #tpu.memory_space<vmem>> -> memref<1x128x8xf32, #tpu.memory_space<vmem>>
        %dma_start3A_658 = tpu.memref_squeeze %dma_start3A_657 : memref<1x128x8xf32, #tpu.memory_space<vmem>> -> memref<128x8xf32, #tpu.memory_space<vmem>>
        %dma_start3A_659 = arith.constant 0 : i32
        %dma_start3A_660 = tpu.memref_slice %arg9[%select_n3A_29, %run_scoped3A_339, %dma_start3A_659] : memref<2x23x128xi32, #tpu.memory_space<vmem>> -> memref<1x1x128xi32, #tpu.memory_space<vmem>>
        %dma_start3A_661 = tpu.memref_squeeze %dma_start3A_660 : memref<1x1x128xi32, #tpu.memory_space<vmem>> -> memref<128xi32, #tpu.memory_space<vmem>>
        %dma_start3A_662 = arith.constant 0 : i32
        %dma_start3A_663 = arith.constant 0 : i32
        %dma_start3A_664 = tpu.memref_slice %arg11[%dma_start3A_662, %dma_start3A_663] : memref<102400x8xf32, #tpu.memory_space<vmem_shared>> -> memref<102400x8xf32, #tpu.memory_space<vmem_shared>>
        tpu.enqueue_indirect_dma source(%dma_start3A_658 : memref<128x8xf32, #tpu.memory_space<vmem>>) target(%dma_start3A_664 : memref<102400x8xf32, #tpu.memory_space<vmem_shared>>) offsets(%dma_start3A_661 : memref<128xi32, #tpu.memory_space<vmem>>) semaphore(%run_scoped3A_654 : memref<!tpu.dma_semaphore, #tpu.memory_space<semaphore_mem>>) {add = true}
        %dma_wait3A_665 = arith.constant 0 : i32
        %dma_wait3A_666 = arith.constant 0 : i32
        %dma_wait3A_667 = tpu.memref_slice %arg10[%run_scoped3A_338, %dma_wait3A_665, %dma_wait3A_666] : memref<3x128x8xf32, #tpu.memory_space<vmem>> -> memref<1x128x8xf32, #tpu.memory_space<vmem>>
        %dma_wait3A_668 = tpu.memref_squeeze %dma_wait3A_667 : memref<1x128x8xf32, #tpu.memory_space<vmem>> -> memref<128x8xf32, #tpu.memory_space<vmem>>
        %dma_wait3A_669 = arith.constant 0 : i32
        %dma_wait3A_670 = tpu.memref_slice %arg9[%select_n3A_29, %run_scoped3A_339, %dma_wait3A_669] : memref<2x23x128xi32, #tpu.memory_space<vmem>> -> memref<1x1x128xi32, #tpu.memory_space<vmem>>
        %dma_wait3A_671 = tpu.memref_squeeze %dma_wait3A_670 : memref<1x1x128xi32, #tpu.memory_space<vmem>> -> memref<128xi32, #tpu.memory_space<vmem>>
        %dma_wait3A_672 = arith.constant 0 : i32
        %dma_wait3A_673 = arith.constant 0 : i32
        %dma_wait3A_674 = tpu.memref_slice %arg11[%dma_wait3A_672, %dma_wait3A_673] : memref<102400x8xf32, #tpu.memory_space<vmem_shared>> -> memref<102400x8xf32, #tpu.memory_space<vmem_shared>>
        tpu.wait_indirect_dma semaphore(%run_scoped3A_654 : memref<!tpu.dma_semaphore, #tpu.memory_space<semaphore_mem>>) src(%dma_wait3A_668 : memref<128x8xf32, #tpu.memory_space<vmem>>) dst(%dma_wait3A_674 : memref<102400x8xf32, #tpu.memory_space<vmem_shared>>)
        tpu.yield
      }) : () -> ()
      %dma_start3A_340 = arith.constant 12 : i32
      %dma_start3A_341 = arith.constant 0 : i32
      %dma_start3A_342 = arith.constant 0 : i32
      %dma_start3A_343 = arith.constant 0 : i32
      %dma_start3A_344 = tpu.memref_slice %arg10[%dma_start3A_341, %dma_start3A_342, %dma_start3A_343] : memref<3x128x8xf32, #tpu.memory_space<vmem>> -> memref<1x128x8xf32, #tpu.memory_space<vmem>>
      %dma_start3A_345 = tpu.memref_squeeze %dma_start3A_344 : memref<1x128x8xf32, #tpu.memory_space<vmem>> -> memref<128x8xf32, #tpu.memory_space<vmem>>
      %dma_start3A_346 = arith.constant 0 : i32
      %dma_start3A_347 = tpu.memref_slice %arg8[%select_n3A_29, %dma_start3A_340, %dma_start3A_346] : memref<2x23x128xi32, #tpu.memory_space<vmem>> -> memref<1x1x128xi32, #tpu.memory_space<vmem>>
      %dma_start3A_348 = tpu.memref_squeeze %dma_start3A_347 : memref<1x1x128xi32, #tpu.memory_space<vmem>> -> memref<128xi32, #tpu.memory_space<vmem>>
      %dma_start3A_349 = arith.constant 0 : i32
      %dma_start3A_350 = arith.constant 0 : i32
      %dma_start3A_351 = tpu.memref_slice %arg5[%dma_start3A_349, %dma_start3A_350] : memref<102400x8xf32, #tpu.memory_space<hbm>> -> memref<102400x8xf32, #tpu.memory_space<hbm>>
      tpu.enqueue_indirect_dma source(%dma_start3A_351 : memref<102400x8xf32, #tpu.memory_space<hbm>>) target(%dma_start3A_345 : memref<128x8xf32, #tpu.memory_space<vmem>>) offsets(%dma_start3A_348 : memref<128xi32, #tpu.memory_space<vmem>>) semaphore(%arg13 : memref<!tpu.dma_semaphore, #tpu.memory_space<semaphore_mem>>)
      %dma_wait3A_352 = arith.constant 10 : i32
      %dma_wait3A_353 = arith.constant 1 : i32
      %dma_wait3A_354 = arith.constant 0 : i32
      %dma_wait3A_355 = arith.constant 0 : i32
      %dma_wait3A_356 = tpu.memref_slice %arg10[%dma_wait3A_353, %dma_wait3A_354, %dma_wait3A_355] : memref<3x128x8xf32, #tpu.memory_space<vmem>> -> memref<1x128x8xf32, #tpu.memory_space<vmem>>
      %dma_wait3A_357 = tpu.memref_squeeze %dma_wait3A_356 : memref<1x128x8xf32, #tpu.memory_space<vmem>> -> memref<128x8xf32, #tpu.memory_space<vmem>>
      %dma_wait3A_358 = arith.constant 0 : i32
      %dma_wait3A_359 = tpu.memref_slice %arg8[%select_n3A_29, %dma_wait3A_352, %dma_wait3A_358] : memref<2x23x128xi32, #tpu.memory_space<vmem>> -> memref<1x1x128xi32, #tpu.memory_space<vmem>>
      %dma_wait3A_360 = tpu.memref_squeeze %dma_wait3A_359 : memref<1x1x128xi32, #tpu.memory_space<vmem>> -> memref<128xi32, #tpu.memory_space<vmem>>
      %dma_wait3A_361 = arith.constant 0 : i32
      %dma_wait3A_362 = arith.constant 0 : i32
      %dma_wait3A_363 = tpu.memref_slice %arg5[%dma_wait3A_361, %dma_wait3A_362] : memref<102400x8xf32, #tpu.memory_space<hbm>> -> memref<102400x8xf32, #tpu.memory_space<hbm>>
      tpu.wait_indirect_dma semaphore(%arg14 : memref<!tpu.dma_semaphore, #tpu.memory_space<semaphore_mem>>) src(%dma_wait3A_363 : memref<102400x8xf32, #tpu.memory_space<hbm>>) dst(%dma_wait3A_357 : memref<128x8xf32, #tpu.memory_space<vmem>>)
      %run_scoped3A_364 = arith.constant 1 : i32
      %run_scoped3A_365 = arith.constant 10 : i32
      "tpu.region"() ({
        %run_scoped3A_654 = tpu.sem_alloc : memref<!tpu.dma_semaphore, #tpu.memory_space<semaphore_mem>>
        %dma_start3A_655 = arith.constant 0 : i32
        %dma_start3A_656 = arith.constant 0 : i32
        %dma_start3A_657 = tpu.memref_slice %arg10[%run_scoped3A_364, %dma_start3A_655, %dma_start3A_656] : memref<3x128x8xf32, #tpu.memory_space<vmem>> -> memref<1x128x8xf32, #tpu.memory_space<vmem>>
        %dma_start3A_658 = tpu.memref_squeeze %dma_start3A_657 : memref<1x128x8xf32, #tpu.memory_space<vmem>> -> memref<128x8xf32, #tpu.memory_space<vmem>>
        %dma_start3A_659 = arith.constant 0 : i32
        %dma_start3A_660 = tpu.memref_slice %arg9[%select_n3A_29, %run_scoped3A_365, %dma_start3A_659] : memref<2x23x128xi32, #tpu.memory_space<vmem>> -> memref<1x1x128xi32, #tpu.memory_space<vmem>>
        %dma_start3A_661 = tpu.memref_squeeze %dma_start3A_660 : memref<1x1x128xi32, #tpu.memory_space<vmem>> -> memref<128xi32, #tpu.memory_space<vmem>>
        %dma_start3A_662 = arith.constant 0 : i32
        %dma_start3A_663 = arith.constant 0 : i32
        %dma_start3A_664 = tpu.memref_slice %arg11[%dma_start3A_662, %dma_start3A_663] : memref<102400x8xf32, #tpu.memory_space<vmem_shared>> -> memref<102400x8xf32, #tpu.memory_space<vmem_shared>>
        tpu.enqueue_indirect_dma source(%dma_start3A_658 : memref<128x8xf32, #tpu.memory_space<vmem>>) target(%dma_start3A_664 : memref<102400x8xf32, #tpu.memory_space<vmem_shared>>) offsets(%dma_start3A_661 : memref<128xi32, #tpu.memory_space<vmem>>) semaphore(%run_scoped3A_654 : memref<!tpu.dma_semaphore, #tpu.memory_space<semaphore_mem>>) {add = true}
        %dma_wait3A_665 = arith.constant 0 : i32
        %dma_wait3A_666 = arith.constant 0 : i32
        %dma_wait3A_667 = tpu.memref_slice %arg10[%run_scoped3A_364, %dma_wait3A_665, %dma_wait3A_666] : memref<3x128x8xf32, #tpu.memory_space<vmem>> -> memref<1x128x8xf32, #tpu.memory_space<vmem>>
        %dma_wait3A_668 = tpu.memref_squeeze %dma_wait3A_667 : memref<1x128x8xf32, #tpu.memory_space<vmem>> -> memref<128x8xf32, #tpu.memory_space<vmem>>
        %dma_wait3A_669 = arith.constant 0 : i32
        %dma_wait3A_670 = tpu.memref_slice %arg9[%select_n3A_29, %run_scoped3A_365, %dma_wait3A_669] : memref<2x23x128xi32, #tpu.memory_space<vmem>> -> memref<1x1x128xi32, #tpu.memory_space<vmem>>
        %dma_wait3A_671 = tpu.memref_squeeze %dma_wait3A_670 : memref<1x1x128xi32, #tpu.memory_space<vmem>> -> memref<128xi32, #tpu.memory_space<vmem>>
        %dma_wait3A_672 = arith.constant 0 : i32
        %dma_wait3A_673 = arith.constant 0 : i32
        %dma_wait3A_674 = tpu.memref_slice %arg11[%dma_wait3A_672, %dma_wait3A_673] : memref<102400x8xf32, #tpu.memory_space<vmem_shared>> -> memref<102400x8xf32, #tpu.memory_space<vmem_shared>>
        tpu.wait_indirect_dma semaphore(%run_scoped3A_654 : memref<!tpu.dma_semaphore, #tpu.memory_space<semaphore_mem>>) src(%dma_wait3A_668 : memref<128x8xf32, #tpu.memory_space<vmem>>) dst(%dma_wait3A_674 : memref<102400x8xf32, #tpu.memory_space<vmem_shared>>)
        tpu.yield
      }) : () -> ()
      %dma_start3A_366 = arith.constant 13 : i32
      %dma_start3A_367 = arith.constant 1 : i32
      %dma_start3A_368 = arith.constant 0 : i32
      %dma_start3A_369 = arith.constant 0 : i32
      %dma_start3A_370 = tpu.memref_slice %arg10[%dma_start3A_367, %dma_start3A_368, %dma_start3A_369] : memref<3x128x8xf32, #tpu.memory_space<vmem>> -> memref<1x128x8xf32, #tpu.memory_space<vmem>>
      %dma_start3A_371 = tpu.memref_squeeze %dma_start3A_370 : memref<1x128x8xf32, #tpu.memory_space<vmem>> -> memref<128x8xf32, #tpu.memory_space<vmem>>
      %dma_start3A_372 = arith.constant 0 : i32
      %dma_start3A_373 = tpu.memref_slice %arg8[%select_n3A_29, %dma_start3A_366, %dma_start3A_372] : memref<2x23x128xi32, #tpu.memory_space<vmem>> -> memref<1x1x128xi32, #tpu.memory_space<vmem>>
      %dma_start3A_374 = tpu.memref_squeeze %dma_start3A_373 : memref<1x1x128xi32, #tpu.memory_space<vmem>> -> memref<128xi32, #tpu.memory_space<vmem>>
      %dma_start3A_375 = arith.constant 0 : i32
      %dma_start3A_376 = arith.constant 0 : i32
      %dma_start3A_377 = tpu.memref_slice %arg5[%dma_start3A_375, %dma_start3A_376] : memref<102400x8xf32, #tpu.memory_space<hbm>> -> memref<102400x8xf32, #tpu.memory_space<hbm>>
      tpu.enqueue_indirect_dma source(%dma_start3A_377 : memref<102400x8xf32, #tpu.memory_space<hbm>>) target(%dma_start3A_371 : memref<128x8xf32, #tpu.memory_space<vmem>>) offsets(%dma_start3A_374 : memref<128xi32, #tpu.memory_space<vmem>>) semaphore(%arg14 : memref<!tpu.dma_semaphore, #tpu.memory_space<semaphore_mem>>)
      %dma_wait3A_378 = arith.constant 11 : i32
      %dma_wait3A_379 = arith.constant 2 : i32
      %dma_wait3A_380 = arith.constant 0 : i32
      %dma_wait3A_381 = arith.constant 0 : i32
      %dma_wait3A_382 = tpu.memref_slice %arg10[%dma_wait3A_379, %dma_wait3A_380, %dma_wait3A_381] : memref<3x128x8xf32, #tpu.memory_space<vmem>> -> memref<1x128x8xf32, #tpu.memory_space<vmem>>
      %dma_wait3A_383 = tpu.memref_squeeze %dma_wait3A_382 : memref<1x128x8xf32, #tpu.memory_space<vmem>> -> memref<128x8xf32, #tpu.memory_space<vmem>>
      %dma_wait3A_384 = arith.constant 0 : i32
      %dma_wait3A_385 = tpu.memref_slice %arg8[%select_n3A_29, %dma_wait3A_378, %dma_wait3A_384] : memref<2x23x128xi32, #tpu.memory_space<vmem>> -> memref<1x1x128xi32, #tpu.memory_space<vmem>>
      %dma_wait3A_386 = tpu.memref_squeeze %dma_wait3A_385 : memref<1x1x128xi32, #tpu.memory_space<vmem>> -> memref<128xi32, #tpu.memory_space<vmem>>
      %dma_wait3A_387 = arith.constant 0 : i32
      %dma_wait3A_388 = arith.constant 0 : i32
      %dma_wait3A_389 = tpu.memref_slice %arg5[%dma_wait3A_387, %dma_wait3A_388] : memref<102400x8xf32, #tpu.memory_space<hbm>> -> memref<102400x8xf32, #tpu.memory_space<hbm>>
      tpu.wait_indirect_dma semaphore(%arg15 : memref<!tpu.dma_semaphore, #tpu.memory_space<semaphore_mem>>) src(%dma_wait3A_389 : memref<102400x8xf32, #tpu.memory_space<hbm>>) dst(%dma_wait3A_383 : memref<128x8xf32, #tpu.memory_space<vmem>>)
      %run_scoped3A_390 = arith.constant 2 : i32
      %run_scoped3A_391 = arith.constant 11 : i32
      "tpu.region"() ({
        %run_scoped3A_654 = tpu.sem_alloc : memref<!tpu.dma_semaphore, #tpu.memory_space<semaphore_mem>>
        %dma_start3A_655 = arith.constant 0 : i32
        %dma_start3A_656 = arith.constant 0 : i32
        %dma_start3A_657 = tpu.memref_slice %arg10[%run_scoped3A_390, %dma_start3A_655, %dma_start3A_656] : memref<3x128x8xf32, #tpu.memory_space<vmem>> -> memref<1x128x8xf32, #tpu.memory_space<vmem>>
        %dma_start3A_658 = tpu.memref_squeeze %dma_start3A_657 : memref<1x128x8xf32, #tpu.memory_space<vmem>> -> memref<128x8xf32, #tpu.memory_space<vmem>>
        %dma_start3A_659 = arith.constant 0 : i32
        %dma_start3A_660 = tpu.memref_slice %arg9[%select_n3A_29, %run_scoped3A_391, %dma_start3A_659] : memref<2x23x128xi32, #tpu.memory_space<vmem>> -> memref<1x1x128xi32, #tpu.memory_space<vmem>>
        %dma_start3A_661 = tpu.memref_squeeze %dma_start3A_660 : memref<1x1x128xi32, #tpu.memory_space<vmem>> -> memref<128xi32, #tpu.memory_space<vmem>>
        %dma_start3A_662 = arith.constant 0 : i32
        %dma_start3A_663 = arith.constant 0 : i32
        %dma_start3A_664 = tpu.memref_slice %arg11[%dma_start3A_662, %dma_start3A_663] : memref<102400x8xf32, #tpu.memory_space<vmem_shared>> -> memref<102400x8xf32, #tpu.memory_space<vmem_shared>>
        tpu.enqueue_indirect_dma source(%dma_start3A_658 : memref<128x8xf32, #tpu.memory_space<vmem>>) target(%dma_start3A_664 : memref<102400x8xf32, #tpu.memory_space<vmem_shared>>) offsets(%dma_start3A_661 : memref<128xi32, #tpu.memory_space<vmem>>) semaphore(%run_scoped3A_654 : memref<!tpu.dma_semaphore, #tpu.memory_space<semaphore_mem>>) {add = true}
        %dma_wait3A_665 = arith.constant 0 : i32
        %dma_wait3A_666 = arith.constant 0 : i32
        %dma_wait3A_667 = tpu.memref_slice %arg10[%run_scoped3A_390, %dma_wait3A_665, %dma_wait3A_666] : memref<3x128x8xf32, #tpu.memory_space<vmem>> -> memref<1x128x8xf32, #tpu.memory_space<vmem>>
        %dma_wait3A_668 = tpu.memref_squeeze %dma_wait3A_667 : memref<1x128x8xf32, #tpu.memory_space<vmem>> -> memref<128x8xf32, #tpu.memory_space<vmem>>
        %dma_wait3A_669 = arith.constant 0 : i32
        %dma_wait3A_670 = tpu.memref_slice %arg9[%select_n3A_29, %run_scoped3A_391, %dma_wait3A_669] : memref<2x23x128xi32, #tpu.memory_space<vmem>> -> memref<1x1x128xi32, #tpu.memory_space<vmem>>
        %dma_wait3A_671 = tpu.memref_squeeze %dma_wait3A_670 : memref<1x1x128xi32, #tpu.memory_space<vmem>> -> memref<128xi32, #tpu.memory_space<vmem>>
        %dma_wait3A_672 = arith.constant 0 : i32
        %dma_wait3A_673 = arith.constant 0 : i32
        %dma_wait3A_674 = tpu.memref_slice %arg11[%dma_wait3A_672, %dma_wait3A_673] : memref<102400x8xf32, #tpu.memory_space<vmem_shared>> -> memref<102400x8xf32, #tpu.memory_space<vmem_shared>>
        tpu.wait_indirect_dma semaphore(%run_scoped3A_654 : memref<!tpu.dma_semaphore, #tpu.memory_space<semaphore_mem>>) src(%dma_wait3A_668 : memref<128x8xf32, #tpu.memory_space<vmem>>) dst(%dma_wait3A_674 : memref<102400x8xf32, #tpu.memory_space<vmem_shared>>)
        tpu.yield
      }) : () -> ()
      %dma_start3A_392 = arith.constant 14 : i32
      %dma_start3A_393 = arith.constant 2 : i32
      %dma_start3A_394 = arith.constant 0 : i32
      %dma_start3A_395 = arith.constant 0 : i32
      %dma_start3A_396 = tpu.memref_slice %arg10[%dma_start3A_393, %dma_start3A_394, %dma_start3A_395] : memref<3x128x8xf32, #tpu.memory_space<vmem>> -> memref<1x128x8xf32, #tpu.memory_space<vmem>>
      %dma_start3A_397 = tpu.memref_squeeze %dma_start3A_396 : memref<1x128x8xf32, #tpu.memory_space<vmem>> -> memref<128x8xf32, #tpu.memory_space<vmem>>
      %dma_start3A_398 = arith.constant 0 : i32
      %dma_start3A_399 = tpu.memref_slice %arg8[%select_n3A_29, %dma_start3A_392, %dma_start3A_398] : memref<2x23x128xi32, #tpu.memory_space<vmem>> -> memref<1x1x128xi32, #tpu.memory_space<vmem>>
      %dma_start3A_400 = tpu.memref_squeeze %dma_start3A_399 : memref<1x1x128xi32, #tpu.memory_space<vmem>> -> memref<128xi32, #tpu.memory_space<vmem>>
      %dma_start3A_401 = arith.constant 0 : i32
      %dma_start3A_402 = arith.constant 0 : i32
      %dma_start3A_403 = tpu.memref_slice %arg5[%dma_start3A_401, %dma_start3A_402] : memref<102400x8xf32, #tpu.memory_space<hbm>> -> memref<102400x8xf32, #tpu.memory_space<hbm>>
      tpu.enqueue_indirect_dma source(%dma_start3A_403 : memref<102400x8xf32, #tpu.memory_space<hbm>>) target(%dma_start3A_397 : memref<128x8xf32, #tpu.memory_space<vmem>>) offsets(%dma_start3A_400 : memref<128xi32, #tpu.memory_space<vmem>>) semaphore(%arg15 : memref<!tpu.dma_semaphore, #tpu.memory_space<semaphore_mem>>)
      %dma_wait3A_404 = arith.constant 12 : i32
      %dma_wait3A_405 = arith.constant 0 : i32
      %dma_wait3A_406 = arith.constant 0 : i32
      %dma_wait3A_407 = arith.constant 0 : i32
      %dma_wait3A_408 = tpu.memref_slice %arg10[%dma_wait3A_405, %dma_wait3A_406, %dma_wait3A_407] : memref<3x128x8xf32, #tpu.memory_space<vmem>> -> memref<1x128x8xf32, #tpu.memory_space<vmem>>
      %dma_wait3A_409 = tpu.memref_squeeze %dma_wait3A_408 : memref<1x128x8xf32, #tpu.memory_space<vmem>> -> memref<128x8xf32, #tpu.memory_space<vmem>>
      %dma_wait3A_410 = arith.constant 0 : i32
      %dma_wait3A_411 = tpu.memref_slice %arg8[%select_n3A_29, %dma_wait3A_404, %dma_wait3A_410] : memref<2x23x128xi32, #tpu.memory_space<vmem>> -> memref<1x1x128xi32, #tpu.memory_space<vmem>>
      %dma_wait3A_412 = tpu.memref_squeeze %dma_wait3A_411 : memref<1x1x128xi32, #tpu.memory_space<vmem>> -> memref<128xi32, #tpu.memory_space<vmem>>
      %dma_wait3A_413 = arith.constant 0 : i32
      %dma_wait3A_414 = arith.constant 0 : i32
      %dma_wait3A_415 = tpu.memref_slice %arg5[%dma_wait3A_413, %dma_wait3A_414] : memref<102400x8xf32, #tpu.memory_space<hbm>> -> memref<102400x8xf32, #tpu.memory_space<hbm>>
      tpu.wait_indirect_dma semaphore(%arg13 : memref<!tpu.dma_semaphore, #tpu.memory_space<semaphore_mem>>) src(%dma_wait3A_415 : memref<102400x8xf32, #tpu.memory_space<hbm>>) dst(%dma_wait3A_409 : memref<128x8xf32, #tpu.memory_space<vmem>>)
      %run_scoped3A_416 = arith.constant 0 : i32
      %run_scoped3A_417 = arith.constant 12 : i32
      "tpu.region"() ({
        %run_scoped3A_654 = tpu.sem_alloc : memref<!tpu.dma_semaphore, #tpu.memory_space<semaphore_mem>>
        %dma_start3A_655 = arith.constant 0 : i32
        %dma_start3A_656 = arith.constant 0 : i32
        %dma_start3A_657 = tpu.memref_slice %arg10[%run_scoped3A_416, %dma_start3A_655, %dma_start3A_656] : memref<3x128x8xf32, #tpu.memory_space<vmem>> -> memref<1x128x8xf32, #tpu.memory_space<vmem>>
        %dma_start3A_658 = tpu.memref_squeeze %dma_start3A_657 : memref<1x128x8xf32, #tpu.memory_space<vmem>> -> memref<128x8xf32, #tpu.memory_space<vmem>>
        %dma_start3A_659 = arith.constant 0 : i32
        %dma_start3A_660 = tpu.memref_slice %arg9[%select_n3A_29, %run_scoped3A_417, %dma_start3A_659] : memref<2x23x128xi32, #tpu.memory_space<vmem>> -> memref<1x1x128xi32, #tpu.memory_space<vmem>>
        %dma_start3A_661 = tpu.memref_squeeze %dma_start3A_660 : memref<1x1x128xi32, #tpu.memory_space<vmem>> -> memref<128xi32, #tpu.memory_space<vmem>>
        %dma_start3A_662 = arith.constant 0 : i32
        %dma_start3A_663 = arith.constant 0 : i32
        %dma_start3A_664 = tpu.memref_slice %arg11[%dma_start3A_662, %dma_start3A_663] : memref<102400x8xf32, #tpu.memory_space<vmem_shared>> -> memref<102400x8xf32, #tpu.memory_space<vmem_shared>>
        tpu.enqueue_indirect_dma source(%dma_start3A_658 : memref<128x8xf32, #tpu.memory_space<vmem>>) target(%dma_start3A_664 : memref<102400x8xf32, #tpu.memory_space<vmem_shared>>) offsets(%dma_start3A_661 : memref<128xi32, #tpu.memory_space<vmem>>) semaphore(%run_scoped3A_654 : memref<!tpu.dma_semaphore, #tpu.memory_space<semaphore_mem>>) {add = true}
        %dma_wait3A_665 = arith.constant 0 : i32
        %dma_wait3A_666 = arith.constant 0 : i32
        %dma_wait3A_667 = tpu.memref_slice %arg10[%run_scoped3A_416, %dma_wait3A_665, %dma_wait3A_666] : memref<3x128x8xf32, #tpu.memory_space<vmem>> -> memref<1x128x8xf32, #tpu.memory_space<vmem>>
        %dma_wait3A_668 = tpu.memref_squeeze %dma_wait3A_667 : memref<1x128x8xf32, #tpu.memory_space<vmem>> -> memref<128x8xf32, #tpu.memory_space<vmem>>
        %dma_wait3A_669 = arith.constant 0 : i32
        %dma_wait3A_670 = tpu.memref_slice %arg9[%select_n3A_29, %run_scoped3A_417, %dma_wait3A_669] : memref<2x23x128xi32, #tpu.memory_space<vmem>> -> memref<1x1x128xi32, #tpu.memory_space<vmem>>
        %dma_wait3A_671 = tpu.memref_squeeze %dma_wait3A_670 : memref<1x1x128xi32, #tpu.memory_space<vmem>> -> memref<128xi32, #tpu.memory_space<vmem>>
        %dma_wait3A_672 = arith.constant 0 : i32
        %dma_wait3A_673 = arith.constant 0 : i32
        %dma_wait3A_674 = tpu.memref_slice %arg11[%dma_wait3A_672, %dma_wait3A_673] : memref<102400x8xf32, #tpu.memory_space<vmem_shared>> -> memref<102400x8xf32, #tpu.memory_space<vmem_shared>>
        tpu.wait_indirect_dma semaphore(%run_scoped3A_654 : memref<!tpu.dma_semaphore, #tpu.memory_space<semaphore_mem>>) src(%dma_wait3A_668 : memref<128x8xf32, #tpu.memory_space<vmem>>) dst(%dma_wait3A_674 : memref<102400x8xf32, #tpu.memory_space<vmem_shared>>)
        tpu.yield
      }) : () -> ()
      %dma_start3A_418 = arith.constant 15 : i32
      %dma_start3A_419 = arith.constant 0 : i32
      %dma_start3A_420 = arith.constant 0 : i32
      %dma_start3A_421 = arith.constant 0 : i32
      %dma_start3A_422 = tpu.memref_slice %arg10[%dma_start3A_419, %dma_start3A_420, %dma_start3A_421] : memref<3x128x8xf32, #tpu.memory_space<vmem>> -> memref<1x128x8xf32, #tpu.memory_space<vmem>>
      %dma_start3A_423 = tpu.memref_squeeze %dma_start3A_422 : memref<1x128x8xf32, #tpu.memory_space<vmem>> -> memref<128x8xf32, #tpu.memory_space<vmem>>
      %dma_start3A_424 = arith.constant 0 : i32
      %dma_start3A_425 = tpu.memref_slice %arg8[%select_n3A_29, %dma_start3A_418, %dma_start3A_424] : memref<2x23x128xi32, #tpu.memory_space<vmem>> -> memref<1x1x128xi32, #tpu.memory_space<vmem>>
      %dma_start3A_426 = tpu.memref_squeeze %dma_start3A_425 : memref<1x1x128xi32, #tpu.memory_space<vmem>> -> memref<128xi32, #tpu.memory_space<vmem>>
      %dma_start3A_427 = arith.constant 0 : i32
      %dma_start3A_428 = arith.constant 0 : i32
      %dma_start3A_429 = tpu.memref_slice %arg5[%dma_start3A_427, %dma_start3A_428] : memref<102400x8xf32, #tpu.memory_space<hbm>> -> memref<102400x8xf32, #tpu.memory_space<hbm>>
      tpu.enqueue_indirect_dma source(%dma_start3A_429 : memref<102400x8xf32, #tpu.memory_space<hbm>>) target(%dma_start3A_423 : memref<128x8xf32, #tpu.memory_space<vmem>>) offsets(%dma_start3A_426 : memref<128xi32, #tpu.memory_space<vmem>>) semaphore(%arg13 : memref<!tpu.dma_semaphore, #tpu.memory_space<semaphore_mem>>)
      %dma_wait3A_430 = arith.constant 13 : i32
      %dma_wait3A_431 = arith.constant 1 : i32
      %dma_wait3A_432 = arith.constant 0 : i32
      %dma_wait3A_433 = arith.constant 0 : i32
      %dma_wait3A_434 = tpu.memref_slice %arg10[%dma_wait3A_431, %dma_wait3A_432, %dma_wait3A_433] : memref<3x128x8xf32, #tpu.memory_space<vmem>> -> memref<1x128x8xf32, #tpu.memory_space<vmem>>
      %dma_wait3A_435 = tpu.memref_squeeze %dma_wait3A_434 : memref<1x128x8xf32, #tpu.memory_space<vmem>> -> memref<128x8xf32, #tpu.memory_space<vmem>>
      %dma_wait3A_436 = arith.constant 0 : i32
      %dma_wait3A_437 = tpu.memref_slice %arg8[%select_n3A_29, %dma_wait3A_430, %dma_wait3A_436] : memref<2x23x128xi32, #tpu.memory_space<vmem>> -> memref<1x1x128xi32, #tpu.memory_space<vmem>>
      %dma_wait3A_438 = tpu.memref_squeeze %dma_wait3A_437 : memref<1x1x128xi32, #tpu.memory_space<vmem>> -> memref<128xi32, #tpu.memory_space<vmem>>
      %dma_wait3A_439 = arith.constant 0 : i32
      %dma_wait3A_440 = arith.constant 0 : i32
      %dma_wait3A_441 = tpu.memref_slice %arg5[%dma_wait3A_439, %dma_wait3A_440] : memref<102400x8xf32, #tpu.memory_space<hbm>> -> memref<102400x8xf32, #tpu.memory_space<hbm>>
      tpu.wait_indirect_dma semaphore(%arg14 : memref<!tpu.dma_semaphore, #tpu.memory_space<semaphore_mem>>) src(%dma_wait3A_441 : memref<102400x8xf32, #tpu.memory_space<hbm>>) dst(%dma_wait3A_435 : memref<128x8xf32, #tpu.memory_space<vmem>>)
      %run_scoped3A_442 = arith.constant 1 : i32
      %run_scoped3A_443 = arith.constant 13 : i32
      "tpu.region"() ({
        %run_scoped3A_654 = tpu.sem_alloc : memref<!tpu.dma_semaphore, #tpu.memory_space<semaphore_mem>>
        %dma_start3A_655 = arith.constant 0 : i32
        %dma_start3A_656 = arith.constant 0 : i32
        %dma_start3A_657 = tpu.memref_slice %arg10[%run_scoped3A_442, %dma_start3A_655, %dma_start3A_656] : memref<3x128x8xf32, #tpu.memory_space<vmem>> -> memref<1x128x8xf32, #tpu.memory_space<vmem>>
        %dma_start3A_658 = tpu.memref_squeeze %dma_start3A_657 : memref<1x128x8xf32, #tpu.memory_space<vmem>> -> memref<128x8xf32, #tpu.memory_space<vmem>>
        %dma_start3A_659 = arith.constant 0 : i32
        %dma_start3A_660 = tpu.memref_slice %arg9[%select_n3A_29, %run_scoped3A_443, %dma_start3A_659] : memref<2x23x128xi32, #tpu.memory_space<vmem>> -> memref<1x1x128xi32, #tpu.memory_space<vmem>>
        %dma_start3A_661 = tpu.memref_squeeze %dma_start3A_660 : memref<1x1x128xi32, #tpu.memory_space<vmem>> -> memref<128xi32, #tpu.memory_space<vmem>>
        %dma_start3A_662 = arith.constant 0 : i32
        %dma_start3A_663 = arith.constant 0 : i32
        %dma_start3A_664 = tpu.memref_slice %arg11[%dma_start3A_662, %dma_start3A_663] : memref<102400x8xf32, #tpu.memory_space<vmem_shared>> -> memref<102400x8xf32, #tpu.memory_space<vmem_shared>>
        tpu.enqueue_indirect_dma source(%dma_start3A_658 : memref<128x8xf32, #tpu.memory_space<vmem>>) target(%dma_start3A_664 : memref<102400x8xf32, #tpu.memory_space<vmem_shared>>) offsets(%dma_start3A_661 : memref<128xi32, #tpu.memory_space<vmem>>) semaphore(%run_scoped3A_654 : memref<!tpu.dma_semaphore, #tpu.memory_space<semaphore_mem>>) {add = true}
        %dma_wait3A_665 = arith.constant 0 : i32
        %dma_wait3A_666 = arith.constant 0 : i32
        %dma_wait3A_667 = tpu.memref_slice %arg10[%run_scoped3A_442, %dma_wait3A_665, %dma_wait3A_666] : memref<3x128x8xf32, #tpu.memory_space<vmem>> -> memref<1x128x8xf32, #tpu.memory_space<vmem>>
        %dma_wait3A_668 = tpu.memref_squeeze %dma_wait3A_667 : memref<1x128x8xf32, #tpu.memory_space<vmem>> -> memref<128x8xf32, #tpu.memory_space<vmem>>
        %dma_wait3A_669 = arith.constant 0 : i32
        %dma_wait3A_670 = tpu.memref_slice %arg9[%select_n3A_29, %run_scoped3A_443, %dma_wait3A_669] : memref<2x23x128xi32, #tpu.memory_space<vmem>> -> memref<1x1x128xi32, #tpu.memory_space<vmem>>
        %dma_wait3A_671 = tpu.memref_squeeze %dma_wait3A_670 : memref<1x1x128xi32, #tpu.memory_space<vmem>> -> memref<128xi32, #tpu.memory_space<vmem>>
        %dma_wait3A_672 = arith.constant 0 : i32
        %dma_wait3A_673 = arith.constant 0 : i32
        %dma_wait3A_674 = tpu.memref_slice %arg11[%dma_wait3A_672, %dma_wait3A_673] : memref<102400x8xf32, #tpu.memory_space<vmem_shared>> -> memref<102400x8xf32, #tpu.memory_space<vmem_shared>>
        tpu.wait_indirect_dma semaphore(%run_scoped3A_654 : memref<!tpu.dma_semaphore, #tpu.memory_space<semaphore_mem>>) src(%dma_wait3A_668 : memref<128x8xf32, #tpu.memory_space<vmem>>) dst(%dma_wait3A_674 : memref<102400x8xf32, #tpu.memory_space<vmem_shared>>)
        tpu.yield
      }) : () -> ()
      %dma_start3A_444 = arith.constant 16 : i32
      %dma_start3A_445 = arith.constant 1 : i32
      %dma_start3A_446 = arith.constant 0 : i32
      %dma_start3A_447 = arith.constant 0 : i32
      %dma_start3A_448 = tpu.memref_slice %arg10[%dma_start3A_445, %dma_start3A_446, %dma_start3A_447] : memref<3x128x8xf32, #tpu.memory_space<vmem>> -> memref<1x128x8xf32, #tpu.memory_space<vmem>>
      %dma_start3A_449 = tpu.memref_squeeze %dma_start3A_448 : memref<1x128x8xf32, #tpu.memory_space<vmem>> -> memref<128x8xf32, #tpu.memory_space<vmem>>
      %dma_start3A_450 = arith.constant 0 : i32
      %dma_start3A_451 = tpu.memref_slice %arg8[%select_n3A_29, %dma_start3A_444, %dma_start3A_450] : memref<2x23x128xi32, #tpu.memory_space<vmem>> -> memref<1x1x128xi32, #tpu.memory_space<vmem>>
      %dma_start3A_452 = tpu.memref_squeeze %dma_start3A_451 : memref<1x1x128xi32, #tpu.memory_space<vmem>> -> memref<128xi32, #tpu.memory_space<vmem>>
      %dma_start3A_453 = arith.constant 0 : i32
      %dma_start3A_454 = arith.constant 0 : i32
      %dma_start3A_455 = tpu.memref_slice %arg5[%dma_start3A_453, %dma_start3A_454] : memref<102400x8xf32, #tpu.memory_space<hbm>> -> memref<102400x8xf32, #tpu.memory_space<hbm>>
      tpu.enqueue_indirect_dma source(%dma_start3A_455 : memref<102400x8xf32, #tpu.memory_space<hbm>>) target(%dma_start3A_449 : memref<128x8xf32, #tpu.memory_space<vmem>>) offsets(%dma_start3A_452 : memref<128xi32, #tpu.memory_space<vmem>>) semaphore(%arg14 : memref<!tpu.dma_semaphore, #tpu.memory_space<semaphore_mem>>)
      %dma_wait3A_456 = arith.constant 14 : i32
      %dma_wait3A_457 = arith.constant 2 : i32
      %dma_wait3A_458 = arith.constant 0 : i32
      %dma_wait3A_459 = arith.constant 0 : i32
      %dma_wait3A_460 = tpu.memref_slice %arg10[%dma_wait3A_457, %dma_wait3A_458, %dma_wait3A_459] : memref<3x128x8xf32, #tpu.memory_space<vmem>> -> memref<1x128x8xf32, #tpu.memory_space<vmem>>
      %dma_wait3A_461 = tpu.memref_squeeze %dma_wait3A_460 : memref<1x128x8xf32, #tpu.memory_space<vmem>> -> memref<128x8xf32, #tpu.memory_space<vmem>>
      %dma_wait3A_462 = arith.constant 0 : i32
      %dma_wait3A_463 = tpu.memref_slice %arg8[%select_n3A_29, %dma_wait3A_456, %dma_wait3A_462] : memref<2x23x128xi32, #tpu.memory_space<vmem>> -> memref<1x1x128xi32, #tpu.memory_space<vmem>>
      %dma_wait3A_464 = tpu.memref_squeeze %dma_wait3A_463 : memref<1x1x128xi32, #tpu.memory_space<vmem>> -> memref<128xi32, #tpu.memory_space<vmem>>
      %dma_wait3A_465 = arith.constant 0 : i32
      %dma_wait3A_466 = arith.constant 0 : i32
      %dma_wait3A_467 = tpu.memref_slice %arg5[%dma_wait3A_465, %dma_wait3A_466] : memref<102400x8xf32, #tpu.memory_space<hbm>> -> memref<102400x8xf32, #tpu.memory_space<hbm>>
      tpu.wait_indirect_dma semaphore(%arg15 : memref<!tpu.dma_semaphore, #tpu.memory_space<semaphore_mem>>) src(%dma_wait3A_467 : memref<102400x8xf32, #tpu.memory_space<hbm>>) dst(%dma_wait3A_461 : memref<128x8xf32, #tpu.memory_space<vmem>>)
      %run_scoped3A_468 = arith.constant 2 : i32
      %run_scoped3A_469 = arith.constant 14 : i32
      "tpu.region"() ({
        %run_scoped3A_654 = tpu.sem_alloc : memref<!tpu.dma_semaphore, #tpu.memory_space<semaphore_mem>>
        %dma_start3A_655 = arith.constant 0 : i32
        %dma_start3A_656 = arith.constant 0 : i32
        %dma_start3A_657 = tpu.memref_slice %arg10[%run_scoped3A_468, %dma_start3A_655, %dma_start3A_656] : memref<3x128x8xf32, #tpu.memory_space<vmem>> -> memref<1x128x8xf32, #tpu.memory_space<vmem>>
        %dma_start3A_658 = tpu.memref_squeeze %dma_start3A_657 : memref<1x128x8xf32, #tpu.memory_space<vmem>> -> memref<128x8xf32, #tpu.memory_space<vmem>>
        %dma_start3A_659 = arith.constant 0 : i32
        %dma_start3A_660 = tpu.memref_slice %arg9[%select_n3A_29, %run_scoped3A_469, %dma_start3A_659] : memref<2x23x128xi32, #tpu.memory_space<vmem>> -> memref<1x1x128xi32, #tpu.memory_space<vmem>>
        %dma_start3A_661 = tpu.memref_squeeze %dma_start3A_660 : memref<1x1x128xi32, #tpu.memory_space<vmem>> -> memref<128xi32, #tpu.memory_space<vmem>>
        %dma_start3A_662 = arith.constant 0 : i32
        %dma_start3A_663 = arith.constant 0 : i32
        %dma_start3A_664 = tpu.memref_slice %arg11[%dma_start3A_662, %dma_start3A_663] : memref<102400x8xf32, #tpu.memory_space<vmem_shared>> -> memref<102400x8xf32, #tpu.memory_space<vmem_shared>>
        tpu.enqueue_indirect_dma source(%dma_start3A_658 : memref<128x8xf32, #tpu.memory_space<vmem>>) target(%dma_start3A_664 : memref<102400x8xf32, #tpu.memory_space<vmem_shared>>) offsets(%dma_start3A_661 : memref<128xi32, #tpu.memory_space<vmem>>) semaphore(%run_scoped3A_654 : memref<!tpu.dma_semaphore, #tpu.memory_space<semaphore_mem>>) {add = true}
        %dma_wait3A_665 = arith.constant 0 : i32
        %dma_wait3A_666 = arith.constant 0 : i32
        %dma_wait3A_667 = tpu.memref_slice %arg10[%run_scoped3A_468, %dma_wait3A_665, %dma_wait3A_666] : memref<3x128x8xf32, #tpu.memory_space<vmem>> -> memref<1x128x8xf32, #tpu.memory_space<vmem>>
        %dma_wait3A_668 = tpu.memref_squeeze %dma_wait3A_667 : memref<1x128x8xf32, #tpu.memory_space<vmem>> -> memref<128x8xf32, #tpu.memory_space<vmem>>
        %dma_wait3A_669 = arith.constant 0 : i32
        %dma_wait3A_670 = tpu.memref_slice %arg9[%select_n3A_29, %run_scoped3A_469, %dma_wait3A_669] : memref<2x23x128xi32, #tpu.memory_space<vmem>> -> memref<1x1x128xi32, #tpu.memory_space<vmem>>
        %dma_wait3A_671 = tpu.memref_squeeze %dma_wait3A_670 : memref<1x1x128xi32, #tpu.memory_space<vmem>> -> memref<128xi32, #tpu.memory_space<vmem>>
        %dma_wait3A_672 = arith.constant 0 : i32
        %dma_wait3A_673 = arith.constant 0 : i32
        %dma_wait3A_674 = tpu.memref_slice %arg11[%dma_wait3A_672, %dma_wait3A_673] : memref<102400x8xf32, #tpu.memory_space<vmem_shared>> -> memref<102400x8xf32, #tpu.memory_space<vmem_shared>>
        tpu.wait_indirect_dma semaphore(%run_scoped3A_654 : memref<!tpu.dma_semaphore, #tpu.memory_space<semaphore_mem>>) src(%dma_wait3A_668 : memref<128x8xf32, #tpu.memory_space<vmem>>) dst(%dma_wait3A_674 : memref<102400x8xf32, #tpu.memory_space<vmem_shared>>)
        tpu.yield
      }) : () -> ()
      %dma_start3A_470 = arith.constant 17 : i32
      %dma_start3A_471 = arith.constant 2 : i32
      %dma_start3A_472 = arith.constant 0 : i32
      %dma_start3A_473 = arith.constant 0 : i32
      %dma_start3A_474 = tpu.memref_slice %arg10[%dma_start3A_471, %dma_start3A_472, %dma_start3A_473] : memref<3x128x8xf32, #tpu.memory_space<vmem>> -> memref<1x128x8xf32, #tpu.memory_space<vmem>>
      %dma_start3A_475 = tpu.memref_squeeze %dma_start3A_474 : memref<1x128x8xf32, #tpu.memory_space<vmem>> -> memref<128x8xf32, #tpu.memory_space<vmem>>
      %dma_start3A_476 = arith.constant 0 : i32
      %dma_start3A_477 = tpu.memref_slice %arg8[%select_n3A_29, %dma_start3A_470, %dma_start3A_476] : memref<2x23x128xi32, #tpu.memory_space<vmem>> -> memref<1x1x128xi32, #tpu.memory_space<vmem>>
      %dma_start3A_478 = tpu.memref_squeeze %dma_start3A_477 : memref<1x1x128xi32, #tpu.memory_space<vmem>> -> memref<128xi32, #tpu.memory_space<vmem>>
      %dma_start3A_479 = arith.constant 0 : i32
      %dma_start3A_480 = arith.constant 0 : i32
      %dma_start3A_481 = tpu.memref_slice %arg5[%dma_start3A_479, %dma_start3A_480] : memref<102400x8xf32, #tpu.memory_space<hbm>> -> memref<102400x8xf32, #tpu.memory_space<hbm>>
      tpu.enqueue_indirect_dma source(%dma_start3A_481 : memref<102400x8xf32, #tpu.memory_space<hbm>>) target(%dma_start3A_475 : memref<128x8xf32, #tpu.memory_space<vmem>>) offsets(%dma_start3A_478 : memref<128xi32, #tpu.memory_space<vmem>>) semaphore(%arg15 : memref<!tpu.dma_semaphore, #tpu.memory_space<semaphore_mem>>)
      %dma_wait3A_482 = arith.constant 15 : i32
      %dma_wait3A_483 = arith.constant 0 : i32
      %dma_wait3A_484 = arith.constant 0 : i32
      %dma_wait3A_485 = arith.constant 0 : i32
      %dma_wait3A_486 = tpu.memref_slice %arg10[%dma_wait3A_483, %dma_wait3A_484, %dma_wait3A_485] : memref<3x128x8xf32, #tpu.memory_space<vmem>> -> memref<1x128x8xf32, #tpu.memory_space<vmem>>
      %dma_wait3A_487 = tpu.memref_squeeze %dma_wait3A_486 : memref<1x128x8xf32, #tpu.memory_space<vmem>> -> memref<128x8xf32, #tpu.memory_space<vmem>>
      %dma_wait3A_488 = arith.constant 0 : i32
      %dma_wait3A_489 = tpu.memref_slice %arg8[%select_n3A_29, %dma_wait3A_482, %dma_wait3A_488] : memref<2x23x128xi32, #tpu.memory_space<vmem>> -> memref<1x1x128xi32, #tpu.memory_space<vmem>>
      %dma_wait3A_490 = tpu.memref_squeeze %dma_wait3A_489 : memref<1x1x128xi32, #tpu.memory_space<vmem>> -> memref<128xi32, #tpu.memory_space<vmem>>
      %dma_wait3A_491 = arith.constant 0 : i32
      %dma_wait3A_492 = arith.constant 0 : i32
      %dma_wait3A_493 = tpu.memref_slice %arg5[%dma_wait3A_491, %dma_wait3A_492] : memref<102400x8xf32, #tpu.memory_space<hbm>> -> memref<102400x8xf32, #tpu.memory_space<hbm>>
      tpu.wait_indirect_dma semaphore(%arg13 : memref<!tpu.dma_semaphore, #tpu.memory_space<semaphore_mem>>) src(%dma_wait3A_493 : memref<102400x8xf32, #tpu.memory_space<hbm>>) dst(%dma_wait3A_487 : memref<128x8xf32, #tpu.memory_space<vmem>>)
      %run_scoped3A_494 = arith.constant 0 : i32
      %run_scoped3A_495 = arith.constant 15 : i32
      "tpu.region"() ({
        %run_scoped3A_654 = tpu.sem_alloc : memref<!tpu.dma_semaphore, #tpu.memory_space<semaphore_mem>>
        %dma_start3A_655 = arith.constant 0 : i32
        %dma_start3A_656 = arith.constant 0 : i32
        %dma_start3A_657 = tpu.memref_slice %arg10[%run_scoped3A_494, %dma_start3A_655, %dma_start3A_656] : memref<3x128x8xf32, #tpu.memory_space<vmem>> -> memref<1x128x8xf32, #tpu.memory_space<vmem>>
        %dma_start3A_658 = tpu.memref_squeeze %dma_start3A_657 : memref<1x128x8xf32, #tpu.memory_space<vmem>> -> memref<128x8xf32, #tpu.memory_space<vmem>>
        %dma_start3A_659 = arith.constant 0 : i32
        %dma_start3A_660 = tpu.memref_slice %arg9[%select_n3A_29, %run_scoped3A_495, %dma_start3A_659] : memref<2x23x128xi32, #tpu.memory_space<vmem>> -> memref<1x1x128xi32, #tpu.memory_space<vmem>>
        %dma_start3A_661 = tpu.memref_squeeze %dma_start3A_660 : memref<1x1x128xi32, #tpu.memory_space<vmem>> -> memref<128xi32, #tpu.memory_space<vmem>>
        %dma_start3A_662 = arith.constant 0 : i32
        %dma_start3A_663 = arith.constant 0 : i32
        %dma_start3A_664 = tpu.memref_slice %arg11[%dma_start3A_662, %dma_start3A_663] : memref<102400x8xf32, #tpu.memory_space<vmem_shared>> -> memref<102400x8xf32, #tpu.memory_space<vmem_shared>>
        tpu.enqueue_indirect_dma source(%dma_start3A_658 : memref<128x8xf32, #tpu.memory_space<vmem>>) target(%dma_start3A_664 : memref<102400x8xf32, #tpu.memory_space<vmem_shared>>) offsets(%dma_start3A_661 : memref<128xi32, #tpu.memory_space<vmem>>) semaphore(%run_scoped3A_654 : memref<!tpu.dma_semaphore, #tpu.memory_space<semaphore_mem>>) {add = true}
        %dma_wait3A_665 = arith.constant 0 : i32
        %dma_wait3A_666 = arith.constant 0 : i32
        %dma_wait3A_667 = tpu.memref_slice %arg10[%run_scoped3A_494, %dma_wait3A_665, %dma_wait3A_666] : memref<3x128x8xf32, #tpu.memory_space<vmem>> -> memref<1x128x8xf32, #tpu.memory_space<vmem>>
        %dma_wait3A_668 = tpu.memref_squeeze %dma_wait3A_667 : memref<1x128x8xf32, #tpu.memory_space<vmem>> -> memref<128x8xf32, #tpu.memory_space<vmem>>
        %dma_wait3A_669 = arith.constant 0 : i32
        %dma_wait3A_670 = tpu.memref_slice %arg9[%select_n3A_29, %run_scoped3A_495, %dma_wait3A_669] : memref<2x23x128xi32, #tpu.memory_space<vmem>> -> memref<1x1x128xi32, #tpu.memory_space<vmem>>
        %dma_wait3A_671 = tpu.memref_squeeze %dma_wait3A_670 : memref<1x1x128xi32, #tpu.memory_space<vmem>> -> memref<128xi32, #tpu.memory_space<vmem>>
        %dma_wait3A_672 = arith.constant 0 : i32
        %dma_wait3A_673 = arith.constant 0 : i32
        %dma_wait3A_674 = tpu.memref_slice %arg11[%dma_wait3A_672, %dma_wait3A_673] : memref<102400x8xf32, #tpu.memory_space<vmem_shared>> -> memref<102400x8xf32, #tpu.memory_space<vmem_shared>>
        tpu.wait_indirect_dma semaphore(%run_scoped3A_654 : memref<!tpu.dma_semaphore, #tpu.memory_space<semaphore_mem>>) src(%dma_wait3A_668 : memref<128x8xf32, #tpu.memory_space<vmem>>) dst(%dma_wait3A_674 : memref<102400x8xf32, #tpu.memory_space<vmem_shared>>)
        tpu.yield
      }) : () -> ()
      %dma_start3A_496 = arith.constant 18 : i32
      %dma_start3A_497 = arith.constant 0 : i32
      %dma_start3A_498 = arith.constant 0 : i32
      %dma_start3A_499 = arith.constant 0 : i32
      %dma_start3A_500 = tpu.memref_slice %arg10[%dma_start3A_497, %dma_start3A_498, %dma_start3A_499] : memref<3x128x8xf32, #tpu.memory_space<vmem>> -> memref<1x128x8xf32, #tpu.memory_space<vmem>>
      %dma_start3A_501 = tpu.memref_squeeze %dma_start3A_500 : memref<1x128x8xf32, #tpu.memory_space<vmem>> -> memref<128x8xf32, #tpu.memory_space<vmem>>
      %dma_start3A_502 = arith.constant 0 : i32
      %dma_start3A_503 = tpu.memref_slice %arg8[%select_n3A_29, %dma_start3A_496, %dma_start3A_502] : memref<2x23x128xi32, #tpu.memory_space<vmem>> -> memref<1x1x128xi32, #tpu.memory_space<vmem>>
      %dma_start3A_504 = tpu.memref_squeeze %dma_start3A_503 : memref<1x1x128xi32, #tpu.memory_space<vmem>> -> memref<128xi32, #tpu.memory_space<vmem>>
      %dma_start3A_505 = arith.constant 0 : i32
      %dma_start3A_506 = arith.constant 0 : i32
      %dma_start3A_507 = tpu.memref_slice %arg5[%dma_start3A_505, %dma_start3A_506] : memref<102400x8xf32, #tpu.memory_space<hbm>> -> memref<102400x8xf32, #tpu.memory_space<hbm>>
      tpu.enqueue_indirect_dma source(%dma_start3A_507 : memref<102400x8xf32, #tpu.memory_space<hbm>>) target(%dma_start3A_501 : memref<128x8xf32, #tpu.memory_space<vmem>>) offsets(%dma_start3A_504 : memref<128xi32, #tpu.memory_space<vmem>>) semaphore(%arg13 : memref<!tpu.dma_semaphore, #tpu.memory_space<semaphore_mem>>)
      %dma_wait3A_508 = arith.constant 16 : i32
      %dma_wait3A_509 = arith.constant 1 : i32
      %dma_wait3A_510 = arith.constant 0 : i32
      %dma_wait3A_511 = arith.constant 0 : i32
      %dma_wait3A_512 = tpu.memref_slice %arg10[%dma_wait3A_509, %dma_wait3A_510, %dma_wait3A_511] : memref<3x128x8xf32, #tpu.memory_space<vmem>> -> memref<1x128x8xf32, #tpu.memory_space<vmem>>
      %dma_wait3A_513 = tpu.memref_squeeze %dma_wait3A_512 : memref<1x128x8xf32, #tpu.memory_space<vmem>> -> memref<128x8xf32, #tpu.memory_space<vmem>>
      %dma_wait3A_514 = arith.constant 0 : i32
      %dma_wait3A_515 = tpu.memref_slice %arg8[%select_n3A_29, %dma_wait3A_508, %dma_wait3A_514] : memref<2x23x128xi32, #tpu.memory_space<vmem>> -> memref<1x1x128xi32, #tpu.memory_space<vmem>>
      %dma_wait3A_516 = tpu.memref_squeeze %dma_wait3A_515 : memref<1x1x128xi32, #tpu.memory_space<vmem>> -> memref<128xi32, #tpu.memory_space<vmem>>
      %dma_wait3A_517 = arith.constant 0 : i32
      %dma_wait3A_518 = arith.constant 0 : i32
      %dma_wait3A_519 = tpu.memref_slice %arg5[%dma_wait3A_517, %dma_wait3A_518] : memref<102400x8xf32, #tpu.memory_space<hbm>> -> memref<102400x8xf32, #tpu.memory_space<hbm>>
      tpu.wait_indirect_dma semaphore(%arg14 : memref<!tpu.dma_semaphore, #tpu.memory_space<semaphore_mem>>) src(%dma_wait3A_519 : memref<102400x8xf32, #tpu.memory_space<hbm>>) dst(%dma_wait3A_513 : memref<128x8xf32, #tpu.memory_space<vmem>>)
      %run_scoped3A_520 = arith.constant 1 : i32
      %run_scoped3A_521 = arith.constant 16 : i32
      "tpu.region"() ({
        %run_scoped3A_654 = tpu.sem_alloc : memref<!tpu.dma_semaphore, #tpu.memory_space<semaphore_mem>>
        %dma_start3A_655 = arith.constant 0 : i32
        %dma_start3A_656 = arith.constant 0 : i32
        %dma_start3A_657 = tpu.memref_slice %arg10[%run_scoped3A_520, %dma_start3A_655, %dma_start3A_656] : memref<3x128x8xf32, #tpu.memory_space<vmem>> -> memref<1x128x8xf32, #tpu.memory_space<vmem>>
        %dma_start3A_658 = tpu.memref_squeeze %dma_start3A_657 : memref<1x128x8xf32, #tpu.memory_space<vmem>> -> memref<128x8xf32, #tpu.memory_space<vmem>>
        %dma_start3A_659 = arith.constant 0 : i32
        %dma_start3A_660 = tpu.memref_slice %arg9[%select_n3A_29, %run_scoped3A_521, %dma_start3A_659] : memref<2x23x128xi32, #tpu.memory_space<vmem>> -> memref<1x1x128xi32, #tpu.memory_space<vmem>>
        %dma_start3A_661 = tpu.memref_squeeze %dma_start3A_660 : memref<1x1x128xi32, #tpu.memory_space<vmem>> -> memref<128xi32, #tpu.memory_space<vmem>>
        %dma_start3A_662 = arith.constant 0 : i32
        %dma_start3A_663 = arith.constant 0 : i32
        %dma_start3A_664 = tpu.memref_slice %arg11[%dma_start3A_662, %dma_start3A_663] : memref<102400x8xf32, #tpu.memory_space<vmem_shared>> -> memref<102400x8xf32, #tpu.memory_space<vmem_shared>>
        tpu.enqueue_indirect_dma source(%dma_start3A_658 : memref<128x8xf32, #tpu.memory_space<vmem>>) target(%dma_start3A_664 : memref<102400x8xf32, #tpu.memory_space<vmem_shared>>) offsets(%dma_start3A_661 : memref<128xi32, #tpu.memory_space<vmem>>) semaphore(%run_scoped3A_654 : memref<!tpu.dma_semaphore, #tpu.memory_space<semaphore_mem>>) {add = true}
        %dma_wait3A_665 = arith.constant 0 : i32
        %dma_wait3A_666 = arith.constant 0 : i32
        %dma_wait3A_667 = tpu.memref_slice %arg10[%run_scoped3A_520, %dma_wait3A_665, %dma_wait3A_666] : memref<3x128x8xf32, #tpu.memory_space<vmem>> -> memref<1x128x8xf32, #tpu.memory_space<vmem>>
        %dma_wait3A_668 = tpu.memref_squeeze %dma_wait3A_667 : memref<1x128x8xf32, #tpu.memory_space<vmem>> -> memref<128x8xf32, #tpu.memory_space<vmem>>
        %dma_wait3A_669 = arith.constant 0 : i32
        %dma_wait3A_670 = tpu.memref_slice %arg9[%select_n3A_29, %run_scoped3A_521, %dma_wait3A_669] : memref<2x23x128xi32, #tpu.memory_space<vmem>> -> memref<1x1x128xi32, #tpu.memory_space<vmem>>
        %dma_wait3A_671 = tpu.memref_squeeze %dma_wait3A_670 : memref<1x1x128xi32, #tpu.memory_space<vmem>> -> memref<128xi32, #tpu.memory_space<vmem>>
        %dma_wait3A_672 = arith.constant 0 : i32
        %dma_wait3A_673 = arith.constant 0 : i32
        %dma_wait3A_674 = tpu.memref_slice %arg11[%dma_wait3A_672, %dma_wait3A_673] : memref<102400x8xf32, #tpu.memory_space<vmem_shared>> -> memref<102400x8xf32, #tpu.memory_space<vmem_shared>>
        tpu.wait_indirect_dma semaphore(%run_scoped3A_654 : memref<!tpu.dma_semaphore, #tpu.memory_space<semaphore_mem>>) src(%dma_wait3A_668 : memref<128x8xf32, #tpu.memory_space<vmem>>) dst(%dma_wait3A_674 : memref<102400x8xf32, #tpu.memory_space<vmem_shared>>)
        tpu.yield
      }) : () -> ()
      %dma_start3A_522 = arith.constant 19 : i32
      %dma_start3A_523 = arith.constant 1 : i32
      %dma_start3A_524 = arith.constant 0 : i32
      %dma_start3A_525 = arith.constant 0 : i32
      %dma_start3A_526 = tpu.memref_slice %arg10[%dma_start3A_523, %dma_start3A_524, %dma_start3A_525] : memref<3x128x8xf32, #tpu.memory_space<vmem>> -> memref<1x128x8xf32, #tpu.memory_space<vmem>>
      %dma_start3A_527 = tpu.memref_squeeze %dma_start3A_526 : memref<1x128x8xf32, #tpu.memory_space<vmem>> -> memref<128x8xf32, #tpu.memory_space<vmem>>
      %dma_start3A_528 = arith.constant 0 : i32
      %dma_start3A_529 = tpu.memref_slice %arg8[%select_n3A_29, %dma_start3A_522, %dma_start3A_528] : memref<2x23x128xi32, #tpu.memory_space<vmem>> -> memref<1x1x128xi32, #tpu.memory_space<vmem>>
      %dma_start3A_530 = tpu.memref_squeeze %dma_start3A_529 : memref<1x1x128xi32, #tpu.memory_space<vmem>> -> memref<128xi32, #tpu.memory_space<vmem>>
      %dma_start3A_531 = arith.constant 0 : i32
      %dma_start3A_532 = arith.constant 0 : i32
      %dma_start3A_533 = tpu.memref_slice %arg5[%dma_start3A_531, %dma_start3A_532] : memref<102400x8xf32, #tpu.memory_space<hbm>> -> memref<102400x8xf32, #tpu.memory_space<hbm>>
      tpu.enqueue_indirect_dma source(%dma_start3A_533 : memref<102400x8xf32, #tpu.memory_space<hbm>>) target(%dma_start3A_527 : memref<128x8xf32, #tpu.memory_space<vmem>>) offsets(%dma_start3A_530 : memref<128xi32, #tpu.memory_space<vmem>>) semaphore(%arg14 : memref<!tpu.dma_semaphore, #tpu.memory_space<semaphore_mem>>)
      %dma_wait3A_534 = arith.constant 17 : i32
      %dma_wait3A_535 = arith.constant 2 : i32
      %dma_wait3A_536 = arith.constant 0 : i32
      %dma_wait3A_537 = arith.constant 0 : i32
      %dma_wait3A_538 = tpu.memref_slice %arg10[%dma_wait3A_535, %dma_wait3A_536, %dma_wait3A_537] : memref<3x128x8xf32, #tpu.memory_space<vmem>> -> memref<1x128x8xf32, #tpu.memory_space<vmem>>
      %dma_wait3A_539 = tpu.memref_squeeze %dma_wait3A_538 : memref<1x128x8xf32, #tpu.memory_space<vmem>> -> memref<128x8xf32, #tpu.memory_space<vmem>>
      %dma_wait3A_540 = arith.constant 0 : i32
      %dma_wait3A_541 = tpu.memref_slice %arg8[%select_n3A_29, %dma_wait3A_534, %dma_wait3A_540] : memref<2x23x128xi32, #tpu.memory_space<vmem>> -> memref<1x1x128xi32, #tpu.memory_space<vmem>>
      %dma_wait3A_542 = tpu.memref_squeeze %dma_wait3A_541 : memref<1x1x128xi32, #tpu.memory_space<vmem>> -> memref<128xi32, #tpu.memory_space<vmem>>
      %dma_wait3A_543 = arith.constant 0 : i32
      %dma_wait3A_544 = arith.constant 0 : i32
      %dma_wait3A_545 = tpu.memref_slice %arg5[%dma_wait3A_543, %dma_wait3A_544] : memref<102400x8xf32, #tpu.memory_space<hbm>> -> memref<102400x8xf32, #tpu.memory_space<hbm>>
      tpu.wait_indirect_dma semaphore(%arg15 : memref<!tpu.dma_semaphore, #tpu.memory_space<semaphore_mem>>) src(%dma_wait3A_545 : memref<102400x8xf32, #tpu.memory_space<hbm>>) dst(%dma_wait3A_539 : memref<128x8xf32, #tpu.memory_space<vmem>>)
      %run_scoped3A_546 = arith.constant 2 : i32
      %run_scoped3A_547 = arith.constant 17 : i32
      "tpu.region"() ({
        %run_scoped3A_654 = tpu.sem_alloc : memref<!tpu.dma_semaphore, #tpu.memory_space<semaphore_mem>>
        %dma_start3A_655 = arith.constant 0 : i32
        %dma_start3A_656 = arith.constant 0 : i32
        %dma_start3A_657 = tpu.memref_slice %arg10[%run_scoped3A_546, %dma_start3A_655, %dma_start3A_656] : memref<3x128x8xf32, #tpu.memory_space<vmem>> -> memref<1x128x8xf32, #tpu.memory_space<vmem>>
        %dma_start3A_658 = tpu.memref_squeeze %dma_start3A_657 : memref<1x128x8xf32, #tpu.memory_space<vmem>> -> memref<128x8xf32, #tpu.memory_space<vmem>>
        %dma_start3A_659 = arith.constant 0 : i32
        %dma_start3A_660 = tpu.memref_slice %arg9[%select_n3A_29, %run_scoped3A_547, %dma_start3A_659] : memref<2x23x128xi32, #tpu.memory_space<vmem>> -> memref<1x1x128xi32, #tpu.memory_space<vmem>>
        %dma_start3A_661 = tpu.memref_squeeze %dma_start3A_660 : memref<1x1x128xi32, #tpu.memory_space<vmem>> -> memref<128xi32, #tpu.memory_space<vmem>>
        %dma_start3A_662 = arith.constant 0 : i32
        %dma_start3A_663 = arith.constant 0 : i32
        %dma_start3A_664 = tpu.memref_slice %arg11[%dma_start3A_662, %dma_start3A_663] : memref<102400x8xf32, #tpu.memory_space<vmem_shared>> -> memref<102400x8xf32, #tpu.memory_space<vmem_shared>>
        tpu.enqueue_indirect_dma source(%dma_start3A_658 : memref<128x8xf32, #tpu.memory_space<vmem>>) target(%dma_start3A_664 : memref<102400x8xf32, #tpu.memory_space<vmem_shared>>) offsets(%dma_start3A_661 : memref<128xi32, #tpu.memory_space<vmem>>) semaphore(%run_scoped3A_654 : memref<!tpu.dma_semaphore, #tpu.memory_space<semaphore_mem>>) {add = true}
        %dma_wait3A_665 = arith.constant 0 : i32
        %dma_wait3A_666 = arith.constant 0 : i32
        %dma_wait3A_667 = tpu.memref_slice %arg10[%run_scoped3A_546, %dma_wait3A_665, %dma_wait3A_666] : memref<3x128x8xf32, #tpu.memory_space<vmem>> -> memref<1x128x8xf32, #tpu.memory_space<vmem>>
        %dma_wait3A_668 = tpu.memref_squeeze %dma_wait3A_667 : memref<1x128x8xf32, #tpu.memory_space<vmem>> -> memref<128x8xf32, #tpu.memory_space<vmem>>
        %dma_wait3A_669 = arith.constant 0 : i32
        %dma_wait3A_670 = tpu.memref_slice %arg9[%select_n3A_29, %run_scoped3A_547, %dma_wait3A_669] : memref<2x23x128xi32, #tpu.memory_space<vmem>> -> memref<1x1x128xi32, #tpu.memory_space<vmem>>
        %dma_wait3A_671 = tpu.memref_squeeze %dma_wait3A_670 : memref<1x1x128xi32, #tpu.memory_space<vmem>> -> memref<128xi32, #tpu.memory_space<vmem>>
        %dma_wait3A_672 = arith.constant 0 : i32
        %dma_wait3A_673 = arith.constant 0 : i32
        %dma_wait3A_674 = tpu.memref_slice %arg11[%dma_wait3A_672, %dma_wait3A_673] : memref<102400x8xf32, #tpu.memory_space<vmem_shared>> -> memref<102400x8xf32, #tpu.memory_space<vmem_shared>>
        tpu.wait_indirect_dma semaphore(%run_scoped3A_654 : memref<!tpu.dma_semaphore, #tpu.memory_space<semaphore_mem>>) src(%dma_wait3A_668 : memref<128x8xf32, #tpu.memory_space<vmem>>) dst(%dma_wait3A_674 : memref<102400x8xf32, #tpu.memory_space<vmem_shared>>)
        tpu.yield
      }) : () -> ()
      %dma_start3A_548 = arith.constant 20 : i32
      %dma_start3A_549 = arith.constant 2 : i32
      %dma_start3A_550 = arith.constant 0 : i32
      %dma_start3A_551 = arith.constant 0 : i32
      %dma_start3A_552 = tpu.memref_slice %arg10[%dma_start3A_549, %dma_start3A_550, %dma_start3A_551] : memref<3x128x8xf32, #tpu.memory_space<vmem>> -> memref<1x128x8xf32, #tpu.memory_space<vmem>>
      %dma_start3A_553 = tpu.memref_squeeze %dma_start3A_552 : memref<1x128x8xf32, #tpu.memory_space<vmem>> -> memref<128x8xf32, #tpu.memory_space<vmem>>
      %dma_start3A_554 = arith.constant 0 : i32
      %dma_start3A_555 = tpu.memref_slice %arg8[%select_n3A_29, %dma_start3A_548, %dma_start3A_554] : memref<2x23x128xi32, #tpu.memory_space<vmem>> -> memref<1x1x128xi32, #tpu.memory_space<vmem>>
      %dma_start3A_556 = tpu.memref_squeeze %dma_start3A_555 : memref<1x1x128xi32, #tpu.memory_space<vmem>> -> memref<128xi32, #tpu.memory_space<vmem>>
      %dma_start3A_557 = arith.constant 0 : i32
      %dma_start3A_558 = arith.constant 0 : i32
      %dma_start3A_559 = tpu.memref_slice %arg5[%dma_start3A_557, %dma_start3A_558] : memref<102400x8xf32, #tpu.memory_space<hbm>> -> memref<102400x8xf32, #tpu.memory_space<hbm>>
      tpu.enqueue_indirect_dma source(%dma_start3A_559 : memref<102400x8xf32, #tpu.memory_space<hbm>>) target(%dma_start3A_553 : memref<128x8xf32, #tpu.memory_space<vmem>>) offsets(%dma_start3A_556 : memref<128xi32, #tpu.memory_space<vmem>>) semaphore(%arg15 : memref<!tpu.dma_semaphore, #tpu.memory_space<semaphore_mem>>)
      %dma_wait3A_560 = arith.constant 18 : i32
      %dma_wait3A_561 = arith.constant 0 : i32
      %dma_wait3A_562 = arith.constant 0 : i32
      %dma_wait3A_563 = arith.constant 0 : i32
      %dma_wait3A_564 = tpu.memref_slice %arg10[%dma_wait3A_561, %dma_wait3A_562, %dma_wait3A_563] : memref<3x128x8xf32, #tpu.memory_space<vmem>> -> memref<1x128x8xf32, #tpu.memory_space<vmem>>
      %dma_wait3A_565 = tpu.memref_squeeze %dma_wait3A_564 : memref<1x128x8xf32, #tpu.memory_space<vmem>> -> memref<128x8xf32, #tpu.memory_space<vmem>>
      %dma_wait3A_566 = arith.constant 0 : i32
      %dma_wait3A_567 = tpu.memref_slice %arg8[%select_n3A_29, %dma_wait3A_560, %dma_wait3A_566] : memref<2x23x128xi32, #tpu.memory_space<vmem>> -> memref<1x1x128xi32, #tpu.memory_space<vmem>>
      %dma_wait3A_568 = tpu.memref_squeeze %dma_wait3A_567 : memref<1x1x128xi32, #tpu.memory_space<vmem>> -> memref<128xi32, #tpu.memory_space<vmem>>
      %dma_wait3A_569 = arith.constant 0 : i32
      %dma_wait3A_570 = arith.constant 0 : i32
      %dma_wait3A_571 = tpu.memref_slice %arg5[%dma_wait3A_569, %dma_wait3A_570] : memref<102400x8xf32, #tpu.memory_space<hbm>> -> memref<102400x8xf32, #tpu.memory_space<hbm>>
      tpu.wait_indirect_dma semaphore(%arg13 : memref<!tpu.dma_semaphore, #tpu.memory_space<semaphore_mem>>) src(%dma_wait3A_571 : memref<102400x8xf32, #tpu.memory_space<hbm>>) dst(%dma_wait3A_565 : memref<128x8xf32, #tpu.memory_space<vmem>>)
      %run_scoped3A_572 = arith.constant 0 : i32
      %run_scoped3A_573 = arith.constant 18 : i32
      "tpu.region"() ({
        %run_scoped3A_654 = tpu.sem_alloc : memref<!tpu.dma_semaphore, #tpu.memory_space<semaphore_mem>>
        %dma_start3A_655 = arith.constant 0 : i32
        %dma_start3A_656 = arith.constant 0 : i32
        %dma_start3A_657 = tpu.memref_slice %arg10[%run_scoped3A_572, %dma_start3A_655, %dma_start3A_656] : memref<3x128x8xf32, #tpu.memory_space<vmem>> -> memref<1x128x8xf32, #tpu.memory_space<vmem>>
        %dma_start3A_658 = tpu.memref_squeeze %dma_start3A_657 : memref<1x128x8xf32, #tpu.memory_space<vmem>> -> memref<128x8xf32, #tpu.memory_space<vmem>>
        %dma_start3A_659 = arith.constant 0 : i32
        %dma_start3A_660 = tpu.memref_slice %arg9[%select_n3A_29, %run_scoped3A_573, %dma_start3A_659] : memref<2x23x128xi32, #tpu.memory_space<vmem>> -> memref<1x1x128xi32, #tpu.memory_space<vmem>>
        %dma_start3A_661 = tpu.memref_squeeze %dma_start3A_660 : memref<1x1x128xi32, #tpu.memory_space<vmem>> -> memref<128xi32, #tpu.memory_space<vmem>>
        %dma_start3A_662 = arith.constant 0 : i32
        %dma_start3A_663 = arith.constant 0 : i32
        %dma_start3A_664 = tpu.memref_slice %arg11[%dma_start3A_662, %dma_start3A_663] : memref<102400x8xf32, #tpu.memory_space<vmem_shared>> -> memref<102400x8xf32, #tpu.memory_space<vmem_shared>>
        tpu.enqueue_indirect_dma source(%dma_start3A_658 : memref<128x8xf32, #tpu.memory_space<vmem>>) target(%dma_start3A_664 : memref<102400x8xf32, #tpu.memory_space<vmem_shared>>) offsets(%dma_start3A_661 : memref<128xi32, #tpu.memory_space<vmem>>) semaphore(%run_scoped3A_654 : memref<!tpu.dma_semaphore, #tpu.memory_space<semaphore_mem>>) {add = true}
        %dma_wait3A_665 = arith.constant 0 : i32
        %dma_wait3A_666 = arith.constant 0 : i32
        %dma_wait3A_667 = tpu.memref_slice %arg10[%run_scoped3A_572, %dma_wait3A_665, %dma_wait3A_666] : memref<3x128x8xf32, #tpu.memory_space<vmem>> -> memref<1x128x8xf32, #tpu.memory_space<vmem>>
        %dma_wait3A_668 = tpu.memref_squeeze %dma_wait3A_667 : memref<1x128x8xf32, #tpu.memory_space<vmem>> -> memref<128x8xf32, #tpu.memory_space<vmem>>
        %dma_wait3A_669 = arith.constant 0 : i32
        %dma_wait3A_670 = tpu.memref_slice %arg9[%select_n3A_29, %run_scoped3A_573, %dma_wait3A_669] : memref<2x23x128xi32, #tpu.memory_space<vmem>> -> memref<1x1x128xi32, #tpu.memory_space<vmem>>
        %dma_wait3A_671 = tpu.memref_squeeze %dma_wait3A_670 : memref<1x1x128xi32, #tpu.memory_space<vmem>> -> memref<128xi32, #tpu.memory_space<vmem>>
        %dma_wait3A_672 = arith.constant 0 : i32
        %dma_wait3A_673 = arith.constant 0 : i32
        %dma_wait3A_674 = tpu.memref_slice %arg11[%dma_wait3A_672, %dma_wait3A_673] : memref<102400x8xf32, #tpu.memory_space<vmem_shared>> -> memref<102400x8xf32, #tpu.memory_space<vmem_shared>>
        tpu.wait_indirect_dma semaphore(%run_scoped3A_654 : memref<!tpu.dma_semaphore, #tpu.memory_space<semaphore_mem>>) src(%dma_wait3A_668 : memref<128x8xf32, #tpu.memory_space<vmem>>) dst(%dma_wait3A_674 : memref<102400x8xf32, #tpu.memory_space<vmem_shared>>)
        tpu.yield
      }) : () -> ()
      %dma_start3A_574 = arith.constant 21 : i32
      %dma_start3A_575 = arith.constant 0 : i32
      %dma_start3A_576 = arith.constant 0 : i32
      %dma_start3A_577 = arith.constant 0 : i32
      %dma_start3A_578 = tpu.memref_slice %arg10[%dma_start3A_575, %dma_start3A_576, %dma_start3A_577] : memref<3x128x8xf32, #tpu.memory_space<vmem>> -> memref<1x128x8xf32, #tpu.memory_space<vmem>>
      %dma_start3A_579 = tpu.memref_squeeze %dma_start3A_578 : memref<1x128x8xf32, #tpu.memory_space<vmem>> -> memref<128x8xf32, #tpu.memory_space<vmem>>
      %dma_start3A_580 = arith.constant 0 : i32
      %dma_start3A_581 = tpu.memref_slice %arg8[%select_n3A_29, %dma_start3A_574, %dma_start3A_580] : memref<2x23x128xi32, #tpu.memory_space<vmem>> -> memref<1x1x128xi32, #tpu.memory_space<vmem>>
      %dma_start3A_582 = tpu.memref_squeeze %dma_start3A_581 : memref<1x1x128xi32, #tpu.memory_space<vmem>> -> memref<128xi32, #tpu.memory_space<vmem>>
      %dma_start3A_583 = arith.constant 0 : i32
      %dma_start3A_584 = arith.constant 0 : i32
      %dma_start3A_585 = tpu.memref_slice %arg5[%dma_start3A_583, %dma_start3A_584] : memref<102400x8xf32, #tpu.memory_space<hbm>> -> memref<102400x8xf32, #tpu.memory_space<hbm>>
      tpu.enqueue_indirect_dma source(%dma_start3A_585 : memref<102400x8xf32, #tpu.memory_space<hbm>>) target(%dma_start3A_579 : memref<128x8xf32, #tpu.memory_space<vmem>>) offsets(%dma_start3A_582 : memref<128xi32, #tpu.memory_space<vmem>>) semaphore(%arg13 : memref<!tpu.dma_semaphore, #tpu.memory_space<semaphore_mem>>)
      %dma_wait3A_586 = arith.constant 19 : i32
      %dma_wait3A_587 = arith.constant 1 : i32
      %dma_wait3A_588 = arith.constant 0 : i32
      %dma_wait3A_589 = arith.constant 0 : i32
      %dma_wait3A_590 = tpu.memref_slice %arg10[%dma_wait3A_587, %dma_wait3A_588, %dma_wait3A_589] : memref<3x128x8xf32, #tpu.memory_space<vmem>> -> memref<1x128x8xf32, #tpu.memory_space<vmem>>
      %dma_wait3A_591 = tpu.memref_squeeze %dma_wait3A_590 : memref<1x128x8xf32, #tpu.memory_space<vmem>> -> memref<128x8xf32, #tpu.memory_space<vmem>>
      %dma_wait3A_592 = arith.constant 0 : i32
      %dma_wait3A_593 = tpu.memref_slice %arg8[%select_n3A_29, %dma_wait3A_586, %dma_wait3A_592] : memref<2x23x128xi32, #tpu.memory_space<vmem>> -> memref<1x1x128xi32, #tpu.memory_space<vmem>>
      %dma_wait3A_594 = tpu.memref_squeeze %dma_wait3A_593 : memref<1x1x128xi32, #tpu.memory_space<vmem>> -> memref<128xi32, #tpu.memory_space<vmem>>
      %dma_wait3A_595 = arith.constant 0 : i32
      %dma_wait3A_596 = arith.constant 0 : i32
      %dma_wait3A_597 = tpu.memref_slice %arg5[%dma_wait3A_595, %dma_wait3A_596] : memref<102400x8xf32, #tpu.memory_space<hbm>> -> memref<102400x8xf32, #tpu.memory_space<hbm>>
      tpu.wait_indirect_dma semaphore(%arg14 : memref<!tpu.dma_semaphore, #tpu.memory_space<semaphore_mem>>) src(%dma_wait3A_597 : memref<102400x8xf32, #tpu.memory_space<hbm>>) dst(%dma_wait3A_591 : memref<128x8xf32, #tpu.memory_space<vmem>>)
      %run_scoped3A_598 = arith.constant 1 : i32
      %run_scoped3A_599 = arith.constant 19 : i32
      "tpu.region"() ({
        %run_scoped3A_654 = tpu.sem_alloc : memref<!tpu.dma_semaphore, #tpu.memory_space<semaphore_mem>>
        %dma_start3A_655 = arith.constant 0 : i32
        %dma_start3A_656 = arith.constant 0 : i32
        %dma_start3A_657 = tpu.memref_slice %arg10[%run_scoped3A_598, %dma_start3A_655, %dma_start3A_656] : memref<3x128x8xf32, #tpu.memory_space<vmem>> -> memref<1x128x8xf32, #tpu.memory_space<vmem>>
        %dma_start3A_658 = tpu.memref_squeeze %dma_start3A_657 : memref<1x128x8xf32, #tpu.memory_space<vmem>> -> memref<128x8xf32, #tpu.memory_space<vmem>>
        %dma_start3A_659 = arith.constant 0 : i32
        %dma_start3A_660 = tpu.memref_slice %arg9[%select_n3A_29, %run_scoped3A_599, %dma_start3A_659] : memref<2x23x128xi32, #tpu.memory_space<vmem>> -> memref<1x1x128xi32, #tpu.memory_space<vmem>>
        %dma_start3A_661 = tpu.memref_squeeze %dma_start3A_660 : memref<1x1x128xi32, #tpu.memory_space<vmem>> -> memref<128xi32, #tpu.memory_space<vmem>>
        %dma_start3A_662 = arith.constant 0 : i32
        %dma_start3A_663 = arith.constant 0 : i32
        %dma_start3A_664 = tpu.memref_slice %arg11[%dma_start3A_662, %dma_start3A_663] : memref<102400x8xf32, #tpu.memory_space<vmem_shared>> -> memref<102400x8xf32, #tpu.memory_space<vmem_shared>>
        tpu.enqueue_indirect_dma source(%dma_start3A_658 : memref<128x8xf32, #tpu.memory_space<vmem>>) target(%dma_start3A_664 : memref<102400x8xf32, #tpu.memory_space<vmem_shared>>) offsets(%dma_start3A_661 : memref<128xi32, #tpu.memory_space<vmem>>) semaphore(%run_scoped3A_654 : memref<!tpu.dma_semaphore, #tpu.memory_space<semaphore_mem>>) {add = true}
        %dma_wait3A_665 = arith.constant 0 : i32
        %dma_wait3A_666 = arith.constant 0 : i32
        %dma_wait3A_667 = tpu.memref_slice %arg10[%run_scoped3A_598, %dma_wait3A_665, %dma_wait3A_666] : memref<3x128x8xf32, #tpu.memory_space<vmem>> -> memref<1x128x8xf32, #tpu.memory_space<vmem>>
        %dma_wait3A_668 = tpu.memref_squeeze %dma_wait3A_667 : memref<1x128x8xf32, #tpu.memory_space<vmem>> -> memref<128x8xf32, #tpu.memory_space<vmem>>
        %dma_wait3A_669 = arith.constant 0 : i32
        %dma_wait3A_670 = tpu.memref_slice %arg9[%select_n3A_29, %run_scoped3A_599, %dma_wait3A_669] : memref<2x23x128xi32, #tpu.memory_space<vmem>> -> memref<1x1x128xi32, #tpu.memory_space<vmem>>
        %dma_wait3A_671 = tpu.memref_squeeze %dma_wait3A_670 : memref<1x1x128xi32, #tpu.memory_space<vmem>> -> memref<128xi32, #tpu.memory_space<vmem>>
        %dma_wait3A_672 = arith.constant 0 : i32
        %dma_wait3A_673 = arith.constant 0 : i32
        %dma_wait3A_674 = tpu.memref_slice %arg11[%dma_wait3A_672, %dma_wait3A_673] : memref<102400x8xf32, #tpu.memory_space<vmem_shared>> -> memref<102400x8xf32, #tpu.memory_space<vmem_shared>>
        tpu.wait_indirect_dma semaphore(%run_scoped3A_654 : memref<!tpu.dma_semaphore, #tpu.memory_space<semaphore_mem>>) src(%dma_wait3A_668 : memref<128x8xf32, #tpu.memory_space<vmem>>) dst(%dma_wait3A_674 : memref<102400x8xf32, #tpu.memory_space<vmem_shared>>)
        tpu.yield
      }) : () -> ()
      %dma_start3A_600 = arith.constant 22 : i32
      %dma_start3A_601 = arith.constant 1 : i32
      %dma_start3A_602 = arith.constant 0 : i32
      %dma_start3A_603 = arith.constant 0 : i32
      %dma_start3A_604 = tpu.memref_slice %arg10[%dma_start3A_601, %dma_start3A_602, %dma_start3A_603] : memref<3x128x8xf32, #tpu.memory_space<vmem>> -> memref<1x128x8xf32, #tpu.memory_space<vmem>>
      %dma_start3A_605 = tpu.memref_squeeze %dma_start3A_604 : memref<1x128x8xf32, #tpu.memory_space<vmem>> -> memref<128x8xf32, #tpu.memory_space<vmem>>
      %dma_start3A_606 = arith.constant 0 : i32
      %dma_start3A_607 = tpu.memref_slice %arg8[%select_n3A_29, %dma_start3A_600, %dma_start3A_606] : memref<2x23x128xi32, #tpu.memory_space<vmem>> -> memref<1x1x128xi32, #tpu.memory_space<vmem>>
      %dma_start3A_608 = tpu.memref_squeeze %dma_start3A_607 : memref<1x1x128xi32, #tpu.memory_space<vmem>> -> memref<128xi32, #tpu.memory_space<vmem>>
      %dma_start3A_609 = arith.constant 0 : i32
      %dma_start3A_610 = arith.constant 0 : i32
      %dma_start3A_611 = tpu.memref_slice %arg5[%dma_start3A_609, %dma_start3A_610] : memref<102400x8xf32, #tpu.memory_space<hbm>> -> memref<102400x8xf32, #tpu.memory_space<hbm>>
      tpu.enqueue_indirect_dma source(%dma_start3A_611 : memref<102400x8xf32, #tpu.memory_space<hbm>>) target(%dma_start3A_605 : memref<128x8xf32, #tpu.memory_space<vmem>>) offsets(%dma_start3A_608 : memref<128xi32, #tpu.memory_space<vmem>>) semaphore(%arg14 : memref<!tpu.dma_semaphore, #tpu.memory_space<semaphore_mem>>)
      %dma_wait3A_612 = arith.constant 20 : i32
      %dma_wait3A_613 = arith.constant 2 : i32
      %dma_wait3A_614 = arith.constant 0 : i32
      %dma_wait3A_615 = arith.constant 0 : i32
      %dma_wait3A_616 = tpu.memref_slice %arg10[%dma_wait3A_613, %dma_wait3A_614, %dma_wait3A_615] : memref<3x128x8xf32, #tpu.memory_space<vmem>> -> memref<1x128x8xf32, #tpu.memory_space<vmem>>
      %dma_wait3A_617 = tpu.memref_squeeze %dma_wait3A_616 : memref<1x128x8xf32, #tpu.memory_space<vmem>> -> memref<128x8xf32, #tpu.memory_space<vmem>>
      %dma_wait3A_618 = arith.constant 0 : i32
      %dma_wait3A_619 = tpu.memref_slice %arg8[%select_n3A_29, %dma_wait3A_612, %dma_wait3A_618] : memref<2x23x128xi32, #tpu.memory_space<vmem>> -> memref<1x1x128xi32, #tpu.memory_space<vmem>>
      %dma_wait3A_620 = tpu.memref_squeeze %dma_wait3A_619 : memref<1x1x128xi32, #tpu.memory_space<vmem>> -> memref<128xi32, #tpu.memory_space<vmem>>
      %dma_wait3A_621 = arith.constant 0 : i32
      %dma_wait3A_622 = arith.constant 0 : i32
      %dma_wait3A_623 = tpu.memref_slice %arg5[%dma_wait3A_621, %dma_wait3A_622] : memref<102400x8xf32, #tpu.memory_space<hbm>> -> memref<102400x8xf32, #tpu.memory_space<hbm>>
      tpu.wait_indirect_dma semaphore(%arg15 : memref<!tpu.dma_semaphore, #tpu.memory_space<semaphore_mem>>) src(%dma_wait3A_623 : memref<102400x8xf32, #tpu.memory_space<hbm>>) dst(%dma_wait3A_617 : memref<128x8xf32, #tpu.memory_space<vmem>>)
      %run_scoped3A_624 = arith.constant 2 : i32
      %run_scoped3A_625 = arith.constant 20 : i32
      "tpu.region"() ({
        %run_scoped3A_654 = tpu.sem_alloc : memref<!tpu.dma_semaphore, #tpu.memory_space<semaphore_mem>>
        %dma_start3A_655 = arith.constant 0 : i32
        %dma_start3A_656 = arith.constant 0 : i32
        %dma_start3A_657 = tpu.memref_slice %arg10[%run_scoped3A_624, %dma_start3A_655, %dma_start3A_656] : memref<3x128x8xf32, #tpu.memory_space<vmem>> -> memref<1x128x8xf32, #tpu.memory_space<vmem>>
        %dma_start3A_658 = tpu.memref_squeeze %dma_start3A_657 : memref<1x128x8xf32, #tpu.memory_space<vmem>> -> memref<128x8xf32, #tpu.memory_space<vmem>>
        %dma_start3A_659 = arith.constant 0 : i32
        %dma_start3A_660 = tpu.memref_slice %arg9[%select_n3A_29, %run_scoped3A_625, %dma_start3A_659] : memref<2x23x128xi32, #tpu.memory_space<vmem>> -> memref<1x1x128xi32, #tpu.memory_space<vmem>>
        %dma_start3A_661 = tpu.memref_squeeze %dma_start3A_660 : memref<1x1x128xi32, #tpu.memory_space<vmem>> -> memref<128xi32, #tpu.memory_space<vmem>>
        %dma_start3A_662 = arith.constant 0 : i32
        %dma_start3A_663 = arith.constant 0 : i32
        %dma_start3A_664 = tpu.memref_slice %arg11[%dma_start3A_662, %dma_start3A_663] : memref<102400x8xf32, #tpu.memory_space<vmem_shared>> -> memref<102400x8xf32, #tpu.memory_space<vmem_shared>>
        tpu.enqueue_indirect_dma source(%dma_start3A_658 : memref<128x8xf32, #tpu.memory_space<vmem>>) target(%dma_start3A_664 : memref<102400x8xf32, #tpu.memory_space<vmem_shared>>) offsets(%dma_start3A_661 : memref<128xi32, #tpu.memory_space<vmem>>) semaphore(%run_scoped3A_654 : memref<!tpu.dma_semaphore, #tpu.memory_space<semaphore_mem>>) {add = true}
        %dma_wait3A_665 = arith.constant 0 : i32
        %dma_wait3A_666 = arith.constant 0 : i32
        %dma_wait3A_667 = tpu.memref_slice %arg10[%run_scoped3A_624, %dma_wait3A_665, %dma_wait3A_666] : memref<3x128x8xf32, #tpu.memory_space<vmem>> -> memref<1x128x8xf32, #tpu.memory_space<vmem>>
        %dma_wait3A_668 = tpu.memref_squeeze %dma_wait3A_667 : memref<1x128x8xf32, #tpu.memory_space<vmem>> -> memref<128x8xf32, #tpu.memory_space<vmem>>
        %dma_wait3A_669 = arith.constant 0 : i32
        %dma_wait3A_670 = tpu.memref_slice %arg9[%select_n3A_29, %run_scoped3A_625, %dma_wait3A_669] : memref<2x23x128xi32, #tpu.memory_space<vmem>> -> memref<1x1x128xi32, #tpu.memory_space<vmem>>
        %dma_wait3A_671 = tpu.memref_squeeze %dma_wait3A_670 : memref<1x1x128xi32, #tpu.memory_space<vmem>> -> memref<128xi32, #tpu.memory_space<vmem>>
        %dma_wait3A_672 = arith.constant 0 : i32
        %dma_wait3A_673 = arith.constant 0 : i32
        %dma_wait3A_674 = tpu.memref_slice %arg11[%dma_wait3A_672, %dma_wait3A_673] : memref<102400x8xf32, #tpu.memory_space<vmem_shared>> -> memref<102400x8xf32, #tpu.memory_space<vmem_shared>>
        tpu.wait_indirect_dma semaphore(%run_scoped3A_654 : memref<!tpu.dma_semaphore, #tpu.memory_space<semaphore_mem>>) src(%dma_wait3A_668 : memref<128x8xf32, #tpu.memory_space<vmem>>) dst(%dma_wait3A_674 : memref<102400x8xf32, #tpu.memory_space<vmem_shared>>)
        tpu.yield
      }) : () -> ()
      %dma_wait3A_626 = arith.constant 21 : i32
      %dma_wait3A_627 = arith.constant 0 : i32
      %dma_wait3A_628 = arith.constant 0 : i32
      %dma_wait3A_629 = arith.constant 0 : i32
      %dma_wait3A_630 = tpu.memref_slice %arg10[%dma_wait3A_627, %dma_wait3A_628, %dma_wait3A_629] : memref<3x128x8xf32, #tpu.memory_space<vmem>> -> memref<1x128x8xf32, #tpu.memory_space<vmem>>
      %dma_wait3A_631 = tpu.memref_squeeze %dma_wait3A_630 : memref<1x128x8xf32, #tpu.memory_space<vmem>> -> memref<128x8xf32, #tpu.memory_space<vmem>>
      %dma_wait3A_632 = arith.constant 0 : i32
      %dma_wait3A_633 = tpu.memref_slice %arg8[%select_n3A_29, %dma_wait3A_626, %dma_wait3A_632] : memref<2x23x128xi32, #tpu.memory_space<vmem>> -> memref<1x1x128xi32, #tpu.memory_space<vmem>>
      %dma_wait3A_634 = tpu.memref_squeeze %dma_wait3A_633 : memref<1x1x128xi32, #tpu.memory_space<vmem>> -> memref<128xi32, #tpu.memory_space<vmem>>
      %dma_wait3A_635 = arith.constant 0 : i32
      %dma_wait3A_636 = arith.constant 0 : i32
      %dma_wait3A_637 = tpu.memref_slice %arg5[%dma_wait3A_635, %dma_wait3A_636] : memref<102400x8xf32, #tpu.memory_space<hbm>> -> memref<102400x8xf32, #tpu.memory_space<hbm>>
      tpu.wait_indirect_dma semaphore(%arg13 : memref<!tpu.dma_semaphore, #tpu.memory_space<semaphore_mem>>) src(%dma_wait3A_637 : memref<102400x8xf32, #tpu.memory_space<hbm>>) dst(%dma_wait3A_631 : memref<128x8xf32, #tpu.memory_space<vmem>>)
      %run_scoped3A_638 = arith.constant 0 : i32
      %run_scoped3A_639 = arith.constant 21 : i32
      "tpu.region"() ({
        %run_scoped3A_654 = tpu.sem_alloc : memref<!tpu.dma_semaphore, #tpu.memory_space<semaphore_mem>>
        %dma_start3A_655 = arith.constant 0 : i32
        %dma_start3A_656 = arith.constant 0 : i32
        %dma_start3A_657 = tpu.memref_slice %arg10[%run_scoped3A_638, %dma_start3A_655, %dma_start3A_656] : memref<3x128x8xf32, #tpu.memory_space<vmem>> -> memref<1x128x8xf32, #tpu.memory_space<vmem>>
        %dma_start3A_658 = tpu.memref_squeeze %dma_start3A_657 : memref<1x128x8xf32, #tpu.memory_space<vmem>> -> memref<128x8xf32, #tpu.memory_space<vmem>>
        %dma_start3A_659 = arith.constant 0 : i32
        %dma_start3A_660 = tpu.memref_slice %arg9[%select_n3A_29, %run_scoped3A_639, %dma_start3A_659] : memref<2x23x128xi32, #tpu.memory_space<vmem>> -> memref<1x1x128xi32, #tpu.memory_space<vmem>>
        %dma_start3A_661 = tpu.memref_squeeze %dma_start3A_660 : memref<1x1x128xi32, #tpu.memory_space<vmem>> -> memref<128xi32, #tpu.memory_space<vmem>>
        %dma_start3A_662 = arith.constant 0 : i32
        %dma_start3A_663 = arith.constant 0 : i32
        %dma_start3A_664 = tpu.memref_slice %arg11[%dma_start3A_662, %dma_start3A_663] : memref<102400x8xf32, #tpu.memory_space<vmem_shared>> -> memref<102400x8xf32, #tpu.memory_space<vmem_shared>>
        tpu.enqueue_indirect_dma source(%dma_start3A_658 : memref<128x8xf32, #tpu.memory_space<vmem>>) target(%dma_start3A_664 : memref<102400x8xf32, #tpu.memory_space<vmem_shared>>) offsets(%dma_start3A_661 : memref<128xi32, #tpu.memory_space<vmem>>) semaphore(%run_scoped3A_654 : memref<!tpu.dma_semaphore, #tpu.memory_space<semaphore_mem>>) {add = true}
        %dma_wait3A_665 = arith.constant 0 : i32
        %dma_wait3A_666 = arith.constant 0 : i32
        %dma_wait3A_667 = tpu.memref_slice %arg10[%run_scoped3A_638, %dma_wait3A_665, %dma_wait3A_666] : memref<3x128x8xf32, #tpu.memory_space<vmem>> -> memref<1x128x8xf32, #tpu.memory_space<vmem>>
        %dma_wait3A_668 = tpu.memref_squeeze %dma_wait3A_667 : memref<1x128x8xf32, #tpu.memory_space<vmem>> -> memref<128x8xf32, #tpu.memory_space<vmem>>
        %dma_wait3A_669 = arith.constant 0 : i32
        %dma_wait3A_670 = tpu.memref_slice %arg9[%select_n3A_29, %run_scoped3A_639, %dma_wait3A_669] : memref<2x23x128xi32, #tpu.memory_space<vmem>> -> memref<1x1x128xi32, #tpu.memory_space<vmem>>
        %dma_wait3A_671 = tpu.memref_squeeze %dma_wait3A_670 : memref<1x1x128xi32, #tpu.memory_space<vmem>> -> memref<128xi32, #tpu.memory_space<vmem>>
        %dma_wait3A_672 = arith.constant 0 : i32
        %dma_wait3A_673 = arith.constant 0 : i32
        %dma_wait3A_674 = tpu.memref_slice %arg11[%dma_wait3A_672, %dma_wait3A_673] : memref<102400x8xf32, #tpu.memory_space<vmem_shared>> -> memref<102400x8xf32, #tpu.memory_space<vmem_shared>>
        tpu.wait_indirect_dma semaphore(%run_scoped3A_654 : memref<!tpu.dma_semaphore, #tpu.memory_space<semaphore_mem>>) src(%dma_wait3A_668 : memref<128x8xf32, #tpu.memory_space<vmem>>) dst(%dma_wait3A_674 : memref<102400x8xf32, #tpu.memory_space<vmem_shared>>)
        tpu.yield
      }) : () -> ()
      %dma_wait3A_640 = arith.constant 22 : i32
      %dma_wait3A_641 = arith.constant 1 : i32
      %dma_wait3A_642 = arith.constant 0 : i32
      %dma_wait3A_643 = arith.constant 0 : i32
      %dma_wait3A_644 = tpu.memref_slice %arg10[%dma_wait3A_641, %dma_wait3A_642, %dma_wait3A_643] : memref<3x128x8xf32, #tpu.memory_space<vmem>> -> memref<1x128x8xf32, #tpu.memory_space<vmem>>
      %dma_wait3A_645 = tpu.memref_squeeze %dma_wait3A_644 : memref<1x128x8xf32, #tpu.memory_space<vmem>> -> memref<128x8xf32, #tpu.memory_space<vmem>>
      %dma_wait3A_646 = arith.constant 0 : i32
      %dma_wait3A_647 = tpu.memref_slice %arg8[%select_n3A_29, %dma_wait3A_640, %dma_wait3A_646] : memref<2x23x128xi32, #tpu.memory_space<vmem>> -> memref<1x1x128xi32, #tpu.memory_space<vmem>>
      %dma_wait3A_648 = tpu.memref_squeeze %dma_wait3A_647 : memref<1x1x128xi32, #tpu.memory_space<vmem>> -> memref<128xi32, #tpu.memory_space<vmem>>
      %dma_wait3A_649 = arith.constant 0 : i32
      %dma_wait3A_650 = arith.constant 0 : i32
      %dma_wait3A_651 = tpu.memref_slice %arg5[%dma_wait3A_649, %dma_wait3A_650] : memref<102400x8xf32, #tpu.memory_space<hbm>> -> memref<102400x8xf32, #tpu.memory_space<hbm>>
      tpu.wait_indirect_dma semaphore(%arg14 : memref<!tpu.dma_semaphore, #tpu.memory_space<semaphore_mem>>) src(%dma_wait3A_651 : memref<102400x8xf32, #tpu.memory_space<hbm>>) dst(%dma_wait3A_645 : memref<128x8xf32, #tpu.memory_space<vmem>>)
      %run_scoped3A_652 = arith.constant 1 : i32
      %run_scoped3A_653 = arith.constant 22 : i32
      "tpu.region"() ({
        %run_scoped3A_654 = tpu.sem_alloc : memref<!tpu.dma_semaphore, #tpu.memory_space<semaphore_mem>>
        %dma_start3A_655 = arith.constant 0 : i32
        %dma_start3A_656 = arith.constant 0 : i32
        %dma_start3A_657 = tpu.memref_slice %arg10[%run_scoped3A_652, %dma_start3A_655, %dma_start3A_656] : memref<3x128x8xf32, #tpu.memory_space<vmem>> -> memref<1x128x8xf32, #tpu.memory_space<vmem>>
        %dma_start3A_658 = tpu.memref_squeeze %dma_start3A_657 : memref<1x128x8xf32, #tpu.memory_space<vmem>> -> memref<128x8xf32, #tpu.memory_space<vmem>>
        %dma_start3A_659 = arith.constant 0 : i32
        %dma_start3A_660 = tpu.memref_slice %arg9[%select_n3A_29, %run_scoped3A_653, %dma_start3A_659] : memref<2x23x128xi32, #tpu.memory_space<vmem>> -> memref<1x1x128xi32, #tpu.memory_space<vmem>>
        %dma_start3A_661 = tpu.memref_squeeze %dma_start3A_660 : memref<1x1x128xi32, #tpu.memory_space<vmem>> -> memref<128xi32, #tpu.memory_space<vmem>>
        %dma_start3A_662 = arith.constant 0 : i32
        %dma_start3A_663 = arith.constant 0 : i32
        %dma_start3A_664 = tpu.memref_slice %arg11[%dma_start3A_662, %dma_start3A_663] : memref<102400x8xf32, #tpu.memory_space<vmem_shared>> -> memref<102400x8xf32, #tpu.memory_space<vmem_shared>>
        tpu.enqueue_indirect_dma source(%dma_start3A_658 : memref<128x8xf32, #tpu.memory_space<vmem>>) target(%dma_start3A_664 : memref<102400x8xf32, #tpu.memory_space<vmem_shared>>) offsets(%dma_start3A_661 : memref<128xi32, #tpu.memory_space<vmem>>) semaphore(%run_scoped3A_654 : memref<!tpu.dma_semaphore, #tpu.memory_space<semaphore_mem>>) {add = true}
        %dma_wait3A_665 = arith.constant 0 : i32
        %dma_wait3A_666 = arith.constant 0 : i32
        %dma_wait3A_667 = tpu.memref_slice %arg10[%run_scoped3A_652, %dma_wait3A_665, %dma_wait3A_666] : memref<3x128x8xf32, #tpu.memory_space<vmem>> -> memref<1x128x8xf32, #tpu.memory_space<vmem>>
        %dma_wait3A_668 = tpu.memref_squeeze %dma_wait3A_667 : memref<1x128x8xf32, #tpu.memory_space<vmem>> -> memref<128x8xf32, #tpu.memory_space<vmem>>
        %dma_wait3A_669 = arith.constant 0 : i32
        %dma_wait3A_670 = tpu.memref_slice %arg9[%select_n3A_29, %run_scoped3A_653, %dma_wait3A_669] : memref<2x23x128xi32, #tpu.memory_space<vmem>> -> memref<1x1x128xi32, #tpu.memory_space<vmem>>
        %dma_wait3A_671 = tpu.memref_squeeze %dma_wait3A_670 : memref<1x1x128xi32, #tpu.memory_space<vmem>> -> memref<128xi32, #tpu.memory_space<vmem>>
        %dma_wait3A_672 = arith.constant 0 : i32
        %dma_wait3A_673 = arith.constant 0 : i32
        %dma_wait3A_674 = tpu.memref_slice %arg11[%dma_wait3A_672, %dma_wait3A_673] : memref<102400x8xf32, #tpu.memory_space<vmem_shared>> -> memref<102400x8xf32, #tpu.memory_space<vmem_shared>>
        tpu.wait_indirect_dma semaphore(%run_scoped3A_654 : memref<!tpu.dma_semaphore, #tpu.memory_space<semaphore_mem>>) src(%dma_wait3A_668 : memref<128x8xf32, #tpu.memory_space<vmem>>) dst(%dma_wait3A_674 : memref<102400x8xf32, #tpu.memory_space<vmem_shared>>)
        tpu.yield
      }) : () -> ()
    }
    %scan3A_16 = arith.constant 17 : i32
    %barrier3A_17 = arith.constant 0 : index
    tpu.barrier barrier_id(%barrier3A_17)
    "tpu.region"() ({
      %run_scoped3A = tpu.sem_alloc : memref<!tpu.dma_semaphore, #tpu.memory_space<semaphore_mem>>
      %dma_start3A = arith.constant 0 : i32
      %dma_start3A_18 = tpu.memref_slice %arg7[%arg0, %mul3A_2, %dma_start3A] : memref<2x102400x8xf32, #tpu.memory_space<hbm>> -> memref<1x6400x8xf32, #tpu.memory_space<hbm>>
      %dma_start3A_19 = tpu.memref_squeeze %dma_start3A_18 : memref<1x6400x8xf32, #tpu.memory_space<hbm>> -> memref<6400x8xf32, #tpu.memory_space<hbm>>
      %dma_start3A_20 = arith.constant 0 : i32
      %dma_start3A_21 = tpu.memref_slice %arg11[%mul3A_2, %dma_start3A_20] : memref<102400x8xf32, #tpu.memory_space<vmem_shared>> -> memref<6400x8xf32, #tpu.memory_space<vmem_shared>>
      tpu.enqueue_dma source(%dma_start3A_21 : memref<6400x8xf32, #tpu.memory_space<vmem_shared>>) target(%dma_start3A_19 : memref<6400x8xf32, #tpu.memory_space<hbm>>) target_semaphore(%run_scoped3A : memref<!tpu.dma_semaphore, #tpu.memory_space<semaphore_mem>>)
      %dma_wait3A = arith.constant 0 : i32
      %dma_wait3A_22 = tpu.memref_slice %arg7[%arg0, %mul3A_2, %dma_wait3A] : memref<2x102400x8xf32, #tpu.memory_space<hbm>> -> memref<1x6400x8xf32, #tpu.memory_space<hbm>>
      %dma_wait3A_23 = tpu.memref_squeeze %dma_wait3A_22 : memref<1x6400x8xf32, #tpu.memory_space<hbm>> -> memref<6400x8xf32, #tpu.memory_space<hbm>>
      %dma_wait3A_24 = arith.constant 0 : i32
      %dma_wait3A_25 = tpu.memref_slice %arg11[%mul3A_2, %dma_wait3A_24] : memref<102400x8xf32, #tpu.memory_space<vmem_shared>> -> memref<6400x8xf32, #tpu.memory_space<vmem_shared>>
      tpu.wait_dma2 semaphore(%run_scoped3A : memref<!tpu.dma_semaphore, #tpu.memory_space<semaphore_mem>>) src(%dma_wait3A_25 : memref<6400x8xf32, #tpu.memory_space<vmem_shared>>) dst(%dma_wait3A_23 : memref<6400x8xf32, #tpu.memory_space<hbm>>)
      tpu.yield
    }) : () -> ()
    return
  }
}

#map = affine_map<(d0, d1) -> (0, 0)>
#map1 = affine_map<(d0, d1) -> (0, 0, 0)>
module attributes {stable_mosaic.version = 14 : i64} {
  func.func @sc_agg(%arg0: i32, %arg1: i32, %arg2: memref<12512x128xi32, #tpu.memory_space<hbm>>, %arg3: memref<12512x128xi32, #tpu.memory_space<hbm>>, %arg4: memref<2x23x128xi32, #tpu.memory_space<hbm>>, %arg5: memref<102400x8xf32, #tpu.memory_space<hbm>>, %arg6: memref<102400x8xf32, #tpu.memory_space<hbm>>, %arg7: memref<2x102400x8xf32, #tpu.memory_space<hbm>>, %arg8: memref<2x23x128xi32, #tpu.memory_space<vmem>>, %arg9: memref<2x23x128xi32, #tpu.memory_space<vmem>>, %arg10: memref<3x128x8xf32, #tpu.memory_space<vmem>>, %arg11: memref<102400x8xf32, #tpu.memory_space<vmem_shared>>, %arg12: memref<!tpu.dma_semaphore, #tpu.memory_space<semaphore_mem>>, %arg13: memref<!tpu.dma_semaphore, #tpu.memory_space<semaphore_mem>>, %arg14: memref<!tpu.dma_semaphore, #tpu.memory_space<semaphore_mem>>, %arg15: memref<!tpu.dma_semaphore, #tpu.memory_space<semaphore_mem>>) attributes {dimension_semantics = [#tpu.dimension_semantics<core_parallel>, #tpu.dimension_semantics<subcore_parallel>], iteration_bounds = array<i64: 2, 16>, scalar_prefetch = 0 : i64, scratch_operands = 8 : i64, tpu.core_type = #tpu.core_type<sc_vector_subcore>, window_params = [{transform_indices = #map}, {transform_indices = #map}, {transform_indices = #map1}, {transform_indices = #map}, {transform_indices = #map}, {transform_indices = #map1}]} {
    %mul3A = arith.constant 16 : i32
    %mul3A_0 = arith.muli %arg0, %mul3A : i32
    %add3A = arith.addi %mul3A_0, %arg1 : i32
    %mul3A_1 = arith.constant 6400 : i32
    %mul3A_2 = arith.muli %arg1, %mul3A_1 : i32
    "tpu.region"() ({
      %run_scoped3A = tpu.sem_alloc : memref<!tpu.dma_semaphore, #tpu.memory_space<semaphore_mem>>
      %dma_start3A = arith.constant 0 : i32
      %dma_start3A_18 = tpu.memref_slice %arg11[%mul3A_2, %dma_start3A] : memref<102400x8xf32, #tpu.memory_space<vmem_shared>> -> memref<6400x8xf32, #tpu.memory_space<vmem_shared>>
      %dma_start3A_19 = arith.constant 0 : i32
      %dma_start3A_20 = tpu.memref_slice %arg6[%mul3A_2, %dma_start3A_19] : memref<102400x8xf32, #tpu.memory_space<hbm>> -> memref<6400x8xf32, #tpu.memory_space<hbm>>
      tpu.enqueue_dma source(%dma_start3A_20 : memref<6400x8xf32, #tpu.memory_space<hbm>>) target(%dma_start3A_18 : memref<6400x8xf32, #tpu.memory_space<vmem_shared>>) target_semaphore(%run_scoped3A : memref<!tpu.dma_semaphore, #tpu.memory_space<semaphore_mem>>)
      %dma_wait3A = arith.constant 0 : i32
      %dma_wait3A_21 = tpu.memref_slice %arg11[%mul3A_2, %dma_wait3A] : memref<102400x8xf32, #tpu.memory_space<vmem_shared>> -> memref<6400x8xf32, #tpu.memory_space<vmem_shared>>
      %dma_wait3A_22 = arith.constant 0 : i32
      %dma_wait3A_23 = tpu.memref_slice %arg6[%mul3A_2, %dma_wait3A_22] : memref<102400x8xf32, #tpu.memory_space<hbm>> -> memref<6400x8xf32, #tpu.memory_space<hbm>>
      tpu.wait_dma2 semaphore(%run_scoped3A : memref<!tpu.dma_semaphore, #tpu.memory_space<semaphore_mem>>) src(%dma_wait3A_23 : memref<6400x8xf32, #tpu.memory_space<hbm>>) dst(%dma_wait3A_21 : memref<6400x8xf32, #tpu.memory_space<vmem_shared>>)
      tpu.yield
    }) : () -> ()
    %barrier3A = arith.constant 0 : index
    tpu.barrier barrier_id(%barrier3A)
    %mul3A_3 = arith.constant 391 : i32
    %mul3A_4 = arith.muli %add3A, %mul3A_3 : i32
    %eq3A = arith.constant 31 : i32
    %eq3A_5 = arith.cmpi eq, %add3A, %eq3A : i32
    %and3A = arith.constant false
    %and3A_6 = arith.andi %eq3A_5, %and3A : i1
    %not3A = arith.constant true
    %not3A_7 = arith.xori %and3A_6, %not3A : i1
    %convert_element_type3A = arith.extui %not3A_7 : i1 to i32
    %cond3A = arith.constant 0 : i32
    %cond3A_8 = arith.cmpi ne, %convert_element_type3A, %cond3A : i32
    scf.if %cond3A_8 {
      %add3A_18 = arith.constant 0 : i32
      %add3A_19 = arith.addi %mul3A_4, %add3A_18 : i32
      %dma_start3A = arith.constant 0 : i32
      %dma_start3A_20 = arith.constant 0 : i32
      %dma_start3A_21 = arith.constant 0 : i32
      %dma_start3A_22 = tpu.memref_slice %arg8[%dma_start3A, %dma_start3A_20, %dma_start3A_21] : memref<2x23x128xi32, #tpu.memory_space<vmem>> -> memref<1x23x128xi32, #tpu.memory_space<vmem>>
      %dma_start3A_23 = tpu.memref_squeeze %dma_start3A_22 : memref<1x23x128xi32, #tpu.memory_space<vmem>> -> memref<23x128xi32, #tpu.memory_space<vmem>>
      %dma_start3A_24 = arith.constant 0 : i32
      %dma_start3A_25 = tpu.memref_slice %arg2[%add3A_19, %dma_start3A_24] : memref<12512x128xi32, #tpu.memory_space<hbm>> -> memref<23x128xi32, #tpu.memory_space<hbm>>
      %dma_start3A_26 = arith.constant 0 : i32
      %dma_start3A_27 = arith.constant 0 : i32
      %dma_start3A_28 = tpu.memref_slice %arg8[%dma_start3A, %dma_start3A_26, %dma_start3A_27] : memref<2x23x128xi32, #tpu.memory_space<vmem>> -> memref<1x23x128xi32, #tpu.memory_space<vmem>>
      %dma_start3A_29 = tpu.memref_squeeze %dma_start3A_28 : memref<1x23x128xi32, #tpu.memory_space<vmem>> -> memref<23x128xi32, #tpu.memory_space<vmem>>
      %dma_start3A_30 = arith.constant 0 : i32
      %dma_start3A_31 = tpu.memref_slice %arg2[%add3A_19, %dma_start3A_30] : memref<12512x128xi32, #tpu.memory_space<hbm>> -> memref<23x128xi32, #tpu.memory_space<hbm>>
      tpu.enqueue_dma source(%dma_start3A_31 : memref<23x128xi32, #tpu.memory_space<hbm>>) target(%dma_start3A_29 : memref<23x128xi32, #tpu.memory_space<vmem>>) target_semaphore(%arg12 : memref<!tpu.dma_semaphore, #tpu.memory_space<semaphore_mem>>)
      %dma_start3A_32 = arith.constant 0 : i32
      %dma_start3A_33 = arith.constant 0 : i32
      %dma_start3A_34 = arith.constant 0 : i32
      %dma_start3A_35 = tpu.memref_slice %arg9[%dma_start3A_32, %dma_start3A_33, %dma_start3A_34] : memref<2x23x128xi32, #tpu.memory_space<vmem>> -> memref<1x23x128xi32, #tpu.memory_space<vmem>>
      %dma_start3A_36 = tpu.memref_squeeze %dma_start3A_35 : memref<1x23x128xi32, #tpu.memory_space<vmem>> -> memref<23x128xi32, #tpu.memory_space<vmem>>
      %dma_start3A_37 = arith.constant 0 : i32
      %dma_start3A_38 = tpu.memref_slice %arg3[%add3A_19, %dma_start3A_37] : memref<12512x128xi32, #tpu.memory_space<hbm>> -> memref<23x128xi32, #tpu.memory_space<hbm>>
      %dma_start3A_39 = arith.constant 0 : i32
      %dma_start3A_40 = arith.constant 0 : i32
      %dma_start3A_41 = tpu.memref_slice %arg9[%dma_start3A_32, %dma_start3A_39, %dma_start3A_40] : memref<2x23x128xi32, #tpu.memory_space<vmem>> -> memref<1x23x128xi32, #tpu.memory_space<vmem>>
      %dma_start3A_42 = tpu.memref_squeeze %dma_start3A_41 : memref<1x23x128xi32, #tpu.memory_space<vmem>> -> memref<23x128xi32, #tpu.memory_space<vmem>>
      %dma_start3A_43 = arith.constant 0 : i32
      %dma_start3A_44 = tpu.memref_slice %arg3[%add3A_19, %dma_start3A_43] : memref<12512x128xi32, #tpu.memory_space<hbm>> -> memref<23x128xi32, #tpu.memory_space<hbm>>
      tpu.enqueue_dma source(%dma_start3A_44 : memref<23x128xi32, #tpu.memory_space<hbm>>) target(%dma_start3A_42 : memref<23x128xi32, #tpu.memory_space<vmem>>) target_semaphore(%arg12 : memref<!tpu.dma_semaphore, #tpu.memory_space<semaphore_mem>>)
    } else {
    }
    %convert_element_type3A_9 = arith.extui %and3A_6 : i1 to i32
    %cond3A_10 = arith.constant 0 : i32
    %cond3A_11 = arith.cmpi ne, %convert_element_type3A_9, %cond3A_10 : i32
    scf.if %cond3A_11 {
      %dma_start3A = arith.constant 0 : i32
      %dma_start3A_18 = arith.constant 0 : i32
      %dma_start3A_19 = arith.constant 0 : i32
      %dma_start3A_20 = arith.constant 0 : i32
      %dma_start3A_21 = tpu.memref_slice %arg8[%dma_start3A_18, %dma_start3A_19, %dma_start3A_20] : memref<2x23x128xi32, #tpu.memory_space<vmem>> -> memref<1x23x128xi32, #tpu.memory_space<vmem>>
      %dma_start3A_22 = tpu.memref_squeeze %dma_start3A_21 : memref<1x23x128xi32, #tpu.memory_space<vmem>> -> memref<23x128xi32, #tpu.memory_space<vmem>>
      %dma_start3A_23 = arith.constant 0 : i32
      %dma_start3A_24 = arith.constant 0 : i32
      %dma_start3A_25 = tpu.memref_slice %arg4[%dma_start3A, %dma_start3A_23, %dma_start3A_24] : memref<2x23x128xi32, #tpu.memory_space<hbm>> -> memref<1x23x128xi32, #tpu.memory_space<hbm>>
      %dma_start3A_26 = tpu.memref_squeeze %dma_start3A_25 : memref<1x23x128xi32, #tpu.memory_space<hbm>> -> memref<23x128xi32, #tpu.memory_space<hbm>>
      %dma_start3A_27 = arith.constant 0 : i32
      %dma_start3A_28 = arith.constant 0 : i32
      %dma_start3A_29 = tpu.memref_slice %arg8[%dma_start3A_18, %dma_start3A_27, %dma_start3A_28] : memref<2x23x128xi32, #tpu.memory_space<vmem>> -> memref<1x23x128xi32, #tpu.memory_space<vmem>>
      %dma_start3A_30 = tpu.memref_squeeze %dma_start3A_29 : memref<1x23x128xi32, #tpu.memory_space<vmem>> -> memref<23x128xi32, #tpu.memory_space<vmem>>
      %dma_start3A_31 = arith.constant 0 : i32
      %dma_start3A_32 = arith.constant 0 : i32
      %dma_start3A_33 = tpu.memref_slice %arg4[%dma_start3A, %dma_start3A_31, %dma_start3A_32] : memref<2x23x128xi32, #tpu.memory_space<hbm>> -> memref<1x23x128xi32, #tpu.memory_space<hbm>>
      %dma_start3A_34 = tpu.memref_squeeze %dma_start3A_33 : memref<1x23x128xi32, #tpu.memory_space<hbm>> -> memref<23x128xi32, #tpu.memory_space<hbm>>
      tpu.enqueue_dma source(%dma_start3A_34 : memref<23x128xi32, #tpu.memory_space<hbm>>) target(%dma_start3A_30 : memref<23x128xi32, #tpu.memory_space<vmem>>) target_semaphore(%arg12 : memref<!tpu.dma_semaphore, #tpu.memory_space<semaphore_mem>>)
      %dma_start3A_35 = arith.constant 1 : i32
      %dma_start3A_36 = arith.constant 0 : i32
      %dma_start3A_37 = arith.constant 0 : i32
      %dma_start3A_38 = arith.constant 0 : i32
      %dma_start3A_39 = tpu.memref_slice %arg9[%dma_start3A_36, %dma_start3A_37, %dma_start3A_38] : memref<2x23x128xi32, #tpu.memory_space<vmem>> -> memref<1x23x128xi32, #tpu.memory_space<vmem>>
      %dma_start3A_40 = tpu.memref_squeeze %dma_start3A_39 : memref<1x23x128xi32, #tpu.memory_space<vmem>> -> memref<23x128xi32, #tpu.memory_space<vmem>>
      %dma_start3A_41 = arith.constant 0 : i32
      %dma_start3A_42 = arith.constant 0 : i32
      %dma_start3A_43 = tpu.memref_slice %arg4[%dma_start3A_35, %dma_start3A_41, %dma_start3A_42] : memref<2x23x128xi32, #tpu.memory_space<hbm>> -> memref<1x23x128xi32, #tpu.memory_space<hbm>>
      %dma_start3A_44 = tpu.memref_squeeze %dma_start3A_43 : memref<1x23x128xi32, #tpu.memory_space<hbm>> -> memref<23x128xi32, #tpu.memory_space<hbm>>
      %dma_start3A_45 = arith.constant 0 : i32
      %dma_start3A_46 = arith.constant 0 : i32
      %dma_start3A_47 = tpu.memref_slice %arg9[%dma_start3A_36, %dma_start3A_45, %dma_start3A_46] : memref<2x23x128xi32, #tpu.memory_space<vmem>> -> memref<1x23x128xi32, #tpu.memory_space<vmem>>
      %dma_start3A_48 = tpu.memref_squeeze %dma_start3A_47 : memref<1x23x128xi32, #tpu.memory_space<vmem>> -> memref<23x128xi32, #tpu.memory_space<vmem>>
      %dma_start3A_49 = arith.constant 0 : i32
      %dma_start3A_50 = arith.constant 0 : i32
      %dma_start3A_51 = tpu.memref_slice %arg4[%dma_start3A_35, %dma_start3A_49, %dma_start3A_50] : memref<2x23x128xi32, #tpu.memory_space<hbm>> -> memref<1x23x128xi32, #tpu.memory_space<hbm>>
      %dma_start3A_52 = tpu.memref_squeeze %dma_start3A_51 : memref<1x23x128xi32, #tpu.memory_space<hbm>> -> memref<23x128xi32, #tpu.memory_space<hbm>>
      tpu.enqueue_dma source(%dma_start3A_52 : memref<23x128xi32, #tpu.memory_space<hbm>>) target(%dma_start3A_48 : memref<23x128xi32, #tpu.memory_space<vmem>>) target_semaphore(%arg12 : memref<!tpu.dma_semaphore, #tpu.memory_space<semaphore_mem>>)
    } else {
    }
    %scan3A = arith.constant 0 : i32
    %scan3A_12 = arith.constant 0 : i32
    %scan3A_13 = arith.constant 17 : i32
    %scan3A_14 = arith.addi %scan3A_12, %scan3A_13 : i32
    %scan3A_15 = arith.constant 1 : i32
    scf.for %scan3A_18 = %scan3A_12 to %scan3A_14 step %scan3A_15  : i32 {
      %jit3A = arith.constant 2 : i32
      %eq3A_19 = arith.constant 0 : i32
      %eq3A_20 = arith.cmpi eq, %jit3A, %eq3A_19 : i32
      %jit3A_21 = arith.constant 1 : i32
      %select_n3A = arith.select %eq3A_20, %jit3A_21, %jit3A : i32
      %rem3A = arith.remsi %scan3A_18, %select_n3A : i32
      %ne3A = arith.constant 0 : i32
      %ne3A_22 = arith.cmpi ne, %rem3A, %ne3A : i32
      %lt3A = arith.constant 0 : i32
      %lt3A_23 = arith.cmpi slt, %rem3A, %lt3A : i32
      %lt3A_24 = arith.constant 0 : i32
      %lt3A_25 = arith.cmpi slt, %select_n3A, %lt3A_24 : i32
      %ne3A_26 = arith.xori %lt3A_23, %lt3A_25 : i1
      %and3A_27 = arith.andi %ne3A_26, %ne3A_22 : i1
      %add3A_28 = arith.addi %rem3A, %select_n3A : i32
      %select_n3A_29 = arith.select %and3A_27, %add3A_28, %rem3A : i32
      %dma_wait3A = arith.constant 0 : i32
      %dma_wait3A_30 = arith.constant 0 : i32
      %dma_wait3A_31 = tpu.memref_slice %arg8[%select_n3A_29, %dma_wait3A, %dma_wait3A_30] : memref<2x23x128xi32, #tpu.memory_space<vmem>> -> memref<1x23x128xi32, #tpu.memory_space<vmem>>
      %dma_wait3A_32 = tpu.memref_squeeze %dma_wait3A_31 : memref<1x23x128xi32, #tpu.memory_space<vmem>> -> memref<23x128xi32, #tpu.memory_space<vmem>>
      %dma_wait3A_33 = arith.constant 0 : i32
      %dma_wait3A_34 = tpu.memref_slice %arg2[%mul3A_4, %dma_wait3A_33] : memref<12512x128xi32, #tpu.memory_space<hbm>> -> memref<23x128xi32, #tpu.memory_space<hbm>>
      %dma_wait3A_35 = arith.constant 0 : i32
      %dma_wait3A_36 = arith.constant 0 : i32
      %dma_wait3A_37 = tpu.memref_slice %arg8[%select_n3A_29, %dma_wait3A_35, %dma_wait3A_36] : memref<2x23x128xi32, #tpu.memory_space<vmem>> -> memref<1x23x128xi32, #tpu.memory_space<vmem>>
      %dma_wait3A_38 = tpu.memref_squeeze %dma_wait3A_37 : memref<1x23x128xi32, #tpu.memory_space<vmem>> -> memref<23x128xi32, #tpu.memory_space<vmem>>
      %dma_wait3A_39 = arith.constant 0 : i32
      %dma_wait3A_40 = tpu.memref_slice %arg2[%mul3A_4, %dma_wait3A_39] : memref<12512x128xi32, #tpu.memory_space<hbm>> -> memref<23x128xi32, #tpu.memory_space<hbm>>
      tpu.wait_dma2 semaphore(%arg12 : memref<!tpu.dma_semaphore, #tpu.memory_space<semaphore_mem>>) src(%dma_wait3A_40 : memref<23x128xi32, #tpu.memory_space<hbm>>) dst(%dma_wait3A_38 : memref<23x128xi32, #tpu.memory_space<vmem>>)
      %dma_wait3A_41 = arith.constant 0 : i32
      %dma_wait3A_42 = arith.constant 0 : i32
      %dma_wait3A_43 = tpu.memref_slice %arg9[%select_n3A_29, %dma_wait3A_41, %dma_wait3A_42] : memref<2x23x128xi32, #tpu.memory_space<vmem>> -> memref<1x23x128xi32, #tpu.memory_space<vmem>>
      %dma_wait3A_44 = tpu.memref_squeeze %dma_wait3A_43 : memref<1x23x128xi32, #tpu.memory_space<vmem>> -> memref<23x128xi32, #tpu.memory_space<vmem>>
      %dma_wait3A_45 = arith.constant 0 : i32
      %dma_wait3A_46 = tpu.memref_slice %arg3[%mul3A_4, %dma_wait3A_45] : memref<12512x128xi32, #tpu.memory_space<hbm>> -> memref<23x128xi32, #tpu.memory_space<hbm>>
      %dma_wait3A_47 = arith.constant 0 : i32
      %dma_wait3A_48 = arith.constant 0 : i32
      %dma_wait3A_49 = tpu.memref_slice %arg9[%select_n3A_29, %dma_wait3A_47, %dma_wait3A_48] : memref<2x23x128xi32, #tpu.memory_space<vmem>> -> memref<1x23x128xi32, #tpu.memory_space<vmem>>
      %dma_wait3A_50 = tpu.memref_squeeze %dma_wait3A_49 : memref<1x23x128xi32, #tpu.memory_space<vmem>> -> memref<23x128xi32, #tpu.memory_space<vmem>>
      %dma_wait3A_51 = arith.constant 0 : i32
      %dma_wait3A_52 = tpu.memref_slice %arg3[%mul3A_4, %dma_wait3A_51] : memref<12512x128xi32, #tpu.memory_space<hbm>> -> memref<23x128xi32, #tpu.memory_space<hbm>>
      tpu.wait_dma2 semaphore(%arg12 : memref<!tpu.dma_semaphore, #tpu.memory_space<semaphore_mem>>) src(%dma_wait3A_52 : memref<23x128xi32, #tpu.memory_space<hbm>>) dst(%dma_wait3A_50 : memref<23x128xi32, #tpu.memory_space<vmem>>)
      %lt3A_53 = arith.constant 16 : i32
      %lt3A_54 = arith.cmpi slt, %scan3A_18, %lt3A_53 : i32
      %convert_element_type3A_55 = arith.extui %lt3A_54 : i1 to i32
      %cond3A_56 = arith.constant 0 : i32
      %cond3A_57 = arith.cmpi ne, %convert_element_type3A_55, %cond3A_56 : i32
      scf.if %cond3A_57 {
        %add3A_654 = arith.constant 1 : i32
        %add3A_655 = arith.addi %scan3A_18, %add3A_654 : i32
        %sub3A = arith.constant 1 : i32
        %sub3A_656 = arith.subi %sub3A, %select_n3A_29 : i32
        %eq3A_657 = arith.constant 31 : i32
        %eq3A_658 = arith.cmpi eq, %add3A, %eq3A_657 : i32
        %eq3A_659 = arith.constant 16 : i32
        %eq3A_660 = arith.cmpi eq, %add3A_655, %eq3A_659 : i32
        %and3A_661 = arith.andi %eq3A_658, %eq3A_660 : i1
        %not3A_662 = arith.constant true
        %not3A_663 = arith.xori %and3A_661, %not3A_662 : i1
        %convert_element_type3A_664 = arith.extui %not3A_663 : i1 to i32
        %cond3A_665 = arith.constant 0 : i32
        %cond3A_666 = arith.cmpi ne, %convert_element_type3A_664, %cond3A_665 : i32
        scf.if %cond3A_666 {
          %mul3A_670 = arith.constant 23 : i32
          %mul3A_671 = arith.muli %add3A_655, %mul3A_670 : i32
          %add3A_672 = arith.addi %mul3A_4, %mul3A_671 : i32
          %dma_start3A_673 = arith.constant 0 : i32
          %dma_start3A_674 = arith.constant 0 : i32
          %dma_start3A_675 = tpu.memref_slice %arg8[%sub3A_656, %dma_start3A_673, %dma_start3A_674] : memref<2x23x128xi32, #tpu.memory_space<vmem>> -> memref<1x23x128xi32, #tpu.memory_space<vmem>>
          %dma_start3A_676 = tpu.memref_squeeze %dma_start3A_675 : memref<1x23x128xi32, #tpu.memory_space<vmem>> -> memref<23x128xi32, #tpu.memory_space<vmem>>
          %dma_start3A_677 = arith.constant 0 : i32
          %dma_start3A_678 = tpu.memref_slice %arg2[%add3A_672, %dma_start3A_677] : memref<12512x128xi32, #tpu.memory_space<hbm>> -> memref<23x128xi32, #tpu.memory_space<hbm>>
          %dma_start3A_679 = arith.constant 0 : i32
          %dma_start3A_680 = arith.constant 0 : i32
          %dma_start3A_681 = tpu.memref_slice %arg8[%sub3A_656, %dma_start3A_679, %dma_start3A_680] : memref<2x23x128xi32, #tpu.memory_space<vmem>> -> memref<1x23x128xi32, #tpu.memory_space<vmem>>
          %dma_start3A_682 = tpu.memref_squeeze %dma_start3A_681 : memref<1x23x128xi32, #tpu.memory_space<vmem>> -> memref<23x128xi32, #tpu.memory_space<vmem>>
          %dma_start3A_683 = arith.constant 0 : i32
          %dma_start3A_684 = tpu.memref_slice %arg2[%add3A_672, %dma_start3A_683] : memref<12512x128xi32, #tpu.memory_space<hbm>> -> memref<23x128xi32, #tpu.memory_space<hbm>>
          tpu.enqueue_dma source(%dma_start3A_684 : memref<23x128xi32, #tpu.memory_space<hbm>>) target(%dma_start3A_682 : memref<23x128xi32, #tpu.memory_space<vmem>>) target_semaphore(%arg12 : memref<!tpu.dma_semaphore, #tpu.memory_space<semaphore_mem>>)
          %dma_start3A_685 = arith.constant 0 : i32
          %dma_start3A_686 = arith.constant 0 : i32
          %dma_start3A_687 = tpu.memref_slice %arg9[%sub3A_656, %dma_start3A_685, %dma_start3A_686] : memref<2x23x128xi32, #tpu.memory_space<vmem>> -> memref<1x23x128xi32, #tpu.memory_space<vmem>>
          %dma_start3A_688 = tpu.memref_squeeze %dma_start3A_687 : memref<1x23x128xi32, #tpu.memory_space<vmem>> -> memref<23x128xi32, #tpu.memory_space<vmem>>
          %dma_start3A_689 = arith.constant 0 : i32
          %dma_start3A_690 = tpu.memref_slice %arg3[%add3A_672, %dma_start3A_689] : memref<12512x128xi32, #tpu.memory_space<hbm>> -> memref<23x128xi32, #tpu.memory_space<hbm>>
          %dma_start3A_691 = arith.constant 0 : i32
          %dma_start3A_692 = arith.constant 0 : i32
          %dma_start3A_693 = tpu.memref_slice %arg9[%sub3A_656, %dma_start3A_691, %dma_start3A_692] : memref<2x23x128xi32, #tpu.memory_space<vmem>> -> memref<1x23x128xi32, #tpu.memory_space<vmem>>
          %dma_start3A_694 = tpu.memref_squeeze %dma_start3A_693 : memref<1x23x128xi32, #tpu.memory_space<vmem>> -> memref<23x128xi32, #tpu.memory_space<vmem>>
          %dma_start3A_695 = arith.constant 0 : i32
          %dma_start3A_696 = tpu.memref_slice %arg3[%add3A_672, %dma_start3A_695] : memref<12512x128xi32, #tpu.memory_space<hbm>> -> memref<23x128xi32, #tpu.memory_space<hbm>>
          tpu.enqueue_dma source(%dma_start3A_696 : memref<23x128xi32, #tpu.memory_space<hbm>>) target(%dma_start3A_694 : memref<23x128xi32, #tpu.memory_space<vmem>>) target_semaphore(%arg12 : memref<!tpu.dma_semaphore, #tpu.memory_space<semaphore_mem>>)
        } else {
        }
        %convert_element_type3A_667 = arith.extui %and3A_661 : i1 to i32
        %cond3A_668 = arith.constant 0 : i32
        %cond3A_669 = arith.cmpi ne, %convert_element_type3A_667, %cond3A_668 : i32
        scf.if %cond3A_669 {
          %dma_start3A_670 = arith.constant 0 : i32
          %dma_start3A_671 = arith.constant 0 : i32
          %dma_start3A_672 = arith.constant 0 : i32
          %dma_start3A_673 = tpu.memref_slice %arg8[%sub3A_656, %dma_start3A_671, %dma_start3A_672] : memref<2x23x128xi32, #tpu.memory_space<vmem>> -> memref<1x23x128xi32, #tpu.memory_space<vmem>>
          %dma_start3A_674 = tpu.memref_squeeze %dma_start3A_673 : memref<1x23x128xi32, #tpu.memory_space<vmem>> -> memref<23x128xi32, #tpu.memory_space<vmem>>
          %dma_start3A_675 = arith.constant 0 : i32
          %dma_start3A_676 = arith.constant 0 : i32
          %dma_start3A_677 = tpu.memref_slice %arg4[%dma_start3A_670, %dma_start3A_675, %dma_start3A_676] : memref<2x23x128xi32, #tpu.memory_space<hbm>> -> memref<1x23x128xi32, #tpu.memory_space<hbm>>
          %dma_start3A_678 = tpu.memref_squeeze %dma_start3A_677 : memref<1x23x128xi32, #tpu.memory_space<hbm>> -> memref<23x128xi32, #tpu.memory_space<hbm>>
          %dma_start3A_679 = arith.constant 0 : i32
          %dma_start3A_680 = arith.constant 0 : i32
          %dma_start3A_681 = tpu.memref_slice %arg8[%sub3A_656, %dma_start3A_679, %dma_start3A_680] : memref<2x23x128xi32, #tpu.memory_space<vmem>> -> memref<1x23x128xi32, #tpu.memory_space<vmem>>
          %dma_start3A_682 = tpu.memref_squeeze %dma_start3A_681 : memref<1x23x128xi32, #tpu.memory_space<vmem>> -> memref<23x128xi32, #tpu.memory_space<vmem>>
          %dma_start3A_683 = arith.constant 0 : i32
          %dma_start3A_684 = arith.constant 0 : i32
          %dma_start3A_685 = tpu.memref_slice %arg4[%dma_start3A_670, %dma_start3A_683, %dma_start3A_684] : memref<2x23x128xi32, #tpu.memory_space<hbm>> -> memref<1x23x128xi32, #tpu.memory_space<hbm>>
          %dma_start3A_686 = tpu.memref_squeeze %dma_start3A_685 : memref<1x23x128xi32, #tpu.memory_space<hbm>> -> memref<23x128xi32, #tpu.memory_space<hbm>>
          tpu.enqueue_dma source(%dma_start3A_686 : memref<23x128xi32, #tpu.memory_space<hbm>>) target(%dma_start3A_682 : memref<23x128xi32, #tpu.memory_space<vmem>>) target_semaphore(%arg12 : memref<!tpu.dma_semaphore, #tpu.memory_space<semaphore_mem>>)
          %dma_start3A_687 = arith.constant 1 : i32
          %dma_start3A_688 = arith.constant 0 : i32
          %dma_start3A_689 = arith.constant 0 : i32
          %dma_start3A_690 = tpu.memref_slice %arg9[%sub3A_656, %dma_start3A_688, %dma_start3A_689] : memref<2x23x128xi32, #tpu.memory_space<vmem>> -> memref<1x23x128xi32, #tpu.memory_space<vmem>>
          %dma_start3A_691 = tpu.memref_squeeze %dma_start3A_690 : memref<1x23x128xi32, #tpu.memory_space<vmem>> -> memref<23x128xi32, #tpu.memory_space<vmem>>
          %dma_start3A_692 = arith.constant 0 : i32
          %dma_start3A_693 = arith.constant 0 : i32
          %dma_start3A_694 = tpu.memref_slice %arg4[%dma_start3A_687, %dma_start3A_692, %dma_start3A_693] : memref<2x23x128xi32, #tpu.memory_space<hbm>> -> memref<1x23x128xi32, #tpu.memory_space<hbm>>
          %dma_start3A_695 = tpu.memref_squeeze %dma_start3A_694 : memref<1x23x128xi32, #tpu.memory_space<hbm>> -> memref<23x128xi32, #tpu.memory_space<hbm>>
          %dma_start3A_696 = arith.constant 0 : i32
          %dma_start3A_697 = arith.constant 0 : i32
          %dma_start3A_698 = tpu.memref_slice %arg9[%sub3A_656, %dma_start3A_696, %dma_start3A_697] : memref<2x23x128xi32, #tpu.memory_space<vmem>> -> memref<1x23x128xi32, #tpu.memory_space<vmem>>
          %dma_start3A_699 = tpu.memref_squeeze %dma_start3A_698 : memref<1x23x128xi32, #tpu.memory_space<vmem>> -> memref<23x128xi32, #tpu.memory_space<vmem>>
          %dma_start3A_700 = arith.constant 0 : i32
          %dma_start3A_701 = arith.constant 0 : i32
          %dma_start3A_702 = tpu.memref_slice %arg4[%dma_start3A_687, %dma_start3A_700, %dma_start3A_701] : memref<2x23x128xi32, #tpu.memory_space<hbm>> -> memref<1x23x128xi32, #tpu.memory_space<hbm>>
          %dma_start3A_703 = tpu.memref_squeeze %dma_start3A_702 : memref<1x23x128xi32, #tpu.memory_space<hbm>> -> memref<23x128xi32, #tpu.memory_space<hbm>>
          tpu.enqueue_dma source(%dma_start3A_703 : memref<23x128xi32, #tpu.memory_space<hbm>>) target(%dma_start3A_699 : memref<23x128xi32, #tpu.memory_space<vmem>>) target_semaphore(%arg12 : memref<!tpu.dma_semaphore, #tpu.memory_space<semaphore_mem>>)
        } else {
        }
      } else {
      }
      %dma_start3A = arith.constant 0 : i32
      %dma_start3A_58 = arith.constant 0 : i32
      %dma_start3A_59 = arith.constant 0 : i32
      %dma_start3A_60 = arith.constant 0 : i32
      %dma_start3A_61 = tpu.memref_slice %arg10[%dma_start3A_58, %dma_start3A_59, %dma_start3A_60] : memref<3x128x8xf32, #tpu.memory_space<vmem>> -> memref<1x128x8xf32, #tpu.memory_space<vmem>>
      %dma_start3A_62 = tpu.memref_squeeze %dma_start3A_61 : memref<1x128x8xf32, #tpu.memory_space<vmem>> -> memref<128x8xf32, #tpu.memory_space<vmem>>
      %dma_start3A_63 = arith.constant 0 : i32
      %dma_start3A_64 = tpu.memref_slice %arg8[%select_n3A_29, %dma_start3A, %dma_start3A_63] : memref<2x23x128xi32, #tpu.memory_space<vmem>> -> memref<1x1x128xi32, #tpu.memory_space<vmem>>
      %dma_start3A_65 = tpu.memref_squeeze %dma_start3A_64 : memref<1x1x128xi32, #tpu.memory_space<vmem>> -> memref<128xi32, #tpu.memory_space<vmem>>
      %dma_start3A_66 = arith.constant 0 : i32
      %dma_start3A_67 = arith.constant 0 : i32
      %dma_start3A_68 = tpu.memref_slice %arg5[%dma_start3A_66, %dma_start3A_67] : memref<102400x8xf32, #tpu.memory_space<hbm>> -> memref<102400x8xf32, #tpu.memory_space<hbm>>
      tpu.enqueue_indirect_dma source(%dma_start3A_68 : memref<102400x8xf32, #tpu.memory_space<hbm>>) target(%dma_start3A_62 : memref<128x8xf32, #tpu.memory_space<vmem>>) offsets(%dma_start3A_65 : memref<128xi32, #tpu.memory_space<vmem>>) semaphore(%arg13 : memref<!tpu.dma_semaphore, #tpu.memory_space<semaphore_mem>>)
      %dma_start3A_69 = arith.constant 1 : i32
      %dma_start3A_70 = arith.constant 1 : i32
      %dma_start3A_71 = arith.constant 0 : i32
      %dma_start3A_72 = arith.constant 0 : i32
      %dma_start3A_73 = tpu.memref_slice %arg10[%dma_start3A_70, %dma_start3A_71, %dma_start3A_72] : memref<3x128x8xf32, #tpu.memory_space<vmem>> -> memref<1x128x8xf32, #tpu.memory_space<vmem>>
      %dma_start3A_74 = tpu.memref_squeeze %dma_start3A_73 : memref<1x128x8xf32, #tpu.memory_space<vmem>> -> memref<128x8xf32, #tpu.memory_space<vmem>>
      %dma_start3A_75 = arith.constant 0 : i32
      %dma_start3A_76 = tpu.memref_slice %arg8[%select_n3A_29, %dma_start3A_69, %dma_start3A_75] : memref<2x23x128xi32, #tpu.memory_space<vmem>> -> memref<1x1x128xi32, #tpu.memory_space<vmem>>
      %dma_start3A_77 = tpu.memref_squeeze %dma_start3A_76 : memref<1x1x128xi32, #tpu.memory_space<vmem>> -> memref<128xi32, #tpu.memory_space<vmem>>
      %dma_start3A_78 = arith.constant 0 : i32
      %dma_start3A_79 = arith.constant 0 : i32
      %dma_start3A_80 = tpu.memref_slice %arg5[%dma_start3A_78, %dma_start3A_79] : memref<102400x8xf32, #tpu.memory_space<hbm>> -> memref<102400x8xf32, #tpu.memory_space<hbm>>
      tpu.enqueue_indirect_dma source(%dma_start3A_80 : memref<102400x8xf32, #tpu.memory_space<hbm>>) target(%dma_start3A_74 : memref<128x8xf32, #tpu.memory_space<vmem>>) offsets(%dma_start3A_77 : memref<128xi32, #tpu.memory_space<vmem>>) semaphore(%arg14 : memref<!tpu.dma_semaphore, #tpu.memory_space<semaphore_mem>>)
      %dma_start3A_81 = arith.constant 2 : i32
      %dma_start3A_82 = arith.constant 2 : i32
      %dma_start3A_83 = arith.constant 0 : i32
      %dma_start3A_84 = arith.constant 0 : i32
      %dma_start3A_85 = tpu.memref_slice %arg10[%dma_start3A_82, %dma_start3A_83, %dma_start3A_84] : memref<3x128x8xf32, #tpu.memory_space<vmem>> -> memref<1x128x8xf32, #tpu.memory_space<vmem>>
      %dma_start3A_86 = tpu.memref_squeeze %dma_start3A_85 : memref<1x128x8xf32, #tpu.memory_space<vmem>> -> memref<128x8xf32, #tpu.memory_space<vmem>>
      %dma_start3A_87 = arith.constant 0 : i32
      %dma_start3A_88 = tpu.memref_slice %arg8[%select_n3A_29, %dma_start3A_81, %dma_start3A_87] : memref<2x23x128xi32, #tpu.memory_space<vmem>> -> memref<1x1x128xi32, #tpu.memory_space<vmem>>
      %dma_start3A_89 = tpu.memref_squeeze %dma_start3A_88 : memref<1x1x128xi32, #tpu.memory_space<vmem>> -> memref<128xi32, #tpu.memory_space<vmem>>
      %dma_start3A_90 = arith.constant 0 : i32
      %dma_start3A_91 = arith.constant 0 : i32
      %dma_start3A_92 = tpu.memref_slice %arg5[%dma_start3A_90, %dma_start3A_91] : memref<102400x8xf32, #tpu.memory_space<hbm>> -> memref<102400x8xf32, #tpu.memory_space<hbm>>
      tpu.enqueue_indirect_dma source(%dma_start3A_92 : memref<102400x8xf32, #tpu.memory_space<hbm>>) target(%dma_start3A_86 : memref<128x8xf32, #tpu.memory_space<vmem>>) offsets(%dma_start3A_89 : memref<128xi32, #tpu.memory_space<vmem>>) semaphore(%arg15 : memref<!tpu.dma_semaphore, #tpu.memory_space<semaphore_mem>>)
      %dma_wait3A_93 = arith.constant 0 : i32
      %dma_wait3A_94 = arith.constant 0 : i32
      %dma_wait3A_95 = arith.constant 0 : i32
      %dma_wait3A_96 = arith.constant 0 : i32
      %dma_wait3A_97 = tpu.memref_slice %arg10[%dma_wait3A_94, %dma_wait3A_95, %dma_wait3A_96] : memref<3x128x8xf32, #tpu.memory_space<vmem>> -> memref<1x128x8xf32, #tpu.memory_space<vmem>>
      %dma_wait3A_98 = tpu.memref_squeeze %dma_wait3A_97 : memref<1x128x8xf32, #tpu.memory_space<vmem>> -> memref<128x8xf32, #tpu.memory_space<vmem>>
      %dma_wait3A_99 = arith.constant 0 : i32
      %dma_wait3A_100 = tpu.memref_slice %arg8[%select_n3A_29, %dma_wait3A_93, %dma_wait3A_99] : memref<2x23x128xi32, #tpu.memory_space<vmem>> -> memref<1x1x128xi32, #tpu.memory_space<vmem>>
      %dma_wait3A_101 = tpu.memref_squeeze %dma_wait3A_100 : memref<1x1x128xi32, #tpu.memory_space<vmem>> -> memref<128xi32, #tpu.memory_space<vmem>>
      %dma_wait3A_102 = arith.constant 0 : i32
      %dma_wait3A_103 = arith.constant 0 : i32
      %dma_wait3A_104 = tpu.memref_slice %arg5[%dma_wait3A_102, %dma_wait3A_103] : memref<102400x8xf32, #tpu.memory_space<hbm>> -> memref<102400x8xf32, #tpu.memory_space<hbm>>
      tpu.wait_indirect_dma semaphore(%arg13 : memref<!tpu.dma_semaphore, #tpu.memory_space<semaphore_mem>>) src(%dma_wait3A_104 : memref<102400x8xf32, #tpu.memory_space<hbm>>) dst(%dma_wait3A_98 : memref<128x8xf32, #tpu.memory_space<vmem>>)
      %run_scoped3A = arith.constant 0 : i32
      %run_scoped3A_105 = arith.constant 0 : i32
      "tpu.region"() ({
        %run_scoped3A_654 = tpu.sem_alloc : memref<!tpu.dma_semaphore, #tpu.memory_space<semaphore_mem>>
        %dma_start3A_655 = arith.constant 0 : i32
        %dma_start3A_656 = arith.constant 0 : i32
        %dma_start3A_657 = tpu.memref_slice %arg10[%run_scoped3A, %dma_start3A_655, %dma_start3A_656] : memref<3x128x8xf32, #tpu.memory_space<vmem>> -> memref<1x128x8xf32, #tpu.memory_space<vmem>>
        %dma_start3A_658 = tpu.memref_squeeze %dma_start3A_657 : memref<1x128x8xf32, #tpu.memory_space<vmem>> -> memref<128x8xf32, #tpu.memory_space<vmem>>
        %dma_start3A_659 = arith.constant 0 : i32
        %dma_start3A_660 = tpu.memref_slice %arg9[%select_n3A_29, %run_scoped3A_105, %dma_start3A_659] : memref<2x23x128xi32, #tpu.memory_space<vmem>> -> memref<1x1x128xi32, #tpu.memory_space<vmem>>
        %dma_start3A_661 = tpu.memref_squeeze %dma_start3A_660 : memref<1x1x128xi32, #tpu.memory_space<vmem>> -> memref<128xi32, #tpu.memory_space<vmem>>
        %dma_start3A_662 = arith.constant 0 : i32
        %dma_start3A_663 = arith.constant 0 : i32
        %dma_start3A_664 = tpu.memref_slice %arg11[%dma_start3A_662, %dma_start3A_663] : memref<102400x8xf32, #tpu.memory_space<vmem_shared>> -> memref<102400x8xf32, #tpu.memory_space<vmem_shared>>
        tpu.enqueue_indirect_dma source(%dma_start3A_658 : memref<128x8xf32, #tpu.memory_space<vmem>>) target(%dma_start3A_664 : memref<102400x8xf32, #tpu.memory_space<vmem_shared>>) offsets(%dma_start3A_661 : memref<128xi32, #tpu.memory_space<vmem>>) semaphore(%run_scoped3A_654 : memref<!tpu.dma_semaphore, #tpu.memory_space<semaphore_mem>>) {add = true}
        %dma_wait3A_665 = arith.constant 0 : i32
        %dma_wait3A_666 = arith.constant 0 : i32
        %dma_wait3A_667 = tpu.memref_slice %arg10[%run_scoped3A, %dma_wait3A_665, %dma_wait3A_666] : memref<3x128x8xf32, #tpu.memory_space<vmem>> -> memref<1x128x8xf32, #tpu.memory_space<vmem>>
        %dma_wait3A_668 = tpu.memref_squeeze %dma_wait3A_667 : memref<1x128x8xf32, #tpu.memory_space<vmem>> -> memref<128x8xf32, #tpu.memory_space<vmem>>
        %dma_wait3A_669 = arith.constant 0 : i32
        %dma_wait3A_670 = tpu.memref_slice %arg9[%select_n3A_29, %run_scoped3A_105, %dma_wait3A_669] : memref<2x23x128xi32, #tpu.memory_space<vmem>> -> memref<1x1x128xi32, #tpu.memory_space<vmem>>
        %dma_wait3A_671 = tpu.memref_squeeze %dma_wait3A_670 : memref<1x1x128xi32, #tpu.memory_space<vmem>> -> memref<128xi32, #tpu.memory_space<vmem>>
        %dma_wait3A_672 = arith.constant 0 : i32
        %dma_wait3A_673 = arith.constant 0 : i32
        %dma_wait3A_674 = tpu.memref_slice %arg11[%dma_wait3A_672, %dma_wait3A_673] : memref<102400x8xf32, #tpu.memory_space<vmem_shared>> -> memref<102400x8xf32, #tpu.memory_space<vmem_shared>>
        tpu.wait_indirect_dma semaphore(%run_scoped3A_654 : memref<!tpu.dma_semaphore, #tpu.memory_space<semaphore_mem>>) src(%dma_wait3A_668 : memref<128x8xf32, #tpu.memory_space<vmem>>) dst(%dma_wait3A_674 : memref<102400x8xf32, #tpu.memory_space<vmem_shared>>)
        tpu.yield
      }) : () -> ()
      %dma_start3A_106 = arith.constant 3 : i32
      %dma_start3A_107 = arith.constant 0 : i32
      %dma_start3A_108 = arith.constant 0 : i32
      %dma_start3A_109 = arith.constant 0 : i32
      %dma_start3A_110 = tpu.memref_slice %arg10[%dma_start3A_107, %dma_start3A_108, %dma_start3A_109] : memref<3x128x8xf32, #tpu.memory_space<vmem>> -> memref<1x128x8xf32, #tpu.memory_space<vmem>>
      %dma_start3A_111 = tpu.memref_squeeze %dma_start3A_110 : memref<1x128x8xf32, #tpu.memory_space<vmem>> -> memref<128x8xf32, #tpu.memory_space<vmem>>
      %dma_start3A_112 = arith.constant 0 : i32
      %dma_start3A_113 = tpu.memref_slice %arg8[%select_n3A_29, %dma_start3A_106, %dma_start3A_112] : memref<2x23x128xi32, #tpu.memory_space<vmem>> -> memref<1x1x128xi32, #tpu.memory_space<vmem>>
      %dma_start3A_114 = tpu.memref_squeeze %dma_start3A_113 : memref<1x1x128xi32, #tpu.memory_space<vmem>> -> memref<128xi32, #tpu.memory_space<vmem>>
      %dma_start3A_115 = arith.constant 0 : i32
      %dma_start3A_116 = arith.constant 0 : i32
      %dma_start3A_117 = tpu.memref_slice %arg5[%dma_start3A_115, %dma_start3A_116] : memref<102400x8xf32, #tpu.memory_space<hbm>> -> memref<102400x8xf32, #tpu.memory_space<hbm>>
      tpu.enqueue_indirect_dma source(%dma_start3A_117 : memref<102400x8xf32, #tpu.memory_space<hbm>>) target(%dma_start3A_111 : memref<128x8xf32, #tpu.memory_space<vmem>>) offsets(%dma_start3A_114 : memref<128xi32, #tpu.memory_space<vmem>>) semaphore(%arg13 : memref<!tpu.dma_semaphore, #tpu.memory_space<semaphore_mem>>)
      %dma_wait3A_118 = arith.constant 1 : i32
      %dma_wait3A_119 = arith.constant 1 : i32
      %dma_wait3A_120 = arith.constant 0 : i32
      %dma_wait3A_121 = arith.constant 0 : i32
      %dma_wait3A_122 = tpu.memref_slice %arg10[%dma_wait3A_119, %dma_wait3A_120, %dma_wait3A_121] : memref<3x128x8xf32, #tpu.memory_space<vmem>> -> memref<1x128x8xf32, #tpu.memory_space<vmem>>
      %dma_wait3A_123 = tpu.memref_squeeze %dma_wait3A_122 : memref<1x128x8xf32, #tpu.memory_space<vmem>> -> memref<128x8xf32, #tpu.memory_space<vmem>>
      %dma_wait3A_124 = arith.constant 0 : i32
      %dma_wait3A_125 = tpu.memref_slice %arg8[%select_n3A_29, %dma_wait3A_118, %dma_wait3A_124] : memref<2x23x128xi32, #tpu.memory_space<vmem>> -> memref<1x1x128xi32, #tpu.memory_space<vmem>>
      %dma_wait3A_126 = tpu.memref_squeeze %dma_wait3A_125 : memref<1x1x128xi32, #tpu.memory_space<vmem>> -> memref<128xi32, #tpu.memory_space<vmem>>
      %dma_wait3A_127 = arith.constant 0 : i32
      %dma_wait3A_128 = arith.constant 0 : i32
      %dma_wait3A_129 = tpu.memref_slice %arg5[%dma_wait3A_127, %dma_wait3A_128] : memref<102400x8xf32, #tpu.memory_space<hbm>> -> memref<102400x8xf32, #tpu.memory_space<hbm>>
      tpu.wait_indirect_dma semaphore(%arg14 : memref<!tpu.dma_semaphore, #tpu.memory_space<semaphore_mem>>) src(%dma_wait3A_129 : memref<102400x8xf32, #tpu.memory_space<hbm>>) dst(%dma_wait3A_123 : memref<128x8xf32, #tpu.memory_space<vmem>>)
      %run_scoped3A_130 = arith.constant 1 : i32
      %run_scoped3A_131 = arith.constant 1 : i32
      "tpu.region"() ({
        %run_scoped3A_654 = tpu.sem_alloc : memref<!tpu.dma_semaphore, #tpu.memory_space<semaphore_mem>>
        %dma_start3A_655 = arith.constant 0 : i32
        %dma_start3A_656 = arith.constant 0 : i32
        %dma_start3A_657 = tpu.memref_slice %arg10[%run_scoped3A_130, %dma_start3A_655, %dma_start3A_656] : memref<3x128x8xf32, #tpu.memory_space<vmem>> -> memref<1x128x8xf32, #tpu.memory_space<vmem>>
        %dma_start3A_658 = tpu.memref_squeeze %dma_start3A_657 : memref<1x128x8xf32, #tpu.memory_space<vmem>> -> memref<128x8xf32, #tpu.memory_space<vmem>>
        %dma_start3A_659 = arith.constant 0 : i32
        %dma_start3A_660 = tpu.memref_slice %arg9[%select_n3A_29, %run_scoped3A_131, %dma_start3A_659] : memref<2x23x128xi32, #tpu.memory_space<vmem>> -> memref<1x1x128xi32, #tpu.memory_space<vmem>>
        %dma_start3A_661 = tpu.memref_squeeze %dma_start3A_660 : memref<1x1x128xi32, #tpu.memory_space<vmem>> -> memref<128xi32, #tpu.memory_space<vmem>>
        %dma_start3A_662 = arith.constant 0 : i32
        %dma_start3A_663 = arith.constant 0 : i32
        %dma_start3A_664 = tpu.memref_slice %arg11[%dma_start3A_662, %dma_start3A_663] : memref<102400x8xf32, #tpu.memory_space<vmem_shared>> -> memref<102400x8xf32, #tpu.memory_space<vmem_shared>>
        tpu.enqueue_indirect_dma source(%dma_start3A_658 : memref<128x8xf32, #tpu.memory_space<vmem>>) target(%dma_start3A_664 : memref<102400x8xf32, #tpu.memory_space<vmem_shared>>) offsets(%dma_start3A_661 : memref<128xi32, #tpu.memory_space<vmem>>) semaphore(%run_scoped3A_654 : memref<!tpu.dma_semaphore, #tpu.memory_space<semaphore_mem>>) {add = true}
        %dma_wait3A_665 = arith.constant 0 : i32
        %dma_wait3A_666 = arith.constant 0 : i32
        %dma_wait3A_667 = tpu.memref_slice %arg10[%run_scoped3A_130, %dma_wait3A_665, %dma_wait3A_666] : memref<3x128x8xf32, #tpu.memory_space<vmem>> -> memref<1x128x8xf32, #tpu.memory_space<vmem>>
        %dma_wait3A_668 = tpu.memref_squeeze %dma_wait3A_667 : memref<1x128x8xf32, #tpu.memory_space<vmem>> -> memref<128x8xf32, #tpu.memory_space<vmem>>
        %dma_wait3A_669 = arith.constant 0 : i32
        %dma_wait3A_670 = tpu.memref_slice %arg9[%select_n3A_29, %run_scoped3A_131, %dma_wait3A_669] : memref<2x23x128xi32, #tpu.memory_space<vmem>> -> memref<1x1x128xi32, #tpu.memory_space<vmem>>
        %dma_wait3A_671 = tpu.memref_squeeze %dma_wait3A_670 : memref<1x1x128xi32, #tpu.memory_space<vmem>> -> memref<128xi32, #tpu.memory_space<vmem>>
        %dma_wait3A_672 = arith.constant 0 : i32
        %dma_wait3A_673 = arith.constant 0 : i32
        %dma_wait3A_674 = tpu.memref_slice %arg11[%dma_wait3A_672, %dma_wait3A_673] : memref<102400x8xf32, #tpu.memory_space<vmem_shared>> -> memref<102400x8xf32, #tpu.memory_space<vmem_shared>>
        tpu.wait_indirect_dma semaphore(%run_scoped3A_654 : memref<!tpu.dma_semaphore, #tpu.memory_space<semaphore_mem>>) src(%dma_wait3A_668 : memref<128x8xf32, #tpu.memory_space<vmem>>) dst(%dma_wait3A_674 : memref<102400x8xf32, #tpu.memory_space<vmem_shared>>)
        tpu.yield
      }) : () -> ()
      %dma_start3A_132 = arith.constant 4 : i32
      %dma_start3A_133 = arith.constant 1 : i32
      %dma_start3A_134 = arith.constant 0 : i32
      %dma_start3A_135 = arith.constant 0 : i32
      %dma_start3A_136 = tpu.memref_slice %arg10[%dma_start3A_133, %dma_start3A_134, %dma_start3A_135] : memref<3x128x8xf32, #tpu.memory_space<vmem>> -> memref<1x128x8xf32, #tpu.memory_space<vmem>>
      %dma_start3A_137 = tpu.memref_squeeze %dma_start3A_136 : memref<1x128x8xf32, #tpu.memory_space<vmem>> -> memref<128x8xf32, #tpu.memory_space<vmem>>
      %dma_start3A_138 = arith.constant 0 : i32
      %dma_start3A_139 = tpu.memref_slice %arg8[%select_n3A_29, %dma_start3A_132, %dma_start3A_138] : memref<2x23x128xi32, #tpu.memory_space<vmem>> -> memref<1x1x128xi32, #tpu.memory_space<vmem>>
      %dma_start3A_140 = tpu.memref_squeeze %dma_start3A_139 : memref<1x1x128xi32, #tpu.memory_space<vmem>> -> memref<128xi32, #tpu.memory_space<vmem>>
      %dma_start3A_141 = arith.constant 0 : i32
      %dma_start3A_142 = arith.constant 0 : i32
      %dma_start3A_143 = tpu.memref_slice %arg5[%dma_start3A_141, %dma_start3A_142] : memref<102400x8xf32, #tpu.memory_space<hbm>> -> memref<102400x8xf32, #tpu.memory_space<hbm>>
      tpu.enqueue_indirect_dma source(%dma_start3A_143 : memref<102400x8xf32, #tpu.memory_space<hbm>>) target(%dma_start3A_137 : memref<128x8xf32, #tpu.memory_space<vmem>>) offsets(%dma_start3A_140 : memref<128xi32, #tpu.memory_space<vmem>>) semaphore(%arg14 : memref<!tpu.dma_semaphore, #tpu.memory_space<semaphore_mem>>)
      %dma_wait3A_144 = arith.constant 2 : i32
      %dma_wait3A_145 = arith.constant 2 : i32
      %dma_wait3A_146 = arith.constant 0 : i32
      %dma_wait3A_147 = arith.constant 0 : i32
      %dma_wait3A_148 = tpu.memref_slice %arg10[%dma_wait3A_145, %dma_wait3A_146, %dma_wait3A_147] : memref<3x128x8xf32, #tpu.memory_space<vmem>> -> memref<1x128x8xf32, #tpu.memory_space<vmem>>
      %dma_wait3A_149 = tpu.memref_squeeze %dma_wait3A_148 : memref<1x128x8xf32, #tpu.memory_space<vmem>> -> memref<128x8xf32, #tpu.memory_space<vmem>>
      %dma_wait3A_150 = arith.constant 0 : i32
      %dma_wait3A_151 = tpu.memref_slice %arg8[%select_n3A_29, %dma_wait3A_144, %dma_wait3A_150] : memref<2x23x128xi32, #tpu.memory_space<vmem>> -> memref<1x1x128xi32, #tpu.memory_space<vmem>>
      %dma_wait3A_152 = tpu.memref_squeeze %dma_wait3A_151 : memref<1x1x128xi32, #tpu.memory_space<vmem>> -> memref<128xi32, #tpu.memory_space<vmem>>
      %dma_wait3A_153 = arith.constant 0 : i32
      %dma_wait3A_154 = arith.constant 0 : i32
      %dma_wait3A_155 = tpu.memref_slice %arg5[%dma_wait3A_153, %dma_wait3A_154] : memref<102400x8xf32, #tpu.memory_space<hbm>> -> memref<102400x8xf32, #tpu.memory_space<hbm>>
      tpu.wait_indirect_dma semaphore(%arg15 : memref<!tpu.dma_semaphore, #tpu.memory_space<semaphore_mem>>) src(%dma_wait3A_155 : memref<102400x8xf32, #tpu.memory_space<hbm>>) dst(%dma_wait3A_149 : memref<128x8xf32, #tpu.memory_space<vmem>>)
      %run_scoped3A_156 = arith.constant 2 : i32
      %run_scoped3A_157 = arith.constant 2 : i32
      "tpu.region"() ({
        %run_scoped3A_654 = tpu.sem_alloc : memref<!tpu.dma_semaphore, #tpu.memory_space<semaphore_mem>>
        %dma_start3A_655 = arith.constant 0 : i32
        %dma_start3A_656 = arith.constant 0 : i32
        %dma_start3A_657 = tpu.memref_slice %arg10[%run_scoped3A_156, %dma_start3A_655, %dma_start3A_656] : memref<3x128x8xf32, #tpu.memory_space<vmem>> -> memref<1x128x8xf32, #tpu.memory_space<vmem>>
        %dma_start3A_658 = tpu.memref_squeeze %dma_start3A_657 : memref<1x128x8xf32, #tpu.memory_space<vmem>> -> memref<128x8xf32, #tpu.memory_space<vmem>>
        %dma_start3A_659 = arith.constant 0 : i32
        %dma_start3A_660 = tpu.memref_slice %arg9[%select_n3A_29, %run_scoped3A_157, %dma_start3A_659] : memref<2x23x128xi32, #tpu.memory_space<vmem>> -> memref<1x1x128xi32, #tpu.memory_space<vmem>>
        %dma_start3A_661 = tpu.memref_squeeze %dma_start3A_660 : memref<1x1x128xi32, #tpu.memory_space<vmem>> -> memref<128xi32, #tpu.memory_space<vmem>>
        %dma_start3A_662 = arith.constant 0 : i32
        %dma_start3A_663 = arith.constant 0 : i32
        %dma_start3A_664 = tpu.memref_slice %arg11[%dma_start3A_662, %dma_start3A_663] : memref<102400x8xf32, #tpu.memory_space<vmem_shared>> -> memref<102400x8xf32, #tpu.memory_space<vmem_shared>>
        tpu.enqueue_indirect_dma source(%dma_start3A_658 : memref<128x8xf32, #tpu.memory_space<vmem>>) target(%dma_start3A_664 : memref<102400x8xf32, #tpu.memory_space<vmem_shared>>) offsets(%dma_start3A_661 : memref<128xi32, #tpu.memory_space<vmem>>) semaphore(%run_scoped3A_654 : memref<!tpu.dma_semaphore, #tpu.memory_space<semaphore_mem>>) {add = true}
        %dma_wait3A_665 = arith.constant 0 : i32
        %dma_wait3A_666 = arith.constant 0 : i32
        %dma_wait3A_667 = tpu.memref_slice %arg10[%run_scoped3A_156, %dma_wait3A_665, %dma_wait3A_666] : memref<3x128x8xf32, #tpu.memory_space<vmem>> -> memref<1x128x8xf32, #tpu.memory_space<vmem>>
        %dma_wait3A_668 = tpu.memref_squeeze %dma_wait3A_667 : memref<1x128x8xf32, #tpu.memory_space<vmem>> -> memref<128x8xf32, #tpu.memory_space<vmem>>
        %dma_wait3A_669 = arith.constant 0 : i32
        %dma_wait3A_670 = tpu.memref_slice %arg9[%select_n3A_29, %run_scoped3A_157, %dma_wait3A_669] : memref<2x23x128xi32, #tpu.memory_space<vmem>> -> memref<1x1x128xi32, #tpu.memory_space<vmem>>
        %dma_wait3A_671 = tpu.memref_squeeze %dma_wait3A_670 : memref<1x1x128xi32, #tpu.memory_space<vmem>> -> memref<128xi32, #tpu.memory_space<vmem>>
        %dma_wait3A_672 = arith.constant 0 : i32
        %dma_wait3A_673 = arith.constant 0 : i32
        %dma_wait3A_674 = tpu.memref_slice %arg11[%dma_wait3A_672, %dma_wait3A_673] : memref<102400x8xf32, #tpu.memory_space<vmem_shared>> -> memref<102400x8xf32, #tpu.memory_space<vmem_shared>>
        tpu.wait_indirect_dma semaphore(%run_scoped3A_654 : memref<!tpu.dma_semaphore, #tpu.memory_space<semaphore_mem>>) src(%dma_wait3A_668 : memref<128x8xf32, #tpu.memory_space<vmem>>) dst(%dma_wait3A_674 : memref<102400x8xf32, #tpu.memory_space<vmem_shared>>)
        tpu.yield
      }) : () -> ()
      %dma_start3A_158 = arith.constant 5 : i32
      %dma_start3A_159 = arith.constant 2 : i32
      %dma_start3A_160 = arith.constant 0 : i32
      %dma_start3A_161 = arith.constant 0 : i32
      %dma_start3A_162 = tpu.memref_slice %arg10[%dma_start3A_159, %dma_start3A_160, %dma_start3A_161] : memref<3x128x8xf32, #tpu.memory_space<vmem>> -> memref<1x128x8xf32, #tpu.memory_space<vmem>>
      %dma_start3A_163 = tpu.memref_squeeze %dma_start3A_162 : memref<1x128x8xf32, #tpu.memory_space<vmem>> -> memref<128x8xf32, #tpu.memory_space<vmem>>
      %dma_start3A_164 = arith.constant 0 : i32
      %dma_start3A_165 = tpu.memref_slice %arg8[%select_n3A_29, %dma_start3A_158, %dma_start3A_164] : memref<2x23x128xi32, #tpu.memory_space<vmem>> -> memref<1x1x128xi32, #tpu.memory_space<vmem>>
      %dma_start3A_166 = tpu.memref_squeeze %dma_start3A_165 : memref<1x1x128xi32, #tpu.memory_space<vmem>> -> memref<128xi32, #tpu.memory_space<vmem>>
      %dma_start3A_167 = arith.constant 0 : i32
      %dma_start3A_168 = arith.constant 0 : i32
      %dma_start3A_169 = tpu.memref_slice %arg5[%dma_start3A_167, %dma_start3A_168] : memref<102400x8xf32, #tpu.memory_space<hbm>> -> memref<102400x8xf32, #tpu.memory_space<hbm>>
      tpu.enqueue_indirect_dma source(%dma_start3A_169 : memref<102400x8xf32, #tpu.memory_space<hbm>>) target(%dma_start3A_163 : memref<128x8xf32, #tpu.memory_space<vmem>>) offsets(%dma_start3A_166 : memref<128xi32, #tpu.memory_space<vmem>>) semaphore(%arg15 : memref<!tpu.dma_semaphore, #tpu.memory_space<semaphore_mem>>)
      %dma_wait3A_170 = arith.constant 3 : i32
      %dma_wait3A_171 = arith.constant 0 : i32
      %dma_wait3A_172 = arith.constant 0 : i32
      %dma_wait3A_173 = arith.constant 0 : i32
      %dma_wait3A_174 = tpu.memref_slice %arg10[%dma_wait3A_171, %dma_wait3A_172, %dma_wait3A_173] : memref<3x128x8xf32, #tpu.memory_space<vmem>> -> memref<1x128x8xf32, #tpu.memory_space<vmem>>
      %dma_wait3A_175 = tpu.memref_squeeze %dma_wait3A_174 : memref<1x128x8xf32, #tpu.memory_space<vmem>> -> memref<128x8xf32, #tpu.memory_space<vmem>>
      %dma_wait3A_176 = arith.constant 0 : i32
      %dma_wait3A_177 = tpu.memref_slice %arg8[%select_n3A_29, %dma_wait3A_170, %dma_wait3A_176] : memref<2x23x128xi32, #tpu.memory_space<vmem>> -> memref<1x1x128xi32, #tpu.memory_space<vmem>>
      %dma_wait3A_178 = tpu.memref_squeeze %dma_wait3A_177 : memref<1x1x128xi32, #tpu.memory_space<vmem>> -> memref<128xi32, #tpu.memory_space<vmem>>
      %dma_wait3A_179 = arith.constant 0 : i32
      %dma_wait3A_180 = arith.constant 0 : i32
      %dma_wait3A_181 = tpu.memref_slice %arg5[%dma_wait3A_179, %dma_wait3A_180] : memref<102400x8xf32, #tpu.memory_space<hbm>> -> memref<102400x8xf32, #tpu.memory_space<hbm>>
      tpu.wait_indirect_dma semaphore(%arg13 : memref<!tpu.dma_semaphore, #tpu.memory_space<semaphore_mem>>) src(%dma_wait3A_181 : memref<102400x8xf32, #tpu.memory_space<hbm>>) dst(%dma_wait3A_175 : memref<128x8xf32, #tpu.memory_space<vmem>>)
      %run_scoped3A_182 = arith.constant 0 : i32
      %run_scoped3A_183 = arith.constant 3 : i32
      "tpu.region"() ({
        %run_scoped3A_654 = tpu.sem_alloc : memref<!tpu.dma_semaphore, #tpu.memory_space<semaphore_mem>>
        %dma_start3A_655 = arith.constant 0 : i32
        %dma_start3A_656 = arith.constant 0 : i32
        %dma_start3A_657 = tpu.memref_slice %arg10[%run_scoped3A_182, %dma_start3A_655, %dma_start3A_656] : memref<3x128x8xf32, #tpu.memory_space<vmem>> -> memref<1x128x8xf32, #tpu.memory_space<vmem>>
        %dma_start3A_658 = tpu.memref_squeeze %dma_start3A_657 : memref<1x128x8xf32, #tpu.memory_space<vmem>> -> memref<128x8xf32, #tpu.memory_space<vmem>>
        %dma_start3A_659 = arith.constant 0 : i32
        %dma_start3A_660 = tpu.memref_slice %arg9[%select_n3A_29, %run_scoped3A_183, %dma_start3A_659] : memref<2x23x128xi32, #tpu.memory_space<vmem>> -> memref<1x1x128xi32, #tpu.memory_space<vmem>>
        %dma_start3A_661 = tpu.memref_squeeze %dma_start3A_660 : memref<1x1x128xi32, #tpu.memory_space<vmem>> -> memref<128xi32, #tpu.memory_space<vmem>>
        %dma_start3A_662 = arith.constant 0 : i32
        %dma_start3A_663 = arith.constant 0 : i32
        %dma_start3A_664 = tpu.memref_slice %arg11[%dma_start3A_662, %dma_start3A_663] : memref<102400x8xf32, #tpu.memory_space<vmem_shared>> -> memref<102400x8xf32, #tpu.memory_space<vmem_shared>>
        tpu.enqueue_indirect_dma source(%dma_start3A_658 : memref<128x8xf32, #tpu.memory_space<vmem>>) target(%dma_start3A_664 : memref<102400x8xf32, #tpu.memory_space<vmem_shared>>) offsets(%dma_start3A_661 : memref<128xi32, #tpu.memory_space<vmem>>) semaphore(%run_scoped3A_654 : memref<!tpu.dma_semaphore, #tpu.memory_space<semaphore_mem>>) {add = true}
        %dma_wait3A_665 = arith.constant 0 : i32
        %dma_wait3A_666 = arith.constant 0 : i32
        %dma_wait3A_667 = tpu.memref_slice %arg10[%run_scoped3A_182, %dma_wait3A_665, %dma_wait3A_666] : memref<3x128x8xf32, #tpu.memory_space<vmem>> -> memref<1x128x8xf32, #tpu.memory_space<vmem>>
        %dma_wait3A_668 = tpu.memref_squeeze %dma_wait3A_667 : memref<1x128x8xf32, #tpu.memory_space<vmem>> -> memref<128x8xf32, #tpu.memory_space<vmem>>
        %dma_wait3A_669 = arith.constant 0 : i32
        %dma_wait3A_670 = tpu.memref_slice %arg9[%select_n3A_29, %run_scoped3A_183, %dma_wait3A_669] : memref<2x23x128xi32, #tpu.memory_space<vmem>> -> memref<1x1x128xi32, #tpu.memory_space<vmem>>
        %dma_wait3A_671 = tpu.memref_squeeze %dma_wait3A_670 : memref<1x1x128xi32, #tpu.memory_space<vmem>> -> memref<128xi32, #tpu.memory_space<vmem>>
        %dma_wait3A_672 = arith.constant 0 : i32
        %dma_wait3A_673 = arith.constant 0 : i32
        %dma_wait3A_674 = tpu.memref_slice %arg11[%dma_wait3A_672, %dma_wait3A_673] : memref<102400x8xf32, #tpu.memory_space<vmem_shared>> -> memref<102400x8xf32, #tpu.memory_space<vmem_shared>>
        tpu.wait_indirect_dma semaphore(%run_scoped3A_654 : memref<!tpu.dma_semaphore, #tpu.memory_space<semaphore_mem>>) src(%dma_wait3A_668 : memref<128x8xf32, #tpu.memory_space<vmem>>) dst(%dma_wait3A_674 : memref<102400x8xf32, #tpu.memory_space<vmem_shared>>)
        tpu.yield
      }) : () -> ()
      %dma_start3A_184 = arith.constant 6 : i32
      %dma_start3A_185 = arith.constant 0 : i32
      %dma_start3A_186 = arith.constant 0 : i32
      %dma_start3A_187 = arith.constant 0 : i32
      %dma_start3A_188 = tpu.memref_slice %arg10[%dma_start3A_185, %dma_start3A_186, %dma_start3A_187] : memref<3x128x8xf32, #tpu.memory_space<vmem>> -> memref<1x128x8xf32, #tpu.memory_space<vmem>>
      %dma_start3A_189 = tpu.memref_squeeze %dma_start3A_188 : memref<1x128x8xf32, #tpu.memory_space<vmem>> -> memref<128x8xf32, #tpu.memory_space<vmem>>
      %dma_start3A_190 = arith.constant 0 : i32
      %dma_start3A_191 = tpu.memref_slice %arg8[%select_n3A_29, %dma_start3A_184, %dma_start3A_190] : memref<2x23x128xi32, #tpu.memory_space<vmem>> -> memref<1x1x128xi32, #tpu.memory_space<vmem>>
      %dma_start3A_192 = tpu.memref_squeeze %dma_start3A_191 : memref<1x1x128xi32, #tpu.memory_space<vmem>> -> memref<128xi32, #tpu.memory_space<vmem>>
      %dma_start3A_193 = arith.constant 0 : i32
      %dma_start3A_194 = arith.constant 0 : i32
      %dma_start3A_195 = tpu.memref_slice %arg5[%dma_start3A_193, %dma_start3A_194] : memref<102400x8xf32, #tpu.memory_space<hbm>> -> memref<102400x8xf32, #tpu.memory_space<hbm>>
      tpu.enqueue_indirect_dma source(%dma_start3A_195 : memref<102400x8xf32, #tpu.memory_space<hbm>>) target(%dma_start3A_189 : memref<128x8xf32, #tpu.memory_space<vmem>>) offsets(%dma_start3A_192 : memref<128xi32, #tpu.memory_space<vmem>>) semaphore(%arg13 : memref<!tpu.dma_semaphore, #tpu.memory_space<semaphore_mem>>)
      %dma_wait3A_196 = arith.constant 4 : i32
      %dma_wait3A_197 = arith.constant 1 : i32
      %dma_wait3A_198 = arith.constant 0 : i32
      %dma_wait3A_199 = arith.constant 0 : i32
      %dma_wait3A_200 = tpu.memref_slice %arg10[%dma_wait3A_197, %dma_wait3A_198, %dma_wait3A_199] : memref<3x128x8xf32, #tpu.memory_space<vmem>> -> memref<1x128x8xf32, #tpu.memory_space<vmem>>
      %dma_wait3A_201 = tpu.memref_squeeze %dma_wait3A_200 : memref<1x128x8xf32, #tpu.memory_space<vmem>> -> memref<128x8xf32, #tpu.memory_space<vmem>>
      %dma_wait3A_202 = arith.constant 0 : i32
      %dma_wait3A_203 = tpu.memref_slice %arg8[%select_n3A_29, %dma_wait3A_196, %dma_wait3A_202] : memref<2x23x128xi32, #tpu.memory_space<vmem>> -> memref<1x1x128xi32, #tpu.memory_space<vmem>>
      %dma_wait3A_204 = tpu.memref_squeeze %dma_wait3A_203 : memref<1x1x128xi32, #tpu.memory_space<vmem>> -> memref<128xi32, #tpu.memory_space<vmem>>
      %dma_wait3A_205 = arith.constant 0 : i32
      %dma_wait3A_206 = arith.constant 0 : i32
      %dma_wait3A_207 = tpu.memref_slice %arg5[%dma_wait3A_205, %dma_wait3A_206] : memref<102400x8xf32, #tpu.memory_space<hbm>> -> memref<102400x8xf32, #tpu.memory_space<hbm>>
      tpu.wait_indirect_dma semaphore(%arg14 : memref<!tpu.dma_semaphore, #tpu.memory_space<semaphore_mem>>) src(%dma_wait3A_207 : memref<102400x8xf32, #tpu.memory_space<hbm>>) dst(%dma_wait3A_201 : memref<128x8xf32, #tpu.memory_space<vmem>>)
      %run_scoped3A_208 = arith.constant 1 : i32
      %run_scoped3A_209 = arith.constant 4 : i32
      "tpu.region"() ({
        %run_scoped3A_654 = tpu.sem_alloc : memref<!tpu.dma_semaphore, #tpu.memory_space<semaphore_mem>>
        %dma_start3A_655 = arith.constant 0 : i32
        %dma_start3A_656 = arith.constant 0 : i32
        %dma_start3A_657 = tpu.memref_slice %arg10[%run_scoped3A_208, %dma_start3A_655, %dma_start3A_656] : memref<3x128x8xf32, #tpu.memory_space<vmem>> -> memref<1x128x8xf32, #tpu.memory_space<vmem>>
        %dma_start3A_658 = tpu.memref_squeeze %dma_start3A_657 : memref<1x128x8xf32, #tpu.memory_space<vmem>> -> memref<128x8xf32, #tpu.memory_space<vmem>>
        %dma_start3A_659 = arith.constant 0 : i32
        %dma_start3A_660 = tpu.memref_slice %arg9[%select_n3A_29, %run_scoped3A_209, %dma_start3A_659] : memref<2x23x128xi32, #tpu.memory_space<vmem>> -> memref<1x1x128xi32, #tpu.memory_space<vmem>>
        %dma_start3A_661 = tpu.memref_squeeze %dma_start3A_660 : memref<1x1x128xi32, #tpu.memory_space<vmem>> -> memref<128xi32, #tpu.memory_space<vmem>>
        %dma_start3A_662 = arith.constant 0 : i32
        %dma_start3A_663 = arith.constant 0 : i32
        %dma_start3A_664 = tpu.memref_slice %arg11[%dma_start3A_662, %dma_start3A_663] : memref<102400x8xf32, #tpu.memory_space<vmem_shared>> -> memref<102400x8xf32, #tpu.memory_space<vmem_shared>>
        tpu.enqueue_indirect_dma source(%dma_start3A_658 : memref<128x8xf32, #tpu.memory_space<vmem>>) target(%dma_start3A_664 : memref<102400x8xf32, #tpu.memory_space<vmem_shared>>) offsets(%dma_start3A_661 : memref<128xi32, #tpu.memory_space<vmem>>) semaphore(%run_scoped3A_654 : memref<!tpu.dma_semaphore, #tpu.memory_space<semaphore_mem>>) {add = true}
        %dma_wait3A_665 = arith.constant 0 : i32
        %dma_wait3A_666 = arith.constant 0 : i32
        %dma_wait3A_667 = tpu.memref_slice %arg10[%run_scoped3A_208, %dma_wait3A_665, %dma_wait3A_666] : memref<3x128x8xf32, #tpu.memory_space<vmem>> -> memref<1x128x8xf32, #tpu.memory_space<vmem>>
        %dma_wait3A_668 = tpu.memref_squeeze %dma_wait3A_667 : memref<1x128x8xf32, #tpu.memory_space<vmem>> -> memref<128x8xf32, #tpu.memory_space<vmem>>
        %dma_wait3A_669 = arith.constant 0 : i32
        %dma_wait3A_670 = tpu.memref_slice %arg9[%select_n3A_29, %run_scoped3A_209, %dma_wait3A_669] : memref<2x23x128xi32, #tpu.memory_space<vmem>> -> memref<1x1x128xi32, #tpu.memory_space<vmem>>
        %dma_wait3A_671 = tpu.memref_squeeze %dma_wait3A_670 : memref<1x1x128xi32, #tpu.memory_space<vmem>> -> memref<128xi32, #tpu.memory_space<vmem>>
        %dma_wait3A_672 = arith.constant 0 : i32
        %dma_wait3A_673 = arith.constant 0 : i32
        %dma_wait3A_674 = tpu.memref_slice %arg11[%dma_wait3A_672, %dma_wait3A_673] : memref<102400x8xf32, #tpu.memory_space<vmem_shared>> -> memref<102400x8xf32, #tpu.memory_space<vmem_shared>>
        tpu.wait_indirect_dma semaphore(%run_scoped3A_654 : memref<!tpu.dma_semaphore, #tpu.memory_space<semaphore_mem>>) src(%dma_wait3A_668 : memref<128x8xf32, #tpu.memory_space<vmem>>) dst(%dma_wait3A_674 : memref<102400x8xf32, #tpu.memory_space<vmem_shared>>)
        tpu.yield
      }) : () -> ()
      %dma_start3A_210 = arith.constant 7 : i32
      %dma_start3A_211 = arith.constant 1 : i32
      %dma_start3A_212 = arith.constant 0 : i32
      %dma_start3A_213 = arith.constant 0 : i32
      %dma_start3A_214 = tpu.memref_slice %arg10[%dma_start3A_211, %dma_start3A_212, %dma_start3A_213] : memref<3x128x8xf32, #tpu.memory_space<vmem>> -> memref<1x128x8xf32, #tpu.memory_space<vmem>>
      %dma_start3A_215 = tpu.memref_squeeze %dma_start3A_214 : memref<1x128x8xf32, #tpu.memory_space<vmem>> -> memref<128x8xf32, #tpu.memory_space<vmem>>
      %dma_start3A_216 = arith.constant 0 : i32
      %dma_start3A_217 = tpu.memref_slice %arg8[%select_n3A_29, %dma_start3A_210, %dma_start3A_216] : memref<2x23x128xi32, #tpu.memory_space<vmem>> -> memref<1x1x128xi32, #tpu.memory_space<vmem>>
      %dma_start3A_218 = tpu.memref_squeeze %dma_start3A_217 : memref<1x1x128xi32, #tpu.memory_space<vmem>> -> memref<128xi32, #tpu.memory_space<vmem>>
      %dma_start3A_219 = arith.constant 0 : i32
      %dma_start3A_220 = arith.constant 0 : i32
      %dma_start3A_221 = tpu.memref_slice %arg5[%dma_start3A_219, %dma_start3A_220] : memref<102400x8xf32, #tpu.memory_space<hbm>> -> memref<102400x8xf32, #tpu.memory_space<hbm>>
      tpu.enqueue_indirect_dma source(%dma_start3A_221 : memref<102400x8xf32, #tpu.memory_space<hbm>>) target(%dma_start3A_215 : memref<128x8xf32, #tpu.memory_space<vmem>>) offsets(%dma_start3A_218 : memref<128xi32, #tpu.memory_space<vmem>>) semaphore(%arg14 : memref<!tpu.dma_semaphore, #tpu.memory_space<semaphore_mem>>)
      %dma_wait3A_222 = arith.constant 5 : i32
      %dma_wait3A_223 = arith.constant 2 : i32
      %dma_wait3A_224 = arith.constant 0 : i32
      %dma_wait3A_225 = arith.constant 0 : i32
      %dma_wait3A_226 = tpu.memref_slice %arg10[%dma_wait3A_223, %dma_wait3A_224, %dma_wait3A_225] : memref<3x128x8xf32, #tpu.memory_space<vmem>> -> memref<1x128x8xf32, #tpu.memory_space<vmem>>
      %dma_wait3A_227 = tpu.memref_squeeze %dma_wait3A_226 : memref<1x128x8xf32, #tpu.memory_space<vmem>> -> memref<128x8xf32, #tpu.memory_space<vmem>>
      %dma_wait3A_228 = arith.constant 0 : i32
      %dma_wait3A_229 = tpu.memref_slice %arg8[%select_n3A_29, %dma_wait3A_222, %dma_wait3A_228] : memref<2x23x128xi32, #tpu.memory_space<vmem>> -> memref<1x1x128xi32, #tpu.memory_space<vmem>>
      %dma_wait3A_230 = tpu.memref_squeeze %dma_wait3A_229 : memref<1x1x128xi32, #tpu.memory_space<vmem>> -> memref<128xi32, #tpu.memory_space<vmem>>
      %dma_wait3A_231 = arith.constant 0 : i32
      %dma_wait3A_232 = arith.constant 0 : i32
      %dma_wait3A_233 = tpu.memref_slice %arg5[%dma_wait3A_231, %dma_wait3A_232] : memref<102400x8xf32, #tpu.memory_space<hbm>> -> memref<102400x8xf32, #tpu.memory_space<hbm>>
      tpu.wait_indirect_dma semaphore(%arg15 : memref<!tpu.dma_semaphore, #tpu.memory_space<semaphore_mem>>) src(%dma_wait3A_233 : memref<102400x8xf32, #tpu.memory_space<hbm>>) dst(%dma_wait3A_227 : memref<128x8xf32, #tpu.memory_space<vmem>>)
      %run_scoped3A_234 = arith.constant 2 : i32
      %run_scoped3A_235 = arith.constant 5 : i32
      "tpu.region"() ({
        %run_scoped3A_654 = tpu.sem_alloc : memref<!tpu.dma_semaphore, #tpu.memory_space<semaphore_mem>>
        %dma_start3A_655 = arith.constant 0 : i32
        %dma_start3A_656 = arith.constant 0 : i32
        %dma_start3A_657 = tpu.memref_slice %arg10[%run_scoped3A_234, %dma_start3A_655, %dma_start3A_656] : memref<3x128x8xf32, #tpu.memory_space<vmem>> -> memref<1x128x8xf32, #tpu.memory_space<vmem>>
        %dma_start3A_658 = tpu.memref_squeeze %dma_start3A_657 : memref<1x128x8xf32, #tpu.memory_space<vmem>> -> memref<128x8xf32, #tpu.memory_space<vmem>>
        %dma_start3A_659 = arith.constant 0 : i32
        %dma_start3A_660 = tpu.memref_slice %arg9[%select_n3A_29, %run_scoped3A_235, %dma_start3A_659] : memref<2x23x128xi32, #tpu.memory_space<vmem>> -> memref<1x1x128xi32, #tpu.memory_space<vmem>>
        %dma_start3A_661 = tpu.memref_squeeze %dma_start3A_660 : memref<1x1x128xi32, #tpu.memory_space<vmem>> -> memref<128xi32, #tpu.memory_space<vmem>>
        %dma_start3A_662 = arith.constant 0 : i32
        %dma_start3A_663 = arith.constant 0 : i32
        %dma_start3A_664 = tpu.memref_slice %arg11[%dma_start3A_662, %dma_start3A_663] : memref<102400x8xf32, #tpu.memory_space<vmem_shared>> -> memref<102400x8xf32, #tpu.memory_space<vmem_shared>>
        tpu.enqueue_indirect_dma source(%dma_start3A_658 : memref<128x8xf32, #tpu.memory_space<vmem>>) target(%dma_start3A_664 : memref<102400x8xf32, #tpu.memory_space<vmem_shared>>) offsets(%dma_start3A_661 : memref<128xi32, #tpu.memory_space<vmem>>) semaphore(%run_scoped3A_654 : memref<!tpu.dma_semaphore, #tpu.memory_space<semaphore_mem>>) {add = true}
        %dma_wait3A_665 = arith.constant 0 : i32
        %dma_wait3A_666 = arith.constant 0 : i32
        %dma_wait3A_667 = tpu.memref_slice %arg10[%run_scoped3A_234, %dma_wait3A_665, %dma_wait3A_666] : memref<3x128x8xf32, #tpu.memory_space<vmem>> -> memref<1x128x8xf32, #tpu.memory_space<vmem>>
        %dma_wait3A_668 = tpu.memref_squeeze %dma_wait3A_667 : memref<1x128x8xf32, #tpu.memory_space<vmem>> -> memref<128x8xf32, #tpu.memory_space<vmem>>
        %dma_wait3A_669 = arith.constant 0 : i32
        %dma_wait3A_670 = tpu.memref_slice %arg9[%select_n3A_29, %run_scoped3A_235, %dma_wait3A_669] : memref<2x23x128xi32, #tpu.memory_space<vmem>> -> memref<1x1x128xi32, #tpu.memory_space<vmem>>
        %dma_wait3A_671 = tpu.memref_squeeze %dma_wait3A_670 : memref<1x1x128xi32, #tpu.memory_space<vmem>> -> memref<128xi32, #tpu.memory_space<vmem>>
        %dma_wait3A_672 = arith.constant 0 : i32
        %dma_wait3A_673 = arith.constant 0 : i32
        %dma_wait3A_674 = tpu.memref_slice %arg11[%dma_wait3A_672, %dma_wait3A_673] : memref<102400x8xf32, #tpu.memory_space<vmem_shared>> -> memref<102400x8xf32, #tpu.memory_space<vmem_shared>>
        tpu.wait_indirect_dma semaphore(%run_scoped3A_654 : memref<!tpu.dma_semaphore, #tpu.memory_space<semaphore_mem>>) src(%dma_wait3A_668 : memref<128x8xf32, #tpu.memory_space<vmem>>) dst(%dma_wait3A_674 : memref<102400x8xf32, #tpu.memory_space<vmem_shared>>)
        tpu.yield
      }) : () -> ()
      %dma_start3A_236 = arith.constant 8 : i32
      %dma_start3A_237 = arith.constant 2 : i32
      %dma_start3A_238 = arith.constant 0 : i32
      %dma_start3A_239 = arith.constant 0 : i32
      %dma_start3A_240 = tpu.memref_slice %arg10[%dma_start3A_237, %dma_start3A_238, %dma_start3A_239] : memref<3x128x8xf32, #tpu.memory_space<vmem>> -> memref<1x128x8xf32, #tpu.memory_space<vmem>>
      %dma_start3A_241 = tpu.memref_squeeze %dma_start3A_240 : memref<1x128x8xf32, #tpu.memory_space<vmem>> -> memref<128x8xf32, #tpu.memory_space<vmem>>
      %dma_start3A_242 = arith.constant 0 : i32
      %dma_start3A_243 = tpu.memref_slice %arg8[%select_n3A_29, %dma_start3A_236, %dma_start3A_242] : memref<2x23x128xi32, #tpu.memory_space<vmem>> -> memref<1x1x128xi32, #tpu.memory_space<vmem>>
      %dma_start3A_244 = tpu.memref_squeeze %dma_start3A_243 : memref<1x1x128xi32, #tpu.memory_space<vmem>> -> memref<128xi32, #tpu.memory_space<vmem>>
      %dma_start3A_245 = arith.constant 0 : i32
      %dma_start3A_246 = arith.constant 0 : i32
      %dma_start3A_247 = tpu.memref_slice %arg5[%dma_start3A_245, %dma_start3A_246] : memref<102400x8xf32, #tpu.memory_space<hbm>> -> memref<102400x8xf32, #tpu.memory_space<hbm>>
      tpu.enqueue_indirect_dma source(%dma_start3A_247 : memref<102400x8xf32, #tpu.memory_space<hbm>>) target(%dma_start3A_241 : memref<128x8xf32, #tpu.memory_space<vmem>>) offsets(%dma_start3A_244 : memref<128xi32, #tpu.memory_space<vmem>>) semaphore(%arg15 : memref<!tpu.dma_semaphore, #tpu.memory_space<semaphore_mem>>)
      %dma_wait3A_248 = arith.constant 6 : i32
      %dma_wait3A_249 = arith.constant 0 : i32
      %dma_wait3A_250 = arith.constant 0 : i32
      %dma_wait3A_251 = arith.constant 0 : i32
      %dma_wait3A_252 = tpu.memref_slice %arg10[%dma_wait3A_249, %dma_wait3A_250, %dma_wait3A_251] : memref<3x128x8xf32, #tpu.memory_space<vmem>> -> memref<1x128x8xf32, #tpu.memory_space<vmem>>
      %dma_wait3A_253 = tpu.memref_squeeze %dma_wait3A_252 : memref<1x128x8xf32, #tpu.memory_space<vmem>> -> memref<128x8xf32, #tpu.memory_space<vmem>>
      %dma_wait3A_254 = arith.constant 0 : i32
      %dma_wait3A_255 = tpu.memref_slice %arg8[%select_n3A_29, %dma_wait3A_248, %dma_wait3A_254] : memref<2x23x128xi32, #tpu.memory_space<vmem>> -> memref<1x1x128xi32, #tpu.memory_space<vmem>>
      %dma_wait3A_256 = tpu.memref_squeeze %dma_wait3A_255 : memref<1x1x128xi32, #tpu.memory_space<vmem>> -> memref<128xi32, #tpu.memory_space<vmem>>
      %dma_wait3A_257 = arith.constant 0 : i32
      %dma_wait3A_258 = arith.constant 0 : i32
      %dma_wait3A_259 = tpu.memref_slice %arg5[%dma_wait3A_257, %dma_wait3A_258] : memref<102400x8xf32, #tpu.memory_space<hbm>> -> memref<102400x8xf32, #tpu.memory_space<hbm>>
      tpu.wait_indirect_dma semaphore(%arg13 : memref<!tpu.dma_semaphore, #tpu.memory_space<semaphore_mem>>) src(%dma_wait3A_259 : memref<102400x8xf32, #tpu.memory_space<hbm>>) dst(%dma_wait3A_253 : memref<128x8xf32, #tpu.memory_space<vmem>>)
      %run_scoped3A_260 = arith.constant 0 : i32
      %run_scoped3A_261 = arith.constant 6 : i32
      "tpu.region"() ({
        %run_scoped3A_654 = tpu.sem_alloc : memref<!tpu.dma_semaphore, #tpu.memory_space<semaphore_mem>>
        %dma_start3A_655 = arith.constant 0 : i32
        %dma_start3A_656 = arith.constant 0 : i32
        %dma_start3A_657 = tpu.memref_slice %arg10[%run_scoped3A_260, %dma_start3A_655, %dma_start3A_656] : memref<3x128x8xf32, #tpu.memory_space<vmem>> -> memref<1x128x8xf32, #tpu.memory_space<vmem>>
        %dma_start3A_658 = tpu.memref_squeeze %dma_start3A_657 : memref<1x128x8xf32, #tpu.memory_space<vmem>> -> memref<128x8xf32, #tpu.memory_space<vmem>>
        %dma_start3A_659 = arith.constant 0 : i32
        %dma_start3A_660 = tpu.memref_slice %arg9[%select_n3A_29, %run_scoped3A_261, %dma_start3A_659] : memref<2x23x128xi32, #tpu.memory_space<vmem>> -> memref<1x1x128xi32, #tpu.memory_space<vmem>>
        %dma_start3A_661 = tpu.memref_squeeze %dma_start3A_660 : memref<1x1x128xi32, #tpu.memory_space<vmem>> -> memref<128xi32, #tpu.memory_space<vmem>>
        %dma_start3A_662 = arith.constant 0 : i32
        %dma_start3A_663 = arith.constant 0 : i32
        %dma_start3A_664 = tpu.memref_slice %arg11[%dma_start3A_662, %dma_start3A_663] : memref<102400x8xf32, #tpu.memory_space<vmem_shared>> -> memref<102400x8xf32, #tpu.memory_space<vmem_shared>>
        tpu.enqueue_indirect_dma source(%dma_start3A_658 : memref<128x8xf32, #tpu.memory_space<vmem>>) target(%dma_start3A_664 : memref<102400x8xf32, #tpu.memory_space<vmem_shared>>) offsets(%dma_start3A_661 : memref<128xi32, #tpu.memory_space<vmem>>) semaphore(%run_scoped3A_654 : memref<!tpu.dma_semaphore, #tpu.memory_space<semaphore_mem>>) {add = true}
        %dma_wait3A_665 = arith.constant 0 : i32
        %dma_wait3A_666 = arith.constant 0 : i32
        %dma_wait3A_667 = tpu.memref_slice %arg10[%run_scoped3A_260, %dma_wait3A_665, %dma_wait3A_666] : memref<3x128x8xf32, #tpu.memory_space<vmem>> -> memref<1x128x8xf32, #tpu.memory_space<vmem>>
        %dma_wait3A_668 = tpu.memref_squeeze %dma_wait3A_667 : memref<1x128x8xf32, #tpu.memory_space<vmem>> -> memref<128x8xf32, #tpu.memory_space<vmem>>
        %dma_wait3A_669 = arith.constant 0 : i32
        %dma_wait3A_670 = tpu.memref_slice %arg9[%select_n3A_29, %run_scoped3A_261, %dma_wait3A_669] : memref<2x23x128xi32, #tpu.memory_space<vmem>> -> memref<1x1x128xi32, #tpu.memory_space<vmem>>
        %dma_wait3A_671 = tpu.memref_squeeze %dma_wait3A_670 : memref<1x1x128xi32, #tpu.memory_space<vmem>> -> memref<128xi32, #tpu.memory_space<vmem>>
        %dma_wait3A_672 = arith.constant 0 : i32
        %dma_wait3A_673 = arith.constant 0 : i32
        %dma_wait3A_674 = tpu.memref_slice %arg11[%dma_wait3A_672, %dma_wait3A_673] : memref<102400x8xf32, #tpu.memory_space<vmem_shared>> -> memref<102400x8xf32, #tpu.memory_space<vmem_shared>>
        tpu.wait_indirect_dma semaphore(%run_scoped3A_654 : memref<!tpu.dma_semaphore, #tpu.memory_space<semaphore_mem>>) src(%dma_wait3A_668 : memref<128x8xf32, #tpu.memory_space<vmem>>) dst(%dma_wait3A_674 : memref<102400x8xf32, #tpu.memory_space<vmem_shared>>)
        tpu.yield
      }) : () -> ()
      %dma_start3A_262 = arith.constant 9 : i32
      %dma_start3A_263 = arith.constant 0 : i32
      %dma_start3A_264 = arith.constant 0 : i32
      %dma_start3A_265 = arith.constant 0 : i32
      %dma_start3A_266 = tpu.memref_slice %arg10[%dma_start3A_263, %dma_start3A_264, %dma_start3A_265] : memref<3x128x8xf32, #tpu.memory_space<vmem>> -> memref<1x128x8xf32, #tpu.memory_space<vmem>>
      %dma_start3A_267 = tpu.memref_squeeze %dma_start3A_266 : memref<1x128x8xf32, #tpu.memory_space<vmem>> -> memref<128x8xf32, #tpu.memory_space<vmem>>
      %dma_start3A_268 = arith.constant 0 : i32
      %dma_start3A_269 = tpu.memref_slice %arg8[%select_n3A_29, %dma_start3A_262, %dma_start3A_268] : memref<2x23x128xi32, #tpu.memory_space<vmem>> -> memref<1x1x128xi32, #tpu.memory_space<vmem>>
      %dma_start3A_270 = tpu.memref_squeeze %dma_start3A_269 : memref<1x1x128xi32, #tpu.memory_space<vmem>> -> memref<128xi32, #tpu.memory_space<vmem>>
      %dma_start3A_271 = arith.constant 0 : i32
      %dma_start3A_272 = arith.constant 0 : i32
      %dma_start3A_273 = tpu.memref_slice %arg5[%dma_start3A_271, %dma_start3A_272] : memref<102400x8xf32, #tpu.memory_space<hbm>> -> memref<102400x8xf32, #tpu.memory_space<hbm>>
      tpu.enqueue_indirect_dma source(%dma_start3A_273 : memref<102400x8xf32, #tpu.memory_space<hbm>>) target(%dma_start3A_267 : memref<128x8xf32, #tpu.memory_space<vmem>>) offsets(%dma_start3A_270 : memref<128xi32, #tpu.memory_space<vmem>>) semaphore(%arg13 : memref<!tpu.dma_semaphore, #tpu.memory_space<semaphore_mem>>)
      %dma_wait3A_274 = arith.constant 7 : i32
      %dma_wait3A_275 = arith.constant 1 : i32
      %dma_wait3A_276 = arith.constant 0 : i32
      %dma_wait3A_277 = arith.constant 0 : i32
      %dma_wait3A_278 = tpu.memref_slice %arg10[%dma_wait3A_275, %dma_wait3A_276, %dma_wait3A_277] : memref<3x128x8xf32, #tpu.memory_space<vmem>> -> memref<1x128x8xf32, #tpu.memory_space<vmem>>
      %dma_wait3A_279 = tpu.memref_squeeze %dma_wait3A_278 : memref<1x128x8xf32, #tpu.memory_space<vmem>> -> memref<128x8xf32, #tpu.memory_space<vmem>>
      %dma_wait3A_280 = arith.constant 0 : i32
      %dma_wait3A_281 = tpu.memref_slice %arg8[%select_n3A_29, %dma_wait3A_274, %dma_wait3A_280] : memref<2x23x128xi32, #tpu.memory_space<vmem>> -> memref<1x1x128xi32, #tpu.memory_space<vmem>>
      %dma_wait3A_282 = tpu.memref_squeeze %dma_wait3A_281 : memref<1x1x128xi32, #tpu.memory_space<vmem>> -> memref<128xi32, #tpu.memory_space<vmem>>
      %dma_wait3A_283 = arith.constant 0 : i32
      %dma_wait3A_284 = arith.constant 0 : i32
      %dma_wait3A_285 = tpu.memref_slice %arg5[%dma_wait3A_283, %dma_wait3A_284] : memref<102400x8xf32, #tpu.memory_space<hbm>> -> memref<102400x8xf32, #tpu.memory_space<hbm>>
      tpu.wait_indirect_dma semaphore(%arg14 : memref<!tpu.dma_semaphore, #tpu.memory_space<semaphore_mem>>) src(%dma_wait3A_285 : memref<102400x8xf32, #tpu.memory_space<hbm>>) dst(%dma_wait3A_279 : memref<128x8xf32, #tpu.memory_space<vmem>>)
      %run_scoped3A_286 = arith.constant 1 : i32
      %run_scoped3A_287 = arith.constant 7 : i32
      "tpu.region"() ({
        %run_scoped3A_654 = tpu.sem_alloc : memref<!tpu.dma_semaphore, #tpu.memory_space<semaphore_mem>>
        %dma_start3A_655 = arith.constant 0 : i32
        %dma_start3A_656 = arith.constant 0 : i32
        %dma_start3A_657 = tpu.memref_slice %arg10[%run_scoped3A_286, %dma_start3A_655, %dma_start3A_656] : memref<3x128x8xf32, #tpu.memory_space<vmem>> -> memref<1x128x8xf32, #tpu.memory_space<vmem>>
        %dma_start3A_658 = tpu.memref_squeeze %dma_start3A_657 : memref<1x128x8xf32, #tpu.memory_space<vmem>> -> memref<128x8xf32, #tpu.memory_space<vmem>>
        %dma_start3A_659 = arith.constant 0 : i32
        %dma_start3A_660 = tpu.memref_slice %arg9[%select_n3A_29, %run_scoped3A_287, %dma_start3A_659] : memref<2x23x128xi32, #tpu.memory_space<vmem>> -> memref<1x1x128xi32, #tpu.memory_space<vmem>>
        %dma_start3A_661 = tpu.memref_squeeze %dma_start3A_660 : memref<1x1x128xi32, #tpu.memory_space<vmem>> -> memref<128xi32, #tpu.memory_space<vmem>>
        %dma_start3A_662 = arith.constant 0 : i32
        %dma_start3A_663 = arith.constant 0 : i32
        %dma_start3A_664 = tpu.memref_slice %arg11[%dma_start3A_662, %dma_start3A_663] : memref<102400x8xf32, #tpu.memory_space<vmem_shared>> -> memref<102400x8xf32, #tpu.memory_space<vmem_shared>>
        tpu.enqueue_indirect_dma source(%dma_start3A_658 : memref<128x8xf32, #tpu.memory_space<vmem>>) target(%dma_start3A_664 : memref<102400x8xf32, #tpu.memory_space<vmem_shared>>) offsets(%dma_start3A_661 : memref<128xi32, #tpu.memory_space<vmem>>) semaphore(%run_scoped3A_654 : memref<!tpu.dma_semaphore, #tpu.memory_space<semaphore_mem>>) {add = true}
        %dma_wait3A_665 = arith.constant 0 : i32
        %dma_wait3A_666 = arith.constant 0 : i32
        %dma_wait3A_667 = tpu.memref_slice %arg10[%run_scoped3A_286, %dma_wait3A_665, %dma_wait3A_666] : memref<3x128x8xf32, #tpu.memory_space<vmem>> -> memref<1x128x8xf32, #tpu.memory_space<vmem>>
        %dma_wait3A_668 = tpu.memref_squeeze %dma_wait3A_667 : memref<1x128x8xf32, #tpu.memory_space<vmem>> -> memref<128x8xf32, #tpu.memory_space<vmem>>
        %dma_wait3A_669 = arith.constant 0 : i32
        %dma_wait3A_670 = tpu.memref_slice %arg9[%select_n3A_29, %run_scoped3A_287, %dma_wait3A_669] : memref<2x23x128xi32, #tpu.memory_space<vmem>> -> memref<1x1x128xi32, #tpu.memory_space<vmem>>
        %dma_wait3A_671 = tpu.memref_squeeze %dma_wait3A_670 : memref<1x1x128xi32, #tpu.memory_space<vmem>> -> memref<128xi32, #tpu.memory_space<vmem>>
        %dma_wait3A_672 = arith.constant 0 : i32
        %dma_wait3A_673 = arith.constant 0 : i32
        %dma_wait3A_674 = tpu.memref_slice %arg11[%dma_wait3A_672, %dma_wait3A_673] : memref<102400x8xf32, #tpu.memory_space<vmem_shared>> -> memref<102400x8xf32, #tpu.memory_space<vmem_shared>>
        tpu.wait_indirect_dma semaphore(%run_scoped3A_654 : memref<!tpu.dma_semaphore, #tpu.memory_space<semaphore_mem>>) src(%dma_wait3A_668 : memref<128x8xf32, #tpu.memory_space<vmem>>) dst(%dma_wait3A_674 : memref<102400x8xf32, #tpu.memory_space<vmem_shared>>)
        tpu.yield
      }) : () -> ()
      %dma_start3A_288 = arith.constant 10 : i32
      %dma_start3A_289 = arith.constant 1 : i32
      %dma_start3A_290 = arith.constant 0 : i32
      %dma_start3A_291 = arith.constant 0 : i32
      %dma_start3A_292 = tpu.memref_slice %arg10[%dma_start3A_289, %dma_start3A_290, %dma_start3A_291] : memref<3x128x8xf32, #tpu.memory_space<vmem>> -> memref<1x128x8xf32, #tpu.memory_space<vmem>>
      %dma_start3A_293 = tpu.memref_squeeze %dma_start3A_292 : memref<1x128x8xf32, #tpu.memory_space<vmem>> -> memref<128x8xf32, #tpu.memory_space<vmem>>
      %dma_start3A_294 = arith.constant 0 : i32
      %dma_start3A_295 = tpu.memref_slice %arg8[%select_n3A_29, %dma_start3A_288, %dma_start3A_294] : memref<2x23x128xi32, #tpu.memory_space<vmem>> -> memref<1x1x128xi32, #tpu.memory_space<vmem>>
      %dma_start3A_296 = tpu.memref_squeeze %dma_start3A_295 : memref<1x1x128xi32, #tpu.memory_space<vmem>> -> memref<128xi32, #tpu.memory_space<vmem>>
      %dma_start3A_297 = arith.constant 0 : i32
      %dma_start3A_298 = arith.constant 0 : i32
      %dma_start3A_299 = tpu.memref_slice %arg5[%dma_start3A_297, %dma_start3A_298] : memref<102400x8xf32, #tpu.memory_space<hbm>> -> memref<102400x8xf32, #tpu.memory_space<hbm>>
      tpu.enqueue_indirect_dma source(%dma_start3A_299 : memref<102400x8xf32, #tpu.memory_space<hbm>>) target(%dma_start3A_293 : memref<128x8xf32, #tpu.memory_space<vmem>>) offsets(%dma_start3A_296 : memref<128xi32, #tpu.memory_space<vmem>>) semaphore(%arg14 : memref<!tpu.dma_semaphore, #tpu.memory_space<semaphore_mem>>)
      %dma_wait3A_300 = arith.constant 8 : i32
      %dma_wait3A_301 = arith.constant 2 : i32
      %dma_wait3A_302 = arith.constant 0 : i32
      %dma_wait3A_303 = arith.constant 0 : i32
      %dma_wait3A_304 = tpu.memref_slice %arg10[%dma_wait3A_301, %dma_wait3A_302, %dma_wait3A_303] : memref<3x128x8xf32, #tpu.memory_space<vmem>> -> memref<1x128x8xf32, #tpu.memory_space<vmem>>
      %dma_wait3A_305 = tpu.memref_squeeze %dma_wait3A_304 : memref<1x128x8xf32, #tpu.memory_space<vmem>> -> memref<128x8xf32, #tpu.memory_space<vmem>>
      %dma_wait3A_306 = arith.constant 0 : i32
      %dma_wait3A_307 = tpu.memref_slice %arg8[%select_n3A_29, %dma_wait3A_300, %dma_wait3A_306] : memref<2x23x128xi32, #tpu.memory_space<vmem>> -> memref<1x1x128xi32, #tpu.memory_space<vmem>>
      %dma_wait3A_308 = tpu.memref_squeeze %dma_wait3A_307 : memref<1x1x128xi32, #tpu.memory_space<vmem>> -> memref<128xi32, #tpu.memory_space<vmem>>
      %dma_wait3A_309 = arith.constant 0 : i32
      %dma_wait3A_310 = arith.constant 0 : i32
      %dma_wait3A_311 = tpu.memref_slice %arg5[%dma_wait3A_309, %dma_wait3A_310] : memref<102400x8xf32, #tpu.memory_space<hbm>> -> memref<102400x8xf32, #tpu.memory_space<hbm>>
      tpu.wait_indirect_dma semaphore(%arg15 : memref<!tpu.dma_semaphore, #tpu.memory_space<semaphore_mem>>) src(%dma_wait3A_311 : memref<102400x8xf32, #tpu.memory_space<hbm>>) dst(%dma_wait3A_305 : memref<128x8xf32, #tpu.memory_space<vmem>>)
      %run_scoped3A_312 = arith.constant 2 : i32
      %run_scoped3A_313 = arith.constant 8 : i32
      "tpu.region"() ({
        %run_scoped3A_654 = tpu.sem_alloc : memref<!tpu.dma_semaphore, #tpu.memory_space<semaphore_mem>>
        %dma_start3A_655 = arith.constant 0 : i32
        %dma_start3A_656 = arith.constant 0 : i32
        %dma_start3A_657 = tpu.memref_slice %arg10[%run_scoped3A_312, %dma_start3A_655, %dma_start3A_656] : memref<3x128x8xf32, #tpu.memory_space<vmem>> -> memref<1x128x8xf32, #tpu.memory_space<vmem>>
        %dma_start3A_658 = tpu.memref_squeeze %dma_start3A_657 : memref<1x128x8xf32, #tpu.memory_space<vmem>> -> memref<128x8xf32, #tpu.memory_space<vmem>>
        %dma_start3A_659 = arith.constant 0 : i32
        %dma_start3A_660 = tpu.memref_slice %arg9[%select_n3A_29, %run_scoped3A_313, %dma_start3A_659] : memref<2x23x128xi32, #tpu.memory_space<vmem>> -> memref<1x1x128xi32, #tpu.memory_space<vmem>>
        %dma_start3A_661 = tpu.memref_squeeze %dma_start3A_660 : memref<1x1x128xi32, #tpu.memory_space<vmem>> -> memref<128xi32, #tpu.memory_space<vmem>>
        %dma_start3A_662 = arith.constant 0 : i32
        %dma_start3A_663 = arith.constant 0 : i32
        %dma_start3A_664 = tpu.memref_slice %arg11[%dma_start3A_662, %dma_start3A_663] : memref<102400x8xf32, #tpu.memory_space<vmem_shared>> -> memref<102400x8xf32, #tpu.memory_space<vmem_shared>>
        tpu.enqueue_indirect_dma source(%dma_start3A_658 : memref<128x8xf32, #tpu.memory_space<vmem>>) target(%dma_start3A_664 : memref<102400x8xf32, #tpu.memory_space<vmem_shared>>) offsets(%dma_start3A_661 : memref<128xi32, #tpu.memory_space<vmem>>) semaphore(%run_scoped3A_654 : memref<!tpu.dma_semaphore, #tpu.memory_space<semaphore_mem>>) {add = true}
        %dma_wait3A_665 = arith.constant 0 : i32
        %dma_wait3A_666 = arith.constant 0 : i32
        %dma_wait3A_667 = tpu.memref_slice %arg10[%run_scoped3A_312, %dma_wait3A_665, %dma_wait3A_666] : memref<3x128x8xf32, #tpu.memory_space<vmem>> -> memref<1x128x8xf32, #tpu.memory_space<vmem>>
        %dma_wait3A_668 = tpu.memref_squeeze %dma_wait3A_667 : memref<1x128x8xf32, #tpu.memory_space<vmem>> -> memref<128x8xf32, #tpu.memory_space<vmem>>
        %dma_wait3A_669 = arith.constant 0 : i32
        %dma_wait3A_670 = tpu.memref_slice %arg9[%select_n3A_29, %run_scoped3A_313, %dma_wait3A_669] : memref<2x23x128xi32, #tpu.memory_space<vmem>> -> memref<1x1x128xi32, #tpu.memory_space<vmem>>
        %dma_wait3A_671 = tpu.memref_squeeze %dma_wait3A_670 : memref<1x1x128xi32, #tpu.memory_space<vmem>> -> memref<128xi32, #tpu.memory_space<vmem>>
        %dma_wait3A_672 = arith.constant 0 : i32
        %dma_wait3A_673 = arith.constant 0 : i32
        %dma_wait3A_674 = tpu.memref_slice %arg11[%dma_wait3A_672, %dma_wait3A_673] : memref<102400x8xf32, #tpu.memory_space<vmem_shared>> -> memref<102400x8xf32, #tpu.memory_space<vmem_shared>>
        tpu.wait_indirect_dma semaphore(%run_scoped3A_654 : memref<!tpu.dma_semaphore, #tpu.memory_space<semaphore_mem>>) src(%dma_wait3A_668 : memref<128x8xf32, #tpu.memory_space<vmem>>) dst(%dma_wait3A_674 : memref<102400x8xf32, #tpu.memory_space<vmem_shared>>)
        tpu.yield
      }) : () -> ()
      %dma_start3A_314 = arith.constant 11 : i32
      %dma_start3A_315 = arith.constant 2 : i32
      %dma_start3A_316 = arith.constant 0 : i32
      %dma_start3A_317 = arith.constant 0 : i32
      %dma_start3A_318 = tpu.memref_slice %arg10[%dma_start3A_315, %dma_start3A_316, %dma_start3A_317] : memref<3x128x8xf32, #tpu.memory_space<vmem>> -> memref<1x128x8xf32, #tpu.memory_space<vmem>>
      %dma_start3A_319 = tpu.memref_squeeze %dma_start3A_318 : memref<1x128x8xf32, #tpu.memory_space<vmem>> -> memref<128x8xf32, #tpu.memory_space<vmem>>
      %dma_start3A_320 = arith.constant 0 : i32
      %dma_start3A_321 = tpu.memref_slice %arg8[%select_n3A_29, %dma_start3A_314, %dma_start3A_320] : memref<2x23x128xi32, #tpu.memory_space<vmem>> -> memref<1x1x128xi32, #tpu.memory_space<vmem>>
      %dma_start3A_322 = tpu.memref_squeeze %dma_start3A_321 : memref<1x1x128xi32, #tpu.memory_space<vmem>> -> memref<128xi32, #tpu.memory_space<vmem>>
      %dma_start3A_323 = arith.constant 0 : i32
      %dma_start3A_324 = arith.constant 0 : i32
      %dma_start3A_325 = tpu.memref_slice %arg5[%dma_start3A_323, %dma_start3A_324] : memref<102400x8xf32, #tpu.memory_space<hbm>> -> memref<102400x8xf32, #tpu.memory_space<hbm>>
      tpu.enqueue_indirect_dma source(%dma_start3A_325 : memref<102400x8xf32, #tpu.memory_space<hbm>>) target(%dma_start3A_319 : memref<128x8xf32, #tpu.memory_space<vmem>>) offsets(%dma_start3A_322 : memref<128xi32, #tpu.memory_space<vmem>>) semaphore(%arg15 : memref<!tpu.dma_semaphore, #tpu.memory_space<semaphore_mem>>)
      %dma_wait3A_326 = arith.constant 9 : i32
      %dma_wait3A_327 = arith.constant 0 : i32
      %dma_wait3A_328 = arith.constant 0 : i32
      %dma_wait3A_329 = arith.constant 0 : i32
      %dma_wait3A_330 = tpu.memref_slice %arg10[%dma_wait3A_327, %dma_wait3A_328, %dma_wait3A_329] : memref<3x128x8xf32, #tpu.memory_space<vmem>> -> memref<1x128x8xf32, #tpu.memory_space<vmem>>
      %dma_wait3A_331 = tpu.memref_squeeze %dma_wait3A_330 : memref<1x128x8xf32, #tpu.memory_space<vmem>> -> memref<128x8xf32, #tpu.memory_space<vmem>>
      %dma_wait3A_332 = arith.constant 0 : i32
      %dma_wait3A_333 = tpu.memref_slice %arg8[%select_n3A_29, %dma_wait3A_326, %dma_wait3A_332] : memref<2x23x128xi32, #tpu.memory_space<vmem>> -> memref<1x1x128xi32, #tpu.memory_space<vmem>>
      %dma_wait3A_334 = tpu.memref_squeeze %dma_wait3A_333 : memref<1x1x128xi32, #tpu.memory_space<vmem>> -> memref<128xi32, #tpu.memory_space<vmem>>
      %dma_wait3A_335 = arith.constant 0 : i32
      %dma_wait3A_336 = arith.constant 0 : i32
      %dma_wait3A_337 = tpu.memref_slice %arg5[%dma_wait3A_335, %dma_wait3A_336] : memref<102400x8xf32, #tpu.memory_space<hbm>> -> memref<102400x8xf32, #tpu.memory_space<hbm>>
      tpu.wait_indirect_dma semaphore(%arg13 : memref<!tpu.dma_semaphore, #tpu.memory_space<semaphore_mem>>) src(%dma_wait3A_337 : memref<102400x8xf32, #tpu.memory_space<hbm>>) dst(%dma_wait3A_331 : memref<128x8xf32, #tpu.memory_space<vmem>>)
      %run_scoped3A_338 = arith.constant 0 : i32
      %run_scoped3A_339 = arith.constant 9 : i32
      "tpu.region"() ({
        %run_scoped3A_654 = tpu.sem_alloc : memref<!tpu.dma_semaphore, #tpu.memory_space<semaphore_mem>>
        %dma_start3A_655 = arith.constant 0 : i32
        %dma_start3A_656 = arith.constant 0 : i32
        %dma_start3A_657 = tpu.memref_slice %arg10[%run_scoped3A_338, %dma_start3A_655, %dma_start3A_656] : memref<3x128x8xf32, #tpu.memory_space<vmem>> -> memref<1x128x8xf32, #tpu.memory_space<vmem>>
        %dma_start3A_658 = tpu.memref_squeeze %dma_start3A_657 : memref<1x128x8xf32, #tpu.memory_space<vmem>> -> memref<128x8xf32, #tpu.memory_space<vmem>>
        %dma_start3A_659 = arith.constant 0 : i32
        %dma_start3A_660 = tpu.memref_slice %arg9[%select_n3A_29, %run_scoped3A_339, %dma_start3A_659] : memref<2x23x128xi32, #tpu.memory_space<vmem>> -> memref<1x1x128xi32, #tpu.memory_space<vmem>>
        %dma_start3A_661 = tpu.memref_squeeze %dma_start3A_660 : memref<1x1x128xi32, #tpu.memory_space<vmem>> -> memref<128xi32, #tpu.memory_space<vmem>>
        %dma_start3A_662 = arith.constant 0 : i32
        %dma_start3A_663 = arith.constant 0 : i32
        %dma_start3A_664 = tpu.memref_slice %arg11[%dma_start3A_662, %dma_start3A_663] : memref<102400x8xf32, #tpu.memory_space<vmem_shared>> -> memref<102400x8xf32, #tpu.memory_space<vmem_shared>>
        tpu.enqueue_indirect_dma source(%dma_start3A_658 : memref<128x8xf32, #tpu.memory_space<vmem>>) target(%dma_start3A_664 : memref<102400x8xf32, #tpu.memory_space<vmem_shared>>) offsets(%dma_start3A_661 : memref<128xi32, #tpu.memory_space<vmem>>) semaphore(%run_scoped3A_654 : memref<!tpu.dma_semaphore, #tpu.memory_space<semaphore_mem>>) {add = true}
        %dma_wait3A_665 = arith.constant 0 : i32
        %dma_wait3A_666 = arith.constant 0 : i32
        %dma_wait3A_667 = tpu.memref_slice %arg10[%run_scoped3A_338, %dma_wait3A_665, %dma_wait3A_666] : memref<3x128x8xf32, #tpu.memory_space<vmem>> -> memref<1x128x8xf32, #tpu.memory_space<vmem>>
        %dma_wait3A_668 = tpu.memref_squeeze %dma_wait3A_667 : memref<1x128x8xf32, #tpu.memory_space<vmem>> -> memref<128x8xf32, #tpu.memory_space<vmem>>
        %dma_wait3A_669 = arith.constant 0 : i32
        %dma_wait3A_670 = tpu.memref_slice %arg9[%select_n3A_29, %run_scoped3A_339, %dma_wait3A_669] : memref<2x23x128xi32, #tpu.memory_space<vmem>> -> memref<1x1x128xi32, #tpu.memory_space<vmem>>
        %dma_wait3A_671 = tpu.memref_squeeze %dma_wait3A_670 : memref<1x1x128xi32, #tpu.memory_space<vmem>> -> memref<128xi32, #tpu.memory_space<vmem>>
        %dma_wait3A_672 = arith.constant 0 : i32
        %dma_wait3A_673 = arith.constant 0 : i32
        %dma_wait3A_674 = tpu.memref_slice %arg11[%dma_wait3A_672, %dma_wait3A_673] : memref<102400x8xf32, #tpu.memory_space<vmem_shared>> -> memref<102400x8xf32, #tpu.memory_space<vmem_shared>>
        tpu.wait_indirect_dma semaphore(%run_scoped3A_654 : memref<!tpu.dma_semaphore, #tpu.memory_space<semaphore_mem>>) src(%dma_wait3A_668 : memref<128x8xf32, #tpu.memory_space<vmem>>) dst(%dma_wait3A_674 : memref<102400x8xf32, #tpu.memory_space<vmem_shared>>)
        tpu.yield
      }) : () -> ()
      %dma_start3A_340 = arith.constant 12 : i32
      %dma_start3A_341 = arith.constant 0 : i32
      %dma_start3A_342 = arith.constant 0 : i32
      %dma_start3A_343 = arith.constant 0 : i32
      %dma_start3A_344 = tpu.memref_slice %arg10[%dma_start3A_341, %dma_start3A_342, %dma_start3A_343] : memref<3x128x8xf32, #tpu.memory_space<vmem>> -> memref<1x128x8xf32, #tpu.memory_space<vmem>>
      %dma_start3A_345 = tpu.memref_squeeze %dma_start3A_344 : memref<1x128x8xf32, #tpu.memory_space<vmem>> -> memref<128x8xf32, #tpu.memory_space<vmem>>
      %dma_start3A_346 = arith.constant 0 : i32
      %dma_start3A_347 = tpu.memref_slice %arg8[%select_n3A_29, %dma_start3A_340, %dma_start3A_346] : memref<2x23x128xi32, #tpu.memory_space<vmem>> -> memref<1x1x128xi32, #tpu.memory_space<vmem>>
      %dma_start3A_348 = tpu.memref_squeeze %dma_start3A_347 : memref<1x1x128xi32, #tpu.memory_space<vmem>> -> memref<128xi32, #tpu.memory_space<vmem>>
      %dma_start3A_349 = arith.constant 0 : i32
      %dma_start3A_350 = arith.constant 0 : i32
      %dma_start3A_351 = tpu.memref_slice %arg5[%dma_start3A_349, %dma_start3A_350] : memref<102400x8xf32, #tpu.memory_space<hbm>> -> memref<102400x8xf32, #tpu.memory_space<hbm>>
      tpu.enqueue_indirect_dma source(%dma_start3A_351 : memref<102400x8xf32, #tpu.memory_space<hbm>>) target(%dma_start3A_345 : memref<128x8xf32, #tpu.memory_space<vmem>>) offsets(%dma_start3A_348 : memref<128xi32, #tpu.memory_space<vmem>>) semaphore(%arg13 : memref<!tpu.dma_semaphore, #tpu.memory_space<semaphore_mem>>)
      %dma_wait3A_352 = arith.constant 10 : i32
      %dma_wait3A_353 = arith.constant 1 : i32
      %dma_wait3A_354 = arith.constant 0 : i32
      %dma_wait3A_355 = arith.constant 0 : i32
      %dma_wait3A_356 = tpu.memref_slice %arg10[%dma_wait3A_353, %dma_wait3A_354, %dma_wait3A_355] : memref<3x128x8xf32, #tpu.memory_space<vmem>> -> memref<1x128x8xf32, #tpu.memory_space<vmem>>
      %dma_wait3A_357 = tpu.memref_squeeze %dma_wait3A_356 : memref<1x128x8xf32, #tpu.memory_space<vmem>> -> memref<128x8xf32, #tpu.memory_space<vmem>>
      %dma_wait3A_358 = arith.constant 0 : i32
      %dma_wait3A_359 = tpu.memref_slice %arg8[%select_n3A_29, %dma_wait3A_352, %dma_wait3A_358] : memref<2x23x128xi32, #tpu.memory_space<vmem>> -> memref<1x1x128xi32, #tpu.memory_space<vmem>>
      %dma_wait3A_360 = tpu.memref_squeeze %dma_wait3A_359 : memref<1x1x128xi32, #tpu.memory_space<vmem>> -> memref<128xi32, #tpu.memory_space<vmem>>
      %dma_wait3A_361 = arith.constant 0 : i32
      %dma_wait3A_362 = arith.constant 0 : i32
      %dma_wait3A_363 = tpu.memref_slice %arg5[%dma_wait3A_361, %dma_wait3A_362] : memref<102400x8xf32, #tpu.memory_space<hbm>> -> memref<102400x8xf32, #tpu.memory_space<hbm>>
      tpu.wait_indirect_dma semaphore(%arg14 : memref<!tpu.dma_semaphore, #tpu.memory_space<semaphore_mem>>) src(%dma_wait3A_363 : memref<102400x8xf32, #tpu.memory_space<hbm>>) dst(%dma_wait3A_357 : memref<128x8xf32, #tpu.memory_space<vmem>>)
      %run_scoped3A_364 = arith.constant 1 : i32
      %run_scoped3A_365 = arith.constant 10 : i32
      "tpu.region"() ({
        %run_scoped3A_654 = tpu.sem_alloc : memref<!tpu.dma_semaphore, #tpu.memory_space<semaphore_mem>>
        %dma_start3A_655 = arith.constant 0 : i32
        %dma_start3A_656 = arith.constant 0 : i32
        %dma_start3A_657 = tpu.memref_slice %arg10[%run_scoped3A_364, %dma_start3A_655, %dma_start3A_656] : memref<3x128x8xf32, #tpu.memory_space<vmem>> -> memref<1x128x8xf32, #tpu.memory_space<vmem>>
        %dma_start3A_658 = tpu.memref_squeeze %dma_start3A_657 : memref<1x128x8xf32, #tpu.memory_space<vmem>> -> memref<128x8xf32, #tpu.memory_space<vmem>>
        %dma_start3A_659 = arith.constant 0 : i32
        %dma_start3A_660 = tpu.memref_slice %arg9[%select_n3A_29, %run_scoped3A_365, %dma_start3A_659] : memref<2x23x128xi32, #tpu.memory_space<vmem>> -> memref<1x1x128xi32, #tpu.memory_space<vmem>>
        %dma_start3A_661 = tpu.memref_squeeze %dma_start3A_660 : memref<1x1x128xi32, #tpu.memory_space<vmem>> -> memref<128xi32, #tpu.memory_space<vmem>>
        %dma_start3A_662 = arith.constant 0 : i32
        %dma_start3A_663 = arith.constant 0 : i32
        %dma_start3A_664 = tpu.memref_slice %arg11[%dma_start3A_662, %dma_start3A_663] : memref<102400x8xf32, #tpu.memory_space<vmem_shared>> -> memref<102400x8xf32, #tpu.memory_space<vmem_shared>>
        tpu.enqueue_indirect_dma source(%dma_start3A_658 : memref<128x8xf32, #tpu.memory_space<vmem>>) target(%dma_start3A_664 : memref<102400x8xf32, #tpu.memory_space<vmem_shared>>) offsets(%dma_start3A_661 : memref<128xi32, #tpu.memory_space<vmem>>) semaphore(%run_scoped3A_654 : memref<!tpu.dma_semaphore, #tpu.memory_space<semaphore_mem>>) {add = true}
        %dma_wait3A_665 = arith.constant 0 : i32
        %dma_wait3A_666 = arith.constant 0 : i32
        %dma_wait3A_667 = tpu.memref_slice %arg10[%run_scoped3A_364, %dma_wait3A_665, %dma_wait3A_666] : memref<3x128x8xf32, #tpu.memory_space<vmem>> -> memref<1x128x8xf32, #tpu.memory_space<vmem>>
        %dma_wait3A_668 = tpu.memref_squeeze %dma_wait3A_667 : memref<1x128x8xf32, #tpu.memory_space<vmem>> -> memref<128x8xf32, #tpu.memory_space<vmem>>
        %dma_wait3A_669 = arith.constant 0 : i32
        %dma_wait3A_670 = tpu.memref_slice %arg9[%select_n3A_29, %run_scoped3A_365, %dma_wait3A_669] : memref<2x23x128xi32, #tpu.memory_space<vmem>> -> memref<1x1x128xi32, #tpu.memory_space<vmem>>
        %dma_wait3A_671 = tpu.memref_squeeze %dma_wait3A_670 : memref<1x1x128xi32, #tpu.memory_space<vmem>> -> memref<128xi32, #tpu.memory_space<vmem>>
        %dma_wait3A_672 = arith.constant 0 : i32
        %dma_wait3A_673 = arith.constant 0 : i32
        %dma_wait3A_674 = tpu.memref_slice %arg11[%dma_wait3A_672, %dma_wait3A_673] : memref<102400x8xf32, #tpu.memory_space<vmem_shared>> -> memref<102400x8xf32, #tpu.memory_space<vmem_shared>>
        tpu.wait_indirect_dma semaphore(%run_scoped3A_654 : memref<!tpu.dma_semaphore, #tpu.memory_space<semaphore_mem>>) src(%dma_wait3A_668 : memref<128x8xf32, #tpu.memory_space<vmem>>) dst(%dma_wait3A_674 : memref<102400x8xf32, #tpu.memory_space<vmem_shared>>)
        tpu.yield
      }) : () -> ()
      %dma_start3A_366 = arith.constant 13 : i32
      %dma_start3A_367 = arith.constant 1 : i32
      %dma_start3A_368 = arith.constant 0 : i32
      %dma_start3A_369 = arith.constant 0 : i32
      %dma_start3A_370 = tpu.memref_slice %arg10[%dma_start3A_367, %dma_start3A_368, %dma_start3A_369] : memref<3x128x8xf32, #tpu.memory_space<vmem>> -> memref<1x128x8xf32, #tpu.memory_space<vmem>>
      %dma_start3A_371 = tpu.memref_squeeze %dma_start3A_370 : memref<1x128x8xf32, #tpu.memory_space<vmem>> -> memref<128x8xf32, #tpu.memory_space<vmem>>
      %dma_start3A_372 = arith.constant 0 : i32
      %dma_start3A_373 = tpu.memref_slice %arg8[%select_n3A_29, %dma_start3A_366, %dma_start3A_372] : memref<2x23x128xi32, #tpu.memory_space<vmem>> -> memref<1x1x128xi32, #tpu.memory_space<vmem>>
      %dma_start3A_374 = tpu.memref_squeeze %dma_start3A_373 : memref<1x1x128xi32, #tpu.memory_space<vmem>> -> memref<128xi32, #tpu.memory_space<vmem>>
      %dma_start3A_375 = arith.constant 0 : i32
      %dma_start3A_376 = arith.constant 0 : i32
      %dma_start3A_377 = tpu.memref_slice %arg5[%dma_start3A_375, %dma_start3A_376] : memref<102400x8xf32, #tpu.memory_space<hbm>> -> memref<102400x8xf32, #tpu.memory_space<hbm>>
      tpu.enqueue_indirect_dma source(%dma_start3A_377 : memref<102400x8xf32, #tpu.memory_space<hbm>>) target(%dma_start3A_371 : memref<128x8xf32, #tpu.memory_space<vmem>>) offsets(%dma_start3A_374 : memref<128xi32, #tpu.memory_space<vmem>>) semaphore(%arg14 : memref<!tpu.dma_semaphore, #tpu.memory_space<semaphore_mem>>)
      %dma_wait3A_378 = arith.constant 11 : i32
      %dma_wait3A_379 = arith.constant 2 : i32
      %dma_wait3A_380 = arith.constant 0 : i32
      %dma_wait3A_381 = arith.constant 0 : i32
      %dma_wait3A_382 = tpu.memref_slice %arg10[%dma_wait3A_379, %dma_wait3A_380, %dma_wait3A_381] : memref<3x128x8xf32, #tpu.memory_space<vmem>> -> memref<1x128x8xf32, #tpu.memory_space<vmem>>
      %dma_wait3A_383 = tpu.memref_squeeze %dma_wait3A_382 : memref<1x128x8xf32, #tpu.memory_space<vmem>> -> memref<128x8xf32, #tpu.memory_space<vmem>>
      %dma_wait3A_384 = arith.constant 0 : i32
      %dma_wait3A_385 = tpu.memref_slice %arg8[%select_n3A_29, %dma_wait3A_378, %dma_wait3A_384] : memref<2x23x128xi32, #tpu.memory_space<vmem>> -> memref<1x1x128xi32, #tpu.memory_space<vmem>>
      %dma_wait3A_386 = tpu.memref_squeeze %dma_wait3A_385 : memref<1x1x128xi32, #tpu.memory_space<vmem>> -> memref<128xi32, #tpu.memory_space<vmem>>
      %dma_wait3A_387 = arith.constant 0 : i32
      %dma_wait3A_388 = arith.constant 0 : i32
      %dma_wait3A_389 = tpu.memref_slice %arg5[%dma_wait3A_387, %dma_wait3A_388] : memref<102400x8xf32, #tpu.memory_space<hbm>> -> memref<102400x8xf32, #tpu.memory_space<hbm>>
      tpu.wait_indirect_dma semaphore(%arg15 : memref<!tpu.dma_semaphore, #tpu.memory_space<semaphore_mem>>) src(%dma_wait3A_389 : memref<102400x8xf32, #tpu.memory_space<hbm>>) dst(%dma_wait3A_383 : memref<128x8xf32, #tpu.memory_space<vmem>>)
      %run_scoped3A_390 = arith.constant 2 : i32
      %run_scoped3A_391 = arith.constant 11 : i32
      "tpu.region"() ({
        %run_scoped3A_654 = tpu.sem_alloc : memref<!tpu.dma_semaphore, #tpu.memory_space<semaphore_mem>>
        %dma_start3A_655 = arith.constant 0 : i32
        %dma_start3A_656 = arith.constant 0 : i32
        %dma_start3A_657 = tpu.memref_slice %arg10[%run_scoped3A_390, %dma_start3A_655, %dma_start3A_656] : memref<3x128x8xf32, #tpu.memory_space<vmem>> -> memref<1x128x8xf32, #tpu.memory_space<vmem>>
        %dma_start3A_658 = tpu.memref_squeeze %dma_start3A_657 : memref<1x128x8xf32, #tpu.memory_space<vmem>> -> memref<128x8xf32, #tpu.memory_space<vmem>>
        %dma_start3A_659 = arith.constant 0 : i32
        %dma_start3A_660 = tpu.memref_slice %arg9[%select_n3A_29, %run_scoped3A_391, %dma_start3A_659] : memref<2x23x128xi32, #tpu.memory_space<vmem>> -> memref<1x1x128xi32, #tpu.memory_space<vmem>>
        %dma_start3A_661 = tpu.memref_squeeze %dma_start3A_660 : memref<1x1x128xi32, #tpu.memory_space<vmem>> -> memref<128xi32, #tpu.memory_space<vmem>>
        %dma_start3A_662 = arith.constant 0 : i32
        %dma_start3A_663 = arith.constant 0 : i32
        %dma_start3A_664 = tpu.memref_slice %arg11[%dma_start3A_662, %dma_start3A_663] : memref<102400x8xf32, #tpu.memory_space<vmem_shared>> -> memref<102400x8xf32, #tpu.memory_space<vmem_shared>>
        tpu.enqueue_indirect_dma source(%dma_start3A_658 : memref<128x8xf32, #tpu.memory_space<vmem>>) target(%dma_start3A_664 : memref<102400x8xf32, #tpu.memory_space<vmem_shared>>) offsets(%dma_start3A_661 : memref<128xi32, #tpu.memory_space<vmem>>) semaphore(%run_scoped3A_654 : memref<!tpu.dma_semaphore, #tpu.memory_space<semaphore_mem>>) {add = true}
        %dma_wait3A_665 = arith.constant 0 : i32
        %dma_wait3A_666 = arith.constant 0 : i32
        %dma_wait3A_667 = tpu.memref_slice %arg10[%run_scoped3A_390, %dma_wait3A_665, %dma_wait3A_666] : memref<3x128x8xf32, #tpu.memory_space<vmem>> -> memref<1x128x8xf32, #tpu.memory_space<vmem>>
        %dma_wait3A_668 = tpu.memref_squeeze %dma_wait3A_667 : memref<1x128x8xf32, #tpu.memory_space<vmem>> -> memref<128x8xf32, #tpu.memory_space<vmem>>
        %dma_wait3A_669 = arith.constant 0 : i32
        %dma_wait3A_670 = tpu.memref_slice %arg9[%select_n3A_29, %run_scoped3A_391, %dma_wait3A_669] : memref<2x23x128xi32, #tpu.memory_space<vmem>> -> memref<1x1x128xi32, #tpu.memory_space<vmem>>
        %dma_wait3A_671 = tpu.memref_squeeze %dma_wait3A_670 : memref<1x1x128xi32, #tpu.memory_space<vmem>> -> memref<128xi32, #tpu.memory_space<vmem>>
        %dma_wait3A_672 = arith.constant 0 : i32
        %dma_wait3A_673 = arith.constant 0 : i32
        %dma_wait3A_674 = tpu.memref_slice %arg11[%dma_wait3A_672, %dma_wait3A_673] : memref<102400x8xf32, #tpu.memory_space<vmem_shared>> -> memref<102400x8xf32, #tpu.memory_space<vmem_shared>>
        tpu.wait_indirect_dma semaphore(%run_scoped3A_654 : memref<!tpu.dma_semaphore, #tpu.memory_space<semaphore_mem>>) src(%dma_wait3A_668 : memref<128x8xf32, #tpu.memory_space<vmem>>) dst(%dma_wait3A_674 : memref<102400x8xf32, #tpu.memory_space<vmem_shared>>)
        tpu.yield
      }) : () -> ()
      %dma_start3A_392 = arith.constant 14 : i32
      %dma_start3A_393 = arith.constant 2 : i32
      %dma_start3A_394 = arith.constant 0 : i32
      %dma_start3A_395 = arith.constant 0 : i32
      %dma_start3A_396 = tpu.memref_slice %arg10[%dma_start3A_393, %dma_start3A_394, %dma_start3A_395] : memref<3x128x8xf32, #tpu.memory_space<vmem>> -> memref<1x128x8xf32, #tpu.memory_space<vmem>>
      %dma_start3A_397 = tpu.memref_squeeze %dma_start3A_396 : memref<1x128x8xf32, #tpu.memory_space<vmem>> -> memref<128x8xf32, #tpu.memory_space<vmem>>
      %dma_start3A_398 = arith.constant 0 : i32
      %dma_start3A_399 = tpu.memref_slice %arg8[%select_n3A_29, %dma_start3A_392, %dma_start3A_398] : memref<2x23x128xi32, #tpu.memory_space<vmem>> -> memref<1x1x128xi32, #tpu.memory_space<vmem>>
      %dma_start3A_400 = tpu.memref_squeeze %dma_start3A_399 : memref<1x1x128xi32, #tpu.memory_space<vmem>> -> memref<128xi32, #tpu.memory_space<vmem>>
      %dma_start3A_401 = arith.constant 0 : i32
      %dma_start3A_402 = arith.constant 0 : i32
      %dma_start3A_403 = tpu.memref_slice %arg5[%dma_start3A_401, %dma_start3A_402] : memref<102400x8xf32, #tpu.memory_space<hbm>> -> memref<102400x8xf32, #tpu.memory_space<hbm>>
      tpu.enqueue_indirect_dma source(%dma_start3A_403 : memref<102400x8xf32, #tpu.memory_space<hbm>>) target(%dma_start3A_397 : memref<128x8xf32, #tpu.memory_space<vmem>>) offsets(%dma_start3A_400 : memref<128xi32, #tpu.memory_space<vmem>>) semaphore(%arg15 : memref<!tpu.dma_semaphore, #tpu.memory_space<semaphore_mem>>)
      %dma_wait3A_404 = arith.constant 12 : i32
      %dma_wait3A_405 = arith.constant 0 : i32
      %dma_wait3A_406 = arith.constant 0 : i32
      %dma_wait3A_407 = arith.constant 0 : i32
      %dma_wait3A_408 = tpu.memref_slice %arg10[%dma_wait3A_405, %dma_wait3A_406, %dma_wait3A_407] : memref<3x128x8xf32, #tpu.memory_space<vmem>> -> memref<1x128x8xf32, #tpu.memory_space<vmem>>
      %dma_wait3A_409 = tpu.memref_squeeze %dma_wait3A_408 : memref<1x128x8xf32, #tpu.memory_space<vmem>> -> memref<128x8xf32, #tpu.memory_space<vmem>>
      %dma_wait3A_410 = arith.constant 0 : i32
      %dma_wait3A_411 = tpu.memref_slice %arg8[%select_n3A_29, %dma_wait3A_404, %dma_wait3A_410] : memref<2x23x128xi32, #tpu.memory_space<vmem>> -> memref<1x1x128xi32, #tpu.memory_space<vmem>>
      %dma_wait3A_412 = tpu.memref_squeeze %dma_wait3A_411 : memref<1x1x128xi32, #tpu.memory_space<vmem>> -> memref<128xi32, #tpu.memory_space<vmem>>
      %dma_wait3A_413 = arith.constant 0 : i32
      %dma_wait3A_414 = arith.constant 0 : i32
      %dma_wait3A_415 = tpu.memref_slice %arg5[%dma_wait3A_413, %dma_wait3A_414] : memref<102400x8xf32, #tpu.memory_space<hbm>> -> memref<102400x8xf32, #tpu.memory_space<hbm>>
      tpu.wait_indirect_dma semaphore(%arg13 : memref<!tpu.dma_semaphore, #tpu.memory_space<semaphore_mem>>) src(%dma_wait3A_415 : memref<102400x8xf32, #tpu.memory_space<hbm>>) dst(%dma_wait3A_409 : memref<128x8xf32, #tpu.memory_space<vmem>>)
      %run_scoped3A_416 = arith.constant 0 : i32
      %run_scoped3A_417 = arith.constant 12 : i32
      "tpu.region"() ({
        %run_scoped3A_654 = tpu.sem_alloc : memref<!tpu.dma_semaphore, #tpu.memory_space<semaphore_mem>>
        %dma_start3A_655 = arith.constant 0 : i32
        %dma_start3A_656 = arith.constant 0 : i32
        %dma_start3A_657 = tpu.memref_slice %arg10[%run_scoped3A_416, %dma_start3A_655, %dma_start3A_656] : memref<3x128x8xf32, #tpu.memory_space<vmem>> -> memref<1x128x8xf32, #tpu.memory_space<vmem>>
        %dma_start3A_658 = tpu.memref_squeeze %dma_start3A_657 : memref<1x128x8xf32, #tpu.memory_space<vmem>> -> memref<128x8xf32, #tpu.memory_space<vmem>>
        %dma_start3A_659 = arith.constant 0 : i32
        %dma_start3A_660 = tpu.memref_slice %arg9[%select_n3A_29, %run_scoped3A_417, %dma_start3A_659] : memref<2x23x128xi32, #tpu.memory_space<vmem>> -> memref<1x1x128xi32, #tpu.memory_space<vmem>>
        %dma_start3A_661 = tpu.memref_squeeze %dma_start3A_660 : memref<1x1x128xi32, #tpu.memory_space<vmem>> -> memref<128xi32, #tpu.memory_space<vmem>>
        %dma_start3A_662 = arith.constant 0 : i32
        %dma_start3A_663 = arith.constant 0 : i32
        %dma_start3A_664 = tpu.memref_slice %arg11[%dma_start3A_662, %dma_start3A_663] : memref<102400x8xf32, #tpu.memory_space<vmem_shared>> -> memref<102400x8xf32, #tpu.memory_space<vmem_shared>>
        tpu.enqueue_indirect_dma source(%dma_start3A_658 : memref<128x8xf32, #tpu.memory_space<vmem>>) target(%dma_start3A_664 : memref<102400x8xf32, #tpu.memory_space<vmem_shared>>) offsets(%dma_start3A_661 : memref<128xi32, #tpu.memory_space<vmem>>) semaphore(%run_scoped3A_654 : memref<!tpu.dma_semaphore, #tpu.memory_space<semaphore_mem>>) {add = true}
        %dma_wait3A_665 = arith.constant 0 : i32
        %dma_wait3A_666 = arith.constant 0 : i32
        %dma_wait3A_667 = tpu.memref_slice %arg10[%run_scoped3A_416, %dma_wait3A_665, %dma_wait3A_666] : memref<3x128x8xf32, #tpu.memory_space<vmem>> -> memref<1x128x8xf32, #tpu.memory_space<vmem>>
        %dma_wait3A_668 = tpu.memref_squeeze %dma_wait3A_667 : memref<1x128x8xf32, #tpu.memory_space<vmem>> -> memref<128x8xf32, #tpu.memory_space<vmem>>
        %dma_wait3A_669 = arith.constant 0 : i32
        %dma_wait3A_670 = tpu.memref_slice %arg9[%select_n3A_29, %run_scoped3A_417, %dma_wait3A_669] : memref<2x23x128xi32, #tpu.memory_space<vmem>> -> memref<1x1x128xi32, #tpu.memory_space<vmem>>
        %dma_wait3A_671 = tpu.memref_squeeze %dma_wait3A_670 : memref<1x1x128xi32, #tpu.memory_space<vmem>> -> memref<128xi32, #tpu.memory_space<vmem>>
        %dma_wait3A_672 = arith.constant 0 : i32
        %dma_wait3A_673 = arith.constant 0 : i32
        %dma_wait3A_674 = tpu.memref_slice %arg11[%dma_wait3A_672, %dma_wait3A_673] : memref<102400x8xf32, #tpu.memory_space<vmem_shared>> -> memref<102400x8xf32, #tpu.memory_space<vmem_shared>>
        tpu.wait_indirect_dma semaphore(%run_scoped3A_654 : memref<!tpu.dma_semaphore, #tpu.memory_space<semaphore_mem>>) src(%dma_wait3A_668 : memref<128x8xf32, #tpu.memory_space<vmem>>) dst(%dma_wait3A_674 : memref<102400x8xf32, #tpu.memory_space<vmem_shared>>)
        tpu.yield
      }) : () -> ()
      %dma_start3A_418 = arith.constant 15 : i32
      %dma_start3A_419 = arith.constant 0 : i32
      %dma_start3A_420 = arith.constant 0 : i32
      %dma_start3A_421 = arith.constant 0 : i32
      %dma_start3A_422 = tpu.memref_slice %arg10[%dma_start3A_419, %dma_start3A_420, %dma_start3A_421] : memref<3x128x8xf32, #tpu.memory_space<vmem>> -> memref<1x128x8xf32, #tpu.memory_space<vmem>>
      %dma_start3A_423 = tpu.memref_squeeze %dma_start3A_422 : memref<1x128x8xf32, #tpu.memory_space<vmem>> -> memref<128x8xf32, #tpu.memory_space<vmem>>
      %dma_start3A_424 = arith.constant 0 : i32
      %dma_start3A_425 = tpu.memref_slice %arg8[%select_n3A_29, %dma_start3A_418, %dma_start3A_424] : memref<2x23x128xi32, #tpu.memory_space<vmem>> -> memref<1x1x128xi32, #tpu.memory_space<vmem>>
      %dma_start3A_426 = tpu.memref_squeeze %dma_start3A_425 : memref<1x1x128xi32, #tpu.memory_space<vmem>> -> memref<128xi32, #tpu.memory_space<vmem>>
      %dma_start3A_427 = arith.constant 0 : i32
      %dma_start3A_428 = arith.constant 0 : i32
      %dma_start3A_429 = tpu.memref_slice %arg5[%dma_start3A_427, %dma_start3A_428] : memref<102400x8xf32, #tpu.memory_space<hbm>> -> memref<102400x8xf32, #tpu.memory_space<hbm>>
      tpu.enqueue_indirect_dma source(%dma_start3A_429 : memref<102400x8xf32, #tpu.memory_space<hbm>>) target(%dma_start3A_423 : memref<128x8xf32, #tpu.memory_space<vmem>>) offsets(%dma_start3A_426 : memref<128xi32, #tpu.memory_space<vmem>>) semaphore(%arg13 : memref<!tpu.dma_semaphore, #tpu.memory_space<semaphore_mem>>)
      %dma_wait3A_430 = arith.constant 13 : i32
      %dma_wait3A_431 = arith.constant 1 : i32
      %dma_wait3A_432 = arith.constant 0 : i32
      %dma_wait3A_433 = arith.constant 0 : i32
      %dma_wait3A_434 = tpu.memref_slice %arg10[%dma_wait3A_431, %dma_wait3A_432, %dma_wait3A_433] : memref<3x128x8xf32, #tpu.memory_space<vmem>> -> memref<1x128x8xf32, #tpu.memory_space<vmem>>
      %dma_wait3A_435 = tpu.memref_squeeze %dma_wait3A_434 : memref<1x128x8xf32, #tpu.memory_space<vmem>> -> memref<128x8xf32, #tpu.memory_space<vmem>>
      %dma_wait3A_436 = arith.constant 0 : i32
      %dma_wait3A_437 = tpu.memref_slice %arg8[%select_n3A_29, %dma_wait3A_430, %dma_wait3A_436] : memref<2x23x128xi32, #tpu.memory_space<vmem>> -> memref<1x1x128xi32, #tpu.memory_space<vmem>>
      %dma_wait3A_438 = tpu.memref_squeeze %dma_wait3A_437 : memref<1x1x128xi32, #tpu.memory_space<vmem>> -> memref<128xi32, #tpu.memory_space<vmem>>
      %dma_wait3A_439 = arith.constant 0 : i32
      %dma_wait3A_440 = arith.constant 0 : i32
      %dma_wait3A_441 = tpu.memref_slice %arg5[%dma_wait3A_439, %dma_wait3A_440] : memref<102400x8xf32, #tpu.memory_space<hbm>> -> memref<102400x8xf32, #tpu.memory_space<hbm>>
      tpu.wait_indirect_dma semaphore(%arg14 : memref<!tpu.dma_semaphore, #tpu.memory_space<semaphore_mem>>) src(%dma_wait3A_441 : memref<102400x8xf32, #tpu.memory_space<hbm>>) dst(%dma_wait3A_435 : memref<128x8xf32, #tpu.memory_space<vmem>>)
      %run_scoped3A_442 = arith.constant 1 : i32
      %run_scoped3A_443 = arith.constant 13 : i32
      "tpu.region"() ({
        %run_scoped3A_654 = tpu.sem_alloc : memref<!tpu.dma_semaphore, #tpu.memory_space<semaphore_mem>>
        %dma_start3A_655 = arith.constant 0 : i32
        %dma_start3A_656 = arith.constant 0 : i32
        %dma_start3A_657 = tpu.memref_slice %arg10[%run_scoped3A_442, %dma_start3A_655, %dma_start3A_656] : memref<3x128x8xf32, #tpu.memory_space<vmem>> -> memref<1x128x8xf32, #tpu.memory_space<vmem>>
        %dma_start3A_658 = tpu.memref_squeeze %dma_start3A_657 : memref<1x128x8xf32, #tpu.memory_space<vmem>> -> memref<128x8xf32, #tpu.memory_space<vmem>>
        %dma_start3A_659 = arith.constant 0 : i32
        %dma_start3A_660 = tpu.memref_slice %arg9[%select_n3A_29, %run_scoped3A_443, %dma_start3A_659] : memref<2x23x128xi32, #tpu.memory_space<vmem>> -> memref<1x1x128xi32, #tpu.memory_space<vmem>>
        %dma_start3A_661 = tpu.memref_squeeze %dma_start3A_660 : memref<1x1x128xi32, #tpu.memory_space<vmem>> -> memref<128xi32, #tpu.memory_space<vmem>>
        %dma_start3A_662 = arith.constant 0 : i32
        %dma_start3A_663 = arith.constant 0 : i32
        %dma_start3A_664 = tpu.memref_slice %arg11[%dma_start3A_662, %dma_start3A_663] : memref<102400x8xf32, #tpu.memory_space<vmem_shared>> -> memref<102400x8xf32, #tpu.memory_space<vmem_shared>>
        tpu.enqueue_indirect_dma source(%dma_start3A_658 : memref<128x8xf32, #tpu.memory_space<vmem>>) target(%dma_start3A_664 : memref<102400x8xf32, #tpu.memory_space<vmem_shared>>) offsets(%dma_start3A_661 : memref<128xi32, #tpu.memory_space<vmem>>) semaphore(%run_scoped3A_654 : memref<!tpu.dma_semaphore, #tpu.memory_space<semaphore_mem>>) {add = true}
        %dma_wait3A_665 = arith.constant 0 : i32
        %dma_wait3A_666 = arith.constant 0 : i32
        %dma_wait3A_667 = tpu.memref_slice %arg10[%run_scoped3A_442, %dma_wait3A_665, %dma_wait3A_666] : memref<3x128x8xf32, #tpu.memory_space<vmem>> -> memref<1x128x8xf32, #tpu.memory_space<vmem>>
        %dma_wait3A_668 = tpu.memref_squeeze %dma_wait3A_667 : memref<1x128x8xf32, #tpu.memory_space<vmem>> -> memref<128x8xf32, #tpu.memory_space<vmem>>
        %dma_wait3A_669 = arith.constant 0 : i32
        %dma_wait3A_670 = tpu.memref_slice %arg9[%select_n3A_29, %run_scoped3A_443, %dma_wait3A_669] : memref<2x23x128xi32, #tpu.memory_space<vmem>> -> memref<1x1x128xi32, #tpu.memory_space<vmem>>
        %dma_wait3A_671 = tpu.memref_squeeze %dma_wait3A_670 : memref<1x1x128xi32, #tpu.memory_space<vmem>> -> memref<128xi32, #tpu.memory_space<vmem>>
        %dma_wait3A_672 = arith.constant 0 : i32
        %dma_wait3A_673 = arith.constant 0 : i32
        %dma_wait3A_674 = tpu.memref_slice %arg11[%dma_wait3A_672, %dma_wait3A_673] : memref<102400x8xf32, #tpu.memory_space<vmem_shared>> -> memref<102400x8xf32, #tpu.memory_space<vmem_shared>>
        tpu.wait_indirect_dma semaphore(%run_scoped3A_654 : memref<!tpu.dma_semaphore, #tpu.memory_space<semaphore_mem>>) src(%dma_wait3A_668 : memref<128x8xf32, #tpu.memory_space<vmem>>) dst(%dma_wait3A_674 : memref<102400x8xf32, #tpu.memory_space<vmem_shared>>)
        tpu.yield
      }) : () -> ()
      %dma_start3A_444 = arith.constant 16 : i32
      %dma_start3A_445 = arith.constant 1 : i32
      %dma_start3A_446 = arith.constant 0 : i32
      %dma_start3A_447 = arith.constant 0 : i32
      %dma_start3A_448 = tpu.memref_slice %arg10[%dma_start3A_445, %dma_start3A_446, %dma_start3A_447] : memref<3x128x8xf32, #tpu.memory_space<vmem>> -> memref<1x128x8xf32, #tpu.memory_space<vmem>>
      %dma_start3A_449 = tpu.memref_squeeze %dma_start3A_448 : memref<1x128x8xf32, #tpu.memory_space<vmem>> -> memref<128x8xf32, #tpu.memory_space<vmem>>
      %dma_start3A_450 = arith.constant 0 : i32
      %dma_start3A_451 = tpu.memref_slice %arg8[%select_n3A_29, %dma_start3A_444, %dma_start3A_450] : memref<2x23x128xi32, #tpu.memory_space<vmem>> -> memref<1x1x128xi32, #tpu.memory_space<vmem>>
      %dma_start3A_452 = tpu.memref_squeeze %dma_start3A_451 : memref<1x1x128xi32, #tpu.memory_space<vmem>> -> memref<128xi32, #tpu.memory_space<vmem>>
      %dma_start3A_453 = arith.constant 0 : i32
      %dma_start3A_454 = arith.constant 0 : i32
      %dma_start3A_455 = tpu.memref_slice %arg5[%dma_start3A_453, %dma_start3A_454] : memref<102400x8xf32, #tpu.memory_space<hbm>> -> memref<102400x8xf32, #tpu.memory_space<hbm>>
      tpu.enqueue_indirect_dma source(%dma_start3A_455 : memref<102400x8xf32, #tpu.memory_space<hbm>>) target(%dma_start3A_449 : memref<128x8xf32, #tpu.memory_space<vmem>>) offsets(%dma_start3A_452 : memref<128xi32, #tpu.memory_space<vmem>>) semaphore(%arg14 : memref<!tpu.dma_semaphore, #tpu.memory_space<semaphore_mem>>)
      %dma_wait3A_456 = arith.constant 14 : i32
      %dma_wait3A_457 = arith.constant 2 : i32
      %dma_wait3A_458 = arith.constant 0 : i32
      %dma_wait3A_459 = arith.constant 0 : i32
      %dma_wait3A_460 = tpu.memref_slice %arg10[%dma_wait3A_457, %dma_wait3A_458, %dma_wait3A_459] : memref<3x128x8xf32, #tpu.memory_space<vmem>> -> memref<1x128x8xf32, #tpu.memory_space<vmem>>
      %dma_wait3A_461 = tpu.memref_squeeze %dma_wait3A_460 : memref<1x128x8xf32, #tpu.memory_space<vmem>> -> memref<128x8xf32, #tpu.memory_space<vmem>>
      %dma_wait3A_462 = arith.constant 0 : i32
      %dma_wait3A_463 = tpu.memref_slice %arg8[%select_n3A_29, %dma_wait3A_456, %dma_wait3A_462] : memref<2x23x128xi32, #tpu.memory_space<vmem>> -> memref<1x1x128xi32, #tpu.memory_space<vmem>>
      %dma_wait3A_464 = tpu.memref_squeeze %dma_wait3A_463 : memref<1x1x128xi32, #tpu.memory_space<vmem>> -> memref<128xi32, #tpu.memory_space<vmem>>
      %dma_wait3A_465 = arith.constant 0 : i32
      %dma_wait3A_466 = arith.constant 0 : i32
      %dma_wait3A_467 = tpu.memref_slice %arg5[%dma_wait3A_465, %dma_wait3A_466] : memref<102400x8xf32, #tpu.memory_space<hbm>> -> memref<102400x8xf32, #tpu.memory_space<hbm>>
      tpu.wait_indirect_dma semaphore(%arg15 : memref<!tpu.dma_semaphore, #tpu.memory_space<semaphore_mem>>) src(%dma_wait3A_467 : memref<102400x8xf32, #tpu.memory_space<hbm>>) dst(%dma_wait3A_461 : memref<128x8xf32, #tpu.memory_space<vmem>>)
      %run_scoped3A_468 = arith.constant 2 : i32
      %run_scoped3A_469 = arith.constant 14 : i32
      "tpu.region"() ({
        %run_scoped3A_654 = tpu.sem_alloc : memref<!tpu.dma_semaphore, #tpu.memory_space<semaphore_mem>>
        %dma_start3A_655 = arith.constant 0 : i32
        %dma_start3A_656 = arith.constant 0 : i32
        %dma_start3A_657 = tpu.memref_slice %arg10[%run_scoped3A_468, %dma_start3A_655, %dma_start3A_656] : memref<3x128x8xf32, #tpu.memory_space<vmem>> -> memref<1x128x8xf32, #tpu.memory_space<vmem>>
        %dma_start3A_658 = tpu.memref_squeeze %dma_start3A_657 : memref<1x128x8xf32, #tpu.memory_space<vmem>> -> memref<128x8xf32, #tpu.memory_space<vmem>>
        %dma_start3A_659 = arith.constant 0 : i32
        %dma_start3A_660 = tpu.memref_slice %arg9[%select_n3A_29, %run_scoped3A_469, %dma_start3A_659] : memref<2x23x128xi32, #tpu.memory_space<vmem>> -> memref<1x1x128xi32, #tpu.memory_space<vmem>>
        %dma_start3A_661 = tpu.memref_squeeze %dma_start3A_660 : memref<1x1x128xi32, #tpu.memory_space<vmem>> -> memref<128xi32, #tpu.memory_space<vmem>>
        %dma_start3A_662 = arith.constant 0 : i32
        %dma_start3A_663 = arith.constant 0 : i32
        %dma_start3A_664 = tpu.memref_slice %arg11[%dma_start3A_662, %dma_start3A_663] : memref<102400x8xf32, #tpu.memory_space<vmem_shared>> -> memref<102400x8xf32, #tpu.memory_space<vmem_shared>>
        tpu.enqueue_indirect_dma source(%dma_start3A_658 : memref<128x8xf32, #tpu.memory_space<vmem>>) target(%dma_start3A_664 : memref<102400x8xf32, #tpu.memory_space<vmem_shared>>) offsets(%dma_start3A_661 : memref<128xi32, #tpu.memory_space<vmem>>) semaphore(%run_scoped3A_654 : memref<!tpu.dma_semaphore, #tpu.memory_space<semaphore_mem>>) {add = true}
        %dma_wait3A_665 = arith.constant 0 : i32
        %dma_wait3A_666 = arith.constant 0 : i32
        %dma_wait3A_667 = tpu.memref_slice %arg10[%run_scoped3A_468, %dma_wait3A_665, %dma_wait3A_666] : memref<3x128x8xf32, #tpu.memory_space<vmem>> -> memref<1x128x8xf32, #tpu.memory_space<vmem>>
        %dma_wait3A_668 = tpu.memref_squeeze %dma_wait3A_667 : memref<1x128x8xf32, #tpu.memory_space<vmem>> -> memref<128x8xf32, #tpu.memory_space<vmem>>
        %dma_wait3A_669 = arith.constant 0 : i32
        %dma_wait3A_670 = tpu.memref_slice %arg9[%select_n3A_29, %run_scoped3A_469, %dma_wait3A_669] : memref<2x23x128xi32, #tpu.memory_space<vmem>> -> memref<1x1x128xi32, #tpu.memory_space<vmem>>
        %dma_wait3A_671 = tpu.memref_squeeze %dma_wait3A_670 : memref<1x1x128xi32, #tpu.memory_space<vmem>> -> memref<128xi32, #tpu.memory_space<vmem>>
        %dma_wait3A_672 = arith.constant 0 : i32
        %dma_wait3A_673 = arith.constant 0 : i32
        %dma_wait3A_674 = tpu.memref_slice %arg11[%dma_wait3A_672, %dma_wait3A_673] : memref<102400x8xf32, #tpu.memory_space<vmem_shared>> -> memref<102400x8xf32, #tpu.memory_space<vmem_shared>>
        tpu.wait_indirect_dma semaphore(%run_scoped3A_654 : memref<!tpu.dma_semaphore, #tpu.memory_space<semaphore_mem>>) src(%dma_wait3A_668 : memref<128x8xf32, #tpu.memory_space<vmem>>) dst(%dma_wait3A_674 : memref<102400x8xf32, #tpu.memory_space<vmem_shared>>)
        tpu.yield
      }) : () -> ()
      %dma_start3A_470 = arith.constant 17 : i32
      %dma_start3A_471 = arith.constant 2 : i32
      %dma_start3A_472 = arith.constant 0 : i32
      %dma_start3A_473 = arith.constant 0 : i32
      %dma_start3A_474 = tpu.memref_slice %arg10[%dma_start3A_471, %dma_start3A_472, %dma_start3A_473] : memref<3x128x8xf32, #tpu.memory_space<vmem>> -> memref<1x128x8xf32, #tpu.memory_space<vmem>>
      %dma_start3A_475 = tpu.memref_squeeze %dma_start3A_474 : memref<1x128x8xf32, #tpu.memory_space<vmem>> -> memref<128x8xf32, #tpu.memory_space<vmem>>
      %dma_start3A_476 = arith.constant 0 : i32
      %dma_start3A_477 = tpu.memref_slice %arg8[%select_n3A_29, %dma_start3A_470, %dma_start3A_476] : memref<2x23x128xi32, #tpu.memory_space<vmem>> -> memref<1x1x128xi32, #tpu.memory_space<vmem>>
      %dma_start3A_478 = tpu.memref_squeeze %dma_start3A_477 : memref<1x1x128xi32, #tpu.memory_space<vmem>> -> memref<128xi32, #tpu.memory_space<vmem>>
      %dma_start3A_479 = arith.constant 0 : i32
      %dma_start3A_480 = arith.constant 0 : i32
      %dma_start3A_481 = tpu.memref_slice %arg5[%dma_start3A_479, %dma_start3A_480] : memref<102400x8xf32, #tpu.memory_space<hbm>> -> memref<102400x8xf32, #tpu.memory_space<hbm>>
      tpu.enqueue_indirect_dma source(%dma_start3A_481 : memref<102400x8xf32, #tpu.memory_space<hbm>>) target(%dma_start3A_475 : memref<128x8xf32, #tpu.memory_space<vmem>>) offsets(%dma_start3A_478 : memref<128xi32, #tpu.memory_space<vmem>>) semaphore(%arg15 : memref<!tpu.dma_semaphore, #tpu.memory_space<semaphore_mem>>)
      %dma_wait3A_482 = arith.constant 15 : i32
      %dma_wait3A_483 = arith.constant 0 : i32
      %dma_wait3A_484 = arith.constant 0 : i32
      %dma_wait3A_485 = arith.constant 0 : i32
      %dma_wait3A_486 = tpu.memref_slice %arg10[%dma_wait3A_483, %dma_wait3A_484, %dma_wait3A_485] : memref<3x128x8xf32, #tpu.memory_space<vmem>> -> memref<1x128x8xf32, #tpu.memory_space<vmem>>
      %dma_wait3A_487 = tpu.memref_squeeze %dma_wait3A_486 : memref<1x128x8xf32, #tpu.memory_space<vmem>> -> memref<128x8xf32, #tpu.memory_space<vmem>>
      %dma_wait3A_488 = arith.constant 0 : i32
      %dma_wait3A_489 = tpu.memref_slice %arg8[%select_n3A_29, %dma_wait3A_482, %dma_wait3A_488] : memref<2x23x128xi32, #tpu.memory_space<vmem>> -> memref<1x1x128xi32, #tpu.memory_space<vmem>>
      %dma_wait3A_490 = tpu.memref_squeeze %dma_wait3A_489 : memref<1x1x128xi32, #tpu.memory_space<vmem>> -> memref<128xi32, #tpu.memory_space<vmem>>
      %dma_wait3A_491 = arith.constant 0 : i32
      %dma_wait3A_492 = arith.constant 0 : i32
      %dma_wait3A_493 = tpu.memref_slice %arg5[%dma_wait3A_491, %dma_wait3A_492] : memref<102400x8xf32, #tpu.memory_space<hbm>> -> memref<102400x8xf32, #tpu.memory_space<hbm>>
      tpu.wait_indirect_dma semaphore(%arg13 : memref<!tpu.dma_semaphore, #tpu.memory_space<semaphore_mem>>) src(%dma_wait3A_493 : memref<102400x8xf32, #tpu.memory_space<hbm>>) dst(%dma_wait3A_487 : memref<128x8xf32, #tpu.memory_space<vmem>>)
      %run_scoped3A_494 = arith.constant 0 : i32
      %run_scoped3A_495 = arith.constant 15 : i32
      "tpu.region"() ({
        %run_scoped3A_654 = tpu.sem_alloc : memref<!tpu.dma_semaphore, #tpu.memory_space<semaphore_mem>>
        %dma_start3A_655 = arith.constant 0 : i32
        %dma_start3A_656 = arith.constant 0 : i32
        %dma_start3A_657 = tpu.memref_slice %arg10[%run_scoped3A_494, %dma_start3A_655, %dma_start3A_656] : memref<3x128x8xf32, #tpu.memory_space<vmem>> -> memref<1x128x8xf32, #tpu.memory_space<vmem>>
        %dma_start3A_658 = tpu.memref_squeeze %dma_start3A_657 : memref<1x128x8xf32, #tpu.memory_space<vmem>> -> memref<128x8xf32, #tpu.memory_space<vmem>>
        %dma_start3A_659 = arith.constant 0 : i32
        %dma_start3A_660 = tpu.memref_slice %arg9[%select_n3A_29, %run_scoped3A_495, %dma_start3A_659] : memref<2x23x128xi32, #tpu.memory_space<vmem>> -> memref<1x1x128xi32, #tpu.memory_space<vmem>>
        %dma_start3A_661 = tpu.memref_squeeze %dma_start3A_660 : memref<1x1x128xi32, #tpu.memory_space<vmem>> -> memref<128xi32, #tpu.memory_space<vmem>>
        %dma_start3A_662 = arith.constant 0 : i32
        %dma_start3A_663 = arith.constant 0 : i32
        %dma_start3A_664 = tpu.memref_slice %arg11[%dma_start3A_662, %dma_start3A_663] : memref<102400x8xf32, #tpu.memory_space<vmem_shared>> -> memref<102400x8xf32, #tpu.memory_space<vmem_shared>>
        tpu.enqueue_indirect_dma source(%dma_start3A_658 : memref<128x8xf32, #tpu.memory_space<vmem>>) target(%dma_start3A_664 : memref<102400x8xf32, #tpu.memory_space<vmem_shared>>) offsets(%dma_start3A_661 : memref<128xi32, #tpu.memory_space<vmem>>) semaphore(%run_scoped3A_654 : memref<!tpu.dma_semaphore, #tpu.memory_space<semaphore_mem>>) {add = true}
        %dma_wait3A_665 = arith.constant 0 : i32
        %dma_wait3A_666 = arith.constant 0 : i32
        %dma_wait3A_667 = tpu.memref_slice %arg10[%run_scoped3A_494, %dma_wait3A_665, %dma_wait3A_666] : memref<3x128x8xf32, #tpu.memory_space<vmem>> -> memref<1x128x8xf32, #tpu.memory_space<vmem>>
        %dma_wait3A_668 = tpu.memref_squeeze %dma_wait3A_667 : memref<1x128x8xf32, #tpu.memory_space<vmem>> -> memref<128x8xf32, #tpu.memory_space<vmem>>
        %dma_wait3A_669 = arith.constant 0 : i32
        %dma_wait3A_670 = tpu.memref_slice %arg9[%select_n3A_29, %run_scoped3A_495, %dma_wait3A_669] : memref<2x23x128xi32, #tpu.memory_space<vmem>> -> memref<1x1x128xi32, #tpu.memory_space<vmem>>
        %dma_wait3A_671 = tpu.memref_squeeze %dma_wait3A_670 : memref<1x1x128xi32, #tpu.memory_space<vmem>> -> memref<128xi32, #tpu.memory_space<vmem>>
        %dma_wait3A_672 = arith.constant 0 : i32
        %dma_wait3A_673 = arith.constant 0 : i32
        %dma_wait3A_674 = tpu.memref_slice %arg11[%dma_wait3A_672, %dma_wait3A_673] : memref<102400x8xf32, #tpu.memory_space<vmem_shared>> -> memref<102400x8xf32, #tpu.memory_space<vmem_shared>>
        tpu.wait_indirect_dma semaphore(%run_scoped3A_654 : memref<!tpu.dma_semaphore, #tpu.memory_space<semaphore_mem>>) src(%dma_wait3A_668 : memref<128x8xf32, #tpu.memory_space<vmem>>) dst(%dma_wait3A_674 : memref<102400x8xf32, #tpu.memory_space<vmem_shared>>)
        tpu.yield
      }) : () -> ()
      %dma_start3A_496 = arith.constant 18 : i32
      %dma_start3A_497 = arith.constant 0 : i32
      %dma_start3A_498 = arith.constant 0 : i32
      %dma_start3A_499 = arith.constant 0 : i32
      %dma_start3A_500 = tpu.memref_slice %arg10[%dma_start3A_497, %dma_start3A_498, %dma_start3A_499] : memref<3x128x8xf32, #tpu.memory_space<vmem>> -> memref<1x128x8xf32, #tpu.memory_space<vmem>>
      %dma_start3A_501 = tpu.memref_squeeze %dma_start3A_500 : memref<1x128x8xf32, #tpu.memory_space<vmem>> -> memref<128x8xf32, #tpu.memory_space<vmem>>
      %dma_start3A_502 = arith.constant 0 : i32
      %dma_start3A_503 = tpu.memref_slice %arg8[%select_n3A_29, %dma_start3A_496, %dma_start3A_502] : memref<2x23x128xi32, #tpu.memory_space<vmem>> -> memref<1x1x128xi32, #tpu.memory_space<vmem>>
      %dma_start3A_504 = tpu.memref_squeeze %dma_start3A_503 : memref<1x1x128xi32, #tpu.memory_space<vmem>> -> memref<128xi32, #tpu.memory_space<vmem>>
      %dma_start3A_505 = arith.constant 0 : i32
      %dma_start3A_506 = arith.constant 0 : i32
      %dma_start3A_507 = tpu.memref_slice %arg5[%dma_start3A_505, %dma_start3A_506] : memref<102400x8xf32, #tpu.memory_space<hbm>> -> memref<102400x8xf32, #tpu.memory_space<hbm>>
      tpu.enqueue_indirect_dma source(%dma_start3A_507 : memref<102400x8xf32, #tpu.memory_space<hbm>>) target(%dma_start3A_501 : memref<128x8xf32, #tpu.memory_space<vmem>>) offsets(%dma_start3A_504 : memref<128xi32, #tpu.memory_space<vmem>>) semaphore(%arg13 : memref<!tpu.dma_semaphore, #tpu.memory_space<semaphore_mem>>)
      %dma_wait3A_508 = arith.constant 16 : i32
      %dma_wait3A_509 = arith.constant 1 : i32
      %dma_wait3A_510 = arith.constant 0 : i32
      %dma_wait3A_511 = arith.constant 0 : i32
      %dma_wait3A_512 = tpu.memref_slice %arg10[%dma_wait3A_509, %dma_wait3A_510, %dma_wait3A_511] : memref<3x128x8xf32, #tpu.memory_space<vmem>> -> memref<1x128x8xf32, #tpu.memory_space<vmem>>
      %dma_wait3A_513 = tpu.memref_squeeze %dma_wait3A_512 : memref<1x128x8xf32, #tpu.memory_space<vmem>> -> memref<128x8xf32, #tpu.memory_space<vmem>>
      %dma_wait3A_514 = arith.constant 0 : i32
      %dma_wait3A_515 = tpu.memref_slice %arg8[%select_n3A_29, %dma_wait3A_508, %dma_wait3A_514] : memref<2x23x128xi32, #tpu.memory_space<vmem>> -> memref<1x1x128xi32, #tpu.memory_space<vmem>>
      %dma_wait3A_516 = tpu.memref_squeeze %dma_wait3A_515 : memref<1x1x128xi32, #tpu.memory_space<vmem>> -> memref<128xi32, #tpu.memory_space<vmem>>
      %dma_wait3A_517 = arith.constant 0 : i32
      %dma_wait3A_518 = arith.constant 0 : i32
      %dma_wait3A_519 = tpu.memref_slice %arg5[%dma_wait3A_517, %dma_wait3A_518] : memref<102400x8xf32, #tpu.memory_space<hbm>> -> memref<102400x8xf32, #tpu.memory_space<hbm>>
      tpu.wait_indirect_dma semaphore(%arg14 : memref<!tpu.dma_semaphore, #tpu.memory_space<semaphore_mem>>) src(%dma_wait3A_519 : memref<102400x8xf32, #tpu.memory_space<hbm>>) dst(%dma_wait3A_513 : memref<128x8xf32, #tpu.memory_space<vmem>>)
      %run_scoped3A_520 = arith.constant 1 : i32
      %run_scoped3A_521 = arith.constant 16 : i32
      "tpu.region"() ({
        %run_scoped3A_654 = tpu.sem_alloc : memref<!tpu.dma_semaphore, #tpu.memory_space<semaphore_mem>>
        %dma_start3A_655 = arith.constant 0 : i32
        %dma_start3A_656 = arith.constant 0 : i32
        %dma_start3A_657 = tpu.memref_slice %arg10[%run_scoped3A_520, %dma_start3A_655, %dma_start3A_656] : memref<3x128x8xf32, #tpu.memory_space<vmem>> -> memref<1x128x8xf32, #tpu.memory_space<vmem>>
        %dma_start3A_658 = tpu.memref_squeeze %dma_start3A_657 : memref<1x128x8xf32, #tpu.memory_space<vmem>> -> memref<128x8xf32, #tpu.memory_space<vmem>>
        %dma_start3A_659 = arith.constant 0 : i32
        %dma_start3A_660 = tpu.memref_slice %arg9[%select_n3A_29, %run_scoped3A_521, %dma_start3A_659] : memref<2x23x128xi32, #tpu.memory_space<vmem>> -> memref<1x1x128xi32, #tpu.memory_space<vmem>>
        %dma_start3A_661 = tpu.memref_squeeze %dma_start3A_660 : memref<1x1x128xi32, #tpu.memory_space<vmem>> -> memref<128xi32, #tpu.memory_space<vmem>>
        %dma_start3A_662 = arith.constant 0 : i32
        %dma_start3A_663 = arith.constant 0 : i32
        %dma_start3A_664 = tpu.memref_slice %arg11[%dma_start3A_662, %dma_start3A_663] : memref<102400x8xf32, #tpu.memory_space<vmem_shared>> -> memref<102400x8xf32, #tpu.memory_space<vmem_shared>>
        tpu.enqueue_indirect_dma source(%dma_start3A_658 : memref<128x8xf32, #tpu.memory_space<vmem>>) target(%dma_start3A_664 : memref<102400x8xf32, #tpu.memory_space<vmem_shared>>) offsets(%dma_start3A_661 : memref<128xi32, #tpu.memory_space<vmem>>) semaphore(%run_scoped3A_654 : memref<!tpu.dma_semaphore, #tpu.memory_space<semaphore_mem>>) {add = true}
        %dma_wait3A_665 = arith.constant 0 : i32
        %dma_wait3A_666 = arith.constant 0 : i32
        %dma_wait3A_667 = tpu.memref_slice %arg10[%run_scoped3A_520, %dma_wait3A_665, %dma_wait3A_666] : memref<3x128x8xf32, #tpu.memory_space<vmem>> -> memref<1x128x8xf32, #tpu.memory_space<vmem>>
        %dma_wait3A_668 = tpu.memref_squeeze %dma_wait3A_667 : memref<1x128x8xf32, #tpu.memory_space<vmem>> -> memref<128x8xf32, #tpu.memory_space<vmem>>
        %dma_wait3A_669 = arith.constant 0 : i32
        %dma_wait3A_670 = tpu.memref_slice %arg9[%select_n3A_29, %run_scoped3A_521, %dma_wait3A_669] : memref<2x23x128xi32, #tpu.memory_space<vmem>> -> memref<1x1x128xi32, #tpu.memory_space<vmem>>
        %dma_wait3A_671 = tpu.memref_squeeze %dma_wait3A_670 : memref<1x1x128xi32, #tpu.memory_space<vmem>> -> memref<128xi32, #tpu.memory_space<vmem>>
        %dma_wait3A_672 = arith.constant 0 : i32
        %dma_wait3A_673 = arith.constant 0 : i32
        %dma_wait3A_674 = tpu.memref_slice %arg11[%dma_wait3A_672, %dma_wait3A_673] : memref<102400x8xf32, #tpu.memory_space<vmem_shared>> -> memref<102400x8xf32, #tpu.memory_space<vmem_shared>>
        tpu.wait_indirect_dma semaphore(%run_scoped3A_654 : memref<!tpu.dma_semaphore, #tpu.memory_space<semaphore_mem>>) src(%dma_wait3A_668 : memref<128x8xf32, #tpu.memory_space<vmem>>) dst(%dma_wait3A_674 : memref<102400x8xf32, #tpu.memory_space<vmem_shared>>)
        tpu.yield
      }) : () -> ()
      %dma_start3A_522 = arith.constant 19 : i32
      %dma_start3A_523 = arith.constant 1 : i32
      %dma_start3A_524 = arith.constant 0 : i32
      %dma_start3A_525 = arith.constant 0 : i32
      %dma_start3A_526 = tpu.memref_slice %arg10[%dma_start3A_523, %dma_start3A_524, %dma_start3A_525] : memref<3x128x8xf32, #tpu.memory_space<vmem>> -> memref<1x128x8xf32, #tpu.memory_space<vmem>>
      %dma_start3A_527 = tpu.memref_squeeze %dma_start3A_526 : memref<1x128x8xf32, #tpu.memory_space<vmem>> -> memref<128x8xf32, #tpu.memory_space<vmem>>
      %dma_start3A_528 = arith.constant 0 : i32
      %dma_start3A_529 = tpu.memref_slice %arg8[%select_n3A_29, %dma_start3A_522, %dma_start3A_528] : memref<2x23x128xi32, #tpu.memory_space<vmem>> -> memref<1x1x128xi32, #tpu.memory_space<vmem>>
      %dma_start3A_530 = tpu.memref_squeeze %dma_start3A_529 : memref<1x1x128xi32, #tpu.memory_space<vmem>> -> memref<128xi32, #tpu.memory_space<vmem>>
      %dma_start3A_531 = arith.constant 0 : i32
      %dma_start3A_532 = arith.constant 0 : i32
      %dma_start3A_533 = tpu.memref_slice %arg5[%dma_start3A_531, %dma_start3A_532] : memref<102400x8xf32, #tpu.memory_space<hbm>> -> memref<102400x8xf32, #tpu.memory_space<hbm>>
      tpu.enqueue_indirect_dma source(%dma_start3A_533 : memref<102400x8xf32, #tpu.memory_space<hbm>>) target(%dma_start3A_527 : memref<128x8xf32, #tpu.memory_space<vmem>>) offsets(%dma_start3A_530 : memref<128xi32, #tpu.memory_space<vmem>>) semaphore(%arg14 : memref<!tpu.dma_semaphore, #tpu.memory_space<semaphore_mem>>)
      %dma_wait3A_534 = arith.constant 17 : i32
      %dma_wait3A_535 = arith.constant 2 : i32
      %dma_wait3A_536 = arith.constant 0 : i32
      %dma_wait3A_537 = arith.constant 0 : i32
      %dma_wait3A_538 = tpu.memref_slice %arg10[%dma_wait3A_535, %dma_wait3A_536, %dma_wait3A_537] : memref<3x128x8xf32, #tpu.memory_space<vmem>> -> memref<1x128x8xf32, #tpu.memory_space<vmem>>
      %dma_wait3A_539 = tpu.memref_squeeze %dma_wait3A_538 : memref<1x128x8xf32, #tpu.memory_space<vmem>> -> memref<128x8xf32, #tpu.memory_space<vmem>>
      %dma_wait3A_540 = arith.constant 0 : i32
      %dma_wait3A_541 = tpu.memref_slice %arg8[%select_n3A_29, %dma_wait3A_534, %dma_wait3A_540] : memref<2x23x128xi32, #tpu.memory_space<vmem>> -> memref<1x1x128xi32, #tpu.memory_space<vmem>>
      %dma_wait3A_542 = tpu.memref_squeeze %dma_wait3A_541 : memref<1x1x128xi32, #tpu.memory_space<vmem>> -> memref<128xi32, #tpu.memory_space<vmem>>
      %dma_wait3A_543 = arith.constant 0 : i32
      %dma_wait3A_544 = arith.constant 0 : i32
      %dma_wait3A_545 = tpu.memref_slice %arg5[%dma_wait3A_543, %dma_wait3A_544] : memref<102400x8xf32, #tpu.memory_space<hbm>> -> memref<102400x8xf32, #tpu.memory_space<hbm>>
      tpu.wait_indirect_dma semaphore(%arg15 : memref<!tpu.dma_semaphore, #tpu.memory_space<semaphore_mem>>) src(%dma_wait3A_545 : memref<102400x8xf32, #tpu.memory_space<hbm>>) dst(%dma_wait3A_539 : memref<128x8xf32, #tpu.memory_space<vmem>>)
      %run_scoped3A_546 = arith.constant 2 : i32
      %run_scoped3A_547 = arith.constant 17 : i32
      "tpu.region"() ({
        %run_scoped3A_654 = tpu.sem_alloc : memref<!tpu.dma_semaphore, #tpu.memory_space<semaphore_mem>>
        %dma_start3A_655 = arith.constant 0 : i32
        %dma_start3A_656 = arith.constant 0 : i32
        %dma_start3A_657 = tpu.memref_slice %arg10[%run_scoped3A_546, %dma_start3A_655, %dma_start3A_656] : memref<3x128x8xf32, #tpu.memory_space<vmem>> -> memref<1x128x8xf32, #tpu.memory_space<vmem>>
        %dma_start3A_658 = tpu.memref_squeeze %dma_start3A_657 : memref<1x128x8xf32, #tpu.memory_space<vmem>> -> memref<128x8xf32, #tpu.memory_space<vmem>>
        %dma_start3A_659 = arith.constant 0 : i32
        %dma_start3A_660 = tpu.memref_slice %arg9[%select_n3A_29, %run_scoped3A_547, %dma_start3A_659] : memref<2x23x128xi32, #tpu.memory_space<vmem>> -> memref<1x1x128xi32, #tpu.memory_space<vmem>>
        %dma_start3A_661 = tpu.memref_squeeze %dma_start3A_660 : memref<1x1x128xi32, #tpu.memory_space<vmem>> -> memref<128xi32, #tpu.memory_space<vmem>>
        %dma_start3A_662 = arith.constant 0 : i32
        %dma_start3A_663 = arith.constant 0 : i32
        %dma_start3A_664 = tpu.memref_slice %arg11[%dma_start3A_662, %dma_start3A_663] : memref<102400x8xf32, #tpu.memory_space<vmem_shared>> -> memref<102400x8xf32, #tpu.memory_space<vmem_shared>>
        tpu.enqueue_indirect_dma source(%dma_start3A_658 : memref<128x8xf32, #tpu.memory_space<vmem>>) target(%dma_start3A_664 : memref<102400x8xf32, #tpu.memory_space<vmem_shared>>) offsets(%dma_start3A_661 : memref<128xi32, #tpu.memory_space<vmem>>) semaphore(%run_scoped3A_654 : memref<!tpu.dma_semaphore, #tpu.memory_space<semaphore_mem>>) {add = true}
        %dma_wait3A_665 = arith.constant 0 : i32
        %dma_wait3A_666 = arith.constant 0 : i32
        %dma_wait3A_667 = tpu.memref_slice %arg10[%run_scoped3A_546, %dma_wait3A_665, %dma_wait3A_666] : memref<3x128x8xf32, #tpu.memory_space<vmem>> -> memref<1x128x8xf32, #tpu.memory_space<vmem>>
        %dma_wait3A_668 = tpu.memref_squeeze %dma_wait3A_667 : memref<1x128x8xf32, #tpu.memory_space<vmem>> -> memref<128x8xf32, #tpu.memory_space<vmem>>
        %dma_wait3A_669 = arith.constant 0 : i32
        %dma_wait3A_670 = tpu.memref_slice %arg9[%select_n3A_29, %run_scoped3A_547, %dma_wait3A_669] : memref<2x23x128xi32, #tpu.memory_space<vmem>> -> memref<1x1x128xi32, #tpu.memory_space<vmem>>
        %dma_wait3A_671 = tpu.memref_squeeze %dma_wait3A_670 : memref<1x1x128xi32, #tpu.memory_space<vmem>> -> memref<128xi32, #tpu.memory_space<vmem>>
        %dma_wait3A_672 = arith.constant 0 : i32
        %dma_wait3A_673 = arith.constant 0 : i32
        %dma_wait3A_674 = tpu.memref_slice %arg11[%dma_wait3A_672, %dma_wait3A_673] : memref<102400x8xf32, #tpu.memory_space<vmem_shared>> -> memref<102400x8xf32, #tpu.memory_space<vmem_shared>>
        tpu.wait_indirect_dma semaphore(%run_scoped3A_654 : memref<!tpu.dma_semaphore, #tpu.memory_space<semaphore_mem>>) src(%dma_wait3A_668 : memref<128x8xf32, #tpu.memory_space<vmem>>) dst(%dma_wait3A_674 : memref<102400x8xf32, #tpu.memory_space<vmem_shared>>)
        tpu.yield
      }) : () -> ()
      %dma_start3A_548 = arith.constant 20 : i32
      %dma_start3A_549 = arith.constant 2 : i32
      %dma_start3A_550 = arith.constant 0 : i32
      %dma_start3A_551 = arith.constant 0 : i32
      %dma_start3A_552 = tpu.memref_slice %arg10[%dma_start3A_549, %dma_start3A_550, %dma_start3A_551] : memref<3x128x8xf32, #tpu.memory_space<vmem>> -> memref<1x128x8xf32, #tpu.memory_space<vmem>>
      %dma_start3A_553 = tpu.memref_squeeze %dma_start3A_552 : memref<1x128x8xf32, #tpu.memory_space<vmem>> -> memref<128x8xf32, #tpu.memory_space<vmem>>
      %dma_start3A_554 = arith.constant 0 : i32
      %dma_start3A_555 = tpu.memref_slice %arg8[%select_n3A_29, %dma_start3A_548, %dma_start3A_554] : memref<2x23x128xi32, #tpu.memory_space<vmem>> -> memref<1x1x128xi32, #tpu.memory_space<vmem>>
      %dma_start3A_556 = tpu.memref_squeeze %dma_start3A_555 : memref<1x1x128xi32, #tpu.memory_space<vmem>> -> memref<128xi32, #tpu.memory_space<vmem>>
      %dma_start3A_557 = arith.constant 0 : i32
      %dma_start3A_558 = arith.constant 0 : i32
      %dma_start3A_559 = tpu.memref_slice %arg5[%dma_start3A_557, %dma_start3A_558] : memref<102400x8xf32, #tpu.memory_space<hbm>> -> memref<102400x8xf32, #tpu.memory_space<hbm>>
      tpu.enqueue_indirect_dma source(%dma_start3A_559 : memref<102400x8xf32, #tpu.memory_space<hbm>>) target(%dma_start3A_553 : memref<128x8xf32, #tpu.memory_space<vmem>>) offsets(%dma_start3A_556 : memref<128xi32, #tpu.memory_space<vmem>>) semaphore(%arg15 : memref<!tpu.dma_semaphore, #tpu.memory_space<semaphore_mem>>)
      %dma_wait3A_560 = arith.constant 18 : i32
      %dma_wait3A_561 = arith.constant 0 : i32
      %dma_wait3A_562 = arith.constant 0 : i32
      %dma_wait3A_563 = arith.constant 0 : i32
      %dma_wait3A_564 = tpu.memref_slice %arg10[%dma_wait3A_561, %dma_wait3A_562, %dma_wait3A_563] : memref<3x128x8xf32, #tpu.memory_space<vmem>> -> memref<1x128x8xf32, #tpu.memory_space<vmem>>
      %dma_wait3A_565 = tpu.memref_squeeze %dma_wait3A_564 : memref<1x128x8xf32, #tpu.memory_space<vmem>> -> memref<128x8xf32, #tpu.memory_space<vmem>>
      %dma_wait3A_566 = arith.constant 0 : i32
      %dma_wait3A_567 = tpu.memref_slice %arg8[%select_n3A_29, %dma_wait3A_560, %dma_wait3A_566] : memref<2x23x128xi32, #tpu.memory_space<vmem>> -> memref<1x1x128xi32, #tpu.memory_space<vmem>>
      %dma_wait3A_568 = tpu.memref_squeeze %dma_wait3A_567 : memref<1x1x128xi32, #tpu.memory_space<vmem>> -> memref<128xi32, #tpu.memory_space<vmem>>
      %dma_wait3A_569 = arith.constant 0 : i32
      %dma_wait3A_570 = arith.constant 0 : i32
      %dma_wait3A_571 = tpu.memref_slice %arg5[%dma_wait3A_569, %dma_wait3A_570] : memref<102400x8xf32, #tpu.memory_space<hbm>> -> memref<102400x8xf32, #tpu.memory_space<hbm>>
      tpu.wait_indirect_dma semaphore(%arg13 : memref<!tpu.dma_semaphore, #tpu.memory_space<semaphore_mem>>) src(%dma_wait3A_571 : memref<102400x8xf32, #tpu.memory_space<hbm>>) dst(%dma_wait3A_565 : memref<128x8xf32, #tpu.memory_space<vmem>>)
      %run_scoped3A_572 = arith.constant 0 : i32
      %run_scoped3A_573 = arith.constant 18 : i32
      "tpu.region"() ({
        %run_scoped3A_654 = tpu.sem_alloc : memref<!tpu.dma_semaphore, #tpu.memory_space<semaphore_mem>>
        %dma_start3A_655 = arith.constant 0 : i32
        %dma_start3A_656 = arith.constant 0 : i32
        %dma_start3A_657 = tpu.memref_slice %arg10[%run_scoped3A_572, %dma_start3A_655, %dma_start3A_656] : memref<3x128x8xf32, #tpu.memory_space<vmem>> -> memref<1x128x8xf32, #tpu.memory_space<vmem>>
        %dma_start3A_658 = tpu.memref_squeeze %dma_start3A_657 : memref<1x128x8xf32, #tpu.memory_space<vmem>> -> memref<128x8xf32, #tpu.memory_space<vmem>>
        %dma_start3A_659 = arith.constant 0 : i32
        %dma_start3A_660 = tpu.memref_slice %arg9[%select_n3A_29, %run_scoped3A_573, %dma_start3A_659] : memref<2x23x128xi32, #tpu.memory_space<vmem>> -> memref<1x1x128xi32, #tpu.memory_space<vmem>>
        %dma_start3A_661 = tpu.memref_squeeze %dma_start3A_660 : memref<1x1x128xi32, #tpu.memory_space<vmem>> -> memref<128xi32, #tpu.memory_space<vmem>>
        %dma_start3A_662 = arith.constant 0 : i32
        %dma_start3A_663 = arith.constant 0 : i32
        %dma_start3A_664 = tpu.memref_slice %arg11[%dma_start3A_662, %dma_start3A_663] : memref<102400x8xf32, #tpu.memory_space<vmem_shared>> -> memref<102400x8xf32, #tpu.memory_space<vmem_shared>>
        tpu.enqueue_indirect_dma source(%dma_start3A_658 : memref<128x8xf32, #tpu.memory_space<vmem>>) target(%dma_start3A_664 : memref<102400x8xf32, #tpu.memory_space<vmem_shared>>) offsets(%dma_start3A_661 : memref<128xi32, #tpu.memory_space<vmem>>) semaphore(%run_scoped3A_654 : memref<!tpu.dma_semaphore, #tpu.memory_space<semaphore_mem>>) {add = true}
        %dma_wait3A_665 = arith.constant 0 : i32
        %dma_wait3A_666 = arith.constant 0 : i32
        %dma_wait3A_667 = tpu.memref_slice %arg10[%run_scoped3A_572, %dma_wait3A_665, %dma_wait3A_666] : memref<3x128x8xf32, #tpu.memory_space<vmem>> -> memref<1x128x8xf32, #tpu.memory_space<vmem>>
        %dma_wait3A_668 = tpu.memref_squeeze %dma_wait3A_667 : memref<1x128x8xf32, #tpu.memory_space<vmem>> -> memref<128x8xf32, #tpu.memory_space<vmem>>
        %dma_wait3A_669 = arith.constant 0 : i32
        %dma_wait3A_670 = tpu.memref_slice %arg9[%select_n3A_29, %run_scoped3A_573, %dma_wait3A_669] : memref<2x23x128xi32, #tpu.memory_space<vmem>> -> memref<1x1x128xi32, #tpu.memory_space<vmem>>
        %dma_wait3A_671 = tpu.memref_squeeze %dma_wait3A_670 : memref<1x1x128xi32, #tpu.memory_space<vmem>> -> memref<128xi32, #tpu.memory_space<vmem>>
        %dma_wait3A_672 = arith.constant 0 : i32
        %dma_wait3A_673 = arith.constant 0 : i32
        %dma_wait3A_674 = tpu.memref_slice %arg11[%dma_wait3A_672, %dma_wait3A_673] : memref<102400x8xf32, #tpu.memory_space<vmem_shared>> -> memref<102400x8xf32, #tpu.memory_space<vmem_shared>>
        tpu.wait_indirect_dma semaphore(%run_scoped3A_654 : memref<!tpu.dma_semaphore, #tpu.memory_space<semaphore_mem>>) src(%dma_wait3A_668 : memref<128x8xf32, #tpu.memory_space<vmem>>) dst(%dma_wait3A_674 : memref<102400x8xf32, #tpu.memory_space<vmem_shared>>)
        tpu.yield
      }) : () -> ()
      %dma_start3A_574 = arith.constant 21 : i32
      %dma_start3A_575 = arith.constant 0 : i32
      %dma_start3A_576 = arith.constant 0 : i32
      %dma_start3A_577 = arith.constant 0 : i32
      %dma_start3A_578 = tpu.memref_slice %arg10[%dma_start3A_575, %dma_start3A_576, %dma_start3A_577] : memref<3x128x8xf32, #tpu.memory_space<vmem>> -> memref<1x128x8xf32, #tpu.memory_space<vmem>>
      %dma_start3A_579 = tpu.memref_squeeze %dma_start3A_578 : memref<1x128x8xf32, #tpu.memory_space<vmem>> -> memref<128x8xf32, #tpu.memory_space<vmem>>
      %dma_start3A_580 = arith.constant 0 : i32
      %dma_start3A_581 = tpu.memref_slice %arg8[%select_n3A_29, %dma_start3A_574, %dma_start3A_580] : memref<2x23x128xi32, #tpu.memory_space<vmem>> -> memref<1x1x128xi32, #tpu.memory_space<vmem>>
      %dma_start3A_582 = tpu.memref_squeeze %dma_start3A_581 : memref<1x1x128xi32, #tpu.memory_space<vmem>> -> memref<128xi32, #tpu.memory_space<vmem>>
      %dma_start3A_583 = arith.constant 0 : i32
      %dma_start3A_584 = arith.constant 0 : i32
      %dma_start3A_585 = tpu.memref_slice %arg5[%dma_start3A_583, %dma_start3A_584] : memref<102400x8xf32, #tpu.memory_space<hbm>> -> memref<102400x8xf32, #tpu.memory_space<hbm>>
      tpu.enqueue_indirect_dma source(%dma_start3A_585 : memref<102400x8xf32, #tpu.memory_space<hbm>>) target(%dma_start3A_579 : memref<128x8xf32, #tpu.memory_space<vmem>>) offsets(%dma_start3A_582 : memref<128xi32, #tpu.memory_space<vmem>>) semaphore(%arg13 : memref<!tpu.dma_semaphore, #tpu.memory_space<semaphore_mem>>)
      %dma_wait3A_586 = arith.constant 19 : i32
      %dma_wait3A_587 = arith.constant 1 : i32
      %dma_wait3A_588 = arith.constant 0 : i32
      %dma_wait3A_589 = arith.constant 0 : i32
      %dma_wait3A_590 = tpu.memref_slice %arg10[%dma_wait3A_587, %dma_wait3A_588, %dma_wait3A_589] : memref<3x128x8xf32, #tpu.memory_space<vmem>> -> memref<1x128x8xf32, #tpu.memory_space<vmem>>
      %dma_wait3A_591 = tpu.memref_squeeze %dma_wait3A_590 : memref<1x128x8xf32, #tpu.memory_space<vmem>> -> memref<128x8xf32, #tpu.memory_space<vmem>>
      %dma_wait3A_592 = arith.constant 0 : i32
      %dma_wait3A_593 = tpu.memref_slice %arg8[%select_n3A_29, %dma_wait3A_586, %dma_wait3A_592] : memref<2x23x128xi32, #tpu.memory_space<vmem>> -> memref<1x1x128xi32, #tpu.memory_space<vmem>>
      %dma_wait3A_594 = tpu.memref_squeeze %dma_wait3A_593 : memref<1x1x128xi32, #tpu.memory_space<vmem>> -> memref<128xi32, #tpu.memory_space<vmem>>
      %dma_wait3A_595 = arith.constant 0 : i32
      %dma_wait3A_596 = arith.constant 0 : i32
      %dma_wait3A_597 = tpu.memref_slice %arg5[%dma_wait3A_595, %dma_wait3A_596] : memref<102400x8xf32, #tpu.memory_space<hbm>> -> memref<102400x8xf32, #tpu.memory_space<hbm>>
      tpu.wait_indirect_dma semaphore(%arg14 : memref<!tpu.dma_semaphore, #tpu.memory_space<semaphore_mem>>) src(%dma_wait3A_597 : memref<102400x8xf32, #tpu.memory_space<hbm>>) dst(%dma_wait3A_591 : memref<128x8xf32, #tpu.memory_space<vmem>>)
      %run_scoped3A_598 = arith.constant 1 : i32
      %run_scoped3A_599 = arith.constant 19 : i32
      "tpu.region"() ({
        %run_scoped3A_654 = tpu.sem_alloc : memref<!tpu.dma_semaphore, #tpu.memory_space<semaphore_mem>>
        %dma_start3A_655 = arith.constant 0 : i32
        %dma_start3A_656 = arith.constant 0 : i32
        %dma_start3A_657 = tpu.memref_slice %arg10[%run_scoped3A_598, %dma_start3A_655, %dma_start3A_656] : memref<3x128x8xf32, #tpu.memory_space<vmem>> -> memref<1x128x8xf32, #tpu.memory_space<vmem>>
        %dma_start3A_658 = tpu.memref_squeeze %dma_start3A_657 : memref<1x128x8xf32, #tpu.memory_space<vmem>> -> memref<128x8xf32, #tpu.memory_space<vmem>>
        %dma_start3A_659 = arith.constant 0 : i32
        %dma_start3A_660 = tpu.memref_slice %arg9[%select_n3A_29, %run_scoped3A_599, %dma_start3A_659] : memref<2x23x128xi32, #tpu.memory_space<vmem>> -> memref<1x1x128xi32, #tpu.memory_space<vmem>>
        %dma_start3A_661 = tpu.memref_squeeze %dma_start3A_660 : memref<1x1x128xi32, #tpu.memory_space<vmem>> -> memref<128xi32, #tpu.memory_space<vmem>>
        %dma_start3A_662 = arith.constant 0 : i32
        %dma_start3A_663 = arith.constant 0 : i32
        %dma_start3A_664 = tpu.memref_slice %arg11[%dma_start3A_662, %dma_start3A_663] : memref<102400x8xf32, #tpu.memory_space<vmem_shared>> -> memref<102400x8xf32, #tpu.memory_space<vmem_shared>>
        tpu.enqueue_indirect_dma source(%dma_start3A_658 : memref<128x8xf32, #tpu.memory_space<vmem>>) target(%dma_start3A_664 : memref<102400x8xf32, #tpu.memory_space<vmem_shared>>) offsets(%dma_start3A_661 : memref<128xi32, #tpu.memory_space<vmem>>) semaphore(%run_scoped3A_654 : memref<!tpu.dma_semaphore, #tpu.memory_space<semaphore_mem>>) {add = true}
        %dma_wait3A_665 = arith.constant 0 : i32
        %dma_wait3A_666 = arith.constant 0 : i32
        %dma_wait3A_667 = tpu.memref_slice %arg10[%run_scoped3A_598, %dma_wait3A_665, %dma_wait3A_666] : memref<3x128x8xf32, #tpu.memory_space<vmem>> -> memref<1x128x8xf32, #tpu.memory_space<vmem>>
        %dma_wait3A_668 = tpu.memref_squeeze %dma_wait3A_667 : memref<1x128x8xf32, #tpu.memory_space<vmem>> -> memref<128x8xf32, #tpu.memory_space<vmem>>
        %dma_wait3A_669 = arith.constant 0 : i32
        %dma_wait3A_670 = tpu.memref_slice %arg9[%select_n3A_29, %run_scoped3A_599, %dma_wait3A_669] : memref<2x23x128xi32, #tpu.memory_space<vmem>> -> memref<1x1x128xi32, #tpu.memory_space<vmem>>
        %dma_wait3A_671 = tpu.memref_squeeze %dma_wait3A_670 : memref<1x1x128xi32, #tpu.memory_space<vmem>> -> memref<128xi32, #tpu.memory_space<vmem>>
        %dma_wait3A_672 = arith.constant 0 : i32
        %dma_wait3A_673 = arith.constant 0 : i32
        %dma_wait3A_674 = tpu.memref_slice %arg11[%dma_wait3A_672, %dma_wait3A_673] : memref<102400x8xf32, #tpu.memory_space<vmem_shared>> -> memref<102400x8xf32, #tpu.memory_space<vmem_shared>>
        tpu.wait_indirect_dma semaphore(%run_scoped3A_654 : memref<!tpu.dma_semaphore, #tpu.memory_space<semaphore_mem>>) src(%dma_wait3A_668 : memref<128x8xf32, #tpu.memory_space<vmem>>) dst(%dma_wait3A_674 : memref<102400x8xf32, #tpu.memory_space<vmem_shared>>)
        tpu.yield
      }) : () -> ()
      %dma_start3A_600 = arith.constant 22 : i32
      %dma_start3A_601 = arith.constant 1 : i32
      %dma_start3A_602 = arith.constant 0 : i32
      %dma_start3A_603 = arith.constant 0 : i32
      %dma_start3A_604 = tpu.memref_slice %arg10[%dma_start3A_601, %dma_start3A_602, %dma_start3A_603] : memref<3x128x8xf32, #tpu.memory_space<vmem>> -> memref<1x128x8xf32, #tpu.memory_space<vmem>>
      %dma_start3A_605 = tpu.memref_squeeze %dma_start3A_604 : memref<1x128x8xf32, #tpu.memory_space<vmem>> -> memref<128x8xf32, #tpu.memory_space<vmem>>
      %dma_start3A_606 = arith.constant 0 : i32
      %dma_start3A_607 = tpu.memref_slice %arg8[%select_n3A_29, %dma_start3A_600, %dma_start3A_606] : memref<2x23x128xi32, #tpu.memory_space<vmem>> -> memref<1x1x128xi32, #tpu.memory_space<vmem>>
      %dma_start3A_608 = tpu.memref_squeeze %dma_start3A_607 : memref<1x1x128xi32, #tpu.memory_space<vmem>> -> memref<128xi32, #tpu.memory_space<vmem>>
      %dma_start3A_609 = arith.constant 0 : i32
      %dma_start3A_610 = arith.constant 0 : i32
      %dma_start3A_611 = tpu.memref_slice %arg5[%dma_start3A_609, %dma_start3A_610] : memref<102400x8xf32, #tpu.memory_space<hbm>> -> memref<102400x8xf32, #tpu.memory_space<hbm>>
      tpu.enqueue_indirect_dma source(%dma_start3A_611 : memref<102400x8xf32, #tpu.memory_space<hbm>>) target(%dma_start3A_605 : memref<128x8xf32, #tpu.memory_space<vmem>>) offsets(%dma_start3A_608 : memref<128xi32, #tpu.memory_space<vmem>>) semaphore(%arg14 : memref<!tpu.dma_semaphore, #tpu.memory_space<semaphore_mem>>)
      %dma_wait3A_612 = arith.constant 20 : i32
      %dma_wait3A_613 = arith.constant 2 : i32
      %dma_wait3A_614 = arith.constant 0 : i32
      %dma_wait3A_615 = arith.constant 0 : i32
      %dma_wait3A_616 = tpu.memref_slice %arg10[%dma_wait3A_613, %dma_wait3A_614, %dma_wait3A_615] : memref<3x128x8xf32, #tpu.memory_space<vmem>> -> memref<1x128x8xf32, #tpu.memory_space<vmem>>
      %dma_wait3A_617 = tpu.memref_squeeze %dma_wait3A_616 : memref<1x128x8xf32, #tpu.memory_space<vmem>> -> memref<128x8xf32, #tpu.memory_space<vmem>>
      %dma_wait3A_618 = arith.constant 0 : i32
      %dma_wait3A_619 = tpu.memref_slice %arg8[%select_n3A_29, %dma_wait3A_612, %dma_wait3A_618] : memref<2x23x128xi32, #tpu.memory_space<vmem>> -> memref<1x1x128xi32, #tpu.memory_space<vmem>>
      %dma_wait3A_620 = tpu.memref_squeeze %dma_wait3A_619 : memref<1x1x128xi32, #tpu.memory_space<vmem>> -> memref<128xi32, #tpu.memory_space<vmem>>
      %dma_wait3A_621 = arith.constant 0 : i32
      %dma_wait3A_622 = arith.constant 0 : i32
      %dma_wait3A_623 = tpu.memref_slice %arg5[%dma_wait3A_621, %dma_wait3A_622] : memref<102400x8xf32, #tpu.memory_space<hbm>> -> memref<102400x8xf32, #tpu.memory_space<hbm>>
      tpu.wait_indirect_dma semaphore(%arg15 : memref<!tpu.dma_semaphore, #tpu.memory_space<semaphore_mem>>) src(%dma_wait3A_623 : memref<102400x8xf32, #tpu.memory_space<hbm>>) dst(%dma_wait3A_617 : memref<128x8xf32, #tpu.memory_space<vmem>>)
      %run_scoped3A_624 = arith.constant 2 : i32
      %run_scoped3A_625 = arith.constant 20 : i32
      "tpu.region"() ({
        %run_scoped3A_654 = tpu.sem_alloc : memref<!tpu.dma_semaphore, #tpu.memory_space<semaphore_mem>>
        %dma_start3A_655 = arith.constant 0 : i32
        %dma_start3A_656 = arith.constant 0 : i32
        %dma_start3A_657 = tpu.memref_slice %arg10[%run_scoped3A_624, %dma_start3A_655, %dma_start3A_656] : memref<3x128x8xf32, #tpu.memory_space<vmem>> -> memref<1x128x8xf32, #tpu.memory_space<vmem>>
        %dma_start3A_658 = tpu.memref_squeeze %dma_start3A_657 : memref<1x128x8xf32, #tpu.memory_space<vmem>> -> memref<128x8xf32, #tpu.memory_space<vmem>>
        %dma_start3A_659 = arith.constant 0 : i32
        %dma_start3A_660 = tpu.memref_slice %arg9[%select_n3A_29, %run_scoped3A_625, %dma_start3A_659] : memref<2x23x128xi32, #tpu.memory_space<vmem>> -> memref<1x1x128xi32, #tpu.memory_space<vmem>>
        %dma_start3A_661 = tpu.memref_squeeze %dma_start3A_660 : memref<1x1x128xi32, #tpu.memory_space<vmem>> -> memref<128xi32, #tpu.memory_space<vmem>>
        %dma_start3A_662 = arith.constant 0 : i32
        %dma_start3A_663 = arith.constant 0 : i32
        %dma_start3A_664 = tpu.memref_slice %arg11[%dma_start3A_662, %dma_start3A_663] : memref<102400x8xf32, #tpu.memory_space<vmem_shared>> -> memref<102400x8xf32, #tpu.memory_space<vmem_shared>>
        tpu.enqueue_indirect_dma source(%dma_start3A_658 : memref<128x8xf32, #tpu.memory_space<vmem>>) target(%dma_start3A_664 : memref<102400x8xf32, #tpu.memory_space<vmem_shared>>) offsets(%dma_start3A_661 : memref<128xi32, #tpu.memory_space<vmem>>) semaphore(%run_scoped3A_654 : memref<!tpu.dma_semaphore, #tpu.memory_space<semaphore_mem>>) {add = true}
        %dma_wait3A_665 = arith.constant 0 : i32
        %dma_wait3A_666 = arith.constant 0 : i32
        %dma_wait3A_667 = tpu.memref_slice %arg10[%run_scoped3A_624, %dma_wait3A_665, %dma_wait3A_666] : memref<3x128x8xf32, #tpu.memory_space<vmem>> -> memref<1x128x8xf32, #tpu.memory_space<vmem>>
        %dma_wait3A_668 = tpu.memref_squeeze %dma_wait3A_667 : memref<1x128x8xf32, #tpu.memory_space<vmem>> -> memref<128x8xf32, #tpu.memory_space<vmem>>
        %dma_wait3A_669 = arith.constant 0 : i32
        %dma_wait3A_670 = tpu.memref_slice %arg9[%select_n3A_29, %run_scoped3A_625, %dma_wait3A_669] : memref<2x23x128xi32, #tpu.memory_space<vmem>> -> memref<1x1x128xi32, #tpu.memory_space<vmem>>
        %dma_wait3A_671 = tpu.memref_squeeze %dma_wait3A_670 : memref<1x1x128xi32, #tpu.memory_space<vmem>> -> memref<128xi32, #tpu.memory_space<vmem>>
        %dma_wait3A_672 = arith.constant 0 : i32
        %dma_wait3A_673 = arith.constant 0 : i32
        %dma_wait3A_674 = tpu.memref_slice %arg11[%dma_wait3A_672, %dma_wait3A_673] : memref<102400x8xf32, #tpu.memory_space<vmem_shared>> -> memref<102400x8xf32, #tpu.memory_space<vmem_shared>>
        tpu.wait_indirect_dma semaphore(%run_scoped3A_654 : memref<!tpu.dma_semaphore, #tpu.memory_space<semaphore_mem>>) src(%dma_wait3A_668 : memref<128x8xf32, #tpu.memory_space<vmem>>) dst(%dma_wait3A_674 : memref<102400x8xf32, #tpu.memory_space<vmem_shared>>)
        tpu.yield
      }) : () -> ()
      %dma_wait3A_626 = arith.constant 21 : i32
      %dma_wait3A_627 = arith.constant 0 : i32
      %dma_wait3A_628 = arith.constant 0 : i32
      %dma_wait3A_629 = arith.constant 0 : i32
      %dma_wait3A_630 = tpu.memref_slice %arg10[%dma_wait3A_627, %dma_wait3A_628, %dma_wait3A_629] : memref<3x128x8xf32, #tpu.memory_space<vmem>> -> memref<1x128x8xf32, #tpu.memory_space<vmem>>
      %dma_wait3A_631 = tpu.memref_squeeze %dma_wait3A_630 : memref<1x128x8xf32, #tpu.memory_space<vmem>> -> memref<128x8xf32, #tpu.memory_space<vmem>>
      %dma_wait3A_632 = arith.constant 0 : i32
      %dma_wait3A_633 = tpu.memref_slice %arg8[%select_n3A_29, %dma_wait3A_626, %dma_wait3A_632] : memref<2x23x128xi32, #tpu.memory_space<vmem>> -> memref<1x1x128xi32, #tpu.memory_space<vmem>>
      %dma_wait3A_634 = tpu.memref_squeeze %dma_wait3A_633 : memref<1x1x128xi32, #tpu.memory_space<vmem>> -> memref<128xi32, #tpu.memory_space<vmem>>
      %dma_wait3A_635 = arith.constant 0 : i32
      %dma_wait3A_636 = arith.constant 0 : i32
      %dma_wait3A_637 = tpu.memref_slice %arg5[%dma_wait3A_635, %dma_wait3A_636] : memref<102400x8xf32, #tpu.memory_space<hbm>> -> memref<102400x8xf32, #tpu.memory_space<hbm>>
      tpu.wait_indirect_dma semaphore(%arg13 : memref<!tpu.dma_semaphore, #tpu.memory_space<semaphore_mem>>) src(%dma_wait3A_637 : memref<102400x8xf32, #tpu.memory_space<hbm>>) dst(%dma_wait3A_631 : memref<128x8xf32, #tpu.memory_space<vmem>>)
      %run_scoped3A_638 = arith.constant 0 : i32
      %run_scoped3A_639 = arith.constant 21 : i32
      "tpu.region"() ({
        %run_scoped3A_654 = tpu.sem_alloc : memref<!tpu.dma_semaphore, #tpu.memory_space<semaphore_mem>>
        %dma_start3A_655 = arith.constant 0 : i32
        %dma_start3A_656 = arith.constant 0 : i32
        %dma_start3A_657 = tpu.memref_slice %arg10[%run_scoped3A_638, %dma_start3A_655, %dma_start3A_656] : memref<3x128x8xf32, #tpu.memory_space<vmem>> -> memref<1x128x8xf32, #tpu.memory_space<vmem>>
        %dma_start3A_658 = tpu.memref_squeeze %dma_start3A_657 : memref<1x128x8xf32, #tpu.memory_space<vmem>> -> memref<128x8xf32, #tpu.memory_space<vmem>>
        %dma_start3A_659 = arith.constant 0 : i32
        %dma_start3A_660 = tpu.memref_slice %arg9[%select_n3A_29, %run_scoped3A_639, %dma_start3A_659] : memref<2x23x128xi32, #tpu.memory_space<vmem>> -> memref<1x1x128xi32, #tpu.memory_space<vmem>>
        %dma_start3A_661 = tpu.memref_squeeze %dma_start3A_660 : memref<1x1x128xi32, #tpu.memory_space<vmem>> -> memref<128xi32, #tpu.memory_space<vmem>>
        %dma_start3A_662 = arith.constant 0 : i32
        %dma_start3A_663 = arith.constant 0 : i32
        %dma_start3A_664 = tpu.memref_slice %arg11[%dma_start3A_662, %dma_start3A_663] : memref<102400x8xf32, #tpu.memory_space<vmem_shared>> -> memref<102400x8xf32, #tpu.memory_space<vmem_shared>>
        tpu.enqueue_indirect_dma source(%dma_start3A_658 : memref<128x8xf32, #tpu.memory_space<vmem>>) target(%dma_start3A_664 : memref<102400x8xf32, #tpu.memory_space<vmem_shared>>) offsets(%dma_start3A_661 : memref<128xi32, #tpu.memory_space<vmem>>) semaphore(%run_scoped3A_654 : memref<!tpu.dma_semaphore, #tpu.memory_space<semaphore_mem>>) {add = true}
        %dma_wait3A_665 = arith.constant 0 : i32
        %dma_wait3A_666 = arith.constant 0 : i32
        %dma_wait3A_667 = tpu.memref_slice %arg10[%run_scoped3A_638, %dma_wait3A_665, %dma_wait3A_666] : memref<3x128x8xf32, #tpu.memory_space<vmem>> -> memref<1x128x8xf32, #tpu.memory_space<vmem>>
        %dma_wait3A_668 = tpu.memref_squeeze %dma_wait3A_667 : memref<1x128x8xf32, #tpu.memory_space<vmem>> -> memref<128x8xf32, #tpu.memory_space<vmem>>
        %dma_wait3A_669 = arith.constant 0 : i32
        %dma_wait3A_670 = tpu.memref_slice %arg9[%select_n3A_29, %run_scoped3A_639, %dma_wait3A_669] : memref<2x23x128xi32, #tpu.memory_space<vmem>> -> memref<1x1x128xi32, #tpu.memory_space<vmem>>
        %dma_wait3A_671 = tpu.memref_squeeze %dma_wait3A_670 : memref<1x1x128xi32, #tpu.memory_space<vmem>> -> memref<128xi32, #tpu.memory_space<vmem>>
        %dma_wait3A_672 = arith.constant 0 : i32
        %dma_wait3A_673 = arith.constant 0 : i32
        %dma_wait3A_674 = tpu.memref_slice %arg11[%dma_wait3A_672, %dma_wait3A_673] : memref<102400x8xf32, #tpu.memory_space<vmem_shared>> -> memref<102400x8xf32, #tpu.memory_space<vmem_shared>>
        tpu.wait_indirect_dma semaphore(%run_scoped3A_654 : memref<!tpu.dma_semaphore, #tpu.memory_space<semaphore_mem>>) src(%dma_wait3A_668 : memref<128x8xf32, #tpu.memory_space<vmem>>) dst(%dma_wait3A_674 : memref<102400x8xf32, #tpu.memory_space<vmem_shared>>)
        tpu.yield
      }) : () -> ()
      %dma_wait3A_640 = arith.constant 22 : i32
      %dma_wait3A_641 = arith.constant 1 : i32
      %dma_wait3A_642 = arith.constant 0 : i32
      %dma_wait3A_643 = arith.constant 0 : i32
      %dma_wait3A_644 = tpu.memref_slice %arg10[%dma_wait3A_641, %dma_wait3A_642, %dma_wait3A_643] : memref<3x128x8xf32, #tpu.memory_space<vmem>> -> memref<1x128x8xf32, #tpu.memory_space<vmem>>
      %dma_wait3A_645 = tpu.memref_squeeze %dma_wait3A_644 : memref<1x128x8xf32, #tpu.memory_space<vmem>> -> memref<128x8xf32, #tpu.memory_space<vmem>>
      %dma_wait3A_646 = arith.constant 0 : i32
      %dma_wait3A_647 = tpu.memref_slice %arg8[%select_n3A_29, %dma_wait3A_640, %dma_wait3A_646] : memref<2x23x128xi32, #tpu.memory_space<vmem>> -> memref<1x1x128xi32, #tpu.memory_space<vmem>>
      %dma_wait3A_648 = tpu.memref_squeeze %dma_wait3A_647 : memref<1x1x128xi32, #tpu.memory_space<vmem>> -> memref<128xi32, #tpu.memory_space<vmem>>
      %dma_wait3A_649 = arith.constant 0 : i32
      %dma_wait3A_650 = arith.constant 0 : i32
      %dma_wait3A_651 = tpu.memref_slice %arg5[%dma_wait3A_649, %dma_wait3A_650] : memref<102400x8xf32, #tpu.memory_space<hbm>> -> memref<102400x8xf32, #tpu.memory_space<hbm>>
      tpu.wait_indirect_dma semaphore(%arg14 : memref<!tpu.dma_semaphore, #tpu.memory_space<semaphore_mem>>) src(%dma_wait3A_651 : memref<102400x8xf32, #tpu.memory_space<hbm>>) dst(%dma_wait3A_645 : memref<128x8xf32, #tpu.memory_space<vmem>>)
      %run_scoped3A_652 = arith.constant 1 : i32
      %run_scoped3A_653 = arith.constant 22 : i32
      "tpu.region"() ({
        %run_scoped3A_654 = tpu.sem_alloc : memref<!tpu.dma_semaphore, #tpu.memory_space<semaphore_mem>>
        %dma_start3A_655 = arith.constant 0 : i32
        %dma_start3A_656 = arith.constant 0 : i32
        %dma_start3A_657 = tpu.memref_slice %arg10[%run_scoped3A_652, %dma_start3A_655, %dma_start3A_656] : memref<3x128x8xf32, #tpu.memory_space<vmem>> -> memref<1x128x8xf32, #tpu.memory_space<vmem>>
        %dma_start3A_658 = tpu.memref_squeeze %dma_start3A_657 : memref<1x128x8xf32, #tpu.memory_space<vmem>> -> memref<128x8xf32, #tpu.memory_space<vmem>>
        %dma_start3A_659 = arith.constant 0 : i32
        %dma_start3A_660 = tpu.memref_slice %arg9[%select_n3A_29, %run_scoped3A_653, %dma_start3A_659] : memref<2x23x128xi32, #tpu.memory_space<vmem>> -> memref<1x1x128xi32, #tpu.memory_space<vmem>>
        %dma_start3A_661 = tpu.memref_squeeze %dma_start3A_660 : memref<1x1x128xi32, #tpu.memory_space<vmem>> -> memref<128xi32, #tpu.memory_space<vmem>>
        %dma_start3A_662 = arith.constant 0 : i32
        %dma_start3A_663 = arith.constant 0 : i32
        %dma_start3A_664 = tpu.memref_slice %arg11[%dma_start3A_662, %dma_start3A_663] : memref<102400x8xf32, #tpu.memory_space<vmem_shared>> -> memref<102400x8xf32, #tpu.memory_space<vmem_shared>>
        tpu.enqueue_indirect_dma source(%dma_start3A_658 : memref<128x8xf32, #tpu.memory_space<vmem>>) target(%dma_start3A_664 : memref<102400x8xf32, #tpu.memory_space<vmem_shared>>) offsets(%dma_start3A_661 : memref<128xi32, #tpu.memory_space<vmem>>) semaphore(%run_scoped3A_654 : memref<!tpu.dma_semaphore, #tpu.memory_space<semaphore_mem>>) {add = true}
        %dma_wait3A_665 = arith.constant 0 : i32
        %dma_wait3A_666 = arith.constant 0 : i32
        %dma_wait3A_667 = tpu.memref_slice %arg10[%run_scoped3A_652, %dma_wait3A_665, %dma_wait3A_666] : memref<3x128x8xf32, #tpu.memory_space<vmem>> -> memref<1x128x8xf32, #tpu.memory_space<vmem>>
        %dma_wait3A_668 = tpu.memref_squeeze %dma_wait3A_667 : memref<1x128x8xf32, #tpu.memory_space<vmem>> -> memref<128x8xf32, #tpu.memory_space<vmem>>
        %dma_wait3A_669 = arith.constant 0 : i32
        %dma_wait3A_670 = tpu.memref_slice %arg9[%select_n3A_29, %run_scoped3A_653, %dma_wait3A_669] : memref<2x23x128xi32, #tpu.memory_space<vmem>> -> memref<1x1x128xi32, #tpu.memory_space<vmem>>
        %dma_wait3A_671 = tpu.memref_squeeze %dma_wait3A_670 : memref<1x1x128xi32, #tpu.memory_space<vmem>> -> memref<128xi32, #tpu.memory_space<vmem>>
        %dma_wait3A_672 = arith.constant 0 : i32
        %dma_wait3A_673 = arith.constant 0 : i32
        %dma_wait3A_674 = tpu.memref_slice %arg11[%dma_wait3A_672, %dma_wait3A_673] : memref<102400x8xf32, #tpu.memory_space<vmem_shared>> -> memref<102400x8xf32, #tpu.memory_space<vmem_shared>>
        tpu.wait_indirect_dma semaphore(%run_scoped3A_654 : memref<!tpu.dma_semaphore, #tpu.memory_space<semaphore_mem>>) src(%dma_wait3A_668 : memref<128x8xf32, #tpu.memory_space<vmem>>) dst(%dma_wait3A_674 : memref<102400x8xf32, #tpu.memory_space<vmem_shared>>)
        tpu.yield
      }) : () -> ()
    }
    %scan3A_16 = arith.constant 17 : i32
    %barrier3A_17 = arith.constant 0 : index
    tpu.barrier barrier_id(%barrier3A_17)
    "tpu.region"() ({
      %run_scoped3A = tpu.sem_alloc : memref<!tpu.dma_semaphore, #tpu.memory_space<semaphore_mem>>
      %dma_start3A = arith.constant 0 : i32
      %dma_start3A_18 = tpu.memref_slice %arg7[%arg0, %mul3A_2, %dma_start3A] : memref<2x102400x8xf32, #tpu.memory_space<hbm>> -> memref<1x6400x8xf32, #tpu.memory_space<hbm>>
      %dma_start3A_19 = tpu.memref_squeeze %dma_start3A_18 : memref<1x6400x8xf32, #tpu.memory_space<hbm>> -> memref<6400x8xf32, #tpu.memory_space<hbm>>
      %dma_start3A_20 = arith.constant 0 : i32
      %dma_start3A_21 = tpu.memref_slice %arg11[%mul3A_2, %dma_start3A_20] : memref<102400x8xf32, #tpu.memory_space<vmem_shared>> -> memref<6400x8xf32, #tpu.memory_space<vmem_shared>>
      tpu.enqueue_dma source(%dma_start3A_21 : memref<6400x8xf32, #tpu.memory_space<vmem_shared>>) target(%dma_start3A_19 : memref<6400x8xf32, #tpu.memory_space<hbm>>) target_semaphore(%run_scoped3A : memref<!tpu.dma_semaphore, #tpu.memory_space<semaphore_mem>>)
      %dma_wait3A = arith.constant 0 : i32
      %dma_wait3A_22 = tpu.memref_slice %arg7[%arg0, %mul3A_2, %dma_wait3A] : memref<2x102400x8xf32, #tpu.memory_space<hbm>> -> memref<1x6400x8xf32, #tpu.memory_space<hbm>>
      %dma_wait3A_23 = tpu.memref_squeeze %dma_wait3A_22 : memref<1x6400x8xf32, #tpu.memory_space<hbm>> -> memref<6400x8xf32, #tpu.memory_space<hbm>>
      %dma_wait3A_24 = arith.constant 0 : i32
      %dma_wait3A_25 = tpu.memref_slice %arg11[%mul3A_2, %dma_wait3A_24] : memref<102400x8xf32, #tpu.memory_space<vmem_shared>> -> memref<6400x8xf32, #tpu.memory_space<vmem_shared>>
      tpu.wait_dma2 semaphore(%run_scoped3A : memref<!tpu.dma_semaphore, #tpu.memory_space<semaphore_mem>>) src(%dma_wait3A_25 : memref<6400x8xf32, #tpu.memory_space<vmem_shared>>) dst(%dma_wait3A_23 : memref<6400x8xf32, #tpu.memory_space<hbm>>)
      tpu.yield
    }) : () -> ()
    return
  }
}

module attributes {stable_mosaic.version = 14 : i64} {
  func.func @body(%arg0: i32, %arg1: memref<128x128xf32, #tpu.memory_space<vmem>>, %arg2: memref<2x128x128xf32, #tpu.memory_space<vmem>>, %arg3: memref<128x512xf32, #tpu.memory_space<vmem>>, %arg4: memref<128x512xf32, #tpu.memory_space<vmem>>, %arg5: memref<512x128xf32, #tpu.memory_space<vmem>>, %arg6: memref<512x128xf32, #tpu.memory_space<vmem>>, %arg7: memref<128x128xf32, #tpu.memory_space<vmem>>, %arg8: memref<1x512xf32, #tpu.memory_space<vmem>>, %arg9: memref<1x128xf32, #tpu.memory_space<vmem>>, %arg10: memref<1x128xf32, #tpu.memory_space<vmem>>, %arg11: memref<128x128xf32, #tpu.memory_space<vmem>>, %arg12: memref<128x128xf32, #tpu.memory_space<vmem>>) attributes {dimension_semantics = [#tpu.dimension_semantics<arbitrary>], iteration_bounds = array<i64: 50>, scalar_prefetch = 0 : i64, scratch_operands = 0 : i64, tpu.core_type = #tpu.core_type<tc>, window_params = [{transform_indices = @transform_0, window_bounds = array<i64: 128, 128>}, {transform_indices = @transform_1, window_bounds = array<i64: 2, 128, 128>}, {pipeline_mode = #tpu.pipeline_mode<synchronous>, transform_indices = @transform_2, window_bounds = array<i64: 128, 512>}, {pipeline_mode = #tpu.pipeline_mode<synchronous>, transform_indices = @transform_3, window_bounds = array<i64: 128, 512>}, {pipeline_mode = #tpu.pipeline_mode<synchronous>, transform_indices = @transform_4, window_bounds = array<i64: 512, 128>}, {pipeline_mode = #tpu.pipeline_mode<synchronous>, transform_indices = @transform_5, window_bounds = array<i64: 512, 128>}, {pipeline_mode = #tpu.pipeline_mode<synchronous>, transform_indices = @transform_6, window_bounds = array<i64: 128, 128>}, {pipeline_mode = #tpu.pipeline_mode<synchronous>, transform_indices = @transform_7, window_bounds = array<i64: 1, 512>}, {pipeline_mode = #tpu.pipeline_mode<synchronous>, transform_indices = @transform_8, window_bounds = array<i64: 1, 128>}, {pipeline_mode = #tpu.pipeline_mode<synchronous>, transform_indices = @transform_9, window_bounds = array<i64: 1, 128>}, {transform_indices = @transform_10, window_bounds = array<i64: 128, 128>}, {transform_indices = @transform_11, window_bounds = array<i64: 128, 128>}]} {
    %get3A = arith.constant 0 : index
    %get3A_0 = arith.constant 0 : index
    %get3A_1 = arith.constant 0 : index
    %get3A_2 = vector.load %arg2[%get3A, %get3A_0, %get3A_1] : memref<2x128x128xf32, #tpu.memory_space<vmem>>, vector<1x128x128xf32>
    %get3A_3 = vector.shape_cast %get3A_2 : vector<1x128x128xf32> to vector<128x128xf32>
    %get3A_4 = arith.constant 1 : index
    %get3A_5 = arith.constant 0 : index
    %get3A_6 = arith.constant 0 : index
    %get3A_7 = vector.load %arg2[%get3A_4, %get3A_5, %get3A_6] : memref<2x128x128xf32, #tpu.memory_space<vmem>>, vector<1x128x128xf32>
    %get3A_8 = vector.shape_cast %get3A_7 : vector<1x128x128xf32> to vector<128x128xf32>
    %add3A = arith.addf %get3A_3, %get3A_8 : vector<128x128xf32>
    %get3A_9 = arith.constant 0 : index
    %get3A_10 = arith.constant 0 : index
    %get3A_11 = vector.load %arg7[%get3A_9, %get3A_10] : memref<128x128xf32, #tpu.memory_space<vmem>>, vector<128x128xf32>
    %dot_general3A = arith.constant dense<0.000000e+00> : vector<128x128xf32>
    %dot_general3A_12 = tpu.matmul %add3A, %get3A_11, %dot_general3A {dimension_numbers = #tpu.dot_dimension_numbers<[1], [0], [0], [1], [0, 0, 1, 1], [], []>, transpose_lhs_hint = false} : vector<128x128xf32>, vector<128x128xf32>, vector<128x128xf32> -> vector<128x128xf32>
    %max3A = arith.constant 1.000000e+00 : f32
    %max3A_13 = vector.broadcast %max3A : f32 to vector<128x128xf32>
    %max3A_14 = arith.maximumf %dot_general3A_12, %max3A_13 : vector<128x128xf32>
    %div3A = arith.constant 1.000000e+00 : f32
    %div3A_15 = vector.broadcast %div3A : f32 to vector<128x128xf32>
    %div3A_16 = arith.divf %div3A_15, %max3A_14 : vector<128x128xf32>
    %mul3A = arith.mulf %add3A, %div3A_16 : vector<128x128xf32>
    %get3A_17 = arith.constant 0 : index
    %get3A_18 = arith.constant 0 : index
    %get3A_19 = vector.load %arg1[%get3A_17, %get3A_18] : memref<128x128xf32, #tpu.memory_space<vmem>>, vector<128x128xf32>
    %get3A_20 = arith.constant 0 : index
    %get3A_21 = arith.constant 0 : index
    %get3A_22 = vector.load %arg3[%get3A_20, %get3A_21] : memref<128x512xf32, #tpu.memory_space<vmem>>, vector<128x512xf32>
    %dot_general3A_23 = arith.constant dense<0.000000e+00> : vector<128x512xf32>
    %dot_general3A_24 = tpu.matmul %get3A_19, %get3A_22, %dot_general3A_23 {dimension_numbers = #tpu.dot_dimension_numbers<[1], [0], [0], [1], [0, 0, 1, 1], [], []>, transpose_lhs_hint = false} : vector<128x128xf32>, vector<128x512xf32>, vector<128x512xf32> -> vector<128x512xf32>
    %get3A_25 = arith.constant 0 : index
    %get3A_26 = arith.constant 0 : index
    %get3A_27 = vector.load %arg4[%get3A_25, %get3A_26] : memref<128x512xf32, #tpu.memory_space<vmem>>, vector<128x512xf32>
    %dot_general3A_28 = arith.constant dense<0.000000e+00> : vector<128x512xf32>
    %dot_general3A_29 = tpu.matmul %mul3A, %get3A_27, %dot_general3A_28 {dimension_numbers = #tpu.dot_dimension_numbers<[1], [0], [0], [1], [0, 0, 1, 1], [], []>, transpose_lhs_hint = false} : vector<128x128xf32>, vector<128x512xf32>, vector<128x512xf32> -> vector<128x512xf32>
    %add3A_30 = arith.addf %dot_general3A_24, %dot_general3A_29 : vector<128x512xf32>
    %get3A_31 = arith.constant 0 : index
    %get3A_32 = arith.constant 0 : index
    %get3A_33 = vector.load %arg8[%get3A_31, %get3A_32] : memref<1x512xf32, #tpu.memory_space<vmem>>, vector<1x512xf32>
    %add3A_34 = vector.broadcast %get3A_33 : vector<1x512xf32> to vector<128x512xf32>
    %add3A_35 = arith.addf %add3A_30, %add3A_34 : vector<128x512xf32>
    %ge3A = arith.constant 0.000000e+00 : f32
    %ge3A_36 = vector.broadcast %ge3A : f32 to vector<128x512xf32>
    %ge3A_37 = arith.cmpf oge, %add3A_35, %ge3A_36 : vector<128x512xf32>
    %mul3A_38 = arith.constant 0.00999999977 : f32
    %mul3A_39 = vector.broadcast %mul3A_38 : f32 to vector<128x512xf32>
    %mul3A_40 = arith.mulf %mul3A_39, %add3A_35 : vector<128x512xf32>
    %select_n3A = arith.select %ge3A_37, %add3A_35, %mul3A_40 : vector<128x512xi1>, vector<128x512xf32>
    %get3A_41 = arith.constant 0 : index
    %get3A_42 = arith.constant 0 : index
    %get3A_43 = vector.load %arg5[%get3A_41, %get3A_42] : memref<512x128xf32, #tpu.memory_space<vmem>>, vector<512x128xf32>
    %dot_general3A_44 = arith.constant dense<0.000000e+00> : vector<128x128xf32>
    %dot_general3A_45 = tpu.matmul %select_n3A, %get3A_43, %dot_general3A_44 {dimension_numbers = #tpu.dot_dimension_numbers<[1], [0], [0], [1], [0, 0, 1, 1], [], []>, transpose_lhs_hint = false} : vector<128x512xf32>, vector<512x128xf32>, vector<128x128xf32> -> vector<128x128xf32>
    %swap3A = arith.constant 0 : index
    %swap3A_46 = arith.constant 0 : index
    %swap3A_47 = vector.load %arg11[%swap3A, %swap3A_46] : memref<128x128xf32, #tpu.memory_space<vmem>>, vector<128x128xf32>
    tpu.vector_store %arg11[%swap3A, %swap3A_46], %dot_general3A_45 {strides = array<i32>} : memref<128x128xf32, #tpu.memory_space<vmem>>, vector<128x128xf32>,
    %get3A_48 = arith.constant 0 : index
    %get3A_49 = arith.constant 0 : index
    %get3A_50 = vector.load %arg6[%get3A_48, %get3A_49] : memref<512x128xf32, #tpu.memory_space<vmem>>, vector<512x128xf32>
    %dot_general3A_51 = arith.constant dense<0.000000e+00> : vector<128x128xf32>
    %dot_general3A_52 = tpu.matmul %select_n3A, %get3A_50, %dot_general3A_51 {dimension_numbers = #tpu.dot_dimension_numbers<[1], [0], [0], [1], [0, 0, 1, 1], [], []>, transpose_lhs_hint = false} : vector<128x512xf32>, vector<512x128xf32>, vector<128x128xf32> -> vector<128x128xf32>
    %get3A_53 = arith.constant 0 : index
    %get3A_54 = arith.constant 0 : index
    %get3A_55 = vector.load %arg9[%get3A_53, %get3A_54] : memref<1x128xf32, #tpu.memory_space<vmem>>, vector<1x128xf32>
    %add3A_56 = vector.broadcast %get3A_55 : vector<1x128xf32> to vector<128x128xf32>
    %add3A_57 = arith.addf %dot_general3A_52, %add3A_56 : vector<128x128xf32>
    %get3A_58 = arith.constant 0 : index
    %get3A_59 = arith.constant 0 : index
    %get3A_60 = vector.load %arg10[%get3A_58, %get3A_59] : memref<1x128xf32, #tpu.memory_space<vmem>>, vector<1x128xf32>
    %mul3A_61 = vector.broadcast %get3A_60 : vector<1x128xf32> to vector<128x128xf32>
    %mul3A_62 = arith.mulf %mul3A_61, %div3A_16 : vector<128x128xf32>
    %add3A_63 = arith.addf %add3A_57, %mul3A_62 : vector<128x128xf32>
    %swap3A_64 = arith.constant 0 : index
    %swap3A_65 = arith.constant 0 : index
    %swap3A_66 = vector.load %arg12[%swap3A_64, %swap3A_65] : memref<128x128xf32, #tpu.memory_space<vmem>>, vector<128x128xf32>
    tpu.vector_store %arg12[%swap3A_64, %swap3A_65], %add3A_63 {strides = array<i32>} : memref<128x128xf32, #tpu.memory_space<vmem>>, vector<128x128xf32>,
    return
  }
  func.func @transform_0(%arg0: i32) -> (i32, i32) {
    %c0_i32 = arith.constant 0 : i32
    %c0_i32_0 = arith.constant 0 : i32
    return %arg0, %c0_i32 : i32, i32
  }
  func.func @transform_1(%arg0: i32) -> (i32, i32, i32) {
    %c0_i32 = arith.constant 0 : i32
    %c0_i32_0 = arith.constant 0 : i32
    %c0_i32_1 = arith.constant 0 : i32
    return %c0_i32, %arg0, %c0_i32_0 : i32, i32, i32
  }
  func.func @transform_2(%arg0: i32) -> (i32, i32) {
    %c0_i32 = arith.constant 0 : i32
    %c0_i32_0 = arith.constant 0 : i32
    %c0_i32_1 = arith.constant 0 : i32
    return %c0_i32, %c0_i32_0 : i32, i32
  }
  func.func @transform_3(%arg0: i32) -> (i32, i32) {
    %c0_i32 = arith.constant 0 : i32
    %c0_i32_0 = arith.constant 0 : i32
    %c0_i32_1 = arith.constant 0 : i32
    return %c0_i32, %c0_i32_0 : i32, i32
  }
  func.func @transform_4(%arg0: i32) -> (i32, i32) {
    %c0_i32 = arith.constant 0 : i32
    %c0_i32_0 = arith.constant 0 : i32
    %c0_i32_1 = arith.constant 0 : i32
    return %c0_i32, %c0_i32_0 : i32, i32
  }
  func.func @transform_5(%arg0: i32) -> (i32, i32) {
    %c0_i32 = arith.constant 0 : i32
    %c0_i32_0 = arith.constant 0 : i32
    %c0_i32_1 = arith.constant 0 : i32
    return %c0_i32, %c0_i32_0 : i32, i32
  }
  func.func @transform_6(%arg0: i32) -> (i32, i32) {
    %c0_i32 = arith.constant 0 : i32
    %c0_i32_0 = arith.constant 0 : i32
    %c0_i32_1 = arith.constant 0 : i32
    return %c0_i32, %c0_i32_0 : i32, i32
  }
  func.func @transform_7(%arg0: i32) -> (i32, i32) {
    %c0_i32 = arith.constant 0 : i32
    %c0_i32_0 = arith.constant 0 : i32
    %c0_i32_1 = arith.constant 0 : i32
    return %c0_i32, %c0_i32_0 : i32, i32
  }
  func.func @transform_8(%arg0: i32) -> (i32, i32) {
    %c0_i32 = arith.constant 0 : i32
    %c0_i32_0 = arith.constant 0 : i32
    %c0_i32_1 = arith.constant 0 : i32
    return %c0_i32, %c0_i32_0 : i32, i32
  }
  func.func @transform_9(%arg0: i32) -> (i32, i32) {
    %c0_i32 = arith.constant 0 : i32
    %c0_i32_0 = arith.constant 0 : i32
    %c0_i32_1 = arith.constant 0 : i32
    return %c0_i32, %c0_i32_0 : i32, i32
  }
  func.func @transform_10(%arg0: i32) -> (i32, i32) {
    %c0_i32 = arith.constant 0 : i32
    %c0_i32_0 = arith.constant 0 : i32
    return %arg0, %c0_i32 : i32, i32
  }
  func.func @transform_11(%arg0: i32) -> (i32, i32) {
    %c0_i32 = arith.constant 0 : i32
    %c0_i32_0 = arith.constant 0 : i32
    return %arg0, %c0_i32 : i32, i32
  }
}

module attributes {stable_mosaic.version = 14 : i64} {
  func.func @body(%arg0: i32, %arg1: memref<128x128xf32, #tpu.memory_space<vmem>>, %arg2: memref<2x128x128xf32, #tpu.memory_space<vmem>>, %arg3: memref<128x128xf32, #tpu.memory_space<vmem>>, %arg4: memref<128x128xf32, #tpu.memory_space<vmem>>) attributes {dimension_semantics = [#tpu.dimension_semantics<arbitrary>], iteration_bounds = array<i64: 50>, scalar_prefetch = 0 : i64, scratch_operands = 0 : i64, tpu.core_type = #tpu.core_type<tc>, window_params = [{transform_indices = @transform_0, window_bounds = array<i64: 128, 128>}, {transform_indices = @transform_1, window_bounds = array<i64: 2, 128, 128>}, {pipeline_mode = #tpu.pipeline_mode<synchronous>, transform_indices = @transform_2, window_bounds = array<i64: 128, 128>}, {transform_indices = @transform_3, window_bounds = array<i64: 128, 128>}]} {
    %get3A = arith.constant 0 : index
    %get3A_0 = arith.constant 0 : index
    %get3A_1 = arith.constant 0 : index
    %get3A_2 = vector.load %arg2[%get3A, %get3A_0, %get3A_1] : memref<2x128x128xf32, #tpu.memory_space<vmem>>, vector<1x128x128xf32>
    %get3A_3 = vector.shape_cast %get3A_2 : vector<1x128x128xf32> to vector<128x128xf32>
    %get3A_4 = arith.constant 1 : index
    %get3A_5 = arith.constant 0 : index
    %get3A_6 = arith.constant 0 : index
    %get3A_7 = vector.load %arg2[%get3A_4, %get3A_5, %get3A_6] : memref<2x128x128xf32, #tpu.memory_space<vmem>>, vector<1x128x128xf32>
    %get3A_8 = vector.shape_cast %get3A_7 : vector<1x128x128xf32> to vector<128x128xf32>
    %add3A = arith.addf %get3A_3, %get3A_8 : vector<128x128xf32>
    %get3A_9 = arith.constant 0 : index
    %get3A_10 = arith.constant 0 : index
    %get3A_11 = vector.load %arg1[%get3A_9, %get3A_10] : memref<128x128xf32, #tpu.memory_space<vmem>>, vector<128x128xf32>
    %get3A_12 = arith.constant 0 : index
    %get3A_13 = arith.constant 0 : index
    %get3A_14 = vector.load %arg3[%get3A_12, %get3A_13] : memref<128x128xf32, #tpu.memory_space<vmem>>, vector<128x128xf32>
    %dot_general3A = arith.constant dense<0.000000e+00> : vector<128x128xf32>
    %dot_general3A_15 = tpu.matmul %get3A_11, %get3A_14, %dot_general3A {dimension_numbers = #tpu.dot_dimension_numbers<[1], [0], [0], [1], [0, 0, 1, 1], [], []>, transpose_lhs_hint = false} : vector<128x128xf32>, vector<128x128xf32>, vector<128x128xf32> -> vector<128x128xf32>
    %mul3A = arith.mulf %add3A, %dot_general3A_15 : vector<128x128xf32>
    %add3A_16 = arith.addf %get3A_11, %mul3A : vector<128x128xf32>
    %ge3A = arith.constant 0.000000e+00 : f32
    %ge3A_17 = vector.broadcast %ge3A : f32 to vector<128x128xf32>
    %ge3A_18 = arith.cmpf oge, %add3A_16, %ge3A_17 : vector<128x128xf32>
    %mul3A_19 = arith.constant 0.00999999977 : f32
    %mul3A_20 = vector.broadcast %mul3A_19 : f32 to vector<128x128xf32>
    %mul3A_21 = arith.mulf %mul3A_20, %add3A_16 : vector<128x128xf32>
    %select_n3A = arith.select %ge3A_18, %add3A_16, %mul3A_21 : vector<128x128xi1>, vector<128x128xf32>
    %swap3A = arith.constant 0 : index
    %swap3A_22 = arith.constant 0 : index
    %swap3A_23 = vector.load %arg4[%swap3A, %swap3A_22] : memref<128x128xf32, #tpu.memory_space<vmem>>, vector<128x128xf32>
    tpu.vector_store %arg4[%swap3A, %swap3A_22], %select_n3A {strides = array<i32>} : memref<128x128xf32, #tpu.memory_space<vmem>>, vector<128x128xf32>,
    return
  }
  func.func @transform_0(%arg0: i32) -> (i32, i32) {
    %c0_i32 = arith.constant 0 : i32
    %c0_i32_0 = arith.constant 0 : i32
    return %arg0, %c0_i32 : i32, i32
  }
  func.func @transform_1(%arg0: i32) -> (i32, i32, i32) {
    %c0_i32 = arith.constant 0 : i32
    %c0_i32_0 = arith.constant 0 : i32
    %c0_i32_1 = arith.constant 0 : i32
    return %c0_i32, %arg0, %c0_i32_0 : i32, i32, i32
  }
  func.func @transform_2(%arg0: i32) -> (i32, i32) {
    %c0_i32 = arith.constant 0 : i32
    %c0_i32_0 = arith.constant 0 : i32
    %c0_i32_1 = arith.constant 0 : i32
    return %c0_i32, %c0_i32_0 : i32, i32
  }
  func.func @transform_3(%arg0: i32) -> (i32, i32) {
    %c0_i32 = arith.constant 0 : i32
    %c0_i32_0 = arith.constant 0 : i32
    return %arg0, %c0_i32 : i32, i32
  }
}

</mosaic_0001>

<sc_bundles>
// kernel: kernel.6.cloned.1.call-start
scs
__scs_entry_jumppad:
0x0: {  	(pc) =	sbr.rel $0x88, $3  }
0x1: {  	(tag) =	ssettag $0x0;
	lr =	simm.s32 $0x1  }
0x2: {  	[smem:$0x3F99] =	sst lr;
	_ =	strace $0xD0000000  }
0x3: {  	_ = 	snop  }
0x4: {  	_ = 	snop  }
0x5: {  	_ = 	snop  }
0x6: {  	_ = 	snop  }
0x7: {  	_ = 	snop  }
__scs_overlays_trampoline_lowered:
0x8: {  	[smem:$0x3FA8] =	sst s0  }
0x9: {  	[smem:$0x3FA9] =	sst s1  }
0xa: {  	[smem:$0x3FAA] =	sst s2  }
0xb: {  	[smem:$0x3FAB] =	sst s3  }
0xc: {  	[smem:$0x3FAC] =	sst s4  }
0xd: {  	[smem:$0x3FAD] =	sst s5  }
0xe: {  	[smem:$0x3FAE] =	sst s6  }
0xf: {  	[smem:$0x3FAF] =	sst s7  }
0x10: {  	[smem:$0x3FB0] =	sst s8  }
0x11: {  	[smem:$0x3FB1] =	sst s9;
	s0 =	simm.s32 @!p0 $0x0  }
0x12: {  	s1 =	sld [smem:$0x3F97];
	s0 =	simm.s32 @p0 $0x1  }
0x13: {  	[smem:$0x3FB2] =	sst s0;
	s0 =	simm.s32 @!p1 $0x0  }
0x14: {  	s2 =	sld [smem:$0x3F96];
	s0 =	simm.s32 @p1 $0x1  }
0x15: {  	[smem:$0x3FB3] =	sst s0;
	s0 =	simm.s32 @!p2 $0x0  }
0x16: {  	s3 =	sld [smem:$0x3FDB];
	s0 =	simm.s32 @p2 $0x1  }
0x17: {  	s4 =	simm.s32 $0x1BF5;
	[smem:$0x3FB5] =	sst s0  }
0x18: {  	s0 =	sld [smem:$0x3F98];
	_ =	swait.ge [sflag:s4], $0x0  }
0x19: {  	s7 =	sld [smem:$0x3F99]  }
0x1a: {  	s8 =	sadd.s32 $0xFFFFE003, lr  }
0x1b: {  	s9 =	sadd.s32 $0xFFFFFEF7, lr;
	s5 =	simm.s32 $0xFFFFFFFF;
	p2 =	slt.u32 s8, $0xFFFFF086  }
0x1c: {  	p1 =	slt.u32 s9, $0xF7A;
	s5 =	simm.s32 @!p2 $0x0  }
0x1d: {  	s5 =	simm.s32 @p1 $0x1;
	p0 =	seq.s32 s7, s2  }
0x1e: {  	s7 =	smul.u32 @!p0 $0xF7A, s2;
	p2 =	seq.s32 @!p0 s5, $0x0  }
0x1f: {  	s9 =	smul.u32 $0xF7A, s1;
	s8 =	simm.s32 @!p0 $0x1BF5;
	p2 =	por !p2, p0  }
0x20: {  	[sflag:s8] =	ssyncset.s32 @!p0 $0xFFFFF086;
	s6 =	sadd.s32 @!p0 s3, s7;
	s7 =	simm.s32 @!p0 $0x108  }
0x21: {  	s3 =	sadd.s32 s3, s9;
	s6 =	sadd.s32 @!p0 $0x88, s6;
	s7 =	simm.s32 @p2 $0x1082  }
0x22: {  	[simem:s7], [sflag:s8] =	dma.local @!p0 [hbm:s6], $0xF7A  }
0x23: {  	s9 =	sor.u32 $0xD0000000, s2;
	s6 =	simm.s32 $0x108;
	_ =	swait.ge @!p0 [sflag:s8], $0x0  }
0x24: {  	s3 =	sadd.s32 $0x88, s3;
	s6 =	simm.s32 @!p1 $0x1082;
	[sflag:s4] =	ssyncset.s32 $0xFFFFF086  }
0x25: {  	[simem:s6], [sflag:s4] =	dma.local [hbm:s3], $0xF7A  }
0x26: {  	[smem:$0x3F99] =	sst s1;
	(tag) =	ssettag s2;
	_ =	strace s9  }
0x27: {  	s1 =	sld [smem:$0x3FA9]  }
0x28: {  	s2 =	sld [smem:$0x3FAA]  }
0x29: {  	s4 =	sld [smem:$0x3FAC]  }
0x2a: {  	p0 =	seq.s32 s5, $0x0;
	s5 =	sld [smem:$0x3FAD]  }
0x2b: {  	s6 =	sld [smem:$0x3FAE]  }
0x2c: {  	s7 =	sld [smem:$0x3FAF]  }
0x2d: {  	s3 =	simm.s32 $0x108;
	s8 =	sld [smem:$0x3FB0]  }
0x2e: {  	s3 =	simm.s32 @!p0 $0x1082;
	s9 =	sld [smem:$0x3FB1]  }
0x2f: {  	lr =	sadd.s32 s0, s3;
	s0 =	sld [smem:$0x3FA8]  }
0x30: {  	s3 =	sld [smem:$0x3FAB]  }
0x31: {  	[smem:$0x3FB4] =	sst s10  }
0x32: {  	s10 =	sld [smem:$0x3FB2];
	_ =	sdelay $0x3  }
0x33: {  	p0 =	seq.s32 s10, $0x1;
	s10 =	sld [smem:$0x3FB4];
	_ =	sdelay $0x3  }
0x34: {  	[smem:$0x3FB4] =	sst s10  }
0x35: {  	s10 =	sld [smem:$0x3FB3];
	_ =	sdelay $0x3  }
0x36: {  	p1 =	seq.s32 s10, $0x1;
	s10 =	sld [smem:$0x3FB4];
	_ =	sdelay $0x3  }
0x37: {  	[smem:$0x3FB4] =	sst s10  }
0x38: {  	s10 =	sld [smem:$0x3FB5]  }
0x39: {  	_ = 	snop;
	(pc) =	sbr.ind lr, $3  }
0x3a: {  	_ = 	snop  }
0x3b: {  	_ = 	snop  }
0x3c: {  	p2 =	seq.s32 s10, $0x1;
	s10 =	sld [smem:$0x3FB4]  }
0x3d: {  	_ =	shalt  }
0x3e: {  	_ =	shalt  }
0x3f: {  	_ =	shalt  }
0x40: {  	_ =	shalt  }
0x41: {  	_ =	shalt  }
0x42: {  	_ =	shalt  }
0x43: {  	_ =	shalt  }
0x44: {  	_ =	shalt  }
0x45: {  	_ =	shalt  }
0x46: {  	_ =	shalt  }
0x47: {  	_ =	shalt  }
0x48: {  	_ =	shalt  }
0x49: {  	_ =	shalt  }
0x4a: {  	_ =	shalt  }
0x4b: {  	_ =	shalt  }
0x4c: {  	_ =	shalt  }
0x4d: {  	_ =	shalt  }
0x4e: {  	_ =	shalt  }
0x4f: {  	_ =	shalt  }
0x50: {  	_ =	shalt  }
0x51: {  	_ =	shalt  }
0x52: {  	_ =	shalt  }
0x53: {  	_ =	shalt  }
0x54: {  	_ =	shalt  }
0x55: {  	_ =	shalt  }
0x56: {  	_ =	shalt  }
0x57: {  	_ =	shalt  }
0x58: {  	_ =	shalt  }
0x59: {  	_ =	shalt  }
0x5a: {  	_ =	shalt  }
0x5b: {  	_ =	shalt  }
0x5c: {  	_ =	shalt  }
0x5d: {  	_ =	shalt  }
0x5e: {  	_ =	shalt  }
0x5f: {  	_ =	shalt  }
0x60: {  	_ =	shalt  }
0x61: {  	_ =	shalt  }
0x62: {  	_ =	shalt  }
0x63: {  	_ =	shalt  }
0x64: {  	_ =	shalt  }
0x65: {  	_ =	shalt  }
0x66: {  	_ =	shalt  }
0x67: {  	_ =	shalt  }
0x68: {  	_ =	shalt  }
0x69: {  	_ =	shalt  }
0x6a: {  	_ =	shalt  }
0x6b: {  	_ =	shalt  }
0x6c: {  	_ =	shalt  }
0x6d: {  	_ =	shalt  }
0x6e: {  	_ =	shalt  }
0x6f: {  	_ =	shalt  }
0x70: {  	_ =	shalt  }
0x71: {  	_ =	shalt  }
0x72: {  	_ =	shalt  }
0x73: {  	_ =	shalt  }
0x74: {  	_ =	shalt  }
0x75: {  	_ =	shalt  }
0x76: {  	_ =	shalt  }
0x77: {  	_ =	shalt  }
0x78: {  	_ =	shalt  }
0x79: {  	_ =	shalt  }
0x7a: {  	_ =	shalt  }
0x7b: {  	_ =	shalt  }
0x7c: {  	_ =	shalt  }
0x7d: {  	_ =	shalt  }
0x7e: {  	_ =	shalt  }
0x7f: {  	_ =	shalt  }
0x80: {  	_ =	shalt  }
0x81: {  	_ =	shalt  }
0x82: {  	_ =	shalt  }
0x83: {  	_ =	shalt  }
0x84: {  	_ =	shalt  }
0x85: {  	_ =	shalt  }
0x86: {  	_ =	shalt  }
0x87: {  	_ =	shalt  }
.Lfunc_end0:
.L_simem_size_0:
called_computation_lowered:
.L_overlay_start_0:
0x88: {  	s2 =	sld [smem:$0x3FD9]  }
0x89: {  	s3 =	sld [smem:$0x3FFE];
	_ =	sdelay $0x1  }
0x8a: {  	s1 =	srdreg.scid  }
0x8b: {  	s0 =	sand.u32 $0x1, s1  }
0x8c: {  	s17 =	sshll.u32 s0, $0xA;
	s2 =	sadd.s32 s3, s2  }
0x8d: {  	s2 =	sadd.s32 s2, s17  }
0x8e: {  	[smem:$0x3FC0] =	sst s2  }
0x8f: {  	_ = 	snop  }
0x90: {  	s2 =	sld [smem:$0x3FD0];
	(tm) =	ssettm $0x1  }
0x91: {  	s18 =	sld [smem:$0x3FFB];
	_ =	sdelay $0x3  }
0x92: {  	_ =	strace s18  }
0x93: {  	s3 =	sld [smem:$0x3FFC];
	_ =	sdelay $0x3  }
0x94: {  	_ =	strace s3  }
0x95: {  	s3 =	sld [smem:$0x3FFD];
	_ =	sdelay $0x3  }
0x96: {  	_ =	strace s3  }
0x97: {  	_ =	strace $0x8FFFFFFF  }
0x98: {  	s19 =	sld [smem:$0x3FDB];
	_ =	sdelay $0x1  }
0x99: {  	s4 =	simm.s32 $_scs_section_size  }
0x9a: {  	s5 =	simm.s32 $_size__tile_overlayer_lowered;
	s6 =	simm.s32 $_tile_overlayer_lowered  }
0x9b: {  	s22 =	simm.s32 $0x1BFF;
	s21 =	sshll.u32 s6, $0x1;
	s3 =	sadd.s32 s4, s19  }
0x9c: {  	s7 =	simm.s32 $0x0;
	s20 =	sshll.u32 s5, $0x1;
	s5 =	sadd.s32 s21, s3  }
0x9d: {  	[timem:s7], [sflag:s22] =	dma.local [hbm:s5], s20  }
0x9e: {  	_ =	swait.ge [sflag:s22], s20  }
0x9f: {  	s4 =	ssub.s32 $0x0, s20;
	[sflag:s22] =	ssyncset.done $0x0  }
0xa0: {  	[sflag:s22] =	ssyncadd.s32 s4;
	_ =	sdelay $0x1  }
0xa1: {  	s23 =	simm.s32 $0x1B8B  }
0xa2: {  	_ =	swait.ge [sflag:s23], $0x1  }
0xa3: {  	[sflag:s23] =	ssyncset.done $0x0  }
0xa4: {  	s25 =	simm.s32 $0x1B8E;
	s24 =	sld [smem:$0x3FFE];
	[sflag:s23] =	ssyncadd.s32 $0xFFFFFFFF  }
0xa5: {  	s26 =	simm.s32 $execute0_lowered;
	[smem:$0x3FD2] =	sst s25  }
0xa6: {  	s5 =	sshll.u32 s26, $0x1;
	_ =	strace $0x80000046;
	[dreg:$0x1] =	wrdreg $0xFFFFFFFF  }
0xa7: {  	s28 =	simm.s32 $_size_execute0_lowered;
	s3 =	sadd.s32 s3, s5;
	[dreg:$0x0] =	wrdreg $0x0  }
0xa8: {  	s5 =	sshll.u32 s28, $0x1;
	[dreg:$0x2] =	wrdreg s3  }
0xa9: {  	[dreg:$0x3] =	wrdreg s5  }
0xaa: {  	[dreg:$0x4] =	wrdreg $0xC0  }
0xab: {  	_ =	task [dreg:s7], $0x5FFFF  }
0xac: {  	[dreg:$0x1] =	wrdreg $0xFFFFFFFF  }
0xad: {  	[dreg:$0x0] =	wrdreg $0x60  }
0xae: {  	[dreg:$0x2] =	wrdreg s24  }
0xaf: {  	[dreg:$0x3] =	wrdreg s2  }
0xb0: {  	[dreg:$0x4] =	wrdreg $0x3A000  }
0xb1: {  	[dreg:$0x5] =	wrdreg $0x9  }
0xb2: {  	_ =	task.clear_ibuf [dreg:s7], $0x6FFFF;
	_ =	strace $0x90000046  }
0xb3: {  	s29 =	simm.s32 $0x9;
	_ =	strace $0x80000048  }
0xb4: {  	_ =	swait.ge [sflag:s29], $0x1  }
0xb5: {  	[sflag:s29] =	ssyncadd.s32 $0xFFFFFFFF  }
0xb6: {  	_ =	strace $0x90000048  }
0xb7: {  	_ =	sfence  }
0xb8: {  	s30 =	sld [smem:$0x0];
	_ =	sdelay $0x2  }
0xb9: {  	s31 =	sshll.u32 s1, $0xD;
	s1 =	sshrl.u32 s1, $0x2  }
0xba: {  	s3 =	sand.u32 $0x4000, s31;
	s1 =	sadd.s32 s1, s30  }
0xbb: {  	s0 =	sor.u32 s3, s0;
	s1 =	sshll.u32 s1, $0x11  }
0xbc: {  	s0 =	sor.u32 s1, s0  }
0xbd: {  	s0 =	sadd.s32 $0x8F2B, s0  }
0xbe: {  	[sflag:s0] =	ssyncadd.remote.s32 $0x1  }
0xbf: {  	_ =	sfence.sel $0xFFFF  }
0xc0: {  	[dreg:$0x0] =	wrdreg $0xFFFFFFFF;
	(pc) =	sbr.abs _section_cstart, $3  }
0xc1: {  	[dreg:$0x1] =	wrdreg $0xFFFFFFFF  }
0xc2: {  	_ =	task.clear_ibuf [dreg:s7], $0x2FFFF;
	_ =	strace $0x9FFFFFFF  }
0xc3: {  	(tm) =	ssettm $0x7FFFFFFF  }
tec
execute0_lowered:
.L_overlay_start_1:
0x0: {  	(tag) =	ssettag $0x1  }
0x1: {  	s0 =	rddreg [dreg:$0x0]  }
0x2: {  	s2 =	rddreg [dreg:$0x1]  }
0x3: {  	s3 =	rddreg [dreg:$0x2];
	s4 =	simm.s32 $0x0  }
0x4: {  	s1 =	stileid.u32;
	s5 =	srdreg.scid;
	s17 =	simm.s32 $0x5  }
0x5: {  	s18 =	simm.s32 $0x1700;
	s19 =	simm.s32 $0x1;
	s20 =	simm.s32 $0x80  }
0x6: {  	s21 =	simm.s32 $0x2E00;
	s22 =	simm.s32 $0x3200;
	s23 =	simm.s32 $0x3600  }
0x7: {  	s24 =	simm.s32 $0x2;
	s26 =	simm.s32 $0x4;
	s28 =	simm.s32 $0x0  }
0x8: {  	[smem:$0x7FF] =	sst s4;
	s8 =	smul.u32 $0xC800, s1;
	s9 =	sand.u32 $0x1, s5  }
0x9: {  	s5 =	sadd.s32 $0x2A00, s0;
	s6 =	sadd.s32 $0x33800, s0;
	s7 =	sadd.s32 $0x64600, s0  }
0xa: {  	s30 =	sshll.u32 s1, $0x6;
	_ =	strace $0x80000047;
	s10 =	smul.u32 $0xC8000, s9  }
0xb: {  	s12 =	ssub.s32 $0x2, s9;
	s9 =	sshll.u32 s9, $0x4;
	s11 =	sshrl.u32 s8, $0x3  }
0xc: {  	s13 =	sshrl.u32 s12, $0x1;
	s25 =	sor.u32 s1, s9;
	s16 =	sadd.s32 s8, s3  }
0xd: {  	s9 =	sor.u32 $0x1C05, s30;
	s11 =	sadd.s32 s11, s0;
	s31 =	smul.u32 $0x1870, s25  }
.Ltmp0:
0xe: {  	s10 =	sadd.s32 s8, s10;
	s13 =	ssub.s32 s12, s13;
	(pc) =	sbr.rel .LBB2_1-.Ltmp0, $4  }
0xf: {  	s16 =	sshrl.u32 s16, $0x3;
	p0 =	sne.s32 s25, $0x1F;
	s10 =	sshrl.u32 s10, $0x3  }
0x10: {  	s8 =	sadd.s32 $0x7D600, s11;
	s15 =	smax.u32 s13, $0x1;
	s14 =	sadd.s32 s10, s0  }
0x11: {  	s10 =	smul.u32 $0x187, s25;
	s11 =	sadd.s32 s5, s31;
	s12 =	sadd.s32 s6, s31  }
0x12: {  	s0 =	sadd.s32 $0x170, s2;
	s25 =	simm.s32 $0x3;
	s14 =	sadd.s32 $0x96600, s14  }
.LBB2_5:
0x13: {  	s28 =	sadd.s32 $0x1, s28  }
0x14: {  	p1 =	sne.s32 s28, s15  }
.Ltmp1:
0x15: {  	[bflag:$0x0] =	sbarrier.arrive $0xFFFF;
	(pc) =	sbr.rel @!p1 .LBB2_6-.Ltmp1, $4  }
0x16: {  	[hbm:s14], [sflag:s9] =	dma.local [spmem:s16], $0x1900  }
0x17: {  	_ =	swait.ge [sflag:s17], $0x1900  }
0x18: {  	[sflag:s17] =	ssyncset.done $0x0  }
0x19: {  	[sflag:s17] =	ssyncadd.s32 $0xFFFFE700  }
.LBB2_1:
0x1a: {  	[spmem:s16], [sflag:s9] =	dma.local [hbm:s8], $0x1900  }
0x1b: {  	_ =	swait.ge [sflag:s17], $0x1900  }
0x1c: {  	[sflag:s17] =	ssyncset.done $0x0  }
.Ltmp2:
0x1d: {  	[sflag:s17] =	ssyncadd.s32 $0xFFFFE700;
	(pc) =	sbr.rel .LBB2_2-.Ltmp2, $4  }
0x1e: {  	[bflag:$0x0] =	sbarrier.arrive $0xFFFF  }
0x1f: {  	[tilespmem:s4], [sflag:$0x1] =	stream.linear.gather [hbm4b:s11+s4], $0xB80, $0x38;
	[tilespmem:$0x10200] =	vst v63  }
0x20: {  	s31 =	simm.s32 $0x0  }
0x21: {  	[tilespmem:s18], [sflag:$0x1] =	stream.linear.gather [hbm4b:s12+s4], $0xB80, $0x38;
	[tilespmem:$0x10200] =	vst v63  }
.LBB2_4:
0x22: {  	s30 =	smul.u32 $0xB80, s30;
	_ =	sdelay $0x1  }
0x23: {  	[tilespmem:s21], [sflag:$0x2] =	stream.indirect.gather [hbm4b:s7+s20], $0x8, s30, s20, $0xb8;
	[tilespmem:$0x10200] =	vst v63  }
0x24: {  	s1 =	sadd.s32 $0x80, s30  }
0x25: {  	[tilespmem:s22], [sflag:$0x3] =	stream.indirect.gather [hbm4b:s7+s20], $0x8, s1, s20, $0xb8;
	[tilespmem:$0x10200] =	vst v63  }
0x26: {  	s13 =	sadd.s32 $0x100, s30  }
0x27: {  	[tilespmem:s23], [sflag:$0x4] =	stream.indirect.gather [hbm4b:s7+s20], $0x8, s13, s20, $0xb8;
	[tilespmem:$0x10200] =	vst v63  }
0x28: {  	_ =	swait.ge [sflag:s24], $0x400  }
0x29: {  	[sflag:s24] =	ssyncset.done $0x0  }
0x2a: {  	s13 =	sadd.s32 $0x1700, s30;
	[sflag:s24] =	ssyncadd.s32 $0xFFFFFC00  }
0x2b: {  	[spmem:s3] =	stream.indirect.scatter.add.f32 [tilespmem:s21], [sflag:$0x5], $0x8, s13, s20, $0xb8;
	[tilespmem:$0x10200] =	vst v63  }
0x2c: {  	_ =	swait.ge [sflag:s17], $0x400  }
0x2d: {  	[sflag:s17] =	ssyncset.done $0x0  }
0x2e: {  	s13 =	sadd.s32 $0x180, s30;
	[sflag:s17] =	ssyncadd.s32 $0xFFFFFC00  }
0x2f: {  	[tilespmem:s21], [sflag:$0x2] =	stream.indirect.gather [hbm4b:s7+s20], $0x8, s13, s20, $0xb8;
	[tilespmem:$0x10200] =	vst v63  }
0x30: {  	_ =	swait.ge [sflag:s25], $0x400  }
0x31: {  	[sflag:s25] =	ssyncset.done $0x0  }
0x32: {  	s13 =	sadd.s32 $0x1780, s30;
	[sflag:s25] =	ssyncadd.s32 $0xFFFFFC00  }
0x33: {  	[spmem:s3] =	stream.indirect.scatter.add.f32 [tilespmem:s22], [sflag:$0x5], $0x8, s13, s20, $0xb8;
	[tilespmem:$0x10200] =	vst v63  }
0x34: {  	_ =	swait.ge [sflag:s17], $0x400  }
0x35: {  	[sflag:s17] =	ssyncset.done $0x0  }
0x36: {  	s13 =	sadd.s32 $0x200, s30;
	[sflag:s17] =	ssyncadd.s32 $0xFFFFFC00  }
0x37: {  	[tilespmem:s22], [sflag:$0x3] =	stream.indirect.gather [hbm4b:s7+s20], $0x8, s13, s20, $0xb8;
	[tilespmem:$0x10200] =	vst v63  }
0x38: {  	_ =	swait.ge [sflag:s26], $0x400  }
0x39: {  	[sflag:s26] =	ssyncset.done $0x0  }
0x3a: {  	s13 =	sadd.s32 $0x1800, s30;
	[sflag:s26] =	ssyncadd.s32 $0xFFFFFC00  }
0x3b: {  	[spmem:s3] =	stream.indirect.scatter.add.f32 [tilespmem:s23], [sflag:$0x5], $0x8, s13, s20, $0xb8;
	[tilespmem:$0x10200] =	vst v63  }
0x3c: {  	_ =	swait.ge [sflag:s17], $0x400  }
0x3d: {  	[sflag:s17] =	ssyncset.done $0x0  }
0x3e: {  	s13 =	sadd.s32 $0x280, s30;
	[sflag:s17] =	ssyncadd.s32 $0xFFFFFC00  }
0x3f: {  	[tilespmem:s23], [sflag:$0x4] =	stream.indirect.gather [hbm4b:s7+s20], $0x8, s13, s20, $0xb8;
	[tilespmem:$0x10200] =	vst v63  }
0x40: {  	_ =	swait.ge [sflag:s24], $0x400  }
0x41: {  	[sflag:s24] =	ssyncset.done $0x0  }
0x42: {  	s13 =	sadd.s32 $0x1880, s30;
	[sflag:s24] =	ssyncadd.s32 $0xFFFFFC00  }
0x43: {  	[spmem:s3] =	stream.indirect.scatter.add.f32 [tilespmem:s21], [sflag:$0x5], $0x8, s13, s20, $0xb8;
	[tilespmem:$0x10200] =	vst v63  }
0x44: {  	_ =	swait.ge [sflag:s17], $0x400  }
0x45: {  	[sflag:s17] =	ssyncset.done $0x0  }
0x46: {  	s13 =	sadd.s32 $0x300, s30;
	[sflag:s17] =	ssyncadd.s32 $0xFFFFFC00  }
0x47: {  	[tilespmem:s21], [sflag:$0x2] =	stream.indirect.gather [hbm4b:s7+s20], $0x8, s13, s20, $0xb8;
	[tilespmem:$0x10200] =	vst v63  }
0x48: {  	_ =	swait.ge [sflag:s25], $0x400  }
0x49: {  	[sflag:s25] =	ssyncset.done $0x0  }
0x4a: {  	s13 =	sadd.s32 $0x1900, s30;
	[sflag:s25] =	ssyncadd.s32 $0xFFFFFC00  }
0x4b: {  	[spmem:s3] =	stream.indirect.scatter.add.f32 [tilespmem:s22], [sflag:$0x5], $0x8, s13, s20, $0xb8;
	[tilespmem:$0x10200] =	vst v63  }
0x4c: {  	_ =	swait.ge [sflag:s17], $0x400  }
0x4d: {  	[sflag:s17] =	ssyncset.done $0x0  }
0x4e: {  	s13 =	sadd.s32 $0x380, s30;
	[sflag:s17] =	ssyncadd.s32 $0xFFFFFC00  }
0x4f: {  	[tilespmem:s22], [sflag:$0x3] =	stream.indirect.gather [hbm4b:s7+s20], $0x8, s13, s20, $0xb8;
	[tilespmem:$0x10200] =	vst v63  }
0x50: {  	_ =	swait.ge [sflag:s26], $0x400  }
0x51: {  	[sflag:s26] =	ssyncset.done $0x0  }
0x52: {  	s13 =	sadd.s32 $0x1980, s30;
	[sflag:s26] =	ssyncadd.s32 $0xFFFFFC00  }
0x53: {  	[spmem:s3] =	stream.indirect.scatter.add.f32 [tilespmem:s23], [sflag:$0x5], $0x8, s13, s20, $0xb8;
	[tilespmem:$0x10200] =	vst v63  }
0x54: {  	_ =	swait.ge [sflag:s17], $0x400  }
0x55: {  	[sflag:s17] =	ssyncset.done $0x0  }
0x56: {  	s13 =	sadd.s32 $0x400, s30;
	[sflag:s17] =	ssyncadd.s32 $0xFFFFFC00  }
0x57: {  	[tilespmem:s23], [sflag:$0x4] =	stream.indirect.gather [hbm4b:s7+s20], $0x8, s13, s20, $0xb8;
	[tilespmem:$0x10200] =	vst v63  }
0x58: {  	_ =	swait.ge [sflag:s24], $0x400  }
0x59: {  	[sflag:s24] =	ssyncset.done $0x0  }
0x5a: {  	s13 =	sadd.s32 $0x1A00, s30;
	[sflag:s24] =	ssyncadd.s32 $0xFFFFFC00  }
0x5b: {  	[spmem:s3] =	stream.indirect.scatter.add.f32 [tilespmem:s21], [sflag:$0x5], $0x8, s13, s20, $0xb8;
	[tilespmem:$0x10200] =	vst v63  }
0x5c: {  	_ =	swait.ge [sflag:s17], $0x400  }
0x5d: {  	[sflag:s17] =	ssyncset.done $0x0  }
0x5e: {  	s13 =	sadd.s32 $0x480, s30;
	[sflag:s17] =	ssyncadd.s32 $0xFFFFFC00  }
0x5f: {  	[tilespmem:s21], [sflag:$0x2] =	stream.indirect.gather [hbm4b:s7+s20], $0x8, s13, s20, $0xb8;
	[tilespmem:$0x10200] =	vst v63  }
0x60: {  	_ =	swait.ge [sflag:s25], $0x400  }
0x61: {  	[sflag:s25] =	ssyncset.done $0x0  }
0x62: {  	s13 =	sadd.s32 $0x1A80, s30;
	[sflag:s25] =	ssyncadd.s32 $0xFFFFFC00  }
0x63: {  	[spmem:s3] =	stream.indirect.scatter.add.f32 [tilespmem:s22], [sflag:$0x5], $0x8, s13, s20, $0xb8;
	[tilespmem:$0x10200] =	vst v63  }
0x64: {  	_ =	swait.ge [sflag:s17], $0x400  }
0x65: {  	[sflag:s17] =	ssyncset.done $0x0  }
0x66: {  	s13 =	sadd.s32 $0x500, s30;
	[sflag:s17] =	ssyncadd.s32 $0xFFFFFC00  }
0x67: {  	[tilespmem:s22], [sflag:$0x3] =	stream.indirect.gather [hbm4b:s7+s20], $0x8, s13, s20, $0xb8;
	[tilespmem:$0x10200] =	vst v63  }
0x68: {  	_ =	swait.ge [sflag:s26], $0x400  }
0x69: {  	[sflag:s26] =	ssyncset.done $0x0  }
0x6a: {  	s13 =	sadd.s32 $0x1B00, s30;
	[sflag:s26] =	ssyncadd.s32 $0xFFFFFC00  }
0x6b: {  	[spmem:s3] =	stream.indirect.scatter.add.f32 [tilespmem:s23], [sflag:$0x5], $0x8, s13, s20, $0xb8;
	[tilespmem:$0x10200] =	vst v63  }
0x6c: {  	_ =	swait.ge [sflag:s17], $0x400  }
0x6d: {  	[sflag:s17] =	ssyncset.done $0x0  }
0x6e: {  	s13 =	sadd.s32 $0x580, s30;
	[sflag:s17] =	ssyncadd.s32 $0xFFFFFC00  }
0x6f: {  	[tilespmem:s23], [sflag:$0x4] =	stream.indirect.gather [hbm4b:s7+s20], $0x8, s13, s20, $0xb8;
	[tilespmem:$0x10200] =	vst v63  }
0x70: {  	_ =	swait.ge [sflag:s24], $0x400  }
0x71: {  	[sflag:s24] =	ssyncset.done $0x0  }
0x72: {  	s13 =	sadd.s32 $0x1B80, s30;
	[sflag:s24] =	ssyncadd.s32 $0xFFFFFC00  }
0x73: {  	[spmem:s3] =	stream.indirect.scatter.add.f32 [tilespmem:s21], [sflag:$0x5], $0x8, s13, s20, $0xb8;
	[tilespmem:$0x10200] =	vst v63  }
0x74: {  	_ =	swait.ge [sflag:s17], $0x400  }
0x75: {  	[sflag:s17] =	ssyncset.done $0x0  }
0x76: {  	s13 =	sadd.s32 $0x600, s30;
	[sflag:s17] =	ssyncadd.s32 $0xFFFFFC00  }
0x77: {  	[tilespmem:s21], [sflag:$0x2] =	stream.indirect.gather [hbm4b:s7+s20], $0x8, s13, s20, $0xb8;
	[tilespmem:$0x10200] =	vst v63  }
0x78: {  	_ =	swait.ge [sflag:s25], $0x400  }
0x79: {  	[sflag:s25] =	ssyncset.done $0x0  }
0x7a: {  	s13 =	sadd.s32 $0x1C00, s30;
	[sflag:s25] =	ssyncadd.s32 $0xFFFFFC00  }
0x7b: {  	[spmem:s3] =	stream.indirect.scatter.add.f32 [tilespmem:s22], [sflag:$0x5], $0x8, s13, s20, $0xb8;
	[tilespmem:$0x10200] =	vst v63  }
0x7c: {  	_ =	swait.ge [sflag:s17], $0x400  }
0x7d: {  	[sflag:s17] =	ssyncset.done $0x0  }
0x7e: {  	s13 =	sadd.s32 $0x680, s30;
	[sflag:s17] =	ssyncadd.s32 $0xFFFFFC00  }
0x7f: {  	[tilespmem:s22], [sflag:$0x3] =	stream.indirect.gather [hbm4b:s7+s20], $0x8, s13, s20, $0xb8;
	[tilespmem:$0x10200] =	vst v63  }
0x80: {  	_ =	swait.ge [sflag:s26], $0x400  }
0x81: {  	[sflag:s26] =	ssyncset.done $0x0  }
0x82: {  	s13 =	sadd.s32 $0x1C80, s30;
	[sflag:s26] =	ssyncadd.s32 $0xFFFFFC00  }
0x83: {  	[spmem:s3] =	stream.indirect.scatter.add.f32 [tilespmem:s23], [sflag:$0x5], $0x8, s13, s20, $0xb8;
	[tilespmem:$0x10200] =	vst v63  }
0x84: {  	_ =	swait.ge [sflag:s17], $0x400  }
0x85: {  	[sflag:s17] =	ssyncset.done $0x0  }
0x86: {  	s13 =	sadd.s32 $0x700, s30;
	[sflag:s17] =	ssyncadd.s32 $0xFFFFFC00  }
0x87: {  	[tilespmem:s23], [sflag:$0x4] =	stream.indirect.gather [hbm4b:s7+s20], $0x8, s13, s20, $0xb8;
	[tilespmem:$0x10200] =	vst v63  }
0x88: {  	_ =	swait.ge [sflag:s24], $0x400  }
0x89: {  	[sflag:s24] =	ssyncset.done $0x0  }
0x8a: {  	s13 =	sadd.s32 $0x1D00, s30;
	[sflag:s24] =	ssyncadd.s32 $0xFFFFFC00  }
0x8b: {  	[spmem:s3] =	stream.indirect.scatter.add.f32 [tilespmem:s21], [sflag:$0x5], $0x8, s13, s20, $0xb8;
	[tilespmem:$0x10200] =	vst v63  }
0x8c: {  	_ =	swait.ge [sflag:s17], $0x400  }
0x8d: {  	[sflag:s17] =	ssyncset.done $0x0  }
0x8e: {  	s13 =	sadd.s32 $0x780, s30;
	[sflag:s17] =	ssyncadd.s32 $0xFFFFFC00  }
0x8f: {  	[tilespmem:s21], [sflag:$0x2] =	stream.indirect.gather [hbm4b:s7+s20], $0x8, s13, s20, $0xb8;
	[tilespmem:$0x10200] =	vst v63  }
0x90: {  	_ =	swait.ge [sflag:s25], $0x400  }
0x91: {  	[sflag:s25] =	ssyncset.done $0x0  }
0x92: {  	s13 =	sadd.s32 $0x1D80, s30;
	[sflag:s25] =	ssyncadd.s32 $0xFFFFFC00  }
0x93: {  	[spmem:s3] =	stream.indirect.scatter.add.f32 [tilespmem:s22], [sflag:$0x5], $0x8, s13, s20, $0xb8;
	[tilespmem:$0x10200] =	vst v63  }
0x94: {  	_ =	swait.ge [sflag:s17], $0x400  }
0x95: {  	[sflag:s17] =	ssyncset.done $0x0  }
0x96: {  	s13 =	sadd.s32 $0x800, s30;
	[sflag:s17] =	ssyncadd.s32 $0xFFFFFC00  }
0x97: {  	[tilespmem:s22], [sflag:$0x3] =	stream.indirect.gather [hbm4b:s7+s20], $0x8, s13, s20, $0xb8;
	[tilespmem:$0x10200] =	vst v63  }
0x98: {  	_ =	swait.ge [sflag:s26], $0x400  }
0x99: {  	[sflag:s26] =	ssyncset.done $0x0  }
0x9a: {  	s13 =	sadd.s32 $0x1E00, s30;
	[sflag:s26] =	ssyncadd.s32 $0xFFFFFC00  }
0x9b: {  	[spmem:s3] =	stream.indirect.scatter.add.f32 [tilespmem:s23], [sflag:$0x5], $0x8, s13, s20, $0xb8;
	[tilespmem:$0x10200] =	vst v63  }
0x9c: {  	_ =	swait.ge [sflag:s17], $0x400  }
0x9d: {  	[sflag:s17] =	ssyncset.done $0x0  }
0x9e: {  	s13 =	sadd.s32 $0x880, s30;
	[sflag:s17] =	ssyncadd.s32 $0xFFFFFC00  }
0x9f: {  	[tilespmem:s23], [sflag:$0x4] =	stream.indirect.gather [hbm4b:s7+s20], $0x8, s13, s20, $0xb8;
	[tilespmem:$0x10200] =	vst v63  }
0xa0: {  	_ =	swait.ge [sflag:s24], $0x400  }
0xa1: {  	[sflag:s24] =	ssyncset.done $0x0  }
0xa2: {  	s13 =	sadd.s32 $0x1E80, s30;
	[sflag:s24] =	ssyncadd.s32 $0xFFFFFC00  }
0xa3: {  	[spmem:s3] =	stream.indirect.scatter.add.f32 [tilespmem:s21], [sflag:$0x5], $0x8, s13, s20, $0xb8;
	[tilespmem:$0x10200] =	vst v63  }
0xa4: {  	_ =	swait.ge [sflag:s17], $0x400  }
0xa5: {  	[sflag:s17] =	ssyncset.done $0x0  }
0xa6: {  	s13 =	sadd.s32 $0x900, s30;
	[sflag:s17] =	ssyncadd.s32 $0xFFFFFC00  }
0xa7: {  	[tilespmem:s21], [sflag:$0x2] =	stream.indirect.gather [hbm4b:s7+s20], $0x8, s13, s20, $0xb8;
	[tilespmem:$0x10200] =	vst v63  }
0xa8: {  	_ =	swait.ge [sflag:s25], $0x400  }
0xa9: {  	[sflag:s25] =	ssyncset.done $0x0  }
0xaa: {  	s13 =	sadd.s32 $0x1F00, s30;
	[sflag:s25] =	ssyncadd.s32 $0xFFFFFC00  }
0xab: {  	[spmem:s3] =	stream.indirect.scatter.add.f32 [tilespmem:s22], [sflag:$0x5], $0x8, s13, s20, $0xb8;
	[tilespmem:$0x10200] =	vst v63  }
0xac: {  	_ =	swait.ge [sflag:s17], $0x400  }
0xad: {  	[sflag:s17] =	ssyncset.done $0x0  }
0xae: {  	s13 =	sadd.s32 $0x980, s30;
	[sflag:s17] =	ssyncadd.s32 $0xFFFFFC00  }
0xaf: {  	[tilespmem:s22], [sflag:$0x3] =	stream.indirect.gather [hbm4b:s7+s20], $0x8, s13, s20, $0xb8;
	[tilespmem:$0x10200] =	vst v63  }
0xb0: {  	_ =	swait.ge [sflag:s26], $0x400  }
0xb1: {  	[sflag:s26] =	ssyncset.done $0x0  }
0xb2: {  	s13 =	sadd.s32 $0x1F80, s30;
	[sflag:s26] =	ssyncadd.s32 $0xFFFFFC00  }
0xb3: {  	[spmem:s3] =	stream.indirect.scatter.add.f32 [tilespmem:s23], [sflag:$0x5], $0x8, s13, s20, $0xb8;
	[tilespmem:$0x10200] =	vst v63  }
0xb4: {  	_ =	swait.ge [sflag:s17], $0x400  }
0xb5: {  	[sflag:s17] =	ssyncset.done $0x0  }
0xb6: {  	s13 =	sadd.s32 $0xA00, s30;
	[sflag:s17] =	ssyncadd.s32 $0xFFFFFC00  }
0xb7: {  	[tilespmem:s23], [sflag:$0x4] =	stream.indirect.gather [hbm4b:s7+s20], $0x8, s13, s20, $0xb8;
	[tilespmem:$0x10200] =	vst v63  }
0xb8: {  	_ =	swait.ge [sflag:s24], $0x400  }
0xb9: {  	[sflag:s24] =	ssyncset.done $0x0  }
0xba: {  	s13 =	sor.u32 $0x2000, s30;
	[sflag:s24] =	ssyncadd.s32 $0xFFFFFC00  }
0xbb: {  	[spmem:s3] =	stream.indirect.scatter.add.f32 [tilespmem:s21], [sflag:$0x5], $0x8, s13, s20, $0xb8;
	[tilespmem:$0x10200] =	vst v63  }
0xbc: {  	_ =	swait.ge [sflag:s17], $0x400  }
0xbd: {  	[sflag:s17] =	ssyncset.done $0x0  }
0xbe: {  	s13 =	sadd.s32 $0xA80, s30;
	[sflag:s17] =	ssyncadd.s32 $0xFFFFFC00  }
0xbf: {  	[tilespmem:s21], [sflag:$0x2] =	stream.indirect.gather [hbm4b:s7+s20], $0x8, s13, s20, $0xb8;
	[tilespmem:$0x10200] =	vst v63  }
0xc0: {  	_ =	swait.ge [sflag:s25], $0x400  }
0xc1: {  	[sflag:s25] =	ssyncset.done $0x0  }
0xc2: {  	s13 =	sadd.s32 $0x2080, s30;
	[sflag:s25] =	ssyncadd.s32 $0xFFFFFC00  }
0xc3: {  	[spmem:s3] =	stream.indirect.scatter.add.f32 [tilespmem:s22], [sflag:$0x5], $0x8, s13, s20, $0xb8;
	[tilespmem:$0x10200] =	vst v63  }
0xc4: {  	_ =	swait.ge [sflag:s17], $0x400  }
0xc5: {  	[sflag:s17] =	ssyncset.done $0x0  }
0xc6: {  	s13 =	sadd.s32 $0xB00, s30;
	[sflag:s17] =	ssyncadd.s32 $0xFFFFFC00  }
0xc7: {  	[tilespmem:s22], [sflag:$0x3] =	stream.indirect.gather [hbm4b:s7+s20], $0x8, s13, s20, $0xb8;
	[tilespmem:$0x10200] =	vst v63  }
0xc8: {  	_ =	swait.ge [sflag:s26], $0x400  }
0xc9: {  	[sflag:s26] =	ssyncset.done $0x0  }
0xca: {  	s13 =	sadd.s32 $0x2100, s30;
	[sflag:s26] =	ssyncadd.s32 $0xFFFFFC00  }
0xcb: {  	[spmem:s3] =	stream.indirect.scatter.add.f32 [tilespmem:s23], [sflag:$0x5], $0x8, s13, s20, $0xb8;
	[tilespmem:$0x10200] =	vst v63  }
0xcc: {  	_ =	swait.ge [sflag:s17], $0x400  }
0xcd: {  	[sflag:s17] =	ssyncset.done $0x0  }
0xce: {  	[sflag:s17] =	ssyncadd.s32 $0xFFFFFC00  }
0xcf: {  	_ =	swait.ge [sflag:s24], $0x400  }
0xd0: {  	[sflag:s24] =	ssyncset.done $0x0  }
0xd1: {  	s13 =	sadd.s32 $0x2180, s30;
	[sflag:s24] =	ssyncadd.s32 $0xFFFFFC00  }
0xd2: {  	[spmem:s3] =	stream.indirect.scatter.add.f32 [tilespmem:s21], [sflag:$0x5], $0x8, s13, s20, $0xb8;
	[tilespmem:$0x10200] =	vst v63  }
0xd3: {  	_ =	swait.ge [sflag:s17], $0x400  }
0xd4: {  	[sflag:s17] =	ssyncset.done $0x0  }
0xd5: {  	[sflag:s17] =	ssyncadd.s32 $0xFFFFFC00  }
0xd6: {  	_ =	swait.ge [sflag:s25], $0x400  }
0xd7: {  	p1 =	sne.s32 s29, $0x11;
	[sflag:s25] =	ssyncset.done $0x0  }
.Ltmp3:
0xd8: {  	s30 =	sadd.s32 $0x2200, s30;
	[sflag:s25] =	ssyncadd.s32 $0xFFFFFC00;
	(pc) =	sbr.rel @!p1 .LBB2_5-.Ltmp3, $4  }
0xd9: {  	[spmem:s3] =	stream.indirect.scatter.add.f32 [tilespmem:s22], [sflag:$0x5], $0x8, s30, s20, $0xb8;
	[tilespmem:$0x10200] =	vst v63  }
0xda: {  	_ =	swait.ge [sflag:s17], $0x400  }
0xdb: {  	[sflag:s17] =	ssyncset.done $0x0  }
0xdc: {  	s31 =	smov.u32 s29;
	[sflag:s17] =	ssyncadd.s32 $0xFFFFFC00  }
.LBB2_2:
0xdd: {  	_ =	swait.ge [sflag:s19], $0xB80;
	p1 =	seq.s32 s31, $0x10  }
.Ltmp4:
0xde: {  	[sflag:s19] =	ssyncset.done $0x0;
	(pc) =	sbr.rel @p1 .LBB2_4-.Ltmp4, $4  }
0xdf: {  	[sflag:s19] =	ssyncadd.s32 $0xFFFFF480  }
0xe0: {  	_ =	swait.ge [sflag:s19], $0xB80  }
0xe1: {  	[sflag:s19] =	ssyncset.done $0x0  }
0xe2: {  	s30 =	sand.u32 $0x1, s31;
	s29 =	simm.s32 $0x11;
	[sflag:s19] =	ssyncadd.s32 $0xFFFFF480  }
0xe3: {  	s29 =	sadd.s32 $0x1, s31  }
0xe4: {  	p1 =	sne.s32 @!p0 s29, $0x10  }
0xe5: {  	s13 =	sxor.u32 $0x1, s30;
	p1 =	por p0, p1  }
0xe6: {  	s31 =	smul.u32 $0xB80, s13;
	s29 =	simm.s32 @!p1 $0x10;
	s13 =	smov.u32 @!p1 s0  }
0xe7: {  	s13 =	smul.u32 @p1 $0x17, s29  }
0xe8: {  	[tilespmem:s31], [sflag:$0x1] =	stream.linear.gather @!p1 [hbm4b:s2+s4], $0xB80, $0x38;
	[tilespmem:$0x10200] =	vst v63  }
0xe9: {  	s13 =	sadd.s32 @p1 s10, s13  }
0xea: {  	s13 =	sshll.u32 @p1 s13, $0x4  }
.Ltmp5:
0xeb: {  	s13 =	sand.u32 @p1 $0x1FFFFFF0, s13;
	(pc) =	sbr.rel .LBB2_4-.Ltmp5, $4  }
0xec: {  	s1 =	sadd.s32 @p1 s5, s13  }
0xed: {  	[tilespmem:s31], [sflag:$0x1] =	stream.linear.gather @p1 [hbm4b:s1+s4], $0xB80, $0x38;
	[tilespmem:$0x10200] =	vst v63  }
0xee: {  	s13 =	sadd.s32 @p1 s6, s13;
	s31 =	sadd.s32 $0x1700, s31  }
0xef: {  	[tilespmem:s31], [sflag:$0x1] =	stream.linear.gather [hbm4b:s13+s4], $0xB80, $0x38;
	[tilespmem:$0x10200] =	vst v63  }
.LBB2_6:
0xf0: {  	_ =	sfence.sel $0x180000  }
0xf1: {  	[bflag:$0x0] =	sbarrier.arrive $0xFFFF  }
0xf2: {  	_ =	strace $0x90000047  }
0xf3: {  	s0 =	stileid.u32;
	[bflag:$0x2] =	sbarrier.arrive $0xFFFF  }
0xf4: {  	p0 =	sne.s32 s0, $0x0;
	s0 =	rddreg [dreg:$0x3]  }
0xf5: {  	s0 =	sadd.s32 @!p0 $0x100000, s0  }
0xf6: {  	[sflag:s0] =	ssyncadd.tile.s32 @!p0 $0x1;
	_ =	shalt  }
.Lfunc_end2:
_tile_overlayer_lowered:
.L_overlay_start_2:
0xf7: {  	(tag) =	ssettag $0x2  }
0xf8: {  	s0 =	rddreg [dreg:$0x0];
	s2 =	stileid.u32  }
0xf9: {  	s1 =	rddreg [dreg:$0x1];
	p0 =	sne.s32 s2, $0x0  }
0xfa: {  	s3 =	rddreg [dreg:$0x2];
	[bflag:$0x3] =	sbarrier.arrive $0xFFFF;
	s2 =	simm.s32 @!p0 $0x1C05  }
0xfb: {  	[timem:s3], [sflag:s2] =	dma.local @!p0 [hbm:s0], s1  }
0xfc: {  	s0 =	simm.s32 @!p0 $0x5  }
0xfd: {  	_ =	swait.ge @!p0 [sflag:s0], s1  }
0xfe: {  	s1 =	ssub.s32 @!p0 $0x0, s1;
	[sflag:s0] =	ssyncset.done @!p0 $0x0  }
0xff: {  	[sflag:s0] =	ssyncadd.s32 @!p0 s1  }
0x100: {  	[bflag:$0x3] =	sbarrier.arrive $0xFFFF  }
0x101: {  	_ =	shalt  }

// kernel: kernel.9.cloned.1.call-start
scs
__scs_entry_jumppad:
0x0: {  	(pc) =	sbr.rel $0x88, $3  }
0x1: {  	(tag) =	ssettag $0x0;
	lr =	simm.s32 $0x1  }
0x2: {  	[smem:$0x3F99] =	sst lr;
	_ =	strace $0xD0000000  }
0x3: {  	_ = 	snop  }
0x4: {  	_ = 	snop  }
0x5: {  	_ = 	snop  }
0x6: {  	_ = 	snop  }
0x7: {  	_ = 	snop  }
__scs_overlays_trampoline_lowered:
0x8: {  	[smem:$0x3FA8] =	sst s0  }
0x9: {  	[smem:$0x3FA9] =	sst s1  }
0xa: {  	[smem:$0x3FAA] =	sst s2  }
0xb: {  	[smem:$0x3FAB] =	sst s3  }
0xc: {  	[smem:$0x3FAC] =	sst s4  }
0xd: {  	[smem:$0x3FAD] =	sst s5  }
0xe: {  	[smem:$0x3FAE] =	sst s6  }
0xf: {  	[smem:$0x3FAF] =	sst s7  }
0x10: {  	[smem:$0x3FB0] =	sst s8  }
0x11: {  	[smem:$0x3FB1] =	sst s9;
	s0 =	simm.s32 @!p0 $0x0  }
0x12: {  	s1 =	sld [smem:$0x3F97];
	s0 =	simm.s32 @p0 $0x1  }
0x13: {  	[smem:$0x3FB2] =	sst s0;
	s0 =	simm.s32 @!p1 $0x0  }
0x14: {  	s2 =	sld [smem:$0x3F96];
	s0 =	simm.s32 @p1 $0x1  }
0x15: {  	[smem:$0x3FB3] =	sst s0;
	s0 =	simm.s32 @!p2 $0x0  }
0x16: {  	s3 =	sld [smem:$0x3FDB];
	s0 =	simm.s32 @p2 $0x1  }
0x17: {  	s4 =	simm.s32 $0x1BF5;
	[smem:$0x3FB5] =	sst s0  }
0x18: {  	s0 =	sld [smem:$0x3F98];
	_ =	swait.ge [sflag:s4], $0x0  }
0x19: {  	s7 =	sld [smem:$0x3F99]  }
0x1a: {  	s8 =	sadd.s32 $0xFFFFE003, lr  }
0x1b: {  	s9 =	sadd.s32 $0xFFFFFEF7, lr;
	s5 =	simm.s32 $0xFFFFFFFF;
	p2 =	slt.u32 s8, $0xFFFFF086  }
0x1c: {  	p1 =	slt.u32 s9, $0xF7A;
	s5 =	simm.s32 @!p2 $0x0  }
0x1d: {  	s5 =	simm.s32 @p1 $0x1;
	p0 =	seq.s32 s7, s2  }
0x1e: {  	s7 =	smul.u32 @!p0 $0xF7A, s2;
	p2 =	seq.s32 @!p0 s5, $0x0  }
0x1f: {  	s9 =	smul.u32 $0xF7A, s1;
	s8 =	simm.s32 @!p0 $0x1BF5;
	p2 =	por !p2, p0  }
0x20: {  	[sflag:s8] =	ssyncset.s32 @!p0 $0xFFFFF086;
	s6 =	sadd.s32 @!p0 s3, s7;
	s7 =	simm.s32 @!p0 $0x108  }
0x21: {  	s3 =	sadd.s32 s3, s9;
	s6 =	sadd.s32 @!p0 $0x88, s6;
	s7 =	simm.s32 @p2 $0x1082  }
0x22: {  	[simem:s7], [sflag:s8] =	dma.local @!p0 [hbm:s6], $0xF7A  }
0x23: {  	s9 =	sor.u32 $0xD0000000, s2;
	s6 =	simm.s32 $0x108;
	_ =	swait.ge @!p0 [sflag:s8], $0x0  }
0x24: {  	s3 =	sadd.s32 $0x88, s3;
	s6 =	simm.s32 @!p1 $0x1082;
	[sflag:s4] =	ssyncset.s32 $0xFFFFF086  }
0x25: {  	[simem:s6], [sflag:s4] =	dma.local [hbm:s3], $0xF7A  }
0x26: {  	[smem:$0x3F99] =	sst s1;
	(tag) =	ssettag s2;
	_ =	strace s9  }
0x27: {  	s1 =	sld [smem:$0x3FA9]  }
0x28: {  	s2 =	sld [smem:$0x3FAA]  }
0x29: {  	s4 =	sld [smem:$0x3FAC]  }
0x2a: {  	p0 =	seq.s32 s5, $0x0;
	s5 =	sld [smem:$0x3FAD]  }
0x2b: {  	s6 =	sld [smem:$0x3FAE]  }
0x2c: {  	s7 =	sld [smem:$0x3FAF]  }
0x2d: {  	s3 =	simm.s32 $0x108;
	s8 =	sld [smem:$0x3FB0]  }
0x2e: {  	s3 =	simm.s32 @!p0 $0x1082;
	s9 =	sld [smem:$0x3FB1]  }
0x2f: {  	lr =	sadd.s32 s0, s3;
	s0 =	sld [smem:$0x3FA8]  }
0x30: {  	s3 =	sld [smem:$0x3FAB]  }
0x31: {  	[smem:$0x3FB4] =	sst s10  }
0x32: {  	s10 =	sld [smem:$0x3FB2];
	_ =	sdelay $0x3  }
0x33: {  	p0 =	seq.s32 s10, $0x1;
	s10 =	sld [smem:$0x3FB4];
	_ =	sdelay $0x3  }
0x34: {  	[smem:$0x3FB4] =	sst s10  }
0x35: {  	s10 =	sld [smem:$0x3FB3];
	_ =	sdelay $0x3  }
0x36: {  	p1 =	seq.s32 s10, $0x1;
	s10 =	sld [smem:$0x3FB4];
	_ =	sdelay $0x3  }
0x37: {  	[smem:$0x3FB4] =	sst s10  }
0x38: {  	s10 =	sld [smem:$0x3FB5]  }
0x39: {  	_ = 	snop;
	(pc) =	sbr.ind lr, $3  }
0x3a: {  	_ = 	snop  }
0x3b: {  	_ = 	snop  }
0x3c: {  	p2 =	seq.s32 s10, $0x1;
	s10 =	sld [smem:$0x3FB4]  }
0x3d: {  	_ =	shalt  }
0x3e: {  	_ =	shalt  }
0x3f: {  	_ =	shalt  }
0x40: {  	_ =	shalt  }
0x41: {  	_ =	shalt  }
0x42: {  	_ =	shalt  }
0x43: {  	_ =	shalt  }
0x44: {  	_ =	shalt  }
0x45: {  	_ =	shalt  }
0x46: {  	_ =	shalt  }
0x47: {  	_ =	shalt  }
0x48: {  	_ =	shalt  }
0x49: {  	_ =	shalt  }
0x4a: {  	_ =	shalt  }
0x4b: {  	_ =	shalt  }
0x4c: {  	_ =	shalt  }
0x4d: {  	_ =	shalt  }
0x4e: {  	_ =	shalt  }
0x4f: {  	_ =	shalt  }
0x50: {  	_ =	shalt  }
0x51: {  	_ =	shalt  }
0x52: {  	_ =	shalt  }
0x53: {  	_ =	shalt  }
0x54: {  	_ =	shalt  }
0x55: {  	_ =	shalt  }
0x56: {  	_ =	shalt  }
0x57: {  	_ =	shalt  }
0x58: {  	_ =	shalt  }
0x59: {  	_ =	shalt  }
0x5a: {  	_ =	shalt  }
0x5b: {  	_ =	shalt  }
0x5c: {  	_ =	shalt  }
0x5d: {  	_ =	shalt  }
0x5e: {  	_ =	shalt  }
0x5f: {  	_ =	shalt  }
0x60: {  	_ =	shalt  }
0x61: {  	_ =	shalt  }
0x62: {  	_ =	shalt  }
0x63: {  	_ =	shalt  }
0x64: {  	_ =	shalt  }
0x65: {  	_ =	shalt  }
0x66: {  	_ =	shalt  }
0x67: {  	_ =	shalt  }
0x68: {  	_ =	shalt  }
0x69: {  	_ =	shalt  }
0x6a: {  	_ =	shalt  }
0x6b: {  	_ =	shalt  }
0x6c: {  	_ =	shalt  }
0x6d: {  	_ =	shalt  }
0x6e: {  	_ =	shalt  }
0x6f: {  	_ =	shalt  }
0x70: {  	_ =	shalt  }
0x71: {  	_ =	shalt  }
0x72: {  	_ =	shalt  }
0x73: {  	_ =	shalt  }
0x74: {  	_ =	shalt  }
0x75: {  	_ =	shalt  }
0x76: {  	_ =	shalt  }
0x77: {  	_ =	shalt  }
0x78: {  	_ =	shalt  }
0x79: {  	_ =	shalt  }
0x7a: {  	_ =	shalt  }
0x7b: {  	_ =	shalt  }
0x7c: {  	_ =	shalt  }
0x7d: {  	_ =	shalt  }
0x7e: {  	_ =	shalt  }
0x7f: {  	_ =	shalt  }
0x80: {  	_ =	shalt  }
0x81: {  	_ =	shalt  }
0x82: {  	_ =	shalt  }
0x83: {  	_ =	shalt  }
0x84: {  	_ =	shalt  }
0x85: {  	_ =	shalt  }
0x86: {  	_ =	shalt  }
0x87: {  	_ =	shalt  }
.Lfunc_end0:
.L_simem_size_0:
called_computation.1_lowered:
.L_overlay_start_0:
0x88: {  	s2 =	sld [smem:$0x3FD9]  }
0x89: {  	s3 =	sld [smem:$0x3FFE];
	_ =	sdelay $0x1  }
0x8a: {  	s1 =	srdreg.scid  }
0x8b: {  	s0 =	sand.u32 $0x1, s1  }
0x8c: {  	s17 =	sshll.u32 s0, $0xA;
	s2 =	sadd.s32 s3, s2  }
0x8d: {  	s2 =	sadd.s32 s2, s17  }
0x8e: {  	[smem:$0x3FC0] =	sst s2  }
0x8f: {  	_ = 	snop  }
0x90: {  	s2 =	sld [smem:$0x3FD0];
	(tm) =	ssettm $0x1  }
0x91: {  	s18 =	sld [smem:$0x3FFB];
	_ =	sdelay $0x3  }
0x92: {  	_ =	strace s18  }
0x93: {  	s3 =	sld [smem:$0x3FFC];
	_ =	sdelay $0x3  }
0x94: {  	_ =	strace s3  }
0x95: {  	s3 =	sld [smem:$0x3FFD];
	_ =	sdelay $0x3  }
0x96: {  	_ =	strace s3  }
0x97: {  	_ =	strace $0x8FFFFFFF  }
0x98: {  	s19 =	sld [smem:$0x3FDB];
	_ =	sdelay $0x1  }
0x99: {  	s4 =	simm.s32 $_scs_section_size  }
0x9a: {  	s5 =	simm.s32 $_size__tile_overlayer_lowered;
	s6 =	simm.s32 $_tile_overlayer_lowered  }
0x9b: {  	s22 =	simm.s32 $0x1BFF;
	s21 =	sshll.u32 s6, $0x1;
	s3 =	sadd.s32 s4, s19  }
0x9c: {  	s7 =	simm.s32 $0x0;
	s20 =	sshll.u32 s5, $0x1;
	s5 =	sadd.s32 s21, s3  }
0x9d: {  	[timem:s7], [sflag:s22] =	dma.local [hbm:s5], s20  }
0x9e: {  	_ =	swait.ge [sflag:s22], s20  }
0x9f: {  	s4 =	ssub.s32 $0x0, s20;
	[sflag:s22] =	ssyncset.done $0x0  }
0xa0: {  	[sflag:s22] =	ssyncadd.s32 s4;
	_ =	sdelay $0x1  }
0xa1: {  	s23 =	simm.s32 $0x1B8B  }
0xa2: {  	_ =	swait.ge [sflag:s23], $0x1  }
0xa3: {  	[sflag:s23] =	ssyncset.done $0x0  }
0xa4: {  	s25 =	simm.s32 $0x1B8E;
	s24 =	sld [smem:$0x3FFE];
	[sflag:s23] =	ssyncadd.s32 $0xFFFFFFFF  }
0xa5: {  	s26 =	simm.s32 $execute0_lowered;
	[smem:$0x3FD2] =	sst s25  }
0xa6: {  	s5 =	sshll.u32 s26, $0x1;
	_ =	strace $0x80000049;
	[dreg:$0x1] =	wrdreg $0xFFFFFFFF  }
0xa7: {  	s28 =	simm.s32 $_size_execute0_lowered;
	s3 =	sadd.s32 s3, s5;
	[dreg:$0x0] =	wrdreg $0x0  }
0xa8: {  	s5 =	sshll.u32 s28, $0x1;
	[dreg:$0x2] =	wrdreg s3  }
0xa9: {  	[dreg:$0x3] =	wrdreg s5  }
0xaa: {  	[dreg:$0x4] =	wrdreg $0xC0  }
0xab: {  	_ =	task [dreg:s7], $0x5FFFF  }
0xac: {  	[dreg:$0x1] =	wrdreg $0xFFFFFFFF  }
0xad: {  	[dreg:$0x0] =	wrdreg $0x60  }
0xae: {  	[dreg:$0x2] =	wrdreg s24  }
0xaf: {  	[dreg:$0x3] =	wrdreg s2  }
0xb0: {  	[dreg:$0x4] =	wrdreg $0x3A000  }
0xb1: {  	[dreg:$0x5] =	wrdreg $0x9  }
0xb2: {  	_ =	task.clear_ibuf [dreg:s7], $0x6FFFF;
	_ =	strace $0x90000049  }
0xb3: {  	s29 =	simm.s32 $0x9;
	_ =	strace $0x8000004B  }
0xb4: {  	_ =	swait.ge [sflag:s29], $0x1  }
0xb5: {  	[sflag:s29] =	ssyncadd.s32 $0xFFFFFFFF  }
0xb6: {  	_ =	strace $0x9000004B  }
0xb7: {  	_ =	sfence  }
0xb8: {  	s30 =	sld [smem:$0x0];
	_ =	sdelay $0x2  }
0xb9: {  	s31 =	sshll.u32 s1, $0xD;
	s1 =	sshrl.u32 s1, $0x2  }
0xba: {  	s3 =	sand.u32 $0x4000, s31;
	s1 =	sadd.s32 s1, s30  }
0xbb: {  	s0 =	sor.u32 s3, s0;
	s1 =	sshll.u32 s1, $0x11  }
0xbc: {  	s0 =	sor.u32 s1, s0  }
0xbd: {  	s0 =	sadd.s32 $0x8F2B, s0  }
0xbe: {  	[sflag:s0] =	ssyncadd.remote.s32 $0x1  }
0xbf: {  	_ =	sfence.sel $0xFFFF  }
0xc0: {  	[dreg:$0x0] =	wrdreg $0xFFFFFFFF;
	(pc) =	sbr.abs _section_cstart, $3  }
0xc1: {  	[dreg:$0x1] =	wrdreg $0xFFFFFFFF  }
0xc2: {  	_ =	task.clear_ibuf [dreg:s7], $0x2FFFF;
	_ =	strace $0x9FFFFFFF  }
0xc3: {  	(tm) =	ssettm $0x7FFFFFFF  }
tec
execute0_lowered:
.L_overlay_start_1:
0x0: {  	(tag) =	ssettag $0x1  }
0x1: {  	s0 =	rddreg [dreg:$0x0]  }
0x2: {  	s2 =	rddreg [dreg:$0x1]  }
0x3: {  	s3 =	rddreg [dreg:$0x2];
	s4 =	simm.s32 $0x0  }
0x4: {  	s1 =	stileid.u32;
	s5 =	srdreg.scid;
	s17 =	simm.s32 $0x5  }
0x5: {  	s18 =	simm.s32 $0x1700;
	s19 =	simm.s32 $0x1;
	s20 =	simm.s32 $0x80  }
0x6: {  	s21 =	simm.s32 $0x2E00;
	s22 =	simm.s32 $0x3200;
	s23 =	simm.s32 $0x3600  }
0x7: {  	s24 =	simm.s32 $0x2;
	s26 =	simm.s32 $0x4;
	s28 =	simm.s32 $0x0  }
0x8: {  	[smem:$0x7FF] =	sst s4;
	s8 =	smul.u32 $0xC800, s1;
	s9 =	sand.u32 $0x1, s5  }
0x9: {  	s5 =	sadd.s32 $0x2A00, s0;
	s6 =	sadd.s32 $0x33800, s0;
	s7 =	sadd.s32 $0x64600, s0  }
0xa: {  	s30 =	sshll.u32 s1, $0x6;
	_ =	strace $0x8000004A;
	s10 =	smul.u32 $0xC8000, s9  }
0xb: {  	s12 =	ssub.s32 $0x2, s9;
	s9 =	sshll.u32 s9, $0x4;
	s11 =	sshrl.u32 s8, $0x3  }
0xc: {  	s13 =	sshrl.u32 s12, $0x1;
	s25 =	sor.u32 s1, s9;
	s16 =	sadd.s32 s8, s3  }
0xd: {  	s9 =	sor.u32 $0x1C05, s30;
	s11 =	sadd.s32 s11, s0;
	s31 =	smul.u32 $0x1870, s25  }
.Ltmp0:
0xe: {  	s10 =	sadd.s32 s8, s10;
	s13 =	ssub.s32 s12, s13;
	(pc) =	sbr.rel .LBB2_1-.Ltmp0, $4  }
0xf: {  	s16 =	sshrl.u32 s16, $0x3;
	p0 =	sne.s32 s25, $0x1F;
	s10 =	sshrl.u32 s10, $0x3  }
0x10: {  	s8 =	sadd.s32 $0x7D600, s11;
	s15 =	smax.u32 s13, $0x1;
	s14 =	sadd.s32 s10, s0  }
0x11: {  	s10 =	smul.u32 $0x187, s25;
	s11 =	sadd.s32 s5, s31;
	s12 =	sadd.s32 s6, s31  }
0x12: {  	s0 =	sadd.s32 $0x170, s2;
	s25 =	simm.s32 $0x3;
	s14 =	sadd.s32 $0x96600, s14  }
.LBB2_5:
0x13: {  	s28 =	sadd.s32 $0x1, s28  }
0x14: {  	p1 =	sne.s32 s28, s15  }
.Ltmp1:
0x15: {  	[bflag:$0x0] =	sbarrier.arrive $0xFFFF;
	(pc) =	sbr.rel @!p1 .LBB2_6-.Ltmp1, $4  }
0x16: {  	[hbm:s14], [sflag:s9] =	dma.local [spmem:s16], $0x1900  }
0x17: {  	_ =	swait.ge [sflag:s17], $0x1900  }
0x18: {  	[sflag:s17] =	ssyncset.done $0x0  }
0x19: {  	[sflag:s17] =	ssyncadd.s32 $0xFFFFE700  }
.LBB2_1:
0x1a: {  	[spmem:s16], [sflag:s9] =	dma.local [hbm:s8], $0x1900  }
0x1b: {  	_ =	swait.ge [sflag:s17], $0x1900  }
0x1c: {  	[sflag:s17] =	ssyncset.done $0x0  }
.Ltmp2:
0x1d: {  	[sflag:s17] =	ssyncadd.s32 $0xFFFFE700;
	(pc) =	sbr.rel .LBB2_2-.Ltmp2, $4  }
0x1e: {  	[bflag:$0x0] =	sbarrier.arrive $0xFFFF  }
0x1f: {  	[tilespmem:s4], [sflag:$0x1] =	stream.linear.gather [hbm4b:s11+s4], $0xB80, $0x38;
	[tilespmem:$0x10200] =	vst v63  }
0x20: {  	s31 =	simm.s32 $0x0  }
0x21: {  	[tilespmem:s18], [sflag:$0x1] =	stream.linear.gather [hbm4b:s12+s4], $0xB80, $0x38;
	[tilespmem:$0x10200] =	vst v63  }
.LBB2_4:
0x22: {  	s30 =	smul.u32 $0xB80, s30;
	_ =	sdelay $0x1  }
0x23: {  	[tilespmem:s21], [sflag:$0x2] =	stream.indirect.gather [hbm4b:s7+s20], $0x8, s30, s20, $0xb8;
	[tilespmem:$0x10200] =	vst v63  }
0x24: {  	s1 =	sadd.s32 $0x80, s30  }
0x25: {  	[tilespmem:s22], [sflag:$0x3] =	stream.indirect.gather [hbm4b:s7+s20], $0x8, s1, s20, $0xb8;
	[tilespmem:$0x10200] =	vst v63  }
0x26: {  	s13 =	sadd.s32 $0x100, s30  }
0x27: {  	[tilespmem:s23], [sflag:$0x4] =	stream.indirect.gather [hbm4b:s7+s20], $0x8, s13, s20, $0xb8;
	[tilespmem:$0x10200] =	vst v63  }
0x28: {  	_ =	swait.ge [sflag:s24], $0x400  }
0x29: {  	[sflag:s24] =	ssyncset.done $0x0  }
0x2a: {  	s13 =	sadd.s32 $0x1700, s30;
	[sflag:s24] =	ssyncadd.s32 $0xFFFFFC00  }
0x2b: {  	[spmem:s3] =	stream.indirect.scatter.add.f32 [tilespmem:s21], [sflag:$0x5], $0x8, s13, s20, $0xb8;
	[tilespmem:$0x10200] =	vst v63  }
0x2c: {  	_ =	swait.ge [sflag:s17], $0x400  }
0x2d: {  	[sflag:s17] =	ssyncset.done $0x0  }
0x2e: {  	s13 =	sadd.s32 $0x180, s30;
	[sflag:s17] =	ssyncadd.s32 $0xFFFFFC00  }
0x2f: {  	[tilespmem:s21], [sflag:$0x2] =	stream.indirect.gather [hbm4b:s7+s20], $0x8, s13, s20, $0xb8;
	[tilespmem:$0x10200] =	vst v63  }
0x30: {  	_ =	swait.ge [sflag:s25], $0x400  }
0x31: {  	[sflag:s25] =	ssyncset.done $0x0  }
0x32: {  	s13 =	sadd.s32 $0x1780, s30;
	[sflag:s25] =	ssyncadd.s32 $0xFFFFFC00  }
0x33: {  	[spmem:s3] =	stream.indirect.scatter.add.f32 [tilespmem:s22], [sflag:$0x5], $0x8, s13, s20, $0xb8;
	[tilespmem:$0x10200] =	vst v63  }
0x34: {  	_ =	swait.ge [sflag:s17], $0x400  }
0x35: {  	[sflag:s17] =	ssyncset.done $0x0  }
0x36: {  	s13 =	sadd.s32 $0x200, s30;
	[sflag:s17] =	ssyncadd.s32 $0xFFFFFC00  }
0x37: {  	[tilespmem:s22], [sflag:$0x3] =	stream.indirect.gather [hbm4b:s7+s20], $0x8, s13, s20, $0xb8;
	[tilespmem:$0x10200] =	vst v63  }
0x38: {  	_ =	swait.ge [sflag:s26], $0x400  }
0x39: {  	[sflag:s26] =	ssyncset.done $0x0  }
0x3a: {  	s13 =	sadd.s32 $0x1800, s30;
	[sflag:s26] =	ssyncadd.s32 $0xFFFFFC00  }
0x3b: {  	[spmem:s3] =	stream.indirect.scatter.add.f32 [tilespmem:s23], [sflag:$0x5], $0x8, s13, s20, $0xb8;
	[tilespmem:$0x10200] =	vst v63  }
0x3c: {  	_ =	swait.ge [sflag:s17], $0x400  }
0x3d: {  	[sflag:s17] =	ssyncset.done $0x0  }
0x3e: {  	s13 =	sadd.s32 $0x280, s30;
	[sflag:s17] =	ssyncadd.s32 $0xFFFFFC00  }
0x3f: {  	[tilespmem:s23], [sflag:$0x4] =	stream.indirect.gather [hbm4b:s7+s20], $0x8, s13, s20, $0xb8;
	[tilespmem:$0x10200] =	vst v63  }
0x40: {  	_ =	swait.ge [sflag:s24], $0x400  }
0x41: {  	[sflag:s24] =	ssyncset.done $0x0  }
0x42: {  	s13 =	sadd.s32 $0x1880, s30;
	[sflag:s24] =	ssyncadd.s32 $0xFFFFFC00  }
0x43: {  	[spmem:s3] =	stream.indirect.scatter.add.f32 [tilespmem:s21], [sflag:$0x5], $0x8, s13, s20, $0xb8;
	[tilespmem:$0x10200] =	vst v63  }
0x44: {  	_ =	swait.ge [sflag:s17], $0x400  }
0x45: {  	[sflag:s17] =	ssyncset.done $0x0  }
0x46: {  	s13 =	sadd.s32 $0x300, s30;
	[sflag:s17] =	ssyncadd.s32 $0xFFFFFC00  }
0x47: {  	[tilespmem:s21], [sflag:$0x2] =	stream.indirect.gather [hbm4b:s7+s20], $0x8, s13, s20, $0xb8;
	[tilespmem:$0x10200] =	vst v63  }
0x48: {  	_ =	swait.ge [sflag:s25], $0x400  }
0x49: {  	[sflag:s25] =	ssyncset.done $0x0  }
0x4a: {  	s13 =	sadd.s32 $0x1900, s30;
	[sflag:s25] =	ssyncadd.s32 $0xFFFFFC00  }
0x4b: {  	[spmem:s3] =	stream.indirect.scatter.add.f32 [tilespmem:s22], [sflag:$0x5], $0x8, s13, s20, $0xb8;
	[tilespmem:$0x10200] =	vst v63  }
0x4c: {  	_ =	swait.ge [sflag:s17], $0x400  }
0x4d: {  	[sflag:s17] =	ssyncset.done $0x0  }
0x4e: {  	s13 =	sadd.s32 $0x380, s30;
	[sflag:s17] =	ssyncadd.s32 $0xFFFFFC00  }
0x4f: {  	[tilespmem:s22], [sflag:$0x3] =	stream.indirect.gather [hbm4b:s7+s20], $0x8, s13, s20, $0xb8;
	[tilespmem:$0x10200] =	vst v63  }
0x50: {  	_ =	swait.ge [sflag:s26], $0x400  }
0x51: {  	[sflag:s26] =	ssyncset.done $0x0  }
0x52: {  	s13 =	sadd.s32 $0x1980, s30;
	[sflag:s26] =	ssyncadd.s32 $0xFFFFFC00  }
0x53: {  	[spmem:s3] =	stream.indirect.scatter.add.f32 [tilespmem:s23], [sflag:$0x5], $0x8, s13, s20, $0xb8;
	[tilespmem:$0x10200] =	vst v63  }
0x54: {  	_ =	swait.ge [sflag:s17], $0x400  }
0x55: {  	[sflag:s17] =	ssyncset.done $0x0  }
0x56: {  	s13 =	sadd.s32 $0x400, s30;
	[sflag:s17] =	ssyncadd.s32 $0xFFFFFC00  }
0x57: {  	[tilespmem:s23], [sflag:$0x4] =	stream.indirect.gather [hbm4b:s7+s20], $0x8, s13, s20, $0xb8;
	[tilespmem:$0x10200] =	vst v63  }
0x58: {  	_ =	swait.ge [sflag:s24], $0x400  }
0x59: {  	[sflag:s24] =	ssyncset.done $0x0  }
0x5a: {  	s13 =	sadd.s32 $0x1A00, s30;
	[sflag:s24] =	ssyncadd.s32 $0xFFFFFC00  }
0x5b: {  	[spmem:s3] =	stream.indirect.scatter.add.f32 [tilespmem:s21], [sflag:$0x5], $0x8, s13, s20, $0xb8;
	[tilespmem:$0x10200] =	vst v63  }
0x5c: {  	_ =	swait.ge [sflag:s17], $0x400  }
0x5d: {  	[sflag:s17] =	ssyncset.done $0x0  }
0x5e: {  	s13 =	sadd.s32 $0x480, s30;
	[sflag:s17] =	ssyncadd.s32 $0xFFFFFC00  }
0x5f: {  	[tilespmem:s21], [sflag:$0x2] =	stream.indirect.gather [hbm4b:s7+s20], $0x8, s13, s20, $0xb8;
	[tilespmem:$0x10200] =	vst v63  }
0x60: {  	_ =	swait.ge [sflag:s25], $0x400  }
0x61: {  	[sflag:s25] =	ssyncset.done $0x0  }
0x62: {  	s13 =	sadd.s32 $0x1A80, s30;
	[sflag:s25] =	ssyncadd.s32 $0xFFFFFC00  }
0x63: {  	[spmem:s3] =	stream.indirect.scatter.add.f32 [tilespmem:s22], [sflag:$0x5], $0x8, s13, s20, $0xb8;
	[tilespmem:$0x10200] =	vst v63  }
0x64: {  	_ =	swait.ge [sflag:s17], $0x400  }
0x65: {  	[sflag:s17] =	ssyncset.done $0x0  }
0x66: {  	s13 =	sadd.s32 $0x500, s30;
	[sflag:s17] =	ssyncadd.s32 $0xFFFFFC00  }
0x67: {  	[tilespmem:s22], [sflag:$0x3] =	stream.indirect.gather [hbm4b:s7+s20], $0x8, s13, s20, $0xb8;
	[tilespmem:$0x10200] =	vst v63  }
0x68: {  	_ =	swait.ge [sflag:s26], $0x400  }
0x69: {  	[sflag:s26] =	ssyncset.done $0x0  }
0x6a: {  	s13 =	sadd.s32 $0x1B00, s30;
	[sflag:s26] =	ssyncadd.s32 $0xFFFFFC00  }
0x6b: {  	[spmem:s3] =	stream.indirect.scatter.add.f32 [tilespmem:s23], [sflag:$0x5], $0x8, s13, s20, $0xb8;
	[tilespmem:$0x10200] =	vst v63  }
0x6c: {  	_ =	swait.ge [sflag:s17], $0x400  }
0x6d: {  	[sflag:s17] =	ssyncset.done $0x0  }
0x6e: {  	s13 =	sadd.s32 $0x580, s30;
	[sflag:s17] =	ssyncadd.s32 $0xFFFFFC00  }
0x6f: {  	[tilespmem:s23], [sflag:$0x4] =	stream.indirect.gather [hbm4b:s7+s20], $0x8, s13, s20, $0xb8;
	[tilespmem:$0x10200] =	vst v63  }
0x70: {  	_ =	swait.ge [sflag:s24], $0x400  }
0x71: {  	[sflag:s24] =	ssyncset.done $0x0  }
0x72: {  	s13 =	sadd.s32 $0x1B80, s30;
	[sflag:s24] =	ssyncadd.s32 $0xFFFFFC00  }
0x73: {  	[spmem:s3] =	stream.indirect.scatter.add.f32 [tilespmem:s21], [sflag:$0x5], $0x8, s13, s20, $0xb8;
	[tilespmem:$0x10200] =	vst v63  }
0x74: {  	_ =	swait.ge [sflag:s17], $0x400  }
0x75: {  	[sflag:s17] =	ssyncset.done $0x0  }
0x76: {  	s13 =	sadd.s32 $0x600, s30;
	[sflag:s17] =	ssyncadd.s32 $0xFFFFFC00  }
0x77: {  	[tilespmem:s21], [sflag:$0x2] =	stream.indirect.gather [hbm4b:s7+s20], $0x8, s13, s20, $0xb8;
	[tilespmem:$0x10200] =	vst v63  }
0x78: {  	_ =	swait.ge [sflag:s25], $0x400  }
0x79: {  	[sflag:s25] =	ssyncset.done $0x0  }
0x7a: {  	s13 =	sadd.s32 $0x1C00, s30;
	[sflag:s25] =	ssyncadd.s32 $0xFFFFFC00  }
0x7b: {  	[spmem:s3] =	stream.indirect.scatter.add.f32 [tilespmem:s22], [sflag:$0x5], $0x8, s13, s20, $0xb8;
	[tilespmem:$0x10200] =	vst v63  }
0x7c: {  	_ =	swait.ge [sflag:s17], $0x400  }
0x7d: {  	[sflag:s17] =	ssyncset.done $0x0  }
0x7e: {  	s13 =	sadd.s32 $0x680, s30;
	[sflag:s17] =	ssyncadd.s32 $0xFFFFFC00  }
0x7f: {  	[tilespmem:s22], [sflag:$0x3] =	stream.indirect.gather [hbm4b:s7+s20], $0x8, s13, s20, $0xb8;
	[tilespmem:$0x10200] =	vst v63  }
0x80: {  	_ =	swait.ge [sflag:s26], $0x400  }
0x81: {  	[sflag:s26] =	ssyncset.done $0x0  }
0x82: {  	s13 =	sadd.s32 $0x1C80, s30;
	[sflag:s26] =	ssyncadd.s32 $0xFFFFFC00  }
0x83: {  	[spmem:s3] =	stream.indirect.scatter.add.f32 [tilespmem:s23], [sflag:$0x5], $0x8, s13, s20, $0xb8;
	[tilespmem:$0x10200] =	vst v63  }
0x84: {  	_ =	swait.ge [sflag:s17], $0x400  }
0x85: {  	[sflag:s17] =	ssyncset.done $0x0  }
0x86: {  	s13 =	sadd.s32 $0x700, s30;
	[sflag:s17] =	ssyncadd.s32 $0xFFFFFC00  }
0x87: {  	[tilespmem:s23], [sflag:$0x4] =	stream.indirect.gather [hbm4b:s7+s20], $0x8, s13, s20, $0xb8;
	[tilespmem:$0x10200] =	vst v63  }
0x88: {  	_ =	swait.ge [sflag:s24], $0x400  }
0x89: {  	[sflag:s24] =	ssyncset.done $0x0  }
0x8a: {  	s13 =	sadd.s32 $0x1D00, s30;
	[sflag:s24] =	ssyncadd.s32 $0xFFFFFC00  }
0x8b: {  	[spmem:s3] =	stream.indirect.scatter.add.f32 [tilespmem:s21], [sflag:$0x5], $0x8, s13, s20, $0xb8;
	[tilespmem:$0x10200] =	vst v63  }
0x8c: {  	_ =	swait.ge [sflag:s17], $0x400  }
0x8d: {  	[sflag:s17] =	ssyncset.done $0x0  }
0x8e: {  	s13 =	sadd.s32 $0x780, s30;
	[sflag:s17] =	ssyncadd.s32 $0xFFFFFC00  }
0x8f: {  	[tilespmem:s21], [sflag:$0x2] =	stream.indirect.gather [hbm4b:s7+s20], $0x8, s13, s20, $0xb8;
	[tilespmem:$0x10200] =	vst v63  }
0x90: {  	_ =	swait.ge [sflag:s25], $0x400  }
0x91: {  	[sflag:s25] =	ssyncset.done $0x0  }
0x92: {  	s13 =	sadd.s32 $0x1D80, s30;
	[sflag:s25] =	ssyncadd.s32 $0xFFFFFC00  }
0x93: {  	[spmem:s3] =	stream.indirect.scatter.add.f32 [tilespmem:s22], [sflag:$0x5], $0x8, s13, s20, $0xb8;
	[tilespmem:$0x10200] =	vst v63  }
0x94: {  	_ =	swait.ge [sflag:s17], $0x400  }
0x95: {  	[sflag:s17] =	ssyncset.done $0x0  }
0x96: {  	s13 =	sadd.s32 $0x800, s30;
	[sflag:s17] =	ssyncadd.s32 $0xFFFFFC00  }
0x97: {  	[tilespmem:s22], [sflag:$0x3] =	stream.indirect.gather [hbm4b:s7+s20], $0x8, s13, s20, $0xb8;
	[tilespmem:$0x10200] =	vst v63  }
0x98: {  	_ =	swait.ge [sflag:s26], $0x400  }
0x99: {  	[sflag:s26] =	ssyncset.done $0x0  }
0x9a: {  	s13 =	sadd.s32 $0x1E00, s30;
	[sflag:s26] =	ssyncadd.s32 $0xFFFFFC00  }
0x9b: {  	[spmem:s3] =	stream.indirect.scatter.add.f32 [tilespmem:s23], [sflag:$0x5], $0x8, s13, s20, $0xb8;
	[tilespmem:$0x10200] =	vst v63  }
0x9c: {  	_ =	swait.ge [sflag:s17], $0x400  }
0x9d: {  	[sflag:s17] =	ssyncset.done $0x0  }
0x9e: {  	s13 =	sadd.s32 $0x880, s30;
	[sflag:s17] =	ssyncadd.s32 $0xFFFFFC00  }
0x9f: {  	[tilespmem:s23], [sflag:$0x4] =	stream.indirect.gather [hbm4b:s7+s20], $0x8, s13, s20, $0xb8;
	[tilespmem:$0x10200] =	vst v63  }
0xa0: {  	_ =	swait.ge [sflag:s24], $0x400  }
0xa1: {  	[sflag:s24] =	ssyncset.done $0x0  }
0xa2: {  	s13 =	sadd.s32 $0x1E80, s30;
	[sflag:s24] =	ssyncadd.s32 $0xFFFFFC00  }
0xa3: {  	[spmem:s3] =	stream.indirect.scatter.add.f32 [tilespmem:s21], [sflag:$0x5], $0x8, s13, s20, $0xb8;
	[tilespmem:$0x10200] =	vst v63  }
0xa4: {  	_ =	swait.ge [sflag:s17], $0x400  }
0xa5: {  	[sflag:s17] =	ssyncset.done $0x0  }
0xa6: {  	s13 =	sadd.s32 $0x900, s30;
	[sflag:s17] =	ssyncadd.s32 $0xFFFFFC00  }
0xa7: {  	[tilespmem:s21], [sflag:$0x2] =	stream.indirect.gather [hbm4b:s7+s20], $0x8, s13, s20, $0xb8;
	[tilespmem:$0x10200] =	vst v63  }
0xa8: {  	_ =	swait.ge [sflag:s25], $0x400  }
0xa9: {  	[sflag:s25] =	ssyncset.done $0x0  }
0xaa: {  	s13 =	sadd.s32 $0x1F00, s30;
	[sflag:s25] =	ssyncadd.s32 $0xFFFFFC00  }
0xab: {  	[spmem:s3] =	stream.indirect.scatter.add.f32 [tilespmem:s22], [sflag:$0x5], $0x8, s13, s20, $0xb8;
	[tilespmem:$0x10200] =	vst v63  }
0xac: {  	_ =	swait.ge [sflag:s17], $0x400  }
0xad: {  	[sflag:s17] =	ssyncset.done $0x0  }
0xae: {  	s13 =	sadd.s32 $0x980, s30;
	[sflag:s17] =	ssyncadd.s32 $0xFFFFFC00  }
0xaf: {  	[tilespmem:s22], [sflag:$0x3] =	stream.indirect.gather [hbm4b:s7+s20], $0x8, s13, s20, $0xb8;
	[tilespmem:$0x10200] =	vst v63  }
0xb0: {  	_ =	swait.ge [sflag:s26], $0x400  }
0xb1: {  	[sflag:s26] =	ssyncset.done $0x0  }
0xb2: {  	s13 =	sadd.s32 $0x1F80, s30;
	[sflag:s26] =	ssyncadd.s32 $0xFFFFFC00  }
0xb3: {  	[spmem:s3] =	stream.indirect.scatter.add.f32 [tilespmem:s23], [sflag:$0x5], $0x8, s13, s20, $0xb8;
	[tilespmem:$0x10200] =	vst v63  }
0xb4: {  	_ =	swait.ge [sflag:s17], $0x400  }
0xb5: {  	[sflag:s17] =	ssyncset.done $0x0  }
0xb6: {  	s13 =	sadd.s32 $0xA00, s30;
	[sflag:s17] =	ssyncadd.s32 $0xFFFFFC00  }
0xb7: {  	[tilespmem:s23], [sflag:$0x4] =	stream.indirect.gather [hbm4b:s7+s20], $0x8, s13, s20, $0xb8;
	[tilespmem:$0x10200] =	vst v63  }
0xb8: {  	_ =	swait.ge [sflag:s24], $0x400  }
0xb9: {  	[sflag:s24] =	ssyncset.done $0x0  }
0xba: {  	s13 =	sor.u32 $0x2000, s30;
	[sflag:s24] =	ssyncadd.s32 $0xFFFFFC00  }
0xbb: {  	[spmem:s3] =	stream.indirect.scatter.add.f32 [tilespmem:s21], [sflag:$0x5], $0x8, s13, s20, $0xb8;
	[tilespmem:$0x10200] =	vst v63  }
0xbc: {  	_ =	swait.ge [sflag:s17], $0x400  }
0xbd: {  	[sflag:s17] =	ssyncset.done $0x0  }
0xbe: {  	s13 =	sadd.s32 $0xA80, s30;
	[sflag:s17] =	ssyncadd.s32 $0xFFFFFC00  }
0xbf: {  	[tilespmem:s21], [sflag:$0x2] =	stream.indirect.gather [hbm4b:s7+s20], $0x8, s13, s20, $0xb8;
	[tilespmem:$0x10200] =	vst v63  }
0xc0: {  	_ =	swait.ge [sflag:s25], $0x400  }
0xc1: {  	[sflag:s25] =	ssyncset.done $0x0  }
0xc2: {  	s13 =	sadd.s32 $0x2080, s30;
	[sflag:s25] =	ssyncadd.s32 $0xFFFFFC00  }
0xc3: {  	[spmem:s3] =	stream.indirect.scatter.add.f32 [tilespmem:s22], [sflag:$0x5], $0x8, s13, s20, $0xb8;
	[tilespmem:$0x10200] =	vst v63  }
0xc4: {  	_ =	swait.ge [sflag:s17], $0x400  }
0xc5: {  	[sflag:s17] =	ssyncset.done $0x0  }
0xc6: {  	s13 =	sadd.s32 $0xB00, s30;
	[sflag:s17] =	ssyncadd.s32 $0xFFFFFC00  }
0xc7: {  	[tilespmem:s22], [sflag:$0x3] =	stream.indirect.gather [hbm4b:s7+s20], $0x8, s13, s20, $0xb8;
	[tilespmem:$0x10200] =	vst v63  }
0xc8: {  	_ =	swait.ge [sflag:s26], $0x400  }
0xc9: {  	[sflag:s26] =	ssyncset.done $0x0  }
0xca: {  	s13 =	sadd.s32 $0x2100, s30;
	[sflag:s26] =	ssyncadd.s32 $0xFFFFFC00  }
0xcb: {  	[spmem:s3] =	stream.indirect.scatter.add.f32 [tilespmem:s23], [sflag:$0x5], $0x8, s13, s20, $0xb8;
	[tilespmem:$0x10200] =	vst v63  }
0xcc: {  	_ =	swait.ge [sflag:s17], $0x400  }
0xcd: {  	[sflag:s17] =	ssyncset.done $0x0  }
0xce: {  	[sflag:s17] =	ssyncadd.s32 $0xFFFFFC00  }
0xcf: {  	_ =	swait.ge [sflag:s24], $0x400  }
0xd0: {  	[sflag:s24] =	ssyncset.done $0x0  }
0xd1: {  	s13 =	sadd.s32 $0x2180, s30;
	[sflag:s24] =	ssyncadd.s32 $0xFFFFFC00  }
0xd2: {  	[spmem:s3] =	stream.indirect.scatter.add.f32 [tilespmem:s21], [sflag:$0x5], $0x8, s13, s20, $0xb8;
	[tilespmem:$0x10200] =	vst v63  }
0xd3: {  	_ =	swait.ge [sflag:s17], $0x400  }
0xd4: {  	[sflag:s17] =	ssyncset.done $0x0  }
0xd5: {  	[sflag:s17] =	ssyncadd.s32 $0xFFFFFC00  }
0xd6: {  	_ =	swait.ge [sflag:s25], $0x400  }
0xd7: {  	p1 =	sne.s32 s29, $0x11;
	[sflag:s25] =	ssyncset.done $0x0  }
.Ltmp3:
0xd8: {  	s30 =	sadd.s32 $0x2200, s30;
	[sflag:s25] =	ssyncadd.s32 $0xFFFFFC00;
	(pc) =	sbr.rel @!p1 .LBB2_5-.Ltmp3, $4  }
0xd9: {  	[spmem:s3] =	stream.indirect.scatter.add.f32 [tilespmem:s22], [sflag:$0x5], $0x8, s30, s20, $0xb8;
	[tilespmem:$0x10200] =	vst v63  }
0xda: {  	_ =	swait.ge [sflag:s17], $0x400  }
0xdb: {  	[sflag:s17] =	ssyncset.done $0x0  }
0xdc: {  	s31 =	smov.u32 s29;
	[sflag:s17] =	ssyncadd.s32 $0xFFFFFC00  }
.LBB2_2:
0xdd: {  	_ =	swait.ge [sflag:s19], $0xB80;
	p1 =	seq.s32 s31, $0x10  }
.Ltmp4:
0xde: {  	[sflag:s19] =	ssyncset.done $0x0;
	(pc) =	sbr.rel @p1 .LBB2_4-.Ltmp4, $4  }
0xdf: {  	[sflag:s19] =	ssyncadd.s32 $0xFFFFF480  }
0xe0: {  	_ =	swait.ge [sflag:s19], $0xB80  }
0xe1: {  	[sflag:s19] =	ssyncset.done $0x0  }
0xe2: {  	s30 =	sand.u32 $0x1, s31;
	s29 =	simm.s32 $0x11;
	[sflag:s19] =	ssyncadd.s32 $0xFFFFF480  }
0xe3: {  	s29 =	sadd.s32 $0x1, s31  }
0xe4: {  	p1 =	sne.s32 @!p0 s29, $0x10  }
0xe5: {  	s13 =	sxor.u32 $0x1, s30;
	p1 =	por p0, p1  }
0xe6: {  	s31 =	smul.u32 $0xB80, s13;
	s29 =	simm.s32 @!p1 $0x10;
	s13 =	smov.u32 @!p1 s0  }
0xe7: {  	s13 =	smul.u32 @p1 $0x17, s29  }
0xe8: {  	[tilespmem:s31], [sflag:$0x1] =	stream.linear.gather @!p1 [hbm4b:s2+s4], $0xB80, $0x38;
	[tilespmem:$0x10200] =	vst v63  }
0xe9: {  	s13 =	sadd.s32 @p1 s10, s13  }
0xea: {  	s13 =	sshll.u32 @p1 s13, $0x4  }
.Ltmp5:
0xeb: {  	s13 =	sand.u32 @p1 $0x1FFFFFF0, s13;
	(pc) =	sbr.rel .LBB2_4-.Ltmp5, $4  }
0xec: {  	s1 =	sadd.s32 @p1 s5, s13  }
0xed: {  	[tilespmem:s31], [sflag:$0x1] =	stream.linear.gather @p1 [hbm4b:s1+s4], $0xB80, $0x38;
	[tilespmem:$0x10200] =	vst v63  }
0xee: {  	s13 =	sadd.s32 @p1 s6, s13;
	s31 =	sadd.s32 $0x1700, s31  }
0xef: {  	[tilespmem:s31], [sflag:$0x1] =	stream.linear.gather [hbm4b:s13+s4], $0xB80, $0x38;
	[tilespmem:$0x10200] =	vst v63  }
.LBB2_6:
0xf0: {  	_ =	sfence.sel $0x180000  }
0xf1: {  	[bflag:$0x0] =	sbarrier.arrive $0xFFFF  }
0xf2: {  	_ =	strace $0x9000004A  }
0xf3: {  	s0 =	stileid.u32;
	[bflag:$0x2] =	sbarrier.arrive $0xFFFF  }
0xf4: {  	p0 =	sne.s32 s0, $0x0;
	s0 =	rddreg [dreg:$0x3]  }
0xf5: {  	s0 =	sadd.s32 @!p0 $0x100000, s0  }
0xf6: {  	[sflag:s0] =	ssyncadd.tile.s32 @!p0 $0x1;
	_ =	shalt  }
.Lfunc_end2:
_tile_overlayer_lowered:
.L_overlay_start_2:
0xf7: {  	(tag) =	ssettag $0x2  }
0xf8: {  	s0 =	rddreg [dreg:$0x0];
	s2 =	stileid.u32  }
0xf9: {  	s1 =	rddreg [dreg:$0x1];
	p0 =	sne.s32 s2, $0x0  }
0xfa: {  	s3 =	rddreg [dreg:$0x2];
	[bflag:$0x3] =	sbarrier.arrive $0xFFFF;
	s2 =	simm.s32 @!p0 $0x1C05  }
0xfb: {  	[timem:s3], [sflag:s2] =	dma.local @!p0 [hbm:s0], s1  }
0xfc: {  	s0 =	simm.s32 @!p0 $0x5  }
0xfd: {  	_ =	swait.ge @!p0 [sflag:s0], s1  }
0xfe: {  	s1 =	ssub.s32 @!p0 $0x0, s1;
	[sflag:s0] =	ssyncset.done @!p0 $0x0  }
0xff: {  	[sflag:s0] =	ssyncadd.s32 @!p0 s1  }
0x100: {  	[bflag:$0x3] =	sbarrier.arrive $0xFFFF  }
0x101: {  	_ =	shalt  }

</sc_bundles>
